<compile_context>
chip_gen: v7x
topology: tpu7x:2x2x1
jax: 0.10.2.dev20260603
libtpu: 0.0.44.dev20260713+nightly
codegen_flags: <defaults>
</compile_context>

<pallas_src>
import functools

import jax
import jax.numpy as jnp
from jax import lax
from jax.experimental import pallas as pl
from jax.experimental.pallas import tpu as pltpu
from jax.experimental.pallas import tpu_sc as plsc

_NUM_CORES = 2
_NUM_SUBCORES = 16
_SC_ROWS = 16


def kernel(q, k, weight):
    q_len = q.shape[0]
    k_len = k.shape[0]
    max_len, d = weight.shape
    offset = max_len // 2 + max_len % 2

    half = _SC_ROWS // _NUM_CORES
    n_cls = 8
    per_cls = half // n_cls
    per_tile = max(per_cls // 2, 1)
    win_sc = k_len + (per_cls - 1) * n_cls

    w_sc = jnp.stack([
        jnp.stack([
            weight[offset - c * half - (per_cls - 1) * n_cls - rho:
                   offset - c * half - (per_cls - 1) * n_cls - rho + win_sc]
            for rho in range(n_cls)
        ])
        for c in range(_NUM_CORES)
    ])

    mesh = plsc.VectorSubcoreMesh(core_axis_name="c", subcore_axis_name="s")

    @functools.partial(
        pl.kernel,
        out_type=jax.ShapeDtypeStruct((_SC_ROWS, k_len, d), jnp.float32),
        mesh=mesh,
        scratch_types=[
            pltpu.VMEM_SHARED((n_cls // 2, win_sc, d), jnp.float32),
            pltpu.SemaphoreType.DMA,
        ],
    )
    def sc_body(wst_hbm, out_hbm, rep_spmem, sem):
        c = lax.axis_index("c")
        s = lax.axis_index("s")
        rho = lax.rem(s, n_cls)
        u = lax.div(s, n_cls)
        n_slots = n_cls // 2

        for p in range(2):
            @pl.when(s < n_slots)
            def _stage():
                pltpu.sync_copy(
                    wst_hbm.at[c, p * n_slots + s], rep_spmem.at[s]
                )

            plsc.subcore_barrier()

            active = jnp.logical_and(
                rho >= p * n_slots, rho < (p + 1) * n_slots
            )
            active = jnp.logical_and(active, u * per_tile < per_cls)

            @pl.when(active)
            def _work():
                slot = rho - p * n_slots
                copies = []
                for m in range(per_tile):
                    n = u * per_tile + m
                    i = c * half + rho + n_cls * n
                    src_start = pl.multiple_of(
                        (per_cls - 1) * n_cls - n_cls * n, 8
                    )
                    copies.append(
                        pltpu.async_copy(
                            rep_spmem.at[slot, pl.ds(src_start, k_len)],
                            out_hbm.at[i],
                            sem,
                        )
                    )
                for cp in copies:
                    cp.wait()

            plsc.subcore_barrier()

    sc_part = sc_body(w_sc)

    nt = (q_len - _SC_ROWS) // n_cls
    win_tc = k_len + (nt - 1) * n_cls
    w_tc = jnp.stack([
        weight[offset - _SC_ROWS - (nt - 1) * n_cls - rho:
               offset - _SC_ROWS - (nt - 1) * n_cls - rho + win_tc]
        for rho in range(n_cls)
    ])

    grid = 4
    cls_per_step = n_cls // grid

    def tc_body(w_ref, out_ref, w_vmem, sem):
        g = pl.program_id(0)
        pltpu.sync_copy(w_ref.at[pl.ds(g * cls_per_step, cls_per_step)], w_vmem)
        copies = []
        for r in range(cls_per_step):
            for n in range(nt):
                i = _SC_ROWS + g * cls_per_step + r + n_cls * n
                src_start = pl.multiple_of((nt - 1) * n_cls - n_cls * n, 8)
                copies.append(
                    pltpu.async_copy(
                        w_vmem.at[r, pl.ds(src_start, k_len)],
                        out_ref.at[i],
                        sem,
                    )
                )
        for cp in copies:
            cp.wait()

    tc_full = pl.pallas_call(
        tc_body,
        grid=(grid,),
        in_specs=[pl.BlockSpec(memory_space=pl.ANY)],
        out_specs=pl.BlockSpec(memory_space=pl.ANY),
        out_shape=jax.ShapeDtypeStruct((q_len, k_len, d), jnp.float32),
        scratch_shapes=[
            pltpu.VMEM((cls_per_step, win_tc, d), jnp.float32),
            pltpu.SemaphoreType.DMA,
        ],
        compiler_params=pltpu.CompilerParams(
            dimension_semantics=("parallel",)
        ),
    )(w_tc)

    return lax.dynamic_update_slice(tc_full, sc_part, (0, 0, 0))

# --- scband reference (transcript-rebuilt; emitter-appended) ---
"""Pipeline reference for scband-relative-positional-embedding-88493506167428 (READ-ONLY COPY).

The authoritative reference and input builder live on the scoring server;
editing this copy changes nothing except your own understanding.
"""

import jax, jax.numpy as jnp
import numpy as np

MAX_LEN = 1024
N_MODEL = 512


def make_weight():
    pos = jnp.concatenate([
        jnp.arange(-(MAX_LEN // 2), 0, dtype=jnp.float32),
        jnp.arange(0, MAX_LEN // 2, dtype=jnp.float32),
    ])
    exponent = (jnp.arange(N_MODEL) // 2 * 2).astype(jnp.float32) / N_MODEL
    div = 10000.0 ** exponent
    w = pos[:, None] / div[None, :]
    w = w.at[:, 0::2].set(jnp.sin(w[:, 0::2]))
    w = w.at[:, 1::2].set(jnp.cos(w[:, 1::2]))
    return w


def setup_inputs(seed: int = 0) -> dict:
    key = jax.random.key(seed)
    k1, k2 = jax.random.split(key)
    q = jax.random.normal(k1, (512, 512), dtype=jnp.float32)
    k = jax.random.normal(k2, (512, 512), dtype=jnp.float32)
    weight = make_weight()
    return {"q": q, "k": k, "weight": weight}


def reference(q, k, weight):
    max_len = weight.shape[0]
    # indices = sum(divmod(max_len, 2)) offset
    offset = max_len // 2 + max_len % 2
    indices = (jnp.arange(k.shape[0])[None, :] - jnp.arange(q.shape[0])[:, None]) + offset
    # torch.embedding(weight, indices) -> gather rows of weight
    return jnp.take(weight, indices, axis=0)

if __name__ == "__main__":
    import jax
    _d = setup_inputs()
    print(jax.jit(kernel)(*tuple(_d.values())))

</pallas_src>

<mosaic_0001>
#map = affine_map<(d0, d1) -> (0, 0, 0, 0)>
#map1 = affine_map<(d0, d1) -> (0, 0, 0)>
module attributes {stable_mosaic.version = 14 : i64} {
  func.func @sc_body(%arg0: i32, %arg1: i32, %arg2: memref<2x8x512x512xf32, #tpu.memory_space<hbm>>, %arg3: memref<16x512x512xf32, #tpu.memory_space<hbm>>, %arg4: memref<4x512x512xf32, #tpu.memory_space<vmem_shared>>, %arg5: memref<!tpu.dma_semaphore, #tpu.memory_space<semaphore_mem>>) attributes {dimension_semantics = [#tpu.dimension_semantics<core_parallel>, #tpu.dimension_semantics<subcore_parallel>], iteration_bounds = array<i64: 2, 16>, scalar_prefetch = 0 : i64, scratch_operands = 2 : i64, tpu.core_type = #tpu.core_type<sc_vector_subcore>, window_params = [{transform_indices = #map}, {transform_indices = #map1}]} {
    %rem3A = arith.constant 8 : i32
    %rem3A_0 = arith.remsi %arg1, %rem3A : i32
    %div3A = arith.constant 8 : i32
    %div3A_1 = arith.divsi %arg1, %div3A : i32
    %lt3A = arith.constant 4 : i32
    %lt3A_2 = arith.cmpi slt, %arg1, %lt3A : i32
    %convert_element_type3A = arith.extui %lt3A_2 : i1 to i32
    %cond3A = arith.constant 0 : i32
    %cond3A_3 = arith.cmpi ne, %convert_element_type3A, %cond3A : i32
    scf.if %cond3A_3 {
      %add3A = arith.constant 0 : i32
      %add3A_35 = arith.addi %add3A, %arg1 : i32
      "tpu.region"() ({
        %run_scoped3A = tpu.sem_alloc : memref<!tpu.dma_semaphore, #tpu.memory_space<semaphore_mem>>
        %dma_start3A = arith.constant 0 : i32
        %dma_start3A_36 = arith.constant 0 : i32
        %dma_start3A_37 = tpu.memref_slice %arg4[%arg1, %dma_start3A, %dma_start3A_36] : memref<4x512x512xf32, #tpu.memory_space<vmem_shared>> -> memref<1x512x512xf32, #tpu.memory_space<vmem_shared>>
        %dma_start3A_38 = tpu.memref_squeeze %dma_start3A_37 : memref<1x512x512xf32, #tpu.memory_space<vmem_shared>> -> memref<512x512xf32, #tpu.memory_space<vmem_shared>>
        %dma_start3A_39 = arith.constant 0 : i32
        %dma_start3A_40 = arith.constant 0 : i32
        %dma_start3A_41 = tpu.memref_slice %arg2[%arg0, %add3A_35, %dma_start3A_39, %dma_start3A_40] : memref<2x8x512x512xf32, #tpu.memory_space<hbm>> -> memref<1x1x512x512xf32, #tpu.memory_space<hbm>>
        %dma_start3A_42 = tpu.memref_squeeze %dma_start3A_41 : memref<1x1x512x512xf32, #tpu.memory_space<hbm>> -> memref<512x512xf32, #tpu.memory_space<hbm>>
        tpu.enqueue_dma source(%dma_start3A_42 : memref<512x512xf32, #tpu.memory_space<hbm>>) target(%dma_start3A_38 : memref<512x512xf32, #tpu.memory_space<vmem_shared>>) target_semaphore(%run_scoped3A : memref<!tpu.dma_semaphore, #tpu.memory_space<semaphore_mem>>)
        %dma_wait3A = arith.constant 0 : i32
        %dma_wait3A_43 = arith.constant 0 : i32
        %dma_wait3A_44 = tpu.memref_slice %arg4[%arg1, %dma_wait3A, %dma_wait3A_43] : memref<4x512x512xf32, #tpu.memory_space<vmem_shared>> -> memref<1x512x512xf32, #tpu.memory_space<vmem_shared>>
        %dma_wait3A_45 = tpu.memref_squeeze %dma_wait3A_44 : memref<1x512x512xf32, #tpu.memory_space<vmem_shared>> -> memref<512x512xf32, #tpu.memory_space<vmem_shared>>
        %dma_wait3A_46 = arith.constant 0 : i32
        %dma_wait3A_47 = arith.constant 0 : i32
        %dma_wait3A_48 = tpu.memref_slice %arg2[%arg0, %add3A_35, %dma_wait3A_46, %dma_wait3A_47] : memref<2x8x512x512xf32, #tpu.memory_space<hbm>> -> memref<1x1x512x512xf32, #tpu.memory_space<hbm>>
        %dma_wait3A_49 = tpu.memref_squeeze %dma_wait3A_48 : memref<1x1x512x512xf32, #tpu.memory_space<hbm>> -> memref<512x512xf32, #tpu.memory_space<hbm>>
        tpu.wait_dma2 semaphore(%run_scoped3A : memref<!tpu.dma_semaphore, #tpu.memory_space<semaphore_mem>>) src(%dma_wait3A_49 : memref<512x512xf32, #tpu.memory_space<hbm>>) dst(%dma_wait3A_45 : memref<512x512xf32, #tpu.memory_space<vmem_shared>>)
        tpu.yield
      }) : () -> ()
    } else {
    }
    %barrier3A = arith.constant 0 : index
    tpu.barrier barrier_id(%barrier3A)
    %ge3A = arith.constant 0 : i32
    %ge3A_4 = arith.cmpi sge, %rem3A_0, %ge3A : i32
    %lt3A_5 = arith.constant 4 : i32
    %lt3A_6 = arith.cmpi slt, %rem3A_0, %lt3A_5 : i32
    %and3A = arith.andi %ge3A_4, %lt3A_6 : i1
    %mul3A = arith.constant 1 : i32
    %mul3A_7 = arith.muli %div3A_1, %mul3A : i32
    %lt3A_8 = arith.constant 1 : i32
    %lt3A_9 = arith.cmpi slt, %mul3A_7, %lt3A_8 : i32
    %and3A_10 = arith.andi %and3A, %lt3A_9 : i1
    %convert_element_type3A_11 = arith.extui %and3A_10 : i1 to i32
    %cond3A_12 = arith.constant 0 : i32
    %cond3A_13 = arith.cmpi ne, %convert_element_type3A_11, %cond3A_12 : i32
    scf.if %cond3A_13 {
      %sub3A = arith.constant 0 : i32
      %sub3A_35 = arith.subi %rem3A_0, %sub3A : i32
      %mul3A_36 = arith.constant 1 : i32
      %mul3A_37 = arith.muli %div3A_1, %mul3A_36 : i32
      %add3A = arith.constant 0 : i32
      %add3A_38 = arith.addi %mul3A_37, %add3A : i32
      %mul3A_39 = arith.constant 8 : i32
      %mul3A_40 = arith.muli %arg0, %mul3A_39 : i32
      %add3A_41 = arith.addi %mul3A_40, %rem3A_0 : i32
      %mul3A_42 = arith.constant 8 : i32
      %mul3A_43 = arith.muli %mul3A_42, %add3A_38 : i32
      %add3A_44 = arith.addi %add3A_41, %mul3A_43 : i32
      %mul3A_45 = arith.constant 8 : i32
      %mul3A_46 = arith.muli %mul3A_45, %add3A_38 : i32
      %sub3A_47 = arith.constant 0 : i32
      %sub3A_48 = arith.subi %sub3A_47, %mul3A_46 : i32
      %multiple_of3A = tpu.assume_multiple %sub3A_48, 8 : i32
      %dma_start3A = arith.constant 0 : i32
      %dma_start3A_49 = arith.constant 0 : i32
      %dma_start3A_50 = tpu.memref_slice %arg3[%add3A_44, %dma_start3A, %dma_start3A_49] : memref<16x512x512xf32, #tpu.memory_space<hbm>> -> memref<1x512x512xf32, #tpu.memory_space<hbm>>
      %dma_start3A_51 = tpu.memref_squeeze %dma_start3A_50 : memref<1x512x512xf32, #tpu.memory_space<hbm>> -> memref<512x512xf32, #tpu.memory_space<hbm>>
      %dma_start3A_52 = arith.constant 0 : i32
      %dma_start3A_53 = tpu.memref_slice %arg4[%sub3A_35, %multiple_of3A, %dma_start3A_52] : memref<4x512x512xf32, #tpu.memory_space<vmem_shared>> -> memref<1x512x512xf32, #tpu.memory_space<vmem_shared>>
      %dma_start3A_54 = tpu.memref_squeeze %dma_start3A_53 : memref<1x512x512xf32, #tpu.memory_space<vmem_shared>> -> memref<512x512xf32, #tpu.memory_space<vmem_shared>>
      tpu.enqueue_dma source(%dma_start3A_54 : memref<512x512xf32, #tpu.memory_space<vmem_shared>>) target(%dma_start3A_51 : memref<512x512xf32, #tpu.memory_space<hbm>>) target_semaphore(%arg5 : memref<!tpu.dma_semaphore, #tpu.memory_space<semaphore_mem>>)
      %dma_wait3A = arith.constant 0 : i32
      %dma_wait3A_55 = arith.constant 0 : i32
      %dma_wait3A_56 = tpu.memref_slice %arg3[%add3A_44, %dma_wait3A, %dma_wait3A_55] : memref<16x512x512xf32, #tpu.memory_space<hbm>> -> memref<1x512x512xf32, #tpu.memory_space<hbm>>
      %dma_wait3A_57 = tpu.memref_squeeze %dma_wait3A_56 : memref<1x512x512xf32, #tpu.memory_space<hbm>> -> memref<512x512xf32, #tpu.memory_space<hbm>>
      %dma_wait3A_58 = arith.constant 0 : i32
      %dma_wait3A_59 = tpu.memref_slice %arg4[%sub3A_35, %multiple_of3A, %dma_wait3A_58] : memref<4x512x512xf32, #tpu.memory_space<vmem_shared>> -> memref<1x512x512xf32, #tpu.memory_space<vmem_shared>>
      %dma_wait3A_60 = tpu.memref_squeeze %dma_wait3A_59 : memref<1x512x512xf32, #tpu.memory_space<vmem_shared>> -> memref<512x512xf32, #tpu.memory_space<vmem_shared>>
      tpu.wait_dma2 semaphore(%arg5 : memref<!tpu.dma_semaphore, #tpu.memory_space<semaphore_mem>>) src(%dma_wait3A_60 : memref<512x512xf32, #tpu.memory_space<vmem_shared>>) dst(%dma_wait3A_57 : memref<512x512xf32, #tpu.memory_space<hbm>>)
    } else {
    }
    %barrier3A_14 = arith.constant 0 : index
    tpu.barrier barrier_id(%barrier3A_14)
    %lt3A_15 = arith.constant 4 : i32
    %lt3A_16 = arith.cmpi slt, %arg1, %lt3A_15 : i32
    %convert_element_type3A_17 = arith.extui %lt3A_16 : i1 to i32
    %cond3A_18 = arith.constant 0 : i32
    %cond3A_19 = arith.cmpi ne, %convert_element_type3A_17, %cond3A_18 : i32
    scf.if %cond3A_19 {
      %add3A = arith.constant 4 : i32
      %add3A_35 = arith.addi %add3A, %arg1 : i32
      "tpu.region"() ({
        %run_scoped3A = tpu.sem_alloc : memref<!tpu.dma_semaphore, #tpu.memory_space<semaphore_mem>>
        %dma_start3A = arith.constant 0 : i32
        %dma_start3A_36 = arith.constant 0 : i32
        %dma_start3A_37 = tpu.memref_slice %arg4[%arg1, %dma_start3A, %dma_start3A_36] : memref<4x512x512xf32, #tpu.memory_space<vmem_shared>> -> memref<1x512x512xf32, #tpu.memory_space<vmem_shared>>
        %dma_start3A_38 = tpu.memref_squeeze %dma_start3A_37 : memref<1x512x512xf32, #tpu.memory_space<vmem_shared>> -> memref<512x512xf32, #tpu.memory_space<vmem_shared>>
        %dma_start3A_39 = arith.constant 0 : i32
        %dma_start3A_40 = arith.constant 0 : i32
        %dma_start3A_41 = tpu.memref_slice %arg2[%arg0, %add3A_35, %dma_start3A_39, %dma_start3A_40] : memref<2x8x512x512xf32, #tpu.memory_space<hbm>> -> memref<1x1x512x512xf32, #tpu.memory_space<hbm>>
        %dma_start3A_42 = tpu.memref_squeeze %dma_start3A_41 : memref<1x1x512x512xf32, #tpu.memory_space<hbm>> -> memref<512x512xf32, #tpu.memory_space<hbm>>
        tpu.enqueue_dma source(%dma_start3A_42 : memref<512x512xf32, #tpu.memory_space<hbm>>) target(%dma_start3A_38 : memref<512x512xf32, #tpu.memory_space<vmem_shared>>) target_semaphore(%run_scoped3A : memref<!tpu.dma_semaphore, #tpu.memory_space<semaphore_mem>>)
        %dma_wait3A = arith.constant 0 : i32
        %dma_wait3A_43 = arith.constant 0 : i32
        %dma_wait3A_44 = tpu.memref_slice %arg4[%arg1, %dma_wait3A, %dma_wait3A_43] : memref<4x512x512xf32, #tpu.memory_space<vmem_shared>> -> memref<1x512x512xf32, #tpu.memory_space<vmem_shared>>
        %dma_wait3A_45 = tpu.memref_squeeze %dma_wait3A_44 : memref<1x512x512xf32, #tpu.memory_space<vmem_shared>> -> memref<512x512xf32, #tpu.memory_space<vmem_shared>>
        %dma_wait3A_46 = arith.constant 0 : i32
        %dma_wait3A_47 = arith.constant 0 : i32
        %dma_wait3A_48 = tpu.memref_slice %arg2[%arg0, %add3A_35, %dma_wait3A_46, %dma_wait3A_47] : memref<2x8x512x512xf32, #tpu.memory_space<hbm>> -> memref<1x1x512x512xf32, #tpu.memory_space<hbm>>
        %dma_wait3A_49 = tpu.memref_squeeze %dma_wait3A_48 : memref<1x1x512x512xf32, #tpu.memory_space<hbm>> -> memref<512x512xf32, #tpu.memory_space<hbm>>
        tpu.wait_dma2 semaphore(%run_scoped3A : memref<!tpu.dma_semaphore, #tpu.memory_space<semaphore_mem>>) src(%dma_wait3A_49 : memref<512x512xf32, #tpu.memory_space<hbm>>) dst(%dma_wait3A_45 : memref<512x512xf32, #tpu.memory_space<vmem_shared>>)
        tpu.yield
      }) : () -> ()
    } else {
    }
    %barrier3A_20 = arith.constant 0 : index
    tpu.barrier barrier_id(%barrier3A_20)
    %ge3A_21 = arith.constant 4 : i32
    %ge3A_22 = arith.cmpi sge, %rem3A_0, %ge3A_21 : i32
    %lt3A_23 = arith.constant 8 : i32
    %lt3A_24 = arith.cmpi slt, %rem3A_0, %lt3A_23 : i32
    %and3A_25 = arith.andi %ge3A_22, %lt3A_24 : i1
    %mul3A_26 = arith.constant 1 : i32
    %mul3A_27 = arith.muli %div3A_1, %mul3A_26 : i32
    %lt3A_28 = arith.constant 1 : i32
    %lt3A_29 = arith.cmpi slt, %mul3A_27, %lt3A_28 : i32
    %and3A_30 = arith.andi %and3A_25, %lt3A_29 : i1
    %convert_element_type3A_31 = arith.extui %and3A_30 : i1 to i32
    %cond3A_32 = arith.constant 0 : i32
    %cond3A_33 = arith.cmpi ne, %convert_element_type3A_31, %cond3A_32 : i32
    scf.if %cond3A_33 {
      %sub3A = arith.constant 4 : i32
      %sub3A_35 = arith.subi %rem3A_0, %sub3A : i32
      %mul3A_36 = arith.constant 1 : i32
      %mul3A_37 = arith.muli %div3A_1, %mul3A_36 : i32
      %add3A = arith.constant 0 : i32
      %add3A_38 = arith.addi %mul3A_37, %add3A : i32
      %mul3A_39 = arith.constant 8 : i32
      %mul3A_40 = arith.muli %arg0, %mul3A_39 : i32
      %add3A_41 = arith.addi %mul3A_40, %rem3A_0 : i32
      %mul3A_42 = arith.constant 8 : i32
      %mul3A_43 = arith.muli %mul3A_42, %add3A_38 : i32
      %add3A_44 = arith.addi %add3A_41, %mul3A_43 : i32
      %mul3A_45 = arith.constant 8 : i32
      %mul3A_46 = arith.muli %mul3A_45, %add3A_38 : i32
      %sub3A_47 = arith.constant 0 : i32
      %sub3A_48 = arith.subi %sub3A_47, %mul3A_46 : i32
      %multiple_of3A = tpu.assume_multiple %sub3A_48, 8 : i32
      %dma_start3A = arith.constant 0 : i32
      %dma_start3A_49 = arith.constant 0 : i32
      %dma_start3A_50 = tpu.memref_slice %arg3[%add3A_44, %dma_start3A, %dma_start3A_49] : memref<16x512x512xf32, #tpu.memory_space<hbm>> -> memref<1x512x512xf32, #tpu.memory_space<hbm>>
      %dma_start3A_51 = tpu.memref_squeeze %dma_start3A_50 : memref<1x512x512xf32, #tpu.memory_space<hbm>> -> memref<512x512xf32, #tpu.memory_space<hbm>>
      %dma_start3A_52 = arith.constant 0 : i32
      %dma_start3A_53 = tpu.memref_slice %arg4[%sub3A_35, %multiple_of3A, %dma_start3A_52] : memref<4x512x512xf32, #tpu.memory_space<vmem_shared>> -> memref<1x512x512xf32, #tpu.memory_space<vmem_shared>>
      %dma_start3A_54 = tpu.memref_squeeze %dma_start3A_53 : memref<1x512x512xf32, #tpu.memory_space<vmem_shared>> -> memref<512x512xf32, #tpu.memory_space<vmem_shared>>
      tpu.enqueue_dma source(%dma_start3A_54 : memref<512x512xf32, #tpu.memory_space<vmem_shared>>) target(%dma_start3A_51 : memref<512x512xf32, #tpu.memory_space<hbm>>) target_semaphore(%arg5 : memref<!tpu.dma_semaphore, #tpu.memory_space<semaphore_mem>>)
      %dma_wait3A = arith.constant 0 : i32
      %dma_wait3A_55 = arith.constant 0 : i32
      %dma_wait3A_56 = tpu.memref_slice %arg3[%add3A_44, %dma_wait3A, %dma_wait3A_55] : memref<16x512x512xf32, #tpu.memory_space<hbm>> -> memref<1x512x512xf32, #tpu.memory_space<hbm>>
      %dma_wait3A_57 = tpu.memref_squeeze %dma_wait3A_56 : memref<1x512x512xf32, #tpu.memory_space<hbm>> -> memref<512x512xf32, #tpu.memory_space<hbm>>
      %dma_wait3A_58 = arith.constant 0 : i32
      %dma_wait3A_59 = tpu.memref_slice %arg4[%sub3A_35, %multiple_of3A, %dma_wait3A_58] : memref<4x512x512xf32, #tpu.memory_space<vmem_shared>> -> memref<1x512x512xf32, #tpu.memory_space<vmem_shared>>
      %dma_wait3A_60 = tpu.memref_squeeze %dma_wait3A_59 : memref<1x512x512xf32, #tpu.memory_space<vmem_shared>> -> memref<512x512xf32, #tpu.memory_space<vmem_shared>>
      tpu.wait_dma2 semaphore(%arg5 : memref<!tpu.dma_semaphore, #tpu.memory_space<semaphore_mem>>) src(%dma_wait3A_60 : memref<512x512xf32, #tpu.memory_space<vmem_shared>>) dst(%dma_wait3A_57 : memref<512x512xf32, #tpu.memory_space<hbm>>)
    } else {
    }
    %barrier3A_34 = arith.constant 0 : index
    tpu.barrier barrier_id(%barrier3A_34)
    return
  }
}

module attributes {stable_mosaic.version = 14 : i64} {
  func.func @tc_body(%arg0: i32, %arg1: memref<8x1000x512xf32, #tpu.memory_space<any>>, %arg2: memref<512x512x512xf32, #tpu.memory_space<any>>, %arg3: memref<2x1000x512xf32, #tpu.memory_space<vmem>>, %arg4: memref<!tpu.dma_semaphore, #tpu.memory_space<semaphore_mem>>) attributes {dimension_semantics = [#tpu.dimension_semantics<parallel>], iteration_bounds = array<i64: 4>, scalar_prefetch = 0 : i64, scratch_operands = 2 : i64, tpu.core_type = #tpu.core_type<tc>, window_params = [{}, {}]} {
    %mul3A = arith.constant 2 : i32
    %mul3A_0 = arith.muli %arg0, %mul3A : i32
    "tpu.region"() ({
      %run_scoped3A = tpu.sem_alloc : memref<!tpu.dma_semaphore, #tpu.memory_space<semaphore_mem>>
      %dma_start3A_3221 = arith.constant 0 : i32
      %dma_start3A_3222 = arith.constant 0 : i32
      %dma_start3A_3223 = tpu.memref_slice %arg1[%mul3A_0, %dma_start3A_3221, %dma_start3A_3222] : memref<8x1000x512xf32, #tpu.memory_space<any>> -> memref<2x1000x512xf32, #tpu.memory_space<any>>
      tpu.enqueue_dma source(%dma_start3A_3223 : memref<2x1000x512xf32, #tpu.memory_space<any>>) target(%arg3 : memref<2x1000x512xf32, #tpu.memory_space<vmem>>) target_semaphore(%run_scoped3A : memref<!tpu.dma_semaphore, #tpu.memory_space<semaphore_mem>>)
      %dma_wait3A_3224 = arith.constant 0 : i32
      %dma_wait3A_3225 = arith.constant 0 : i32
      %dma_wait3A_3226 = tpu.memref_slice %arg1[%mul3A_0, %dma_wait3A_3224, %dma_wait3A_3225] : memref<8x1000x512xf32, #tpu.memory_space<any>> -> memref<2x1000x512xf32, #tpu.memory_space<any>>
      tpu.wait_dma2 semaphore(%run_scoped3A : memref<!tpu.dma_semaphore, #tpu.memory_space<semaphore_mem>>) src(%dma_wait3A_3226 : memref<2x1000x512xf32, #tpu.memory_space<any>>) dst(%arg3 : memref<2x1000x512xf32, #tpu.memory_space<vmem>>)
      tpu.yield
    }) : () -> ()
    %mul3A_1 = arith.constant 2 : i32
    %mul3A_2 = arith.muli %arg0, %mul3A_1 : i32
    %add3A = arith.constant 16 : i32
    %add3A_3 = arith.addi %add3A, %mul3A_2 : i32
    %add3A_4 = arith.constant 0 : i32
    %add3A_5 = arith.addi %add3A_3, %add3A_4 : i32
    %add3A_6 = arith.constant 0 : i32
    %add3A_7 = arith.addi %add3A_5, %add3A_6 : i32
    %multiple_of3A = arith.constant 488 : i32
    %multiple_of3A_8 = tpu.assume_multiple %multiple_of3A, 8 : i32
    %dma_start3A = arith.constant 0 : i32
    %dma_start3A_9 = arith.constant 0 : i32
    %dma_start3A_10 = arith.constant 0 : i32
    %dma_start3A_11 = tpu.memref_slice %arg2[%add3A_7, %dma_start3A_9, %dma_start3A_10] : memref<512x512x512xf32, #tpu.memory_space<any>> -> memref<1x512x512xf32, #tpu.memory_space<any>>
    %dma_start3A_12 = tpu.memref_squeeze %dma_start3A_11 : memref<1x512x512xf32, #tpu.memory_space<any>> -> memref<512x512xf32, #tpu.memory_space<any>>
    %dma_start3A_13 = arith.constant 0 : i32
    %dma_start3A_14 = tpu.memref_slice %arg3[%dma_start3A, %multiple_of3A_8, %dma_start3A_13] : memref<2x1000x512xf32, #tpu.memory_space<vmem>> -> memref<1x512x512xf32, #tpu.memory_space<vmem>>
    %dma_start3A_15 = tpu.memref_squeeze %dma_start3A_14 : memref<1x512x512xf32, #tpu.memory_space<vmem>> -> memref<512x512xf32, #tpu.memory_space<vmem>>
    tpu.enqueue_dma source(%dma_start3A_15 : memref<512x512xf32, #tpu.memory_space<vmem>>) target(%dma_start3A_12 : memref<512x512xf32, #tpu.memory_space<any>>) target_semaphore(%arg4 : memref<!tpu.dma_semaphore, #tpu.memory_space<semaphore_mem>>)
    %mul3A_16 = arith.constant 2 : i32
    %mul3A_17 = arith.muli %arg0, %mul3A_16 : i32
    %add3A_18 = arith.constant 16 : i32
    %add3A_19 = arith.addi %add3A_18, %mul3A_17 : i32
    %add3A_20 = arith.constant 0 : i32
    %add3A_21 = arith.addi %add3A_19, %add3A_20 : i32
    %add3A_22 = arith.constant 8 : i32
    %add3A_23 = arith.addi %add3A_21, %add3A_22 : i32
    %multiple_of3A_24 = arith.constant 480 : i32
    %multiple_of3A_25 = tpu.assume_multiple %multiple_of3A_24, 8 : i32
    %dma_start3A_26 = arith.constant 0 : i32
    %dma_start3A_27 = arith.constant 0 : i32
    %dma_start3A_28 = arith.constant 0 : i32
    %dma_start3A_29 = tpu.memref_slice %arg2[%add3A_23, %dma_start3A_27, %dma_start3A_28] : memref<512x512x512xf32, #tpu.memory_space<any>> -> memref<1x512x512xf32, #tpu.memory_space<any>>
    %dma_start3A_30 = tpu.memref_squeeze %dma_start3A_29 : memref<1x512x512xf32, #tpu.memory_space<any>> -> memref<512x512xf32, #tpu.memory_space<any>>
    %dma_start3A_31 = arith.constant 0 : i32
    %dma_start3A_32 = tpu.memref_slice %arg3[%dma_start3A_26, %multiple_of3A_25, %dma_start3A_31] : memref<2x1000x512xf32, #tpu.memory_space<vmem>> -> memref<1x512x512xf32, #tpu.memory_space<vmem>>
    %dma_start3A_33 = tpu.memref_squeeze %dma_start3A_32 : memref<1x512x512xf32, #tpu.memory_space<vmem>> -> memref<512x512xf32, #tpu.memory_space<vmem>>
    tpu.enqueue_dma source(%dma_start3A_33 : memref<512x512xf32, #tpu.memory_space<vmem>>) target(%dma_start3A_30 : memref<512x512xf32, #tpu.memory_space<any>>) target_semaphore(%arg4 : memref<!tpu.dma_semaphore, #tpu.memory_space<semaphore_mem>>)
    %mul3A_34 = arith.constant 2 : i32
    %mul3A_35 = arith.muli %arg0, %mul3A_34 : i32
    %add3A_36 = arith.constant 16 : i32
    %add3A_37 = arith.addi %add3A_36, %mul3A_35 : i32
    %add3A_38 = arith.constant 0 : i32
    %add3A_39 = arith.addi %add3A_37, %add3A_38 : i32
    %add3A_40 = arith.constant 16 : i32
    %add3A_41 = arith.addi %add3A_39, %add3A_40 : i32
    %multiple_of3A_42 = arith.constant 472 : i32
    %multiple_of3A_43 = tpu.assume_multiple %multiple_of3A_42, 8 : i32
    %dma_start3A_44 = arith.constant 0 : i32
    %dma_start3A_45 = arith.constant 0 : i32
    %dma_start3A_46 = arith.constant 0 : i32
    %dma_start3A_47 = tpu.memref_slice %arg2[%add3A_41, %dma_start3A_45, %dma_start3A_46] : memref<512x512x512xf32, #tpu.memory_space<any>> -> memref<1x512x512xf32, #tpu.memory_space<any>>
    %dma_start3A_48 = tpu.memref_squeeze %dma_start3A_47 : memref<1x512x512xf32, #tpu.memory_space<any>> -> memref<512x512xf32, #tpu.memory_space<any>>
    %dma_start3A_49 = arith.constant 0 : i32
    %dma_start3A_50 = tpu.memref_slice %arg3[%dma_start3A_44, %multiple_of3A_43, %dma_start3A_49] : memref<2x1000x512xf32, #tpu.memory_space<vmem>> -> memref<1x512x512xf32, #tpu.memory_space<vmem>>
    %dma_start3A_51 = tpu.memref_squeeze %dma_start3A_50 : memref<1x512x512xf32, #tpu.memory_space<vmem>> -> memref<512x512xf32, #tpu.memory_space<vmem>>
    tpu.enqueue_dma source(%dma_start3A_51 : memref<512x512xf32, #tpu.memory_space<vmem>>) target(%dma_start3A_48 : memref<512x512xf32, #tpu.memory_space<any>>) target_semaphore(%arg4 : memref<!tpu.dma_semaphore, #tpu.memory_space<semaphore_mem>>)
    %mul3A_52 = arith.constant 2 : i32
    %mul3A_53 = arith.muli %arg0, %mul3A_52 : i32
    %add3A_54 = arith.constant 16 : i32
    %add3A_55 = arith.addi %add3A_54, %mul3A_53 : i32
    %add3A_56 = arith.constant 0 : i32
    %add3A_57 = arith.addi %add3A_55, %add3A_56 : i32
    %add3A_58 = arith.constant 24 : i32
    %add3A_59 = arith.addi %add3A_57, %add3A_58 : i32
    %multiple_of3A_60 = arith.constant 464 : i32
    %multiple_of3A_61 = tpu.assume_multiple %multiple_of3A_60, 8 : i32
    %dma_start3A_62 = arith.constant 0 : i32
    %dma_start3A_63 = arith.constant 0 : i32
    %dma_start3A_64 = arith.constant 0 : i32
    %dma_start3A_65 = tpu.memref_slice %arg2[%add3A_59, %dma_start3A_63, %dma_start3A_64] : memref<512x512x512xf32, #tpu.memory_space<any>> -> memref<1x512x512xf32, #tpu.memory_space<any>>
    %dma_start3A_66 = tpu.memref_squeeze %dma_start3A_65 : memref<1x512x512xf32, #tpu.memory_space<any>> -> memref<512x512xf32, #tpu.memory_space<any>>
    %dma_start3A_67 = arith.constant 0 : i32
    %dma_start3A_68 = tpu.memref_slice %arg3[%dma_start3A_62, %multiple_of3A_61, %dma_start3A_67] : memref<2x1000x512xf32, #tpu.memory_space<vmem>> -> memref<1x512x512xf32, #tpu.memory_space<vmem>>
    %dma_start3A_69 = tpu.memref_squeeze %dma_start3A_68 : memref<1x512x512xf32, #tpu.memory_space<vmem>> -> memref<512x512xf32, #tpu.memory_space<vmem>>
    tpu.enqueue_dma source(%dma_start3A_69 : memref<512x512xf32, #tpu.memory_space<vmem>>) target(%dma_start3A_66 : memref<512x512xf32, #tpu.memory_space<any>>) target_semaphore(%arg4 : memref<!tpu.dma_semaphore, #tpu.memory_space<semaphore_mem>>)
    %mul3A_70 = arith.constant 2 : i32
    %mul3A_71 = arith.muli %arg0, %mul3A_70 : i32
    %add3A_72 = arith.constant 16 : i32
    %add3A_73 = arith.addi %add3A_72, %mul3A_71 : i32
    %add3A_74 = arith.constant 0 : i32
    %add3A_75 = arith.addi %add3A_73, %add3A_74 : i32
    %add3A_76 = arith.constant 32 : i32
    %add3A_77 = arith.addi %add3A_75, %add3A_76 : i32
    %multiple_of3A_78 = arith.constant 456 : i32
    %multiple_of3A_79 = tpu.assume_multiple %multiple_of3A_78, 8 : i32
    %dma_start3A_80 = arith.constant 0 : i32
    %dma_start3A_81 = arith.constant 0 : i32
    %dma_start3A_82 = arith.constant 0 : i32
    %dma_start3A_83 = tpu.memref_slice %arg2[%add3A_77, %dma_start3A_81, %dma_start3A_82] : memref<512x512x512xf32, #tpu.memory_space<any>> -> memref<1x512x512xf32, #tpu.memory_space<any>>
    %dma_start3A_84 = tpu.memref_squeeze %dma_start3A_83 : memref<1x512x512xf32, #tpu.memory_space<any>> -> memref<512x512xf32, #tpu.memory_space<any>>
    %dma_start3A_85 = arith.constant 0 : i32
    %dma_start3A_86 = tpu.memref_slice %arg3[%dma_start3A_80, %multiple_of3A_79, %dma_start3A_85] : memref<2x1000x512xf32, #tpu.memory_space<vmem>> -> memref<1x512x512xf32, #tpu.memory_space<vmem>>
    %dma_start3A_87 = tpu.memref_squeeze %dma_start3A_86 : memref<1x512x512xf32, #tpu.memory_space<vmem>> -> memref<512x512xf32, #tpu.memory_space<vmem>>
    tpu.enqueue_dma source(%dma_start3A_87 : memref<512x512xf32, #tpu.memory_space<vmem>>) target(%dma_start3A_84 : memref<512x512xf32, #tpu.memory_space<any>>) target_semaphore(%arg4 : memref<!tpu.dma_semaphore, #tpu.memory_space<semaphore_mem>>)
    %mul3A_88 = arith.constant 2 : i32
    %mul3A_89 = arith.muli %arg0, %mul3A_88 : i32
    %add3A_90 = arith.constant 16 : i32
    %add3A_91 = arith.addi %add3A_90, %mul3A_89 : i32
    %add3A_92 = arith.constant 0 : i32
    %add3A_93 = arith.addi %add3A_91, %add3A_92 : i32
    %add3A_94 = arith.constant 40 : i32
    %add3A_95 = arith.addi %add3A_93, %add3A_94 : i32
    %multiple_of3A_96 = arith.constant 448 : i32
    %multiple_of3A_97 = tpu.assume_multiple %multiple_of3A_96, 8 : i32
    %dma_start3A_98 = arith.constant 0 : i32
    %dma_start3A_99 = arith.constant 0 : i32
    %dma_start3A_100 = arith.constant 0 : i32
    %dma_start3A_101 = tpu.memref_slice %arg2[%add3A_95, %dma_start3A_99, %dma_start3A_100] : memref<512x512x512xf32, #tpu.memory_space<any>> -> memref<1x512x512xf32, #tpu.memory_space<any>>
    %dma_start3A_102 = tpu.memref_squeeze %dma_start3A_101 : memref<1x512x512xf32, #tpu.memory_space<any>> -> memref<512x512xf32, #tpu.memory_space<any>>
    %dma_start3A_103 = arith.constant 0 : i32
    %dma_start3A_104 = tpu.memref_slice %arg3[%dma_start3A_98, %multiple_of3A_97, %dma_start3A_103] : memref<2x1000x512xf32, #tpu.memory_space<vmem>> -> memref<1x512x512xf32, #tpu.memory_space<vmem>>
    %dma_start3A_105 = tpu.memref_squeeze %dma_start3A_104 : memref<1x512x512xf32, #tpu.memory_space<vmem>> -> memref<512x512xf32, #tpu.memory_space<vmem>>
    tpu.enqueue_dma source(%dma_start3A_105 : memref<512x512xf32, #tpu.memory_space<vmem>>) target(%dma_start3A_102 : memref<512x512xf32, #tpu.memory_space<any>>) target_semaphore(%arg4 : memref<!tpu.dma_semaphore, #tpu.memory_space<semaphore_mem>>)
    %mul3A_106 = arith.constant 2 : i32
    %mul3A_107 = arith.muli %arg0, %mul3A_106 : i32
    %add3A_108 = arith.constant 16 : i32
    %add3A_109 = arith.addi %add3A_108, %mul3A_107 : i32
    %add3A_110 = arith.constant 0 : i32
    %add3A_111 = arith.addi %add3A_109, %add3A_110 : i32
    %add3A_112 = arith.constant 48 : i32
    %add3A_113 = arith.addi %add3A_111, %add3A_112 : i32
    %multiple_of3A_114 = arith.constant 440 : i32
    %multiple_of3A_115 = tpu.assume_multiple %multiple_of3A_114, 8 : i32
    %dma_start3A_116 = arith.constant 0 : i32
    %dma_start3A_117 = arith.constant 0 : i32
    %dma_start3A_118 = arith.constant 0 : i32
    %dma_start3A_119 = tpu.memref_slice %arg2[%add3A_113, %dma_start3A_117, %dma_start3A_118] : memref<512x512x512xf32, #tpu.memory_space<any>> -> memref<1x512x512xf32, #tpu.memory_space<any>>
    %dma_start3A_120 = tpu.memref_squeeze %dma_start3A_119 : memref<1x512x512xf32, #tpu.memory_space<any>> -> memref<512x512xf32, #tpu.memory_space<any>>
    %dma_start3A_121 = arith.constant 0 : i32
    %dma_start3A_122 = tpu.memref_slice %arg3[%dma_start3A_116, %multiple_of3A_115, %dma_start3A_121] : memref<2x1000x512xf32, #tpu.memory_space<vmem>> -> memref<1x512x512xf32, #tpu.memory_space<vmem>>
    %dma_start3A_123 = tpu.memref_squeeze %dma_start3A_122 : memref<1x512x512xf32, #tpu.memory_space<vmem>> -> memref<512x512xf32, #tpu.memory_space<vmem>>
    tpu.enqueue_dma source(%dma_start3A_123 : memref<512x512xf32, #tpu.memory_space<vmem>>) target(%dma_start3A_120 : memref<512x512xf32, #tpu.memory_space<any>>) target_semaphore(%arg4 : memref<!tpu.dma_semaphore, #tpu.memory_space<semaphore_mem>>)
    %mul3A_124 = arith.constant 2 : i32
    %mul3A_125 = arith.muli %arg0, %mul3A_124 : i32
    %add3A_126 = arith.constant 16 : i32
    %add3A_127 = arith.addi %add3A_126, %mul3A_125 : i32
    %add3A_128 = arith.constant 0 : i32
    %add3A_129 = arith.addi %add3A_127, %add3A_128 : i32
    %add3A_130 = arith.constant 56 : i32
    %add3A_131 = arith.addi %add3A_129, %add3A_130 : i32
    %multiple_of3A_132 = arith.constant 432 : i32
    %multiple_of3A_133 = tpu.assume_multiple %multiple_of3A_132, 8 : i32
    %dma_start3A_134 = arith.constant 0 : i32
    %dma_start3A_135 = arith.constant 0 : i32
    %dma_start3A_136 = arith.constant 0 : i32
    %dma_start3A_137 = tpu.memref_slice %arg2[%add3A_131, %dma_start3A_135, %dma_start3A_136] : memref<512x512x512xf32, #tpu.memory_space<any>> -> memref<1x512x512xf32, #tpu.memory_space<any>>
    %dma_start3A_138 = tpu.memref_squeeze %dma_start3A_137 : memref<1x512x512xf32, #tpu.memory_space<any>> -> memref<512x512xf32, #tpu.memory_space<any>>
    %dma_start3A_139 = arith.constant 0 : i32
    %dma_start3A_140 = tpu.memref_slice %arg3[%dma_start3A_134, %multiple_of3A_133, %dma_start3A_139] : memref<2x1000x512xf32, #tpu.memory_space<vmem>> -> memref<1x512x512xf32, #tpu.memory_space<vmem>>
    %dma_start3A_141 = tpu.memref_squeeze %dma_start3A_140 : memref<1x512x512xf32, #tpu.memory_space<vmem>> -> memref<512x512xf32, #tpu.memory_space<vmem>>
    tpu.enqueue_dma source(%dma_start3A_141 : memref<512x512xf32, #tpu.memory_space<vmem>>) target(%dma_start3A_138 : memref<512x512xf32, #tpu.memory_space<any>>) target_semaphore(%arg4 : memref<!tpu.dma_semaphore, #tpu.memory_space<semaphore_mem>>)
    %mul3A_142 = arith.constant 2 : i32
    %mul3A_143 = arith.muli %arg0, %mul3A_142 : i32
    %add3A_144 = arith.constant 16 : i32
    %add3A_145 = arith.addi %add3A_144, %mul3A_143 : i32
    %add3A_146 = arith.constant 0 : i32
    %add3A_147 = arith.addi %add3A_145, %add3A_146 : i32
    %add3A_148 = arith.constant 64 : i32
    %add3A_149 = arith.addi %add3A_147, %add3A_148 : i32
    %multiple_of3A_150 = arith.constant 424 : i32
    %multiple_of3A_151 = tpu.assume_multiple %multiple_of3A_150, 8 : i32
    %dma_start3A_152 = arith.constant 0 : i32
    %dma_start3A_153 = arith.constant 0 : i32
    %dma_start3A_154 = arith.constant 0 : i32
    %dma_start3A_155 = tpu.memref_slice %arg2[%add3A_149, %dma_start3A_153, %dma_start3A_154] : memref<512x512x512xf32, #tpu.memory_space<any>> -> memref<1x512x512xf32, #tpu.memory_space<any>>
    %dma_start3A_156 = tpu.memref_squeeze %dma_start3A_155 : memref<1x512x512xf32, #tpu.memory_space<any>> -> memref<512x512xf32, #tpu.memory_space<any>>
    %dma_start3A_157 = arith.constant 0 : i32
    %dma_start3A_158 = tpu.memref_slice %arg3[%dma_start3A_152, %multiple_of3A_151, %dma_start3A_157] : memref<2x1000x512xf32, #tpu.memory_space<vmem>> -> memref<1x512x512xf32, #tpu.memory_space<vmem>>
    %dma_start3A_159 = tpu.memref_squeeze %dma_start3A_158 : memref<1x512x512xf32, #tpu.memory_space<vmem>> -> memref<512x512xf32, #tpu.memory_space<vmem>>
    tpu.enqueue_dma source(%dma_start3A_159 : memref<512x512xf32, #tpu.memory_space<vmem>>) target(%dma_start3A_156 : memref<512x512xf32, #tpu.memory_space<any>>) target_semaphore(%arg4 : memref<!tpu.dma_semaphore, #tpu.memory_space<semaphore_mem>>)
    %mul3A_160 = arith.constant 2 : i32
    %mul3A_161 = arith.muli %arg0, %mul3A_160 : i32
    %add3A_162 = arith.constant 16 : i32
    %add3A_163 = arith.addi %add3A_162, %mul3A_161 : i32
    %add3A_164 = arith.constant 0 : i32
    %add3A_165 = arith.addi %add3A_163, %add3A_164 : i32
    %add3A_166 = arith.constant 72 : i32
    %add3A_167 = arith.addi %add3A_165, %add3A_166 : i32
    %multiple_of3A_168 = arith.constant 416 : i32
    %multiple_of3A_169 = tpu.assume_multiple %multiple_of3A_168, 8 : i32
    %dma_start3A_170 = arith.constant 0 : i32
    %dma_start3A_171 = arith.constant 0 : i32
    %dma_start3A_172 = arith.constant 0 : i32
    %dma_start3A_173 = tpu.memref_slice %arg2[%add3A_167, %dma_start3A_171, %dma_start3A_172] : memref<512x512x512xf32, #tpu.memory_space<any>> -> memref<1x512x512xf32, #tpu.memory_space<any>>
    %dma_start3A_174 = tpu.memref_squeeze %dma_start3A_173 : memref<1x512x512xf32, #tpu.memory_space<any>> -> memref<512x512xf32, #tpu.memory_space<any>>
    %dma_start3A_175 = arith.constant 0 : i32
    %dma_start3A_176 = tpu.memref_slice %arg3[%dma_start3A_170, %multiple_of3A_169, %dma_start3A_175] : memref<2x1000x512xf32, #tpu.memory_space<vmem>> -> memref<1x512x512xf32, #tpu.memory_space<vmem>>
    %dma_start3A_177 = tpu.memref_squeeze %dma_start3A_176 : memref<1x512x512xf32, #tpu.memory_space<vmem>> -> memref<512x512xf32, #tpu.memory_space<vmem>>
    tpu.enqueue_dma source(%dma_start3A_177 : memref<512x512xf32, #tpu.memory_space<vmem>>) target(%dma_start3A_174 : memref<512x512xf32, #tpu.memory_space<any>>) target_semaphore(%arg4 : memref<!tpu.dma_semaphore, #tpu.memory_space<semaphore_mem>>)
    %mul3A_178 = arith.constant 2 : i32
    %mul3A_179 = arith.muli %arg0, %mul3A_178 : i32
    %add3A_180 = arith.constant 16 : i32
    %add3A_181 = arith.addi %add3A_180, %mul3A_179 : i32
    %add3A_182 = arith.constant 0 : i32
    %add3A_183 = arith.addi %add3A_181, %add3A_182 : i32
    %add3A_184 = arith.constant 80 : i32
    %add3A_185 = arith.addi %add3A_183, %add3A_184 : i32
    %multiple_of3A_186 = arith.constant 408 : i32
    %multiple_of3A_187 = tpu.assume_multiple %multiple_of3A_186, 8 : i32
    %dma_start3A_188 = arith.constant 0 : i32
    %dma_start3A_189 = arith.constant 0 : i32
    %dma_start3A_190 = arith.constant 0 : i32
    %dma_start3A_191 = tpu.memref_slice %arg2[%add3A_185, %dma_start3A_189, %dma_start3A_190] : memref<512x512x512xf32, #tpu.memory_space<any>> -> memref<1x512x512xf32, #tpu.memory_space<any>>
    %dma_start3A_192 = tpu.memref_squeeze %dma_start3A_191 : memref<1x512x512xf32, #tpu.memory_space<any>> -> memref<512x512xf32, #tpu.memory_space<any>>
    %dma_start3A_193 = arith.constant 0 : i32
    %dma_start3A_194 = tpu.memref_slice %arg3[%dma_start3A_188, %multiple_of3A_187, %dma_start3A_193] : memref<2x1000x512xf32, #tpu.memory_space<vmem>> -> memref<1x512x512xf32, #tpu.memory_space<vmem>>
    %dma_start3A_195 = tpu.memref_squeeze %dma_start3A_194 : memref<1x512x512xf32, #tpu.memory_space<vmem>> -> memref<512x512xf32, #tpu.memory_space<vmem>>
    tpu.enqueue_dma source(%dma_start3A_195 : memref<512x512xf32, #tpu.memory_space<vmem>>) target(%dma_start3A_192 : memref<512x512xf32, #tpu.memory_space<any>>) target_semaphore(%arg4 : memref<!tpu.dma_semaphore, #tpu.memory_space<semaphore_mem>>)
    %mul3A_196 = arith.constant 2 : i32
    %mul3A_197 = arith.muli %arg0, %mul3A_196 : i32
    %add3A_198 = arith.constant 16 : i32
    %add3A_199 = arith.addi %add3A_198, %mul3A_197 : i32
    %add3A_200 = arith.constant 0 : i32
    %add3A_201 = arith.addi %add3A_199, %add3A_200 : i32
    %add3A_202 = arith.constant 88 : i32
    %add3A_203 = arith.addi %add3A_201, %add3A_202 : i32
    %multiple_of3A_204 = arith.constant 400 : i32
    %multiple_of3A_205 = tpu.assume_multiple %multiple_of3A_204, 8 : i32
    %dma_start3A_206 = arith.constant 0 : i32
    %dma_start3A_207 = arith.constant 0 : i32
    %dma_start3A_208 = arith.constant 0 : i32
    %dma_start3A_209 = tpu.memref_slice %arg2[%add3A_203, %dma_start3A_207, %dma_start3A_208] : memref<512x512x512xf32, #tpu.memory_space<any>> -> memref<1x512x512xf32, #tpu.memory_space<any>>
    %dma_start3A_210 = tpu.memref_squeeze %dma_start3A_209 : memref<1x512x512xf32, #tpu.memory_space<any>> -> memref<512x512xf32, #tpu.memory_space<any>>
    %dma_start3A_211 = arith.constant 0 : i32
    %dma_start3A_212 = tpu.memref_slice %arg3[%dma_start3A_206, %multiple_of3A_205, %dma_start3A_211] : memref<2x1000x512xf32, #tpu.memory_space<vmem>> -> memref<1x512x512xf32, #tpu.memory_space<vmem>>
    %dma_start3A_213 = tpu.memref_squeeze %dma_start3A_212 : memref<1x512x512xf32, #tpu.memory_space<vmem>> -> memref<512x512xf32, #tpu.memory_space<vmem>>
    tpu.enqueue_dma source(%dma_start3A_213 : memref<512x512xf32, #tpu.memory_space<vmem>>) target(%dma_start3A_210 : memref<512x512xf32, #tpu.memory_space<any>>) target_semaphore(%arg4 : memref<!tpu.dma_semaphore, #tpu.memory_space<semaphore_mem>>)
    %mul3A_214 = arith.constant 2 : i32
    %mul3A_215 = arith.muli %arg0, %mul3A_214 : i32
    %add3A_216 = arith.constant 16 : i32
    %add3A_217 = arith.addi %add3A_216, %mul3A_215 : i32
    %add3A_218 = arith.constant 0 : i32
    %add3A_219 = arith.addi %add3A_217, %add3A_218 : i32
    %add3A_220 = arith.constant 96 : i32
    %add3A_221 = arith.addi %add3A_219, %add3A_220 : i32
    %multiple_of3A_222 = arith.constant 392 : i32
    %multiple_of3A_223 = tpu.assume_multiple %multiple_of3A_222, 8 : i32
    %dma_start3A_224 = arith.constant 0 : i32
    %dma_start3A_225 = arith.constant 0 : i32
    %dma_start3A_226 = arith.constant 0 : i32
    %dma_start3A_227 = tpu.memref_slice %arg2[%add3A_221, %dma_start3A_225, %dma_start3A_226] : memref<512x512x512xf32, #tpu.memory_space<any>> -> memref<1x512x512xf32, #tpu.memory_space<any>>
    %dma_start3A_228 = tpu.memref_squeeze %dma_start3A_227 : memref<1x512x512xf32, #tpu.memory_space<any>> -> memref<512x512xf32, #tpu.memory_space<any>>
    %dma_start3A_229 = arith.constant 0 : i32
    %dma_start3A_230 = tpu.memref_slice %arg3[%dma_start3A_224, %multiple_of3A_223, %dma_start3A_229] : memref<2x1000x512xf32, #tpu.memory_space<vmem>> -> memref<1x512x512xf32, #tpu.memory_space<vmem>>
    %dma_start3A_231 = tpu.memref_squeeze %dma_start3A_230 : memref<1x512x512xf32, #tpu.memory_space<vmem>> -> memref<512x512xf32, #tpu.memory_space<vmem>>
    tpu.enqueue_dma source(%dma_start3A_231 : memref<512x512xf32, #tpu.memory_space<vmem>>) target(%dma_start3A_228 : memref<512x512xf32, #tpu.memory_space<any>>) target_semaphore(%arg4 : memref<!tpu.dma_semaphore, #tpu.memory_space<semaphore_mem>>)
    %mul3A_232 = arith.constant 2 : i32
    %mul3A_233 = arith.muli %arg0, %mul3A_232 : i32
    %add3A_234 = arith.constant 16 : i32
    %add3A_235 = arith.addi %add3A_234, %mul3A_233 : i32
    %add3A_236 = arith.constant 0 : i32
    %add3A_237 = arith.addi %add3A_235, %add3A_236 : i32
    %add3A_238 = arith.constant 104 : i32
    %add3A_239 = arith.addi %add3A_237, %add3A_238 : i32
    %multiple_of3A_240 = arith.constant 384 : i32
    %multiple_of3A_241 = tpu.assume_multiple %multiple_of3A_240, 8 : i32
    %dma_start3A_242 = arith.constant 0 : i32
    %dma_start3A_243 = arith.constant 0 : i32
    %dma_start3A_244 = arith.constant 0 : i32
    %dma_start3A_245 = tpu.memref_slice %arg2[%add3A_239, %dma_start3A_243, %dma_start3A_244] : memref<512x512x512xf32, #tpu.memory_space<any>> -> memref<1x512x512xf32, #tpu.memory_space<any>>
    %dma_start3A_246 = tpu.memref_squeeze %dma_start3A_245 : memref<1x512x512xf32, #tpu.memory_space<any>> -> memref<512x512xf32, #tpu.memory_space<any>>
    %dma_start3A_247 = arith.constant 0 : i32
    %dma_start3A_248 = tpu.memref_slice %arg3[%dma_start3A_242, %multiple_of3A_241, %dma_start3A_247] : memref<2x1000x512xf32, #tpu.memory_space<vmem>> -> memref<1x512x512xf32, #tpu.memory_space<vmem>>
    %dma_start3A_249 = tpu.memref_squeeze %dma_start3A_248 : memref<1x512x512xf32, #tpu.memory_space<vmem>> -> memref<512x512xf32, #tpu.memory_space<vmem>>
    tpu.enqueue_dma source(%dma_start3A_249 : memref<512x512xf32, #tpu.memory_space<vmem>>) target(%dma_start3A_246 : memref<512x512xf32, #tpu.memory_space<any>>) target_semaphore(%arg4 : memref<!tpu.dma_semaphore, #tpu.memory_space<semaphore_mem>>)
    %mul3A_250 = arith.constant 2 : i32
    %mul3A_251 = arith.muli %arg0, %mul3A_250 : i32
    %add3A_252 = arith.constant 16 : i32
    %add3A_253 = arith.addi %add3A_252, %mul3A_251 : i32
    %add3A_254 = arith.constant 0 : i32
    %add3A_255 = arith.addi %add3A_253, %add3A_254 : i32
    %add3A_256 = arith.constant 112 : i32
    %add3A_257 = arith.addi %add3A_255, %add3A_256 : i32
    %multiple_of3A_258 = arith.constant 376 : i32
    %multiple_of3A_259 = tpu.assume_multiple %multiple_of3A_258, 8 : i32
    %dma_start3A_260 = arith.constant 0 : i32
    %dma_start3A_261 = arith.constant 0 : i32
    %dma_start3A_262 = arith.constant 0 : i32
    %dma_start3A_263 = tpu.memref_slice %arg2[%add3A_257, %dma_start3A_261, %dma_start3A_262] : memref<512x512x512xf32, #tpu.memory_space<any>> -> memref<1x512x512xf32, #tpu.memory_space<any>>
    %dma_start3A_264 = tpu.memref_squeeze %dma_start3A_263 : memref<1x512x512xf32, #tpu.memory_space<any>> -> memref<512x512xf32, #tpu.memory_space<any>>
    %dma_start3A_265 = arith.constant 0 : i32
    %dma_start3A_266 = tpu.memref_slice %arg3[%dma_start3A_260, %multiple_of3A_259, %dma_start3A_265] : memref<2x1000x512xf32, #tpu.memory_space<vmem>> -> memref<1x512x512xf32, #tpu.memory_space<vmem>>
    %dma_start3A_267 = tpu.memref_squeeze %dma_start3A_266 : memref<1x512x512xf32, #tpu.memory_space<vmem>> -> memref<512x512xf32, #tpu.memory_space<vmem>>
    tpu.enqueue_dma source(%dma_start3A_267 : memref<512x512xf32, #tpu.memory_space<vmem>>) target(%dma_start3A_264 : memref<512x512xf32, #tpu.memory_space<any>>) target_semaphore(%arg4 : memref<!tpu.dma_semaphore, #tpu.memory_space<semaphore_mem>>)
    %mul3A_268 = arith.constant 2 : i32
    %mul3A_269 = arith.muli %arg0, %mul3A_268 : i32
    %add3A_270 = arith.constant 16 : i32
    %add3A_271 = arith.addi %add3A_270, %mul3A_269 : i32
    %add3A_272 = arith.constant 0 : i32
    %add3A_273 = arith.addi %add3A_271, %add3A_272 : i32
    %add3A_274 = arith.constant 120 : i32
    %add3A_275 = arith.addi %add3A_273, %add3A_274 : i32
    %multiple_of3A_276 = arith.constant 368 : i32
    %multiple_of3A_277 = tpu.assume_multiple %multiple_of3A_276, 8 : i32
    %dma_start3A_278 = arith.constant 0 : i32
    %dma_start3A_279 = arith.constant 0 : i32
    %dma_start3A_280 = arith.constant 0 : i32
    %dma_start3A_281 = tpu.memref_slice %arg2[%add3A_275, %dma_start3A_279, %dma_start3A_280] : memref<512x512x512xf32, #tpu.memory_space<any>> -> memref<1x512x512xf32, #tpu.memory_space<any>>
    %dma_start3A_282 = tpu.memref_squeeze %dma_start3A_281 : memref<1x512x512xf32, #tpu.memory_space<any>> -> memref<512x512xf32, #tpu.memory_space<any>>
    %dma_start3A_283 = arith.constant 0 : i32
    %dma_start3A_284 = tpu.memref_slice %arg3[%dma_start3A_278, %multiple_of3A_277, %dma_start3A_283] : memref<2x1000x512xf32, #tpu.memory_space<vmem>> -> memref<1x512x512xf32, #tpu.memory_space<vmem>>
    %dma_start3A_285 = tpu.memref_squeeze %dma_start3A_284 : memref<1x512x512xf32, #tpu.memory_space<vmem>> -> memref<512x512xf32, #tpu.memory_space<vmem>>
    tpu.enqueue_dma source(%dma_start3A_285 : memref<512x512xf32, #tpu.memory_space<vmem>>) target(%dma_start3A_282 : memref<512x512xf32, #tpu.memory_space<any>>) target_semaphore(%arg4 : memref<!tpu.dma_semaphore, #tpu.memory_space<semaphore_mem>>)
    %mul3A_286 = arith.constant 2 : i32
    %mul3A_287 = arith.muli %arg0, %mul3A_286 : i32
    %add3A_288 = arith.constant 16 : i32
    %add3A_289 = arith.addi %add3A_288, %mul3A_287 : i32
    %add3A_290 = arith.constant 0 : i32
    %add3A_291 = arith.addi %add3A_289, %add3A_290 : i32
    %add3A_292 = arith.constant 128 : i32
    %add3A_293 = arith.addi %add3A_291, %add3A_292 : i32
    %multiple_of3A_294 = arith.constant 360 : i32
    %multiple_of3A_295 = tpu.assume_multiple %multiple_of3A_294, 8 : i32
    %dma_start3A_296 = arith.constant 0 : i32
    %dma_start3A_297 = arith.constant 0 : i32
    %dma_start3A_298 = arith.constant 0 : i32
    %dma_start3A_299 = tpu.memref_slice %arg2[%add3A_293, %dma_start3A_297, %dma_start3A_298] : memref<512x512x512xf32, #tpu.memory_space<any>> -> memref<1x512x512xf32, #tpu.memory_space<any>>
    %dma_start3A_300 = tpu.memref_squeeze %dma_start3A_299 : memref<1x512x512xf32, #tpu.memory_space<any>> -> memref<512x512xf32, #tpu.memory_space<any>>
    %dma_start3A_301 = arith.constant 0 : i32
    %dma_start3A_302 = tpu.memref_slice %arg3[%dma_start3A_296, %multiple_of3A_295, %dma_start3A_301] : memref<2x1000x512xf32, #tpu.memory_space<vmem>> -> memref<1x512x512xf32, #tpu.memory_space<vmem>>
    %dma_start3A_303 = tpu.memref_squeeze %dma_start3A_302 : memref<1x512x512xf32, #tpu.memory_space<vmem>> -> memref<512x512xf32, #tpu.memory_space<vmem>>
    tpu.enqueue_dma source(%dma_start3A_303 : memref<512x512xf32, #tpu.memory_space<vmem>>) target(%dma_start3A_300 : memref<512x512xf32, #tpu.memory_space<any>>) target_semaphore(%arg4 : memref<!tpu.dma_semaphore, #tpu.memory_space<semaphore_mem>>)
    %mul3A_304 = arith.constant 2 : i32
    %mul3A_305 = arith.muli %arg0, %mul3A_304 : i32
    %add3A_306 = arith.constant 16 : i32
    %add3A_307 = arith.addi %add3A_306, %mul3A_305 : i32
    %add3A_308 = arith.constant 0 : i32
    %add3A_309 = arith.addi %add3A_307, %add3A_308 : i32
    %add3A_310 = arith.constant 136 : i32
    %add3A_311 = arith.addi %add3A_309, %add3A_310 : i32
    %multiple_of3A_312 = arith.constant 352 : i32
    %multiple_of3A_313 = tpu.assume_multiple %multiple_of3A_312, 8 : i32
    %dma_start3A_314 = arith.constant 0 : i32
    %dma_start3A_315 = arith.constant 0 : i32
    %dma_start3A_316 = arith.constant 0 : i32
    %dma_start3A_317 = tpu.memref_slice %arg2[%add3A_311, %dma_start3A_315, %dma_start3A_316] : memref<512x512x512xf32, #tpu.memory_space<any>> -> memref<1x512x512xf32, #tpu.memory_space<any>>
    %dma_start3A_318 = tpu.memref_squeeze %dma_start3A_317 : memref<1x512x512xf32, #tpu.memory_space<any>> -> memref<512x512xf32, #tpu.memory_space<any>>
    %dma_start3A_319 = arith.constant 0 : i32
    %dma_start3A_320 = tpu.memref_slice %arg3[%dma_start3A_314, %multiple_of3A_313, %dma_start3A_319] : memref<2x1000x512xf32, #tpu.memory_space<vmem>> -> memref<1x512x512xf32, #tpu.memory_space<vmem>>
    %dma_start3A_321 = tpu.memref_squeeze %dma_start3A_320 : memref<1x512x512xf32, #tpu.memory_space<vmem>> -> memref<512x512xf32, #tpu.memory_space<vmem>>
    tpu.enqueue_dma source(%dma_start3A_321 : memref<512x512xf32, #tpu.memory_space<vmem>>) target(%dma_start3A_318 : memref<512x512xf32, #tpu.memory_space<any>>) target_semaphore(%arg4 : memref<!tpu.dma_semaphore, #tpu.memory_space<semaphore_mem>>)
    %mul3A_322 = arith.constant 2 : i32
    %mul3A_323 = arith.muli %arg0, %mul3A_322 : i32
    %add3A_324 = arith.constant 16 : i32
    %add3A_325 = arith.addi %add3A_324, %mul3A_323 : i32
    %add3A_326 = arith.constant 0 : i32
    %add3A_327 = arith.addi %add3A_325, %add3A_326 : i32
    %add3A_328 = arith.constant 144 : i32
    %add3A_329 = arith.addi %add3A_327, %add3A_328 : i32
    %multiple_of3A_330 = arith.constant 344 : i32
    %multiple_of3A_331 = tpu.assume_multiple %multiple_of3A_330, 8 : i32
    %dma_start3A_332 = arith.constant 0 : i32
    %dma_start3A_333 = arith.constant 0 : i32
    %dma_start3A_334 = arith.constant 0 : i32
    %dma_start3A_335 = tpu.memref_slice %arg2[%add3A_329, %dma_start3A_333, %dma_start3A_334] : memref<512x512x512xf32, #tpu.memory_space<any>> -> memref<1x512x512xf32, #tpu.memory_space<any>>
    %dma_start3A_336 = tpu.memref_squeeze %dma_start3A_335 : memref<1x512x512xf32, #tpu.memory_space<any>> -> memref<512x512xf32, #tpu.memory_space<any>>
    %dma_start3A_337 = arith.constant 0 : i32
    %dma_start3A_338 = tpu.memref_slice %arg3[%dma_start3A_332, %multiple_of3A_331, %dma_start3A_337] : memref<2x1000x512xf32, #tpu.memory_space<vmem>> -> memref<1x512x512xf32, #tpu.memory_space<vmem>>
    %dma_start3A_339 = tpu.memref_squeeze %dma_start3A_338 : memref<1x512x512xf32, #tpu.memory_space<vmem>> -> memref<512x512xf32, #tpu.memory_space<vmem>>
    tpu.enqueue_dma source(%dma_start3A_339 : memref<512x512xf32, #tpu.memory_space<vmem>>) target(%dma_start3A_336 : memref<512x512xf32, #tpu.memory_space<any>>) target_semaphore(%arg4 : memref<!tpu.dma_semaphore, #tpu.memory_space<semaphore_mem>>)
    %mul3A_340 = arith.constant 2 : i32
    %mul3A_341 = arith.muli %arg0, %mul3A_340 : i32
    %add3A_342 = arith.constant 16 : i32
    %add3A_343 = arith.addi %add3A_342, %mul3A_341 : i32
    %add3A_344 = arith.constant 0 : i32
    %add3A_345 = arith.addi %add3A_343, %add3A_344 : i32
    %add3A_346 = arith.constant 152 : i32
    %add3A_347 = arith.addi %add3A_345, %add3A_346 : i32
    %multiple_of3A_348 = arith.constant 336 : i32
    %multiple_of3A_349 = tpu.assume_multiple %multiple_of3A_348, 8 : i32
    %dma_start3A_350 = arith.constant 0 : i32
    %dma_start3A_351 = arith.constant 0 : i32
    %dma_start3A_352 = arith.constant 0 : i32
    %dma_start3A_353 = tpu.memref_slice %arg2[%add3A_347, %dma_start3A_351, %dma_start3A_352] : memref<512x512x512xf32, #tpu.memory_space<any>> -> memref<1x512x512xf32, #tpu.memory_space<any>>
    %dma_start3A_354 = tpu.memref_squeeze %dma_start3A_353 : memref<1x512x512xf32, #tpu.memory_space<any>> -> memref<512x512xf32, #tpu.memory_space<any>>
    %dma_start3A_355 = arith.constant 0 : i32
    %dma_start3A_356 = tpu.memref_slice %arg3[%dma_start3A_350, %multiple_of3A_349, %dma_start3A_355] : memref<2x1000x512xf32, #tpu.memory_space<vmem>> -> memref<1x512x512xf32, #tpu.memory_space<vmem>>
    %dma_start3A_357 = tpu.memref_squeeze %dma_start3A_356 : memref<1x512x512xf32, #tpu.memory_space<vmem>> -> memref<512x512xf32, #tpu.memory_space<vmem>>
    tpu.enqueue_dma source(%dma_start3A_357 : memref<512x512xf32, #tpu.memory_space<vmem>>) target(%dma_start3A_354 : memref<512x512xf32, #tpu.memory_space<any>>) target_semaphore(%arg4 : memref<!tpu.dma_semaphore, #tpu.memory_space<semaphore_mem>>)
    %mul3A_358 = arith.constant 2 : i32
    %mul3A_359 = arith.muli %arg0, %mul3A_358 : i32
    %add3A_360 = arith.constant 16 : i32
    %add3A_361 = arith.addi %add3A_360, %mul3A_359 : i32
    %add3A_362 = arith.constant 0 : i32
    %add3A_363 = arith.addi %add3A_361, %add3A_362 : i32
    %add3A_364 = arith.constant 160 : i32
    %add3A_365 = arith.addi %add3A_363, %add3A_364 : i32
    %multiple_of3A_366 = arith.constant 328 : i32
    %multiple_of3A_367 = tpu.assume_multiple %multiple_of3A_366, 8 : i32
    %dma_start3A_368 = arith.constant 0 : i32
    %dma_start3A_369 = arith.constant 0 : i32
    %dma_start3A_370 = arith.constant 0 : i32
    %dma_start3A_371 = tpu.memref_slice %arg2[%add3A_365, %dma_start3A_369, %dma_start3A_370] : memref<512x512x512xf32, #tpu.memory_space<any>> -> memref<1x512x512xf32, #tpu.memory_space<any>>
    %dma_start3A_372 = tpu.memref_squeeze %dma_start3A_371 : memref<1x512x512xf32, #tpu.memory_space<any>> -> memref<512x512xf32, #tpu.memory_space<any>>
    %dma_start3A_373 = arith.constant 0 : i32
    %dma_start3A_374 = tpu.memref_slice %arg3[%dma_start3A_368, %multiple_of3A_367, %dma_start3A_373] : memref<2x1000x512xf32, #tpu.memory_space<vmem>> -> memref<1x512x512xf32, #tpu.memory_space<vmem>>
    %dma_start3A_375 = tpu.memref_squeeze %dma_start3A_374 : memref<1x512x512xf32, #tpu.memory_space<vmem>> -> memref<512x512xf32, #tpu.memory_space<vmem>>
    tpu.enqueue_dma source(%dma_start3A_375 : memref<512x512xf32, #tpu.memory_space<vmem>>) target(%dma_start3A_372 : memref<512x512xf32, #tpu.memory_space<any>>) target_semaphore(%arg4 : memref<!tpu.dma_semaphore, #tpu.memory_space<semaphore_mem>>)
    %mul3A_376 = arith.constant 2 : i32
    %mul3A_377 = arith.muli %arg0, %mul3A_376 : i32
    %add3A_378 = arith.constant 16 : i32
    %add3A_379 = arith.addi %add3A_378, %mul3A_377 : i32
    %add3A_380 = arith.constant 0 : i32
    %add3A_381 = arith.addi %add3A_379, %add3A_380 : i32
    %add3A_382 = arith.constant 168 : i32
    %add3A_383 = arith.addi %add3A_381, %add3A_382 : i32
    %multiple_of3A_384 = arith.constant 320 : i32
    %multiple_of3A_385 = tpu.assume_multiple %multiple_of3A_384, 8 : i32
    %dma_start3A_386 = arith.constant 0 : i32
    %dma_start3A_387 = arith.constant 0 : i32
    %dma_start3A_388 = arith.constant 0 : i32
    %dma_start3A_389 = tpu.memref_slice %arg2[%add3A_383, %dma_start3A_387, %dma_start3A_388] : memref<512x512x512xf32, #tpu.memory_space<any>> -> memref<1x512x512xf32, #tpu.memory_space<any>>
    %dma_start3A_390 = tpu.memref_squeeze %dma_start3A_389 : memref<1x512x512xf32, #tpu.memory_space<any>> -> memref<512x512xf32, #tpu.memory_space<any>>
    %dma_start3A_391 = arith.constant 0 : i32
    %dma_start3A_392 = tpu.memref_slice %arg3[%dma_start3A_386, %multiple_of3A_385, %dma_start3A_391] : memref<2x1000x512xf32, #tpu.memory_space<vmem>> -> memref<1x512x512xf32, #tpu.memory_space<vmem>>
    %dma_start3A_393 = tpu.memref_squeeze %dma_start3A_392 : memref<1x512x512xf32, #tpu.memory_space<vmem>> -> memref<512x512xf32, #tpu.memory_space<vmem>>
    tpu.enqueue_dma source(%dma_start3A_393 : memref<512x512xf32, #tpu.memory_space<vmem>>) target(%dma_start3A_390 : memref<512x512xf32, #tpu.memory_space<any>>) target_semaphore(%arg4 : memref<!tpu.dma_semaphore, #tpu.memory_space<semaphore_mem>>)
    %mul3A_394 = arith.constant 2 : i32
    %mul3A_395 = arith.muli %arg0, %mul3A_394 : i32
    %add3A_396 = arith.constant 16 : i32
    %add3A_397 = arith.addi %add3A_396, %mul3A_395 : i32
    %add3A_398 = arith.constant 0 : i32
    %add3A_399 = arith.addi %add3A_397, %add3A_398 : i32
    %add3A_400 = arith.constant 176 : i32
    %add3A_401 = arith.addi %add3A_399, %add3A_400 : i32
    %multiple_of3A_402 = arith.constant 312 : i32
    %multiple_of3A_403 = tpu.assume_multiple %multiple_of3A_402, 8 : i32
    %dma_start3A_404 = arith.constant 0 : i32
    %dma_start3A_405 = arith.constant 0 : i32
    %dma_start3A_406 = arith.constant 0 : i32
    %dma_start3A_407 = tpu.memref_slice %arg2[%add3A_401, %dma_start3A_405, %dma_start3A_406] : memref<512x512x512xf32, #tpu.memory_space<any>> -> memref<1x512x512xf32, #tpu.memory_space<any>>
    %dma_start3A_408 = tpu.memref_squeeze %dma_start3A_407 : memref<1x512x512xf32, #tpu.memory_space<any>> -> memref<512x512xf32, #tpu.memory_space<any>>
    %dma_start3A_409 = arith.constant 0 : i32
    %dma_start3A_410 = tpu.memref_slice %arg3[%dma_start3A_404, %multiple_of3A_403, %dma_start3A_409] : memref<2x1000x512xf32, #tpu.memory_space<vmem>> -> memref<1x512x512xf32, #tpu.memory_space<vmem>>
    %dma_start3A_411 = tpu.memref_squeeze %dma_start3A_410 : memref<1x512x512xf32, #tpu.memory_space<vmem>> -> memref<512x512xf32, #tpu.memory_space<vmem>>
    tpu.enqueue_dma source(%dma_start3A_411 : memref<512x512xf32, #tpu.memory_space<vmem>>) target(%dma_start3A_408 : memref<512x512xf32, #tpu.memory_space<any>>) target_semaphore(%arg4 : memref<!tpu.dma_semaphore, #tpu.memory_space<semaphore_mem>>)
    %mul3A_412 = arith.constant 2 : i32
    %mul3A_413 = arith.muli %arg0, %mul3A_412 : i32
    %add3A_414 = arith.constant 16 : i32
    %add3A_415 = arith.addi %add3A_414, %mul3A_413 : i32
    %add3A_416 = arith.constant 0 : i32
    %add3A_417 = arith.addi %add3A_415, %add3A_416 : i32
    %add3A_418 = arith.constant 184 : i32
    %add3A_419 = arith.addi %add3A_417, %add3A_418 : i32
    %multiple_of3A_420 = arith.constant 304 : i32
    %multiple_of3A_421 = tpu.assume_multiple %multiple_of3A_420, 8 : i32
    %dma_start3A_422 = arith.constant 0 : i32
    %dma_start3A_423 = arith.constant 0 : i32
    %dma_start3A_424 = arith.constant 0 : i32
    %dma_start3A_425 = tpu.memref_slice %arg2[%add3A_419, %dma_start3A_423, %dma_start3A_424] : memref<512x512x512xf32, #tpu.memory_space<any>> -> memref<1x512x512xf32, #tpu.memory_space<any>>
    %dma_start3A_426 = tpu.memref_squeeze %dma_start3A_425 : memref<1x512x512xf32, #tpu.memory_space<any>> -> memref<512x512xf32, #tpu.memory_space<any>>
    %dma_start3A_427 = arith.constant 0 : i32
    %dma_start3A_428 = tpu.memref_slice %arg3[%dma_start3A_422, %multiple_of3A_421, %dma_start3A_427] : memref<2x1000x512xf32, #tpu.memory_space<vmem>> -> memref<1x512x512xf32, #tpu.memory_space<vmem>>
    %dma_start3A_429 = tpu.memref_squeeze %dma_start3A_428 : memref<1x512x512xf32, #tpu.memory_space<vmem>> -> memref<512x512xf32, #tpu.memory_space<vmem>>
    tpu.enqueue_dma source(%dma_start3A_429 : memref<512x512xf32, #tpu.memory_space<vmem>>) target(%dma_start3A_426 : memref<512x512xf32, #tpu.memory_space<any>>) target_semaphore(%arg4 : memref<!tpu.dma_semaphore, #tpu.memory_space<semaphore_mem>>)
    %mul3A_430 = arith.constant 2 : i32
    %mul3A_431 = arith.muli %arg0, %mul3A_430 : i32
    %add3A_432 = arith.constant 16 : i32
    %add3A_433 = arith.addi %add3A_432, %mul3A_431 : i32
    %add3A_434 = arith.constant 0 : i32
    %add3A_435 = arith.addi %add3A_433, %add3A_434 : i32
    %add3A_436 = arith.constant 192 : i32
    %add3A_437 = arith.addi %add3A_435, %add3A_436 : i32
    %multiple_of3A_438 = arith.constant 296 : i32
    %multiple_of3A_439 = tpu.assume_multiple %multiple_of3A_438, 8 : i32
    %dma_start3A_440 = arith.constant 0 : i32
    %dma_start3A_441 = arith.constant 0 : i32
    %dma_start3A_442 = arith.constant 0 : i32
    %dma_start3A_443 = tpu.memref_slice %arg2[%add3A_437, %dma_start3A_441, %dma_start3A_442] : memref<512x512x512xf32, #tpu.memory_space<any>> -> memref<1x512x512xf32, #tpu.memory_space<any>>
    %dma_start3A_444 = tpu.memref_squeeze %dma_start3A_443 : memref<1x512x512xf32, #tpu.memory_space<any>> -> memref<512x512xf32, #tpu.memory_space<any>>
    %dma_start3A_445 = arith.constant 0 : i32
    %dma_start3A_446 = tpu.memref_slice %arg3[%dma_start3A_440, %multiple_of3A_439, %dma_start3A_445] : memref<2x1000x512xf32, #tpu.memory_space<vmem>> -> memref<1x512x512xf32, #tpu.memory_space<vmem>>
    %dma_start3A_447 = tpu.memref_squeeze %dma_start3A_446 : memref<1x512x512xf32, #tpu.memory_space<vmem>> -> memref<512x512xf32, #tpu.memory_space<vmem>>
    tpu.enqueue_dma source(%dma_start3A_447 : memref<512x512xf32, #tpu.memory_space<vmem>>) target(%dma_start3A_444 : memref<512x512xf32, #tpu.memory_space<any>>) target_semaphore(%arg4 : memref<!tpu.dma_semaphore, #tpu.memory_space<semaphore_mem>>)
    %mul3A_448 = arith.constant 2 : i32
    %mul3A_449 = arith.muli %arg0, %mul3A_448 : i32
    %add3A_450 = arith.constant 16 : i32
    %add3A_451 = arith.addi %add3A_450, %mul3A_449 : i32
    %add3A_452 = arith.constant 0 : i32
    %add3A_453 = arith.addi %add3A_451, %add3A_452 : i32
    %add3A_454 = arith.constant 200 : i32
    %add3A_455 = arith.addi %add3A_453, %add3A_454 : i32
    %multiple_of3A_456 = arith.constant 288 : i32
    %multiple_of3A_457 = tpu.assume_multiple %multiple_of3A_456, 8 : i32
    %dma_start3A_458 = arith.constant 0 : i32
    %dma_start3A_459 = arith.constant 0 : i32
    %dma_start3A_460 = arith.constant 0 : i32
    %dma_start3A_461 = tpu.memref_slice %arg2[%add3A_455, %dma_start3A_459, %dma_start3A_460] : memref<512x512x512xf32, #tpu.memory_space<any>> -> memref<1x512x512xf32, #tpu.memory_space<any>>
    %dma_start3A_462 = tpu.memref_squeeze %dma_start3A_461 : memref<1x512x512xf32, #tpu.memory_space<any>> -> memref<512x512xf32, #tpu.memory_space<any>>
    %dma_start3A_463 = arith.constant 0 : i32
    %dma_start3A_464 = tpu.memref_slice %arg3[%dma_start3A_458, %multiple_of3A_457, %dma_start3A_463] : memref<2x1000x512xf32, #tpu.memory_space<vmem>> -> memref<1x512x512xf32, #tpu.memory_space<vmem>>
    %dma_start3A_465 = tpu.memref_squeeze %dma_start3A_464 : memref<1x512x512xf32, #tpu.memory_space<vmem>> -> memref<512x512xf32, #tpu.memory_space<vmem>>
    tpu.enqueue_dma source(%dma_start3A_465 : memref<512x512xf32, #tpu.memory_space<vmem>>) target(%dma_start3A_462 : memref<512x512xf32, #tpu.memory_space<any>>) target_semaphore(%arg4 : memref<!tpu.dma_semaphore, #tpu.memory_space<semaphore_mem>>)
    %mul3A_466 = arith.constant 2 : i32
    %mul3A_467 = arith.muli %arg0, %mul3A_466 : i32
    %add3A_468 = arith.constant 16 : i32
    %add3A_469 = arith.addi %add3A_468, %mul3A_467 : i32
    %add3A_470 = arith.constant 0 : i32
    %add3A_471 = arith.addi %add3A_469, %add3A_470 : i32
    %add3A_472 = arith.constant 208 : i32
    %add3A_473 = arith.addi %add3A_471, %add3A_472 : i32
    %multiple_of3A_474 = arith.constant 280 : i32
    %multiple_of3A_475 = tpu.assume_multiple %multiple_of3A_474, 8 : i32
    %dma_start3A_476 = arith.constant 0 : i32
    %dma_start3A_477 = arith.constant 0 : i32
    %dma_start3A_478 = arith.constant 0 : i32
    %dma_start3A_479 = tpu.memref_slice %arg2[%add3A_473, %dma_start3A_477, %dma_start3A_478] : memref<512x512x512xf32, #tpu.memory_space<any>> -> memref<1x512x512xf32, #tpu.memory_space<any>>
    %dma_start3A_480 = tpu.memref_squeeze %dma_start3A_479 : memref<1x512x512xf32, #tpu.memory_space<any>> -> memref<512x512xf32, #tpu.memory_space<any>>
    %dma_start3A_481 = arith.constant 0 : i32
    %dma_start3A_482 = tpu.memref_slice %arg3[%dma_start3A_476, %multiple_of3A_475, %dma_start3A_481] : memref<2x1000x512xf32, #tpu.memory_space<vmem>> -> memref<1x512x512xf32, #tpu.memory_space<vmem>>
    %dma_start3A_483 = tpu.memref_squeeze %dma_start3A_482 : memref<1x512x512xf32, #tpu.memory_space<vmem>> -> memref<512x512xf32, #tpu.memory_space<vmem>>
    tpu.enqueue_dma source(%dma_start3A_483 : memref<512x512xf32, #tpu.memory_space<vmem>>) target(%dma_start3A_480 : memref<512x512xf32, #tpu.memory_space<any>>) target_semaphore(%arg4 : memref<!tpu.dma_semaphore, #tpu.memory_space<semaphore_mem>>)
    %mul3A_484 = arith.constant 2 : i32
    %mul3A_485 = arith.muli %arg0, %mul3A_484 : i32
    %add3A_486 = arith.constant 16 : i32
    %add3A_487 = arith.addi %add3A_486, %mul3A_485 : i32
    %add3A_488 = arith.constant 0 : i32
    %add3A_489 = arith.addi %add3A_487, %add3A_488 : i32
    %add3A_490 = arith.constant 216 : i32
    %add3A_491 = arith.addi %add3A_489, %add3A_490 : i32
    %multiple_of3A_492 = arith.constant 272 : i32
    %multiple_of3A_493 = tpu.assume_multiple %multiple_of3A_492, 8 : i32
    %dma_start3A_494 = arith.constant 0 : i32
    %dma_start3A_495 = arith.constant 0 : i32
    %dma_start3A_496 = arith.constant 0 : i32
    %dma_start3A_497 = tpu.memref_slice %arg2[%add3A_491, %dma_start3A_495, %dma_start3A_496] : memref<512x512x512xf32, #tpu.memory_space<any>> -> memref<1x512x512xf32, #tpu.memory_space<any>>
    %dma_start3A_498 = tpu.memref_squeeze %dma_start3A_497 : memref<1x512x512xf32, #tpu.memory_space<any>> -> memref<512x512xf32, #tpu.memory_space<any>>
    %dma_start3A_499 = arith.constant 0 : i32
    %dma_start3A_500 = tpu.memref_slice %arg3[%dma_start3A_494, %multiple_of3A_493, %dma_start3A_499] : memref<2x1000x512xf32, #tpu.memory_space<vmem>> -> memref<1x512x512xf32, #tpu.memory_space<vmem>>
    %dma_start3A_501 = tpu.memref_squeeze %dma_start3A_500 : memref<1x512x512xf32, #tpu.memory_space<vmem>> -> memref<512x512xf32, #tpu.memory_space<vmem>>
    tpu.enqueue_dma source(%dma_start3A_501 : memref<512x512xf32, #tpu.memory_space<vmem>>) target(%dma_start3A_498 : memref<512x512xf32, #tpu.memory_space<any>>) target_semaphore(%arg4 : memref<!tpu.dma_semaphore, #tpu.memory_space<semaphore_mem>>)
    %mul3A_502 = arith.constant 2 : i32
    %mul3A_503 = arith.muli %arg0, %mul3A_502 : i32
    %add3A_504 = arith.constant 16 : i32
    %add3A_505 = arith.addi %add3A_504, %mul3A_503 : i32
    %add3A_506 = arith.constant 0 : i32
    %add3A_507 = arith.addi %add3A_505, %add3A_506 : i32
    %add3A_508 = arith.constant 224 : i32
    %add3A_509 = arith.addi %add3A_507, %add3A_508 : i32
    %multiple_of3A_510 = arith.constant 264 : i32
    %multiple_of3A_511 = tpu.assume_multiple %multiple_of3A_510, 8 : i32
    %dma_start3A_512 = arith.constant 0 : i32
    %dma_start3A_513 = arith.constant 0 : i32
    %dma_start3A_514 = arith.constant 0 : i32
    %dma_start3A_515 = tpu.memref_slice %arg2[%add3A_509, %dma_start3A_513, %dma_start3A_514] : memref<512x512x512xf32, #tpu.memory_space<any>> -> memref<1x512x512xf32, #tpu.memory_space<any>>
    %dma_start3A_516 = tpu.memref_squeeze %dma_start3A_515 : memref<1x512x512xf32, #tpu.memory_space<any>> -> memref<512x512xf32, #tpu.memory_space<any>>
    %dma_start3A_517 = arith.constant 0 : i32
    %dma_start3A_518 = tpu.memref_slice %arg3[%dma_start3A_512, %multiple_of3A_511, %dma_start3A_517] : memref<2x1000x512xf32, #tpu.memory_space<vmem>> -> memref<1x512x512xf32, #tpu.memory_space<vmem>>
    %dma_start3A_519 = tpu.memref_squeeze %dma_start3A_518 : memref<1x512x512xf32, #tpu.memory_space<vmem>> -> memref<512x512xf32, #tpu.memory_space<vmem>>
    tpu.enqueue_dma source(%dma_start3A_519 : memref<512x512xf32, #tpu.memory_space<vmem>>) target(%dma_start3A_516 : memref<512x512xf32, #tpu.memory_space<any>>) target_semaphore(%arg4 : memref<!tpu.dma_semaphore, #tpu.memory_space<semaphore_mem>>)
    %mul3A_520 = arith.constant 2 : i32
    %mul3A_521 = arith.muli %arg0, %mul3A_520 : i32
    %add3A_522 = arith.constant 16 : i32
    %add3A_523 = arith.addi %add3A_522, %mul3A_521 : i32
    %add3A_524 = arith.constant 0 : i32
    %add3A_525 = arith.addi %add3A_523, %add3A_524 : i32
    %add3A_526 = arith.constant 232 : i32
    %add3A_527 = arith.addi %add3A_525, %add3A_526 : i32
    %multiple_of3A_528 = arith.constant 256 : i32
    %multiple_of3A_529 = tpu.assume_multiple %multiple_of3A_528, 8 : i32
    %dma_start3A_530 = arith.constant 0 : i32
    %dma_start3A_531 = arith.constant 0 : i32
    %dma_start3A_532 = arith.constant 0 : i32
    %dma_start3A_533 = tpu.memref_slice %arg2[%add3A_527, %dma_start3A_531, %dma_start3A_532] : memref<512x512x512xf32, #tpu.memory_space<any>> -> memref<1x512x512xf32, #tpu.memory_space<any>>
    %dma_start3A_534 = tpu.memref_squeeze %dma_start3A_533 : memref<1x512x512xf32, #tpu.memory_space<any>> -> memref<512x512xf32, #tpu.memory_space<any>>
    %dma_start3A_535 = arith.constant 0 : i32
    %dma_start3A_536 = tpu.memref_slice %arg3[%dma_start3A_530, %multiple_of3A_529, %dma_start3A_535] : memref<2x1000x512xf32, #tpu.memory_space<vmem>> -> memref<1x512x512xf32, #tpu.memory_space<vmem>>
    %dma_start3A_537 = tpu.memref_squeeze %dma_start3A_536 : memref<1x512x512xf32, #tpu.memory_space<vmem>> -> memref<512x512xf32, #tpu.memory_space<vmem>>
    tpu.enqueue_dma source(%dma_start3A_537 : memref<512x512xf32, #tpu.memory_space<vmem>>) target(%dma_start3A_534 : memref<512x512xf32, #tpu.memory_space<any>>) target_semaphore(%arg4 : memref<!tpu.dma_semaphore, #tpu.memory_space<semaphore_mem>>)
    %mul3A_538 = arith.constant 2 : i32
    %mul3A_539 = arith.muli %arg0, %mul3A_538 : i32
    %add3A_540 = arith.constant 16 : i32
    %add3A_541 = arith.addi %add3A_540, %mul3A_539 : i32
    %add3A_542 = arith.constant 0 : i32
    %add3A_543 = arith.addi %add3A_541, %add3A_542 : i32
    %add3A_544 = arith.constant 240 : i32
    %add3A_545 = arith.addi %add3A_543, %add3A_544 : i32
    %multiple_of3A_546 = arith.constant 248 : i32
    %multiple_of3A_547 = tpu.assume_multiple %multiple_of3A_546, 8 : i32
    %dma_start3A_548 = arith.constant 0 : i32
    %dma_start3A_549 = arith.constant 0 : i32
    %dma_start3A_550 = arith.constant 0 : i32
    %dma_start3A_551 = tpu.memref_slice %arg2[%add3A_545, %dma_start3A_549, %dma_start3A_550] : memref<512x512x512xf32, #tpu.memory_space<any>> -> memref<1x512x512xf32, #tpu.memory_space<any>>
    %dma_start3A_552 = tpu.memref_squeeze %dma_start3A_551 : memref<1x512x512xf32, #tpu.memory_space<any>> -> memref<512x512xf32, #tpu.memory_space<any>>
    %dma_start3A_553 = arith.constant 0 : i32
    %dma_start3A_554 = tpu.memref_slice %arg3[%dma_start3A_548, %multiple_of3A_547, %dma_start3A_553] : memref<2x1000x512xf32, #tpu.memory_space<vmem>> -> memref<1x512x512xf32, #tpu.memory_space<vmem>>
    %dma_start3A_555 = tpu.memref_squeeze %dma_start3A_554 : memref<1x512x512xf32, #tpu.memory_space<vmem>> -> memref<512x512xf32, #tpu.memory_space<vmem>>
    tpu.enqueue_dma source(%dma_start3A_555 : memref<512x512xf32, #tpu.memory_space<vmem>>) target(%dma_start3A_552 : memref<512x512xf32, #tpu.memory_space<any>>) target_semaphore(%arg4 : memref<!tpu.dma_semaphore, #tpu.memory_space<semaphore_mem>>)
    %mul3A_556 = arith.constant 2 : i32
    %mul3A_557 = arith.muli %arg0, %mul3A_556 : i32
    %add3A_558 = arith.constant 16 : i32
    %add3A_559 = arith.addi %add3A_558, %mul3A_557 : i32
    %add3A_560 = arith.constant 0 : i32
    %add3A_561 = arith.addi %add3A_559, %add3A_560 : i32
    %add3A_562 = arith.constant 248 : i32
    %add3A_563 = arith.addi %add3A_561, %add3A_562 : i32
    %multiple_of3A_564 = arith.constant 240 : i32
    %multiple_of3A_565 = tpu.assume_multiple %multiple_of3A_564, 8 : i32
    %dma_start3A_566 = arith.constant 0 : i32
    %dma_start3A_567 = arith.constant 0 : i32
    %dma_start3A_568 = arith.constant 0 : i32
    %dma_start3A_569 = tpu.memref_slice %arg2[%add3A_563, %dma_start3A_567, %dma_start3A_568] : memref<512x512x512xf32, #tpu.memory_space<any>> -> memref<1x512x512xf32, #tpu.memory_space<any>>
    %dma_start3A_570 = tpu.memref_squeeze %dma_start3A_569 : memref<1x512x512xf32, #tpu.memory_space<any>> -> memref<512x512xf32, #tpu.memory_space<any>>
    %dma_start3A_571 = arith.constant 0 : i32
    %dma_start3A_572 = tpu.memref_slice %arg3[%dma_start3A_566, %multiple_of3A_565, %dma_start3A_571] : memref<2x1000x512xf32, #tpu.memory_space<vmem>> -> memref<1x512x512xf32, #tpu.memory_space<vmem>>
    %dma_start3A_573 = tpu.memref_squeeze %dma_start3A_572 : memref<1x512x512xf32, #tpu.memory_space<vmem>> -> memref<512x512xf32, #tpu.memory_space<vmem>>
    tpu.enqueue_dma source(%dma_start3A_573 : memref<512x512xf32, #tpu.memory_space<vmem>>) target(%dma_start3A_570 : memref<512x512xf32, #tpu.memory_space<any>>) target_semaphore(%arg4 : memref<!tpu.dma_semaphore, #tpu.memory_space<semaphore_mem>>)
    %mul3A_574 = arith.constant 2 : i32
    %mul3A_575 = arith.muli %arg0, %mul3A_574 : i32
    %add3A_576 = arith.constant 16 : i32
    %add3A_577 = arith.addi %add3A_576, %mul3A_575 : i32
    %add3A_578 = arith.constant 0 : i32
    %add3A_579 = arith.addi %add3A_577, %add3A_578 : i32
    %add3A_580 = arith.constant 256 : i32
    %add3A_581 = arith.addi %add3A_579, %add3A_580 : i32
    %multiple_of3A_582 = arith.constant 232 : i32
    %multiple_of3A_583 = tpu.assume_multiple %multiple_of3A_582, 8 : i32
    %dma_start3A_584 = arith.constant 0 : i32
    %dma_start3A_585 = arith.constant 0 : i32
    %dma_start3A_586 = arith.constant 0 : i32
    %dma_start3A_587 = tpu.memref_slice %arg2[%add3A_581, %dma_start3A_585, %dma_start3A_586] : memref<512x512x512xf32, #tpu.memory_space<any>> -> memref<1x512x512xf32, #tpu.memory_space<any>>
    %dma_start3A_588 = tpu.memref_squeeze %dma_start3A_587 : memref<1x512x512xf32, #tpu.memory_space<any>> -> memref<512x512xf32, #tpu.memory_space<any>>
    %dma_start3A_589 = arith.constant 0 : i32
    %dma_start3A_590 = tpu.memref_slice %arg3[%dma_start3A_584, %multiple_of3A_583, %dma_start3A_589] : memref<2x1000x512xf32, #tpu.memory_space<vmem>> -> memref<1x512x512xf32, #tpu.memory_space<vmem>>
    %dma_start3A_591 = tpu.memref_squeeze %dma_start3A_590 : memref<1x512x512xf32, #tpu.memory_space<vmem>> -> memref<512x512xf32, #tpu.memory_space<vmem>>
    tpu.enqueue_dma source(%dma_start3A_591 : memref<512x512xf32, #tpu.memory_space<vmem>>) target(%dma_start3A_588 : memref<512x512xf32, #tpu.memory_space<any>>) target_semaphore(%arg4 : memref<!tpu.dma_semaphore, #tpu.memory_space<semaphore_mem>>)
    %mul3A_592 = arith.constant 2 : i32
    %mul3A_593 = arith.muli %arg0, %mul3A_592 : i32
    %add3A_594 = arith.constant 16 : i32
    %add3A_595 = arith.addi %add3A_594, %mul3A_593 : i32
    %add3A_596 = arith.constant 0 : i32
    %add3A_597 = arith.addi %add3A_595, %add3A_596 : i32
    %add3A_598 = arith.constant 264 : i32
    %add3A_599 = arith.addi %add3A_597, %add3A_598 : i32
    %multiple_of3A_600 = arith.constant 224 : i32
    %multiple_of3A_601 = tpu.assume_multiple %multiple_of3A_600, 8 : i32
    %dma_start3A_602 = arith.constant 0 : i32
    %dma_start3A_603 = arith.constant 0 : i32
    %dma_start3A_604 = arith.constant 0 : i32
    %dma_start3A_605 = tpu.memref_slice %arg2[%add3A_599, %dma_start3A_603, %dma_start3A_604] : memref<512x512x512xf32, #tpu.memory_space<any>> -> memref<1x512x512xf32, #tpu.memory_space<any>>
    %dma_start3A_606 = tpu.memref_squeeze %dma_start3A_605 : memref<1x512x512xf32, #tpu.memory_space<any>> -> memref<512x512xf32, #tpu.memory_space<any>>
    %dma_start3A_607 = arith.constant 0 : i32
    %dma_start3A_608 = tpu.memref_slice %arg3[%dma_start3A_602, %multiple_of3A_601, %dma_start3A_607] : memref<2x1000x512xf32, #tpu.memory_space<vmem>> -> memref<1x512x512xf32, #tpu.memory_space<vmem>>
    %dma_start3A_609 = tpu.memref_squeeze %dma_start3A_608 : memref<1x512x512xf32, #tpu.memory_space<vmem>> -> memref<512x512xf32, #tpu.memory_space<vmem>>
    tpu.enqueue_dma source(%dma_start3A_609 : memref<512x512xf32, #tpu.memory_space<vmem>>) target(%dma_start3A_606 : memref<512x512xf32, #tpu.memory_space<any>>) target_semaphore(%arg4 : memref<!tpu.dma_semaphore, #tpu.memory_space<semaphore_mem>>)
    %mul3A_610 = arith.constant 2 : i32
    %mul3A_611 = arith.muli %arg0, %mul3A_610 : i32
    %add3A_612 = arith.constant 16 : i32
    %add3A_613 = arith.addi %add3A_612, %mul3A_611 : i32
    %add3A_614 = arith.constant 0 : i32
    %add3A_615 = arith.addi %add3A_613, %add3A_614 : i32
    %add3A_616 = arith.constant 272 : i32
    %add3A_617 = arith.addi %add3A_615, %add3A_616 : i32
    %multiple_of3A_618 = arith.constant 216 : i32
    %multiple_of3A_619 = tpu.assume_multiple %multiple_of3A_618, 8 : i32
    %dma_start3A_620 = arith.constant 0 : i32
    %dma_start3A_621 = arith.constant 0 : i32
    %dma_start3A_622 = arith.constant 0 : i32
    %dma_start3A_623 = tpu.memref_slice %arg2[%add3A_617, %dma_start3A_621, %dma_start3A_622] : memref<512x512x512xf32, #tpu.memory_space<any>> -> memref<1x512x512xf32, #tpu.memory_space<any>>
    %dma_start3A_624 = tpu.memref_squeeze %dma_start3A_623 : memref<1x512x512xf32, #tpu.memory_space<any>> -> memref<512x512xf32, #tpu.memory_space<any>>
    %dma_start3A_625 = arith.constant 0 : i32
    %dma_start3A_626 = tpu.memref_slice %arg3[%dma_start3A_620, %multiple_of3A_619, %dma_start3A_625] : memref<2x1000x512xf32, #tpu.memory_space<vmem>> -> memref<1x512x512xf32, #tpu.memory_space<vmem>>
    %dma_start3A_627 = tpu.memref_squeeze %dma_start3A_626 : memref<1x512x512xf32, #tpu.memory_space<vmem>> -> memref<512x512xf32, #tpu.memory_space<vmem>>
    tpu.enqueue_dma source(%dma_start3A_627 : memref<512x512xf32, #tpu.memory_space<vmem>>) target(%dma_start3A_624 : memref<512x512xf32, #tpu.memory_space<any>>) target_semaphore(%arg4 : memref<!tpu.dma_semaphore, #tpu.memory_space<semaphore_mem>>)
    %mul3A_628 = arith.constant 2 : i32
    %mul3A_629 = arith.muli %arg0, %mul3A_628 : i32
    %add3A_630 = arith.constant 16 : i32
    %add3A_631 = arith.addi %add3A_630, %mul3A_629 : i32
    %add3A_632 = arith.constant 0 : i32
    %add3A_633 = arith.addi %add3A_631, %add3A_632 : i32
    %add3A_634 = arith.constant 280 : i32
    %add3A_635 = arith.addi %add3A_633, %add3A_634 : i32
    %multiple_of3A_636 = arith.constant 208 : i32
    %multiple_of3A_637 = tpu.assume_multiple %multiple_of3A_636, 8 : i32
    %dma_start3A_638 = arith.constant 0 : i32
    %dma_start3A_639 = arith.constant 0 : i32
    %dma_start3A_640 = arith.constant 0 : i32
    %dma_start3A_641 = tpu.memref_slice %arg2[%add3A_635, %dma_start3A_639, %dma_start3A_640] : memref<512x512x512xf32, #tpu.memory_space<any>> -> memref<1x512x512xf32, #tpu.memory_space<any>>
    %dma_start3A_642 = tpu.memref_squeeze %dma_start3A_641 : memref<1x512x512xf32, #tpu.memory_space<any>> -> memref<512x512xf32, #tpu.memory_space<any>>
    %dma_start3A_643 = arith.constant 0 : i32
    %dma_start3A_644 = tpu.memref_slice %arg3[%dma_start3A_638, %multiple_of3A_637, %dma_start3A_643] : memref<2x1000x512xf32, #tpu.memory_space<vmem>> -> memref<1x512x512xf32, #tpu.memory_space<vmem>>
    %dma_start3A_645 = tpu.memref_squeeze %dma_start3A_644 : memref<1x512x512xf32, #tpu.memory_space<vmem>> -> memref<512x512xf32, #tpu.memory_space<vmem>>
    tpu.enqueue_dma source(%dma_start3A_645 : memref<512x512xf32, #tpu.memory_space<vmem>>) target(%dma_start3A_642 : memref<512x512xf32, #tpu.memory_space<any>>) target_semaphore(%arg4 : memref<!tpu.dma_semaphore, #tpu.memory_space<semaphore_mem>>)
    %mul3A_646 = arith.constant 2 : i32
    %mul3A_647 = arith.muli %arg0, %mul3A_646 : i32
    %add3A_648 = arith.constant 16 : i32
    %add3A_649 = arith.addi %add3A_648, %mul3A_647 : i32
    %add3A_650 = arith.constant 0 : i32
    %add3A_651 = arith.addi %add3A_649, %add3A_650 : i32
    %add3A_652 = arith.constant 288 : i32
    %add3A_653 = arith.addi %add3A_651, %add3A_652 : i32
    %multiple_of3A_654 = arith.constant 200 : i32
    %multiple_of3A_655 = tpu.assume_multiple %multiple_of3A_654, 8 : i32
    %dma_start3A_656 = arith.constant 0 : i32
    %dma_start3A_657 = arith.constant 0 : i32
    %dma_start3A_658 = arith.constant 0 : i32
    %dma_start3A_659 = tpu.memref_slice %arg2[%add3A_653, %dma_start3A_657, %dma_start3A_658] : memref<512x512x512xf32, #tpu.memory_space<any>> -> memref<1x512x512xf32, #tpu.memory_space<any>>
    %dma_start3A_660 = tpu.memref_squeeze %dma_start3A_659 : memref<1x512x512xf32, #tpu.memory_space<any>> -> memref<512x512xf32, #tpu.memory_space<any>>
    %dma_start3A_661 = arith.constant 0 : i32
    %dma_start3A_662 = tpu.memref_slice %arg3[%dma_start3A_656, %multiple_of3A_655, %dma_start3A_661] : memref<2x1000x512xf32, #tpu.memory_space<vmem>> -> memref<1x512x512xf32, #tpu.memory_space<vmem>>
    %dma_start3A_663 = tpu.memref_squeeze %dma_start3A_662 : memref<1x512x512xf32, #tpu.memory_space<vmem>> -> memref<512x512xf32, #tpu.memory_space<vmem>>
    tpu.enqueue_dma source(%dma_start3A_663 : memref<512x512xf32, #tpu.memory_space<vmem>>) target(%dma_start3A_660 : memref<512x512xf32, #tpu.memory_space<any>>) target_semaphore(%arg4 : memref<!tpu.dma_semaphore, #tpu.memory_space<semaphore_mem>>)
    %mul3A_664 = arith.constant 2 : i32
    %mul3A_665 = arith.muli %arg0, %mul3A_664 : i32
    %add3A_666 = arith.constant 16 : i32
    %add3A_667 = arith.addi %add3A_666, %mul3A_665 : i32
    %add3A_668 = arith.constant 0 : i32
    %add3A_669 = arith.addi %add3A_667, %add3A_668 : i32
    %add3A_670 = arith.constant 296 : i32
    %add3A_671 = arith.addi %add3A_669, %add3A_670 : i32
    %multiple_of3A_672 = arith.constant 192 : i32
    %multiple_of3A_673 = tpu.assume_multiple %multiple_of3A_672, 8 : i32
    %dma_start3A_674 = arith.constant 0 : i32
    %dma_start3A_675 = arith.constant 0 : i32
    %dma_start3A_676 = arith.constant 0 : i32
    %dma_start3A_677 = tpu.memref_slice %arg2[%add3A_671, %dma_start3A_675, %dma_start3A_676] : memref<512x512x512xf32, #tpu.memory_space<any>> -> memref<1x512x512xf32, #tpu.memory_space<any>>
    %dma_start3A_678 = tpu.memref_squeeze %dma_start3A_677 : memref<1x512x512xf32, #tpu.memory_space<any>> -> memref<512x512xf32, #tpu.memory_space<any>>
    %dma_start3A_679 = arith.constant 0 : i32
    %dma_start3A_680 = tpu.memref_slice %arg3[%dma_start3A_674, %multiple_of3A_673, %dma_start3A_679] : memref<2x1000x512xf32, #tpu.memory_space<vmem>> -> memref<1x512x512xf32, #tpu.memory_space<vmem>>
    %dma_start3A_681 = tpu.memref_squeeze %dma_start3A_680 : memref<1x512x512xf32, #tpu.memory_space<vmem>> -> memref<512x512xf32, #tpu.memory_space<vmem>>
    tpu.enqueue_dma source(%dma_start3A_681 : memref<512x512xf32, #tpu.memory_space<vmem>>) target(%dma_start3A_678 : memref<512x512xf32, #tpu.memory_space<any>>) target_semaphore(%arg4 : memref<!tpu.dma_semaphore, #tpu.memory_space<semaphore_mem>>)
    %mul3A_682 = arith.constant 2 : i32
    %mul3A_683 = arith.muli %arg0, %mul3A_682 : i32
    %add3A_684 = arith.constant 16 : i32
    %add3A_685 = arith.addi %add3A_684, %mul3A_683 : i32
    %add3A_686 = arith.constant 0 : i32
    %add3A_687 = arith.addi %add3A_685, %add3A_686 : i32
    %add3A_688 = arith.constant 304 : i32
    %add3A_689 = arith.addi %add3A_687, %add3A_688 : i32
    %multiple_of3A_690 = arith.constant 184 : i32
    %multiple_of3A_691 = tpu.assume_multiple %multiple_of3A_690, 8 : i32
    %dma_start3A_692 = arith.constant 0 : i32
    %dma_start3A_693 = arith.constant 0 : i32
    %dma_start3A_694 = arith.constant 0 : i32
    %dma_start3A_695 = tpu.memref_slice %arg2[%add3A_689, %dma_start3A_693, %dma_start3A_694] : memref<512x512x512xf32, #tpu.memory_space<any>> -> memref<1x512x512xf32, #tpu.memory_space<any>>
    %dma_start3A_696 = tpu.memref_squeeze %dma_start3A_695 : memref<1x512x512xf32, #tpu.memory_space<any>> -> memref<512x512xf32, #tpu.memory_space<any>>
    %dma_start3A_697 = arith.constant 0 : i32
    %dma_start3A_698 = tpu.memref_slice %arg3[%dma_start3A_692, %multiple_of3A_691, %dma_start3A_697] : memref<2x1000x512xf32, #tpu.memory_space<vmem>> -> memref<1x512x512xf32, #tpu.memory_space<vmem>>
    %dma_start3A_699 = tpu.memref_squeeze %dma_start3A_698 : memref<1x512x512xf32, #tpu.memory_space<vmem>> -> memref<512x512xf32, #tpu.memory_space<vmem>>
    tpu.enqueue_dma source(%dma_start3A_699 : memref<512x512xf32, #tpu.memory_space<vmem>>) target(%dma_start3A_696 : memref<512x512xf32, #tpu.memory_space<any>>) target_semaphore(%arg4 : memref<!tpu.dma_semaphore, #tpu.memory_space<semaphore_mem>>)
    %mul3A_700 = arith.constant 2 : i32
    %mul3A_701 = arith.muli %arg0, %mul3A_700 : i32
    %add3A_702 = arith.constant 16 : i32
    %add3A_703 = arith.addi %add3A_702, %mul3A_701 : i32
    %add3A_704 = arith.constant 0 : i32
    %add3A_705 = arith.addi %add3A_703, %add3A_704 : i32
    %add3A_706 = arith.constant 312 : i32
    %add3A_707 = arith.addi %add3A_705, %add3A_706 : i32
    %multiple_of3A_708 = arith.constant 176 : i32
    %multiple_of3A_709 = tpu.assume_multiple %multiple_of3A_708, 8 : i32
    %dma_start3A_710 = arith.constant 0 : i32
    %dma_start3A_711 = arith.constant 0 : i32
    %dma_start3A_712 = arith.constant 0 : i32
    %dma_start3A_713 = tpu.memref_slice %arg2[%add3A_707, %dma_start3A_711, %dma_start3A_712] : memref<512x512x512xf32, #tpu.memory_space<any>> -> memref<1x512x512xf32, #tpu.memory_space<any>>
    %dma_start3A_714 = tpu.memref_squeeze %dma_start3A_713 : memref<1x512x512xf32, #tpu.memory_space<any>> -> memref<512x512xf32, #tpu.memory_space<any>>
    %dma_start3A_715 = arith.constant 0 : i32
    %dma_start3A_716 = tpu.memref_slice %arg3[%dma_start3A_710, %multiple_of3A_709, %dma_start3A_715] : memref<2x1000x512xf32, #tpu.memory_space<vmem>> -> memref<1x512x512xf32, #tpu.memory_space<vmem>>
    %dma_start3A_717 = tpu.memref_squeeze %dma_start3A_716 : memref<1x512x512xf32, #tpu.memory_space<vmem>> -> memref<512x512xf32, #tpu.memory_space<vmem>>
    tpu.enqueue_dma source(%dma_start3A_717 : memref<512x512xf32, #tpu.memory_space<vmem>>) target(%dma_start3A_714 : memref<512x512xf32, #tpu.memory_space<any>>) target_semaphore(%arg4 : memref<!tpu.dma_semaphore, #tpu.memory_space<semaphore_mem>>)
    %mul3A_718 = arith.constant 2 : i32
    %mul3A_719 = arith.muli %arg0, %mul3A_718 : i32
    %add3A_720 = arith.constant 16 : i32
    %add3A_721 = arith.addi %add3A_720, %mul3A_719 : i32
    %add3A_722 = arith.constant 0 : i32
    %add3A_723 = arith.addi %add3A_721, %add3A_722 : i32
    %add3A_724 = arith.constant 320 : i32
    %add3A_725 = arith.addi %add3A_723, %add3A_724 : i32
    %multiple_of3A_726 = arith.constant 168 : i32
    %multiple_of3A_727 = tpu.assume_multiple %multiple_of3A_726, 8 : i32
    %dma_start3A_728 = arith.constant 0 : i32
    %dma_start3A_729 = arith.constant 0 : i32
    %dma_start3A_730 = arith.constant 0 : i32
    %dma_start3A_731 = tpu.memref_slice %arg2[%add3A_725, %dma_start3A_729, %dma_start3A_730] : memref<512x512x512xf32, #tpu.memory_space<any>> -> memref<1x512x512xf32, #tpu.memory_space<any>>
    %dma_start3A_732 = tpu.memref_squeeze %dma_start3A_731 : memref<1x512x512xf32, #tpu.memory_space<any>> -> memref<512x512xf32, #tpu.memory_space<any>>
    %dma_start3A_733 = arith.constant 0 : i32
    %dma_start3A_734 = tpu.memref_slice %arg3[%dma_start3A_728, %multiple_of3A_727, %dma_start3A_733] : memref<2x1000x512xf32, #tpu.memory_space<vmem>> -> memref<1x512x512xf32, #tpu.memory_space<vmem>>
    %dma_start3A_735 = tpu.memref_squeeze %dma_start3A_734 : memref<1x512x512xf32, #tpu.memory_space<vmem>> -> memref<512x512xf32, #tpu.memory_space<vmem>>
    tpu.enqueue_dma source(%dma_start3A_735 : memref<512x512xf32, #tpu.memory_space<vmem>>) target(%dma_start3A_732 : memref<512x512xf32, #tpu.memory_space<any>>) target_semaphore(%arg4 : memref<!tpu.dma_semaphore, #tpu.memory_space<semaphore_mem>>)
    %mul3A_736 = arith.constant 2 : i32
    %mul3A_737 = arith.muli %arg0, %mul3A_736 : i32
    %add3A_738 = arith.constant 16 : i32
    %add3A_739 = arith.addi %add3A_738, %mul3A_737 : i32
    %add3A_740 = arith.constant 0 : i32
    %add3A_741 = arith.addi %add3A_739, %add3A_740 : i32
    %add3A_742 = arith.constant 328 : i32
    %add3A_743 = arith.addi %add3A_741, %add3A_742 : i32
    %multiple_of3A_744 = arith.constant 160 : i32
    %multiple_of3A_745 = tpu.assume_multiple %multiple_of3A_744, 8 : i32
    %dma_start3A_746 = arith.constant 0 : i32
    %dma_start3A_747 = arith.constant 0 : i32
    %dma_start3A_748 = arith.constant 0 : i32
    %dma_start3A_749 = tpu.memref_slice %arg2[%add3A_743, %dma_start3A_747, %dma_start3A_748] : memref<512x512x512xf32, #tpu.memory_space<any>> -> memref<1x512x512xf32, #tpu.memory_space<any>>
    %dma_start3A_750 = tpu.memref_squeeze %dma_start3A_749 : memref<1x512x512xf32, #tpu.memory_space<any>> -> memref<512x512xf32, #tpu.memory_space<any>>
    %dma_start3A_751 = arith.constant 0 : i32
    %dma_start3A_752 = tpu.memref_slice %arg3[%dma_start3A_746, %multiple_of3A_745, %dma_start3A_751] : memref<2x1000x512xf32, #tpu.memory_space<vmem>> -> memref<1x512x512xf32, #tpu.memory_space<vmem>>
    %dma_start3A_753 = tpu.memref_squeeze %dma_start3A_752 : memref<1x512x512xf32, #tpu.memory_space<vmem>> -> memref<512x512xf32, #tpu.memory_space<vmem>>
    tpu.enqueue_dma source(%dma_start3A_753 : memref<512x512xf32, #tpu.memory_space<vmem>>) target(%dma_start3A_750 : memref<512x512xf32, #tpu.memory_space<any>>) target_semaphore(%arg4 : memref<!tpu.dma_semaphore, #tpu.memory_space<semaphore_mem>>)
    %mul3A_754 = arith.constant 2 : i32
    %mul3A_755 = arith.muli %arg0, %mul3A_754 : i32
    %add3A_756 = arith.constant 16 : i32
    %add3A_757 = arith.addi %add3A_756, %mul3A_755 : i32
    %add3A_758 = arith.constant 0 : i32
    %add3A_759 = arith.addi %add3A_757, %add3A_758 : i32
    %add3A_760 = arith.constant 336 : i32
    %add3A_761 = arith.addi %add3A_759, %add3A_760 : i32
    %multiple_of3A_762 = arith.constant 152 : i32
    %multiple_of3A_763 = tpu.assume_multiple %multiple_of3A_762, 8 : i32
    %dma_start3A_764 = arith.constant 0 : i32
    %dma_start3A_765 = arith.constant 0 : i32
    %dma_start3A_766 = arith.constant 0 : i32
    %dma_start3A_767 = tpu.memref_slice %arg2[%add3A_761, %dma_start3A_765, %dma_start3A_766] : memref<512x512x512xf32, #tpu.memory_space<any>> -> memref<1x512x512xf32, #tpu.memory_space<any>>
    %dma_start3A_768 = tpu.memref_squeeze %dma_start3A_767 : memref<1x512x512xf32, #tpu.memory_space<any>> -> memref<512x512xf32, #tpu.memory_space<any>>
    %dma_start3A_769 = arith.constant 0 : i32
    %dma_start3A_770 = tpu.memref_slice %arg3[%dma_start3A_764, %multiple_of3A_763, %dma_start3A_769] : memref<2x1000x512xf32, #tpu.memory_space<vmem>> -> memref<1x512x512xf32, #tpu.memory_space<vmem>>
    %dma_start3A_771 = tpu.memref_squeeze %dma_start3A_770 : memref<1x512x512xf32, #tpu.memory_space<vmem>> -> memref<512x512xf32, #tpu.memory_space<vmem>>
    tpu.enqueue_dma source(%dma_start3A_771 : memref<512x512xf32, #tpu.memory_space<vmem>>) target(%dma_start3A_768 : memref<512x512xf32, #tpu.memory_space<any>>) target_semaphore(%arg4 : memref<!tpu.dma_semaphore, #tpu.memory_space<semaphore_mem>>)
    %mul3A_772 = arith.constant 2 : i32
    %mul3A_773 = arith.muli %arg0, %mul3A_772 : i32
    %add3A_774 = arith.constant 16 : i32
    %add3A_775 = arith.addi %add3A_774, %mul3A_773 : i32
    %add3A_776 = arith.constant 0 : i32
    %add3A_777 = arith.addi %add3A_775, %add3A_776 : i32
    %add3A_778 = arith.constant 344 : i32
    %add3A_779 = arith.addi %add3A_777, %add3A_778 : i32
    %multiple_of3A_780 = arith.constant 144 : i32
    %multiple_of3A_781 = tpu.assume_multiple %multiple_of3A_780, 8 : i32
    %dma_start3A_782 = arith.constant 0 : i32
    %dma_start3A_783 = arith.constant 0 : i32
    %dma_start3A_784 = arith.constant 0 : i32
    %dma_start3A_785 = tpu.memref_slice %arg2[%add3A_779, %dma_start3A_783, %dma_start3A_784] : memref<512x512x512xf32, #tpu.memory_space<any>> -> memref<1x512x512xf32, #tpu.memory_space<any>>
    %dma_start3A_786 = tpu.memref_squeeze %dma_start3A_785 : memref<1x512x512xf32, #tpu.memory_space<any>> -> memref<512x512xf32, #tpu.memory_space<any>>
    %dma_start3A_787 = arith.constant 0 : i32
    %dma_start3A_788 = tpu.memref_slice %arg3[%dma_start3A_782, %multiple_of3A_781, %dma_start3A_787] : memref<2x1000x512xf32, #tpu.memory_space<vmem>> -> memref<1x512x512xf32, #tpu.memory_space<vmem>>
    %dma_start3A_789 = tpu.memref_squeeze %dma_start3A_788 : memref<1x512x512xf32, #tpu.memory_space<vmem>> -> memref<512x512xf32, #tpu.memory_space<vmem>>
    tpu.enqueue_dma source(%dma_start3A_789 : memref<512x512xf32, #tpu.memory_space<vmem>>) target(%dma_start3A_786 : memref<512x512xf32, #tpu.memory_space<any>>) target_semaphore(%arg4 : memref<!tpu.dma_semaphore, #tpu.memory_space<semaphore_mem>>)
    %mul3A_790 = arith.constant 2 : i32
    %mul3A_791 = arith.muli %arg0, %mul3A_790 : i32
    %add3A_792 = arith.constant 16 : i32
    %add3A_793 = arith.addi %add3A_792, %mul3A_791 : i32
    %add3A_794 = arith.constant 0 : i32
    %add3A_795 = arith.addi %add3A_793, %add3A_794 : i32
    %add3A_796 = arith.constant 352 : i32
    %add3A_797 = arith.addi %add3A_795, %add3A_796 : i32
    %multiple_of3A_798 = arith.constant 136 : i32
    %multiple_of3A_799 = tpu.assume_multiple %multiple_of3A_798, 8 : i32
    %dma_start3A_800 = arith.constant 0 : i32
    %dma_start3A_801 = arith.constant 0 : i32
    %dma_start3A_802 = arith.constant 0 : i32
    %dma_start3A_803 = tpu.memref_slice %arg2[%add3A_797, %dma_start3A_801, %dma_start3A_802] : memref<512x512x512xf32, #tpu.memory_space<any>> -> memref<1x512x512xf32, #tpu.memory_space<any>>
    %dma_start3A_804 = tpu.memref_squeeze %dma_start3A_803 : memref<1x512x512xf32, #tpu.memory_space<any>> -> memref<512x512xf32, #tpu.memory_space<any>>
    %dma_start3A_805 = arith.constant 0 : i32
    %dma_start3A_806 = tpu.memref_slice %arg3[%dma_start3A_800, %multiple_of3A_799, %dma_start3A_805] : memref<2x1000x512xf32, #tpu.memory_space<vmem>> -> memref<1x512x512xf32, #tpu.memory_space<vmem>>
    %dma_start3A_807 = tpu.memref_squeeze %dma_start3A_806 : memref<1x512x512xf32, #tpu.memory_space<vmem>> -> memref<512x512xf32, #tpu.memory_space<vmem>>
    tpu.enqueue_dma source(%dma_start3A_807 : memref<512x512xf32, #tpu.memory_space<vmem>>) target(%dma_start3A_804 : memref<512x512xf32, #tpu.memory_space<any>>) target_semaphore(%arg4 : memref<!tpu.dma_semaphore, #tpu.memory_space<semaphore_mem>>)
    %mul3A_808 = arith.constant 2 : i32
    %mul3A_809 = arith.muli %arg0, %mul3A_808 : i32
    %add3A_810 = arith.constant 16 : i32
    %add3A_811 = arith.addi %add3A_810, %mul3A_809 : i32
    %add3A_812 = arith.constant 0 : i32
    %add3A_813 = arith.addi %add3A_811, %add3A_812 : i32
    %add3A_814 = arith.constant 360 : i32
    %add3A_815 = arith.addi %add3A_813, %add3A_814 : i32
    %multiple_of3A_816 = arith.constant 128 : i32
    %multiple_of3A_817 = tpu.assume_multiple %multiple_of3A_816, 8 : i32
    %dma_start3A_818 = arith.constant 0 : i32
    %dma_start3A_819 = arith.constant 0 : i32
    %dma_start3A_820 = arith.constant 0 : i32
    %dma_start3A_821 = tpu.memref_slice %arg2[%add3A_815, %dma_start3A_819, %dma_start3A_820] : memref<512x512x512xf32, #tpu.memory_space<any>> -> memref<1x512x512xf32, #tpu.memory_space<any>>
    %dma_start3A_822 = tpu.memref_squeeze %dma_start3A_821 : memref<1x512x512xf32, #tpu.memory_space<any>> -> memref<512x512xf32, #tpu.memory_space<any>>
    %dma_start3A_823 = arith.constant 0 : i32
    %dma_start3A_824 = tpu.memref_slice %arg3[%dma_start3A_818, %multiple_of3A_817, %dma_start3A_823] : memref<2x1000x512xf32, #tpu.memory_space<vmem>> -> memref<1x512x512xf32, #tpu.memory_space<vmem>>
    %dma_start3A_825 = tpu.memref_squeeze %dma_start3A_824 : memref<1x512x512xf32, #tpu.memory_space<vmem>> -> memref<512x512xf32, #tpu.memory_space<vmem>>
    tpu.enqueue_dma source(%dma_start3A_825 : memref<512x512xf32, #tpu.memory_space<vmem>>) target(%dma_start3A_822 : memref<512x512xf32, #tpu.memory_space<any>>) target_semaphore(%arg4 : memref<!tpu.dma_semaphore, #tpu.memory_space<semaphore_mem>>)
    %mul3A_826 = arith.constant 2 : i32
    %mul3A_827 = arith.muli %arg0, %mul3A_826 : i32
    %add3A_828 = arith.constant 16 : i32
    %add3A_829 = arith.addi %add3A_828, %mul3A_827 : i32
    %add3A_830 = arith.constant 0 : i32
    %add3A_831 = arith.addi %add3A_829, %add3A_830 : i32
    %add3A_832 = arith.constant 368 : i32
    %add3A_833 = arith.addi %add3A_831, %add3A_832 : i32
    %multiple_of3A_834 = arith.constant 120 : i32
    %multiple_of3A_835 = tpu.assume_multiple %multiple_of3A_834, 8 : i32
    %dma_start3A_836 = arith.constant 0 : i32
    %dma_start3A_837 = arith.constant 0 : i32
    %dma_start3A_838 = arith.constant 0 : i32
    %dma_start3A_839 = tpu.memref_slice %arg2[%add3A_833, %dma_start3A_837, %dma_start3A_838] : memref<512x512x512xf32, #tpu.memory_space<any>> -> memref<1x512x512xf32, #tpu.memory_space<any>>
    %dma_start3A_840 = tpu.memref_squeeze %dma_start3A_839 : memref<1x512x512xf32, #tpu.memory_space<any>> -> memref<512x512xf32, #tpu.memory_space<any>>
    %dma_start3A_841 = arith.constant 0 : i32
    %dma_start3A_842 = tpu.memref_slice %arg3[%dma_start3A_836, %multiple_of3A_835, %dma_start3A_841] : memref<2x1000x512xf32, #tpu.memory_space<vmem>> -> memref<1x512x512xf32, #tpu.memory_space<vmem>>
    %dma_start3A_843 = tpu.memref_squeeze %dma_start3A_842 : memref<1x512x512xf32, #tpu.memory_space<vmem>> -> memref<512x512xf32, #tpu.memory_space<vmem>>
    tpu.enqueue_dma source(%dma_start3A_843 : memref<512x512xf32, #tpu.memory_space<vmem>>) target(%dma_start3A_840 : memref<512x512xf32, #tpu.memory_space<any>>) target_semaphore(%arg4 : memref<!tpu.dma_semaphore, #tpu.memory_space<semaphore_mem>>)
    %mul3A_844 = arith.constant 2 : i32
    %mul3A_845 = arith.muli %arg0, %mul3A_844 : i32
    %add3A_846 = arith.constant 16 : i32
    %add3A_847 = arith.addi %add3A_846, %mul3A_845 : i32
    %add3A_848 = arith.constant 0 : i32
    %add3A_849 = arith.addi %add3A_847, %add3A_848 : i32
    %add3A_850 = arith.constant 376 : i32
    %add3A_851 = arith.addi %add3A_849, %add3A_850 : i32
    %multiple_of3A_852 = arith.constant 112 : i32
    %multiple_of3A_853 = tpu.assume_multiple %multiple_of3A_852, 8 : i32
    %dma_start3A_854 = arith.constant 0 : i32
    %dma_start3A_855 = arith.constant 0 : i32
    %dma_start3A_856 = arith.constant 0 : i32
    %dma_start3A_857 = tpu.memref_slice %arg2[%add3A_851, %dma_start3A_855, %dma_start3A_856] : memref<512x512x512xf32, #tpu.memory_space<any>> -> memref<1x512x512xf32, #tpu.memory_space<any>>
    %dma_start3A_858 = tpu.memref_squeeze %dma_start3A_857 : memref<1x512x512xf32, #tpu.memory_space<any>> -> memref<512x512xf32, #tpu.memory_space<any>>
    %dma_start3A_859 = arith.constant 0 : i32
    %dma_start3A_860 = tpu.memref_slice %arg3[%dma_start3A_854, %multiple_of3A_853, %dma_start3A_859] : memref<2x1000x512xf32, #tpu.memory_space<vmem>> -> memref<1x512x512xf32, #tpu.memory_space<vmem>>
    %dma_start3A_861 = tpu.memref_squeeze %dma_start3A_860 : memref<1x512x512xf32, #tpu.memory_space<vmem>> -> memref<512x512xf32, #tpu.memory_space<vmem>>
    tpu.enqueue_dma source(%dma_start3A_861 : memref<512x512xf32, #tpu.memory_space<vmem>>) target(%dma_start3A_858 : memref<512x512xf32, #tpu.memory_space<any>>) target_semaphore(%arg4 : memref<!tpu.dma_semaphore, #tpu.memory_space<semaphore_mem>>)
    %mul3A_862 = arith.constant 2 : i32
    %mul3A_863 = arith.muli %arg0, %mul3A_862 : i32
    %add3A_864 = arith.constant 16 : i32
    %add3A_865 = arith.addi %add3A_864, %mul3A_863 : i32
    %add3A_866 = arith.constant 0 : i32
    %add3A_867 = arith.addi %add3A_865, %add3A_866 : i32
    %add3A_868 = arith.constant 384 : i32
    %add3A_869 = arith.addi %add3A_867, %add3A_868 : i32
    %multiple_of3A_870 = arith.constant 104 : i32
    %multiple_of3A_871 = tpu.assume_multiple %multiple_of3A_870, 8 : i32
    %dma_start3A_872 = arith.constant 0 : i32
    %dma_start3A_873 = arith.constant 0 : i32
    %dma_start3A_874 = arith.constant 0 : i32
    %dma_start3A_875 = tpu.memref_slice %arg2[%add3A_869, %dma_start3A_873, %dma_start3A_874] : memref<512x512x512xf32, #tpu.memory_space<any>> -> memref<1x512x512xf32, #tpu.memory_space<any>>
    %dma_start3A_876 = tpu.memref_squeeze %dma_start3A_875 : memref<1x512x512xf32, #tpu.memory_space<any>> -> memref<512x512xf32, #tpu.memory_space<any>>
    %dma_start3A_877 = arith.constant 0 : i32
    %dma_start3A_878 = tpu.memref_slice %arg3[%dma_start3A_872, %multiple_of3A_871, %dma_start3A_877] : memref<2x1000x512xf32, #tpu.memory_space<vmem>> -> memref<1x512x512xf32, #tpu.memory_space<vmem>>
    %dma_start3A_879 = tpu.memref_squeeze %dma_start3A_878 : memref<1x512x512xf32, #tpu.memory_space<vmem>> -> memref<512x512xf32, #tpu.memory_space<vmem>>
    tpu.enqueue_dma source(%dma_start3A_879 : memref<512x512xf32, #tpu.memory_space<vmem>>) target(%dma_start3A_876 : memref<512x512xf32, #tpu.memory_space<any>>) target_semaphore(%arg4 : memref<!tpu.dma_semaphore, #tpu.memory_space<semaphore_mem>>)
    %mul3A_880 = arith.constant 2 : i32
    %mul3A_881 = arith.muli %arg0, %mul3A_880 : i32
    %add3A_882 = arith.constant 16 : i32
    %add3A_883 = arith.addi %add3A_882, %mul3A_881 : i32
    %add3A_884 = arith.constant 0 : i32
    %add3A_885 = arith.addi %add3A_883, %add3A_884 : i32
    %add3A_886 = arith.constant 392 : i32
    %add3A_887 = arith.addi %add3A_885, %add3A_886 : i32
    %multiple_of3A_888 = arith.constant 96 : i32
    %multiple_of3A_889 = tpu.assume_multiple %multiple_of3A_888, 8 : i32
    %dma_start3A_890 = arith.constant 0 : i32
    %dma_start3A_891 = arith.constant 0 : i32
    %dma_start3A_892 = arith.constant 0 : i32
    %dma_start3A_893 = tpu.memref_slice %arg2[%add3A_887, %dma_start3A_891, %dma_start3A_892] : memref<512x512x512xf32, #tpu.memory_space<any>> -> memref<1x512x512xf32, #tpu.memory_space<any>>
    %dma_start3A_894 = tpu.memref_squeeze %dma_start3A_893 : memref<1x512x512xf32, #tpu.memory_space<any>> -> memref<512x512xf32, #tpu.memory_space<any>>
    %dma_start3A_895 = arith.constant 0 : i32
    %dma_start3A_896 = tpu.memref_slice %arg3[%dma_start3A_890, %multiple_of3A_889, %dma_start3A_895] : memref<2x1000x512xf32, #tpu.memory_space<vmem>> -> memref<1x512x512xf32, #tpu.memory_space<vmem>>
    %dma_start3A_897 = tpu.memref_squeeze %dma_start3A_896 : memref<1x512x512xf32, #tpu.memory_space<vmem>> -> memref<512x512xf32, #tpu.memory_space<vmem>>
    tpu.enqueue_dma source(%dma_start3A_897 : memref<512x512xf32, #tpu.memory_space<vmem>>) target(%dma_start3A_894 : memref<512x512xf32, #tpu.memory_space<any>>) target_semaphore(%arg4 : memref<!tpu.dma_semaphore, #tpu.memory_space<semaphore_mem>>)
    %mul3A_898 = arith.constant 2 : i32
    %mul3A_899 = arith.muli %arg0, %mul3A_898 : i32
    %add3A_900 = arith.constant 16 : i32
    %add3A_901 = arith.addi %add3A_900, %mul3A_899 : i32
    %add3A_902 = arith.constant 0 : i32
    %add3A_903 = arith.addi %add3A_901, %add3A_902 : i32
    %add3A_904 = arith.constant 400 : i32
    %add3A_905 = arith.addi %add3A_903, %add3A_904 : i32
    %multiple_of3A_906 = arith.constant 88 : i32
    %multiple_of3A_907 = tpu.assume_multiple %multiple_of3A_906, 8 : i32
    %dma_start3A_908 = arith.constant 0 : i32
    %dma_start3A_909 = arith.constant 0 : i32
    %dma_start3A_910 = arith.constant 0 : i32
    %dma_start3A_911 = tpu.memref_slice %arg2[%add3A_905, %dma_start3A_909, %dma_start3A_910] : memref<512x512x512xf32, #tpu.memory_space<any>> -> memref<1x512x512xf32, #tpu.memory_space<any>>
    %dma_start3A_912 = tpu.memref_squeeze %dma_start3A_911 : memref<1x512x512xf32, #tpu.memory_space<any>> -> memref<512x512xf32, #tpu.memory_space<any>>
    %dma_start3A_913 = arith.constant 0 : i32
    %dma_start3A_914 = tpu.memref_slice %arg3[%dma_start3A_908, %multiple_of3A_907, %dma_start3A_913] : memref<2x1000x512xf32, #tpu.memory_space<vmem>> -> memref<1x512x512xf32, #tpu.memory_space<vmem>>
    %dma_start3A_915 = tpu.memref_squeeze %dma_start3A_914 : memref<1x512x512xf32, #tpu.memory_space<vmem>> -> memref<512x512xf32, #tpu.memory_space<vmem>>
    tpu.enqueue_dma source(%dma_start3A_915 : memref<512x512xf32, #tpu.memory_space<vmem>>) target(%dma_start3A_912 : memref<512x512xf32, #tpu.memory_space<any>>) target_semaphore(%arg4 : memref<!tpu.dma_semaphore, #tpu.memory_space<semaphore_mem>>)
    %mul3A_916 = arith.constant 2 : i32
    %mul3A_917 = arith.muli %arg0, %mul3A_916 : i32
    %add3A_918 = arith.constant 16 : i32
    %add3A_919 = arith.addi %add3A_918, %mul3A_917 : i32
    %add3A_920 = arith.constant 0 : i32
    %add3A_921 = arith.addi %add3A_919, %add3A_920 : i32
    %add3A_922 = arith.constant 408 : i32
    %add3A_923 = arith.addi %add3A_921, %add3A_922 : i32
    %multiple_of3A_924 = arith.constant 80 : i32
    %multiple_of3A_925 = tpu.assume_multiple %multiple_of3A_924, 8 : i32
    %dma_start3A_926 = arith.constant 0 : i32
    %dma_start3A_927 = arith.constant 0 : i32
    %dma_start3A_928 = arith.constant 0 : i32
    %dma_start3A_929 = tpu.memref_slice %arg2[%add3A_923, %dma_start3A_927, %dma_start3A_928] : memref<512x512x512xf32, #tpu.memory_space<any>> -> memref<1x512x512xf32, #tpu.memory_space<any>>
    %dma_start3A_930 = tpu.memref_squeeze %dma_start3A_929 : memref<1x512x512xf32, #tpu.memory_space<any>> -> memref<512x512xf32, #tpu.memory_space<any>>
    %dma_start3A_931 = arith.constant 0 : i32
    %dma_start3A_932 = tpu.memref_slice %arg3[%dma_start3A_926, %multiple_of3A_925, %dma_start3A_931] : memref<2x1000x512xf32, #tpu.memory_space<vmem>> -> memref<1x512x512xf32, #tpu.memory_space<vmem>>
    %dma_start3A_933 = tpu.memref_squeeze %dma_start3A_932 : memref<1x512x512xf32, #tpu.memory_space<vmem>> -> memref<512x512xf32, #tpu.memory_space<vmem>>
    tpu.enqueue_dma source(%dma_start3A_933 : memref<512x512xf32, #tpu.memory_space<vmem>>) target(%dma_start3A_930 : memref<512x512xf32, #tpu.memory_space<any>>) target_semaphore(%arg4 : memref<!tpu.dma_semaphore, #tpu.memory_space<semaphore_mem>>)
    %mul3A_934 = arith.constant 2 : i32
    %mul3A_935 = arith.muli %arg0, %mul3A_934 : i32
    %add3A_936 = arith.constant 16 : i32
    %add3A_937 = arith.addi %add3A_936, %mul3A_935 : i32
    %add3A_938 = arith.constant 0 : i32
    %add3A_939 = arith.addi %add3A_937, %add3A_938 : i32
    %add3A_940 = arith.constant 416 : i32
    %add3A_941 = arith.addi %add3A_939, %add3A_940 : i32
    %multiple_of3A_942 = arith.constant 72 : i32
    %multiple_of3A_943 = tpu.assume_multiple %multiple_of3A_942, 8 : i32
    %dma_start3A_944 = arith.constant 0 : i32
    %dma_start3A_945 = arith.constant 0 : i32
    %dma_start3A_946 = arith.constant 0 : i32
    %dma_start3A_947 = tpu.memref_slice %arg2[%add3A_941, %dma_start3A_945, %dma_start3A_946] : memref<512x512x512xf32, #tpu.memory_space<any>> -> memref<1x512x512xf32, #tpu.memory_space<any>>
    %dma_start3A_948 = tpu.memref_squeeze %dma_start3A_947 : memref<1x512x512xf32, #tpu.memory_space<any>> -> memref<512x512xf32, #tpu.memory_space<any>>
    %dma_start3A_949 = arith.constant 0 : i32
    %dma_start3A_950 = tpu.memref_slice %arg3[%dma_start3A_944, %multiple_of3A_943, %dma_start3A_949] : memref<2x1000x512xf32, #tpu.memory_space<vmem>> -> memref<1x512x512xf32, #tpu.memory_space<vmem>>
    %dma_start3A_951 = tpu.memref_squeeze %dma_start3A_950 : memref<1x512x512xf32, #tpu.memory_space<vmem>> -> memref<512x512xf32, #tpu.memory_space<vmem>>
    tpu.enqueue_dma source(%dma_start3A_951 : memref<512x512xf32, #tpu.memory_space<vmem>>) target(%dma_start3A_948 : memref<512x512xf32, #tpu.memory_space<any>>) target_semaphore(%arg4 : memref<!tpu.dma_semaphore, #tpu.memory_space<semaphore_mem>>)
    %mul3A_952 = arith.constant 2 : i32
    %mul3A_953 = arith.muli %arg0, %mul3A_952 : i32
    %add3A_954 = arith.constant 16 : i32
    %add3A_955 = arith.addi %add3A_954, %mul3A_953 : i32
    %add3A_956 = arith.constant 0 : i32
    %add3A_957 = arith.addi %add3A_955, %add3A_956 : i32
    %add3A_958 = arith.constant 424 : i32
    %add3A_959 = arith.addi %add3A_957, %add3A_958 : i32
    %multiple_of3A_960 = arith.constant 64 : i32
    %multiple_of3A_961 = tpu.assume_multiple %multiple_of3A_960, 8 : i32
    %dma_start3A_962 = arith.constant 0 : i32
    %dma_start3A_963 = arith.constant 0 : i32
    %dma_start3A_964 = arith.constant 0 : i32
    %dma_start3A_965 = tpu.memref_slice %arg2[%add3A_959, %dma_start3A_963, %dma_start3A_964] : memref<512x512x512xf32, #tpu.memory_space<any>> -> memref<1x512x512xf32, #tpu.memory_space<any>>
    %dma_start3A_966 = tpu.memref_squeeze %dma_start3A_965 : memref<1x512x512xf32, #tpu.memory_space<any>> -> memref<512x512xf32, #tpu.memory_space<any>>
    %dma_start3A_967 = arith.constant 0 : i32
    %dma_start3A_968 = tpu.memref_slice %arg3[%dma_start3A_962, %multiple_of3A_961, %dma_start3A_967] : memref<2x1000x512xf32, #tpu.memory_space<vmem>> -> memref<1x512x512xf32, #tpu.memory_space<vmem>>
    %dma_start3A_969 = tpu.memref_squeeze %dma_start3A_968 : memref<1x512x512xf32, #tpu.memory_space<vmem>> -> memref<512x512xf32, #tpu.memory_space<vmem>>
    tpu.enqueue_dma source(%dma_start3A_969 : memref<512x512xf32, #tpu.memory_space<vmem>>) target(%dma_start3A_966 : memref<512x512xf32, #tpu.memory_space<any>>) target_semaphore(%arg4 : memref<!tpu.dma_semaphore, #tpu.memory_space<semaphore_mem>>)
    %mul3A_970 = arith.constant 2 : i32
    %mul3A_971 = arith.muli %arg0, %mul3A_970 : i32
    %add3A_972 = arith.constant 16 : i32
    %add3A_973 = arith.addi %add3A_972, %mul3A_971 : i32
    %add3A_974 = arith.constant 0 : i32
    %add3A_975 = arith.addi %add3A_973, %add3A_974 : i32
    %add3A_976 = arith.constant 432 : i32
    %add3A_977 = arith.addi %add3A_975, %add3A_976 : i32
    %multiple_of3A_978 = arith.constant 56 : i32
    %multiple_of3A_979 = tpu.assume_multiple %multiple_of3A_978, 8 : i32
    %dma_start3A_980 = arith.constant 0 : i32
    %dma_start3A_981 = arith.constant 0 : i32
    %dma_start3A_982 = arith.constant 0 : i32
    %dma_start3A_983 = tpu.memref_slice %arg2[%add3A_977, %dma_start3A_981, %dma_start3A_982] : memref<512x512x512xf32, #tpu.memory_space<any>> -> memref<1x512x512xf32, #tpu.memory_space<any>>
    %dma_start3A_984 = tpu.memref_squeeze %dma_start3A_983 : memref<1x512x512xf32, #tpu.memory_space<any>> -> memref<512x512xf32, #tpu.memory_space<any>>
    %dma_start3A_985 = arith.constant 0 : i32
    %dma_start3A_986 = tpu.memref_slice %arg3[%dma_start3A_980, %multiple_of3A_979, %dma_start3A_985] : memref<2x1000x512xf32, #tpu.memory_space<vmem>> -> memref<1x512x512xf32, #tpu.memory_space<vmem>>
    %dma_start3A_987 = tpu.memref_squeeze %dma_start3A_986 : memref<1x512x512xf32, #tpu.memory_space<vmem>> -> memref<512x512xf32, #tpu.memory_space<vmem>>
    tpu.enqueue_dma source(%dma_start3A_987 : memref<512x512xf32, #tpu.memory_space<vmem>>) target(%dma_start3A_984 : memref<512x512xf32, #tpu.memory_space<any>>) target_semaphore(%arg4 : memref<!tpu.dma_semaphore, #tpu.memory_space<semaphore_mem>>)
    %mul3A_988 = arith.constant 2 : i32
    %mul3A_989 = arith.muli %arg0, %mul3A_988 : i32
    %add3A_990 = arith.constant 16 : i32
    %add3A_991 = arith.addi %add3A_990, %mul3A_989 : i32
    %add3A_992 = arith.constant 0 : i32
    %add3A_993 = arith.addi %add3A_991, %add3A_992 : i32
    %add3A_994 = arith.constant 440 : i32
    %add3A_995 = arith.addi %add3A_993, %add3A_994 : i32
    %multiple_of3A_996 = arith.constant 48 : i32
    %multiple_of3A_997 = tpu.assume_multiple %multiple_of3A_996, 8 : i32
    %dma_start3A_998 = arith.constant 0 : i32
    %dma_start3A_999 = arith.constant 0 : i32
    %dma_start3A_1000 = arith.constant 0 : i32
    %dma_start3A_1001 = tpu.memref_slice %arg2[%add3A_995, %dma_start3A_999, %dma_start3A_1000] : memref<512x512x512xf32, #tpu.memory_space<any>> -> memref<1x512x512xf32, #tpu.memory_space<any>>
    %dma_start3A_1002 = tpu.memref_squeeze %dma_start3A_1001 : memref<1x512x512xf32, #tpu.memory_space<any>> -> memref<512x512xf32, #tpu.memory_space<any>>
    %dma_start3A_1003 = arith.constant 0 : i32
    %dma_start3A_1004 = tpu.memref_slice %arg3[%dma_start3A_998, %multiple_of3A_997, %dma_start3A_1003] : memref<2x1000x512xf32, #tpu.memory_space<vmem>> -> memref<1x512x512xf32, #tpu.memory_space<vmem>>
    %dma_start3A_1005 = tpu.memref_squeeze %dma_start3A_1004 : memref<1x512x512xf32, #tpu.memory_space<vmem>> -> memref<512x512xf32, #tpu.memory_space<vmem>>
    tpu.enqueue_dma source(%dma_start3A_1005 : memref<512x512xf32, #tpu.memory_space<vmem>>) target(%dma_start3A_1002 : memref<512x512xf32, #tpu.memory_space<any>>) target_semaphore(%arg4 : memref<!tpu.dma_semaphore, #tpu.memory_space<semaphore_mem>>)
    %mul3A_1006 = arith.constant 2 : i32
    %mul3A_1007 = arith.muli %arg0, %mul3A_1006 : i32
    %add3A_1008 = arith.constant 16 : i32
    %add3A_1009 = arith.addi %add3A_1008, %mul3A_1007 : i32
    %add3A_1010 = arith.constant 0 : i32
    %add3A_1011 = arith.addi %add3A_1009, %add3A_1010 : i32
    %add3A_1012 = arith.constant 448 : i32
    %add3A_1013 = arith.addi %add3A_1011, %add3A_1012 : i32
    %multiple_of3A_1014 = arith.constant 40 : i32
    %multiple_of3A_1015 = tpu.assume_multiple %multiple_of3A_1014, 8 : i32
    %dma_start3A_1016 = arith.constant 0 : i32
    %dma_start3A_1017 = arith.constant 0 : i32
    %dma_start3A_1018 = arith.constant 0 : i32
    %dma_start3A_1019 = tpu.memref_slice %arg2[%add3A_1013, %dma_start3A_1017, %dma_start3A_1018] : memref<512x512x512xf32, #tpu.memory_space<any>> -> memref<1x512x512xf32, #tpu.memory_space<any>>
    %dma_start3A_1020 = tpu.memref_squeeze %dma_start3A_1019 : memref<1x512x512xf32, #tpu.memory_space<any>> -> memref<512x512xf32, #tpu.memory_space<any>>
    %dma_start3A_1021 = arith.constant 0 : i32
    %dma_start3A_1022 = tpu.memref_slice %arg3[%dma_start3A_1016, %multiple_of3A_1015, %dma_start3A_1021] : memref<2x1000x512xf32, #tpu.memory_space<vmem>> -> memref<1x512x512xf32, #tpu.memory_space<vmem>>
    %dma_start3A_1023 = tpu.memref_squeeze %dma_start3A_1022 : memref<1x512x512xf32, #tpu.memory_space<vmem>> -> memref<512x512xf32, #tpu.memory_space<vmem>>
    tpu.enqueue_dma source(%dma_start3A_1023 : memref<512x512xf32, #tpu.memory_space<vmem>>) target(%dma_start3A_1020 : memref<512x512xf32, #tpu.memory_space<any>>) target_semaphore(%arg4 : memref<!tpu.dma_semaphore, #tpu.memory_space<semaphore_mem>>)
    %mul3A_1024 = arith.constant 2 : i32
    %mul3A_1025 = arith.muli %arg0, %mul3A_1024 : i32
    %add3A_1026 = arith.constant 16 : i32
    %add3A_1027 = arith.addi %add3A_1026, %mul3A_1025 : i32
    %add3A_1028 = arith.constant 0 : i32
    %add3A_1029 = arith.addi %add3A_1027, %add3A_1028 : i32
    %add3A_1030 = arith.constant 456 : i32
    %add3A_1031 = arith.addi %add3A_1029, %add3A_1030 : i32
    %multiple_of3A_1032 = arith.constant 32 : i32
    %multiple_of3A_1033 = tpu.assume_multiple %multiple_of3A_1032, 8 : i32
    %dma_start3A_1034 = arith.constant 0 : i32
    %dma_start3A_1035 = arith.constant 0 : i32
    %dma_start3A_1036 = arith.constant 0 : i32
    %dma_start3A_1037 = tpu.memref_slice %arg2[%add3A_1031, %dma_start3A_1035, %dma_start3A_1036] : memref<512x512x512xf32, #tpu.memory_space<any>> -> memref<1x512x512xf32, #tpu.memory_space<any>>
    %dma_start3A_1038 = tpu.memref_squeeze %dma_start3A_1037 : memref<1x512x512xf32, #tpu.memory_space<any>> -> memref<512x512xf32, #tpu.memory_space<any>>
    %dma_start3A_1039 = arith.constant 0 : i32
    %dma_start3A_1040 = tpu.memref_slice %arg3[%dma_start3A_1034, %multiple_of3A_1033, %dma_start3A_1039] : memref<2x1000x512xf32, #tpu.memory_space<vmem>> -> memref<1x512x512xf32, #tpu.memory_space<vmem>>
    %dma_start3A_1041 = tpu.memref_squeeze %dma_start3A_1040 : memref<1x512x512xf32, #tpu.memory_space<vmem>> -> memref<512x512xf32, #tpu.memory_space<vmem>>
    tpu.enqueue_dma source(%dma_start3A_1041 : memref<512x512xf32, #tpu.memory_space<vmem>>) target(%dma_start3A_1038 : memref<512x512xf32, #tpu.memory_space<any>>) target_semaphore(%arg4 : memref<!tpu.dma_semaphore, #tpu.memory_space<semaphore_mem>>)
    %mul3A_1042 = arith.constant 2 : i32
    %mul3A_1043 = arith.muli %arg0, %mul3A_1042 : i32
    %add3A_1044 = arith.constant 16 : i32
    %add3A_1045 = arith.addi %add3A_1044, %mul3A_1043 : i32
    %add3A_1046 = arith.constant 0 : i32
    %add3A_1047 = arith.addi %add3A_1045, %add3A_1046 : i32
    %add3A_1048 = arith.constant 464 : i32
    %add3A_1049 = arith.addi %add3A_1047, %add3A_1048 : i32
    %multiple_of3A_1050 = arith.constant 24 : i32
    %multiple_of3A_1051 = tpu.assume_multiple %multiple_of3A_1050, 8 : i32
    %dma_start3A_1052 = arith.constant 0 : i32
    %dma_start3A_1053 = arith.constant 0 : i32
    %dma_start3A_1054 = arith.constant 0 : i32
    %dma_start3A_1055 = tpu.memref_slice %arg2[%add3A_1049, %dma_start3A_1053, %dma_start3A_1054] : memref<512x512x512xf32, #tpu.memory_space<any>> -> memref<1x512x512xf32, #tpu.memory_space<any>>
    %dma_start3A_1056 = tpu.memref_squeeze %dma_start3A_1055 : memref<1x512x512xf32, #tpu.memory_space<any>> -> memref<512x512xf32, #tpu.memory_space<any>>
    %dma_start3A_1057 = arith.constant 0 : i32
    %dma_start3A_1058 = tpu.memref_slice %arg3[%dma_start3A_1052, %multiple_of3A_1051, %dma_start3A_1057] : memref<2x1000x512xf32, #tpu.memory_space<vmem>> -> memref<1x512x512xf32, #tpu.memory_space<vmem>>
    %dma_start3A_1059 = tpu.memref_squeeze %dma_start3A_1058 : memref<1x512x512xf32, #tpu.memory_space<vmem>> -> memref<512x512xf32, #tpu.memory_space<vmem>>
    tpu.enqueue_dma source(%dma_start3A_1059 : memref<512x512xf32, #tpu.memory_space<vmem>>) target(%dma_start3A_1056 : memref<512x512xf32, #tpu.memory_space<any>>) target_semaphore(%arg4 : memref<!tpu.dma_semaphore, #tpu.memory_space<semaphore_mem>>)
    %mul3A_1060 = arith.constant 2 : i32
    %mul3A_1061 = arith.muli %arg0, %mul3A_1060 : i32
    %add3A_1062 = arith.constant 16 : i32
    %add3A_1063 = arith.addi %add3A_1062, %mul3A_1061 : i32
    %add3A_1064 = arith.constant 0 : i32
    %add3A_1065 = arith.addi %add3A_1063, %add3A_1064 : i32
    %add3A_1066 = arith.constant 472 : i32
    %add3A_1067 = arith.addi %add3A_1065, %add3A_1066 : i32
    %multiple_of3A_1068 = arith.constant 16 : i32
    %multiple_of3A_1069 = tpu.assume_multiple %multiple_of3A_1068, 8 : i32
    %dma_start3A_1070 = arith.constant 0 : i32
    %dma_start3A_1071 = arith.constant 0 : i32
    %dma_start3A_1072 = arith.constant 0 : i32
    %dma_start3A_1073 = tpu.memref_slice %arg2[%add3A_1067, %dma_start3A_1071, %dma_start3A_1072] : memref<512x512x512xf32, #tpu.memory_space<any>> -> memref<1x512x512xf32, #tpu.memory_space<any>>
    %dma_start3A_1074 = tpu.memref_squeeze %dma_start3A_1073 : memref<1x512x512xf32, #tpu.memory_space<any>> -> memref<512x512xf32, #tpu.memory_space<any>>
    %dma_start3A_1075 = arith.constant 0 : i32
    %dma_start3A_1076 = tpu.memref_slice %arg3[%dma_start3A_1070, %multiple_of3A_1069, %dma_start3A_1075] : memref<2x1000x512xf32, #tpu.memory_space<vmem>> -> memref<1x512x512xf32, #tpu.memory_space<vmem>>
    %dma_start3A_1077 = tpu.memref_squeeze %dma_start3A_1076 : memref<1x512x512xf32, #tpu.memory_space<vmem>> -> memref<512x512xf32, #tpu.memory_space<vmem>>
    tpu.enqueue_dma source(%dma_start3A_1077 : memref<512x512xf32, #tpu.memory_space<vmem>>) target(%dma_start3A_1074 : memref<512x512xf32, #tpu.memory_space<any>>) target_semaphore(%arg4 : memref<!tpu.dma_semaphore, #tpu.memory_space<semaphore_mem>>)
    %mul3A_1078 = arith.constant 2 : i32
    %mul3A_1079 = arith.muli %arg0, %mul3A_1078 : i32
    %add3A_1080 = arith.constant 16 : i32
    %add3A_1081 = arith.addi %add3A_1080, %mul3A_1079 : i32
    %add3A_1082 = arith.constant 0 : i32
    %add3A_1083 = arith.addi %add3A_1081, %add3A_1082 : i32
    %add3A_1084 = arith.constant 480 : i32
    %add3A_1085 = arith.addi %add3A_1083, %add3A_1084 : i32
    %multiple_of3A_1086 = arith.constant 8 : i32
    %multiple_of3A_1087 = tpu.assume_multiple %multiple_of3A_1086, 8 : i32
    %dma_start3A_1088 = arith.constant 0 : i32
    %dma_start3A_1089 = arith.constant 0 : i32
    %dma_start3A_1090 = arith.constant 0 : i32
    %dma_start3A_1091 = tpu.memref_slice %arg2[%add3A_1085, %dma_start3A_1089, %dma_start3A_1090] : memref<512x512x512xf32, #tpu.memory_space<any>> -> memref<1x512x512xf32, #tpu.memory_space<any>>
    %dma_start3A_1092 = tpu.memref_squeeze %dma_start3A_1091 : memref<1x512x512xf32, #tpu.memory_space<any>> -> memref<512x512xf32, #tpu.memory_space<any>>
    %dma_start3A_1093 = arith.constant 0 : i32
    %dma_start3A_1094 = tpu.memref_slice %arg3[%dma_start3A_1088, %multiple_of3A_1087, %dma_start3A_1093] : memref<2x1000x512xf32, #tpu.memory_space<vmem>> -> memref<1x512x512xf32, #tpu.memory_space<vmem>>
    %dma_start3A_1095 = tpu.memref_squeeze %dma_start3A_1094 : memref<1x512x512xf32, #tpu.memory_space<vmem>> -> memref<512x512xf32, #tpu.memory_space<vmem>>
    tpu.enqueue_dma source(%dma_start3A_1095 : memref<512x512xf32, #tpu.memory_space<vmem>>) target(%dma_start3A_1092 : memref<512x512xf32, #tpu.memory_space<any>>) target_semaphore(%arg4 : memref<!tpu.dma_semaphore, #tpu.memory_space<semaphore_mem>>)
    %mul3A_1096 = arith.constant 2 : i32
    %mul3A_1097 = arith.muli %arg0, %mul3A_1096 : i32
    %add3A_1098 = arith.constant 16 : i32
    %add3A_1099 = arith.addi %add3A_1098, %mul3A_1097 : i32
    %add3A_1100 = arith.constant 0 : i32
    %add3A_1101 = arith.addi %add3A_1099, %add3A_1100 : i32
    %add3A_1102 = arith.constant 488 : i32
    %add3A_1103 = arith.addi %add3A_1101, %add3A_1102 : i32
    %multiple_of3A_1104 = arith.constant 0 : i32
    %multiple_of3A_1105 = tpu.assume_multiple %multiple_of3A_1104, 8 : i32
    %dma_start3A_1106 = arith.constant 0 : i32
    %dma_start3A_1107 = arith.constant 0 : i32
    %dma_start3A_1108 = arith.constant 0 : i32
    %dma_start3A_1109 = tpu.memref_slice %arg2[%add3A_1103, %dma_start3A_1107, %dma_start3A_1108] : memref<512x512x512xf32, #tpu.memory_space<any>> -> memref<1x512x512xf32, #tpu.memory_space<any>>
    %dma_start3A_1110 = tpu.memref_squeeze %dma_start3A_1109 : memref<1x512x512xf32, #tpu.memory_space<any>> -> memref<512x512xf32, #tpu.memory_space<any>>
    %dma_start3A_1111 = arith.constant 0 : i32
    %dma_start3A_1112 = tpu.memref_slice %arg3[%dma_start3A_1106, %multiple_of3A_1105, %dma_start3A_1111] : memref<2x1000x512xf32, #tpu.memory_space<vmem>> -> memref<1x512x512xf32, #tpu.memory_space<vmem>>
    %dma_start3A_1113 = tpu.memref_squeeze %dma_start3A_1112 : memref<1x512x512xf32, #tpu.memory_space<vmem>> -> memref<512x512xf32, #tpu.memory_space<vmem>>
    tpu.enqueue_dma source(%dma_start3A_1113 : memref<512x512xf32, #tpu.memory_space<vmem>>) target(%dma_start3A_1110 : memref<512x512xf32, #tpu.memory_space<any>>) target_semaphore(%arg4 : memref<!tpu.dma_semaphore, #tpu.memory_space<semaphore_mem>>)
    %mul3A_1114 = arith.constant 2 : i32
    %mul3A_1115 = arith.muli %arg0, %mul3A_1114 : i32
    %add3A_1116 = arith.constant 16 : i32
    %add3A_1117 = arith.addi %add3A_1116, %mul3A_1115 : i32
    %add3A_1118 = arith.constant 1 : i32
    %add3A_1119 = arith.addi %add3A_1117, %add3A_1118 : i32
    %add3A_1120 = arith.constant 0 : i32
    %add3A_1121 = arith.addi %add3A_1119, %add3A_1120 : i32
    %multiple_of3A_1122 = arith.constant 488 : i32
    %multiple_of3A_1123 = tpu.assume_multiple %multiple_of3A_1122, 8 : i32
    %dma_start3A_1124 = arith.constant 1 : i32
    %dma_start3A_1125 = arith.constant 0 : i32
    %dma_start3A_1126 = arith.constant 0 : i32
    %dma_start3A_1127 = tpu.memref_slice %arg2[%add3A_1121, %dma_start3A_1125, %dma_start3A_1126] : memref<512x512x512xf32, #tpu.memory_space<any>> -> memref<1x512x512xf32, #tpu.memory_space<any>>
    %dma_start3A_1128 = tpu.memref_squeeze %dma_start3A_1127 : memref<1x512x512xf32, #tpu.memory_space<any>> -> memref<512x512xf32, #tpu.memory_space<any>>
    %dma_start3A_1129 = arith.constant 0 : i32
    %dma_start3A_1130 = tpu.memref_slice %arg3[%dma_start3A_1124, %multiple_of3A_1123, %dma_start3A_1129] : memref<2x1000x512xf32, #tpu.memory_space<vmem>> -> memref<1x512x512xf32, #tpu.memory_space<vmem>>
    %dma_start3A_1131 = tpu.memref_squeeze %dma_start3A_1130 : memref<1x512x512xf32, #tpu.memory_space<vmem>> -> memref<512x512xf32, #tpu.memory_space<vmem>>
    tpu.enqueue_dma source(%dma_start3A_1131 : memref<512x512xf32, #tpu.memory_space<vmem>>) target(%dma_start3A_1128 : memref<512x512xf32, #tpu.memory_space<any>>) target_semaphore(%arg4 : memref<!tpu.dma_semaphore, #tpu.memory_space<semaphore_mem>>)
    %mul3A_1132 = arith.constant 2 : i32
    %mul3A_1133 = arith.muli %arg0, %mul3A_1132 : i32
    %add3A_1134 = arith.constant 16 : i32
    %add3A_1135 = arith.addi %add3A_1134, %mul3A_1133 : i32
    %add3A_1136 = arith.constant 1 : i32
    %add3A_1137 = arith.addi %add3A_1135, %add3A_1136 : i32
    %add3A_1138 = arith.constant 8 : i32
    %add3A_1139 = arith.addi %add3A_1137, %add3A_1138 : i32
    %multiple_of3A_1140 = arith.constant 480 : i32
    %multiple_of3A_1141 = tpu.assume_multiple %multiple_of3A_1140, 8 : i32
    %dma_start3A_1142 = arith.constant 1 : i32
    %dma_start3A_1143 = arith.constant 0 : i32
    %dma_start3A_1144 = arith.constant 0 : i32
    %dma_start3A_1145 = tpu.memref_slice %arg2[%add3A_1139, %dma_start3A_1143, %dma_start3A_1144] : memref<512x512x512xf32, #tpu.memory_space<any>> -> memref<1x512x512xf32, #tpu.memory_space<any>>
    %dma_start3A_1146 = tpu.memref_squeeze %dma_start3A_1145 : memref<1x512x512xf32, #tpu.memory_space<any>> -> memref<512x512xf32, #tpu.memory_space<any>>
    %dma_start3A_1147 = arith.constant 0 : i32
    %dma_start3A_1148 = tpu.memref_slice %arg3[%dma_start3A_1142, %multiple_of3A_1141, %dma_start3A_1147] : memref<2x1000x512xf32, #tpu.memory_space<vmem>> -> memref<1x512x512xf32, #tpu.memory_space<vmem>>
    %dma_start3A_1149 = tpu.memref_squeeze %dma_start3A_1148 : memref<1x512x512xf32, #tpu.memory_space<vmem>> -> memref<512x512xf32, #tpu.memory_space<vmem>>
    tpu.enqueue_dma source(%dma_start3A_1149 : memref<512x512xf32, #tpu.memory_space<vmem>>) target(%dma_start3A_1146 : memref<512x512xf32, #tpu.memory_space<any>>) target_semaphore(%arg4 : memref<!tpu.dma_semaphore, #tpu.memory_space<semaphore_mem>>)
    %mul3A_1150 = arith.constant 2 : i32
    %mul3A_1151 = arith.muli %arg0, %mul3A_1150 : i32
    %add3A_1152 = arith.constant 16 : i32
    %add3A_1153 = arith.addi %add3A_1152, %mul3A_1151 : i32
    %add3A_1154 = arith.constant 1 : i32
    %add3A_1155 = arith.addi %add3A_1153, %add3A_1154 : i32
    %add3A_1156 = arith.constant 16 : i32
    %add3A_1157 = arith.addi %add3A_1155, %add3A_1156 : i32
    %multiple_of3A_1158 = arith.constant 472 : i32
    %multiple_of3A_1159 = tpu.assume_multiple %multiple_of3A_1158, 8 : i32
    %dma_start3A_1160 = arith.constant 1 : i32
    %dma_start3A_1161 = arith.constant 0 : i32
    %dma_start3A_1162 = arith.constant 0 : i32
    %dma_start3A_1163 = tpu.memref_slice %arg2[%add3A_1157, %dma_start3A_1161, %dma_start3A_1162] : memref<512x512x512xf32, #tpu.memory_space<any>> -> memref<1x512x512xf32, #tpu.memory_space<any>>
    %dma_start3A_1164 = tpu.memref_squeeze %dma_start3A_1163 : memref<1x512x512xf32, #tpu.memory_space<any>> -> memref<512x512xf32, #tpu.memory_space<any>>
    %dma_start3A_1165 = arith.constant 0 : i32
    %dma_start3A_1166 = tpu.memref_slice %arg3[%dma_start3A_1160, %multiple_of3A_1159, %dma_start3A_1165] : memref<2x1000x512xf32, #tpu.memory_space<vmem>> -> memref<1x512x512xf32, #tpu.memory_space<vmem>>
    %dma_start3A_1167 = tpu.memref_squeeze %dma_start3A_1166 : memref<1x512x512xf32, #tpu.memory_space<vmem>> -> memref<512x512xf32, #tpu.memory_space<vmem>>
    tpu.enqueue_dma source(%dma_start3A_1167 : memref<512x512xf32, #tpu.memory_space<vmem>>) target(%dma_start3A_1164 : memref<512x512xf32, #tpu.memory_space<any>>) target_semaphore(%arg4 : memref<!tpu.dma_semaphore, #tpu.memory_space<semaphore_mem>>)
    %mul3A_1168 = arith.constant 2 : i32
    %mul3A_1169 = arith.muli %arg0, %mul3A_1168 : i32
    %add3A_1170 = arith.constant 16 : i32
    %add3A_1171 = arith.addi %add3A_1170, %mul3A_1169 : i32
    %add3A_1172 = arith.constant 1 : i32
    %add3A_1173 = arith.addi %add3A_1171, %add3A_1172 : i32
    %add3A_1174 = arith.constant 24 : i32
    %add3A_1175 = arith.addi %add3A_1173, %add3A_1174 : i32
    %multiple_of3A_1176 = arith.constant 464 : i32
    %multiple_of3A_1177 = tpu.assume_multiple %multiple_of3A_1176, 8 : i32
    %dma_start3A_1178 = arith.constant 1 : i32
    %dma_start3A_1179 = arith.constant 0 : i32
    %dma_start3A_1180 = arith.constant 0 : i32
    %dma_start3A_1181 = tpu.memref_slice %arg2[%add3A_1175, %dma_start3A_1179, %dma_start3A_1180] : memref<512x512x512xf32, #tpu.memory_space<any>> -> memref<1x512x512xf32, #tpu.memory_space<any>>
    %dma_start3A_1182 = tpu.memref_squeeze %dma_start3A_1181 : memref<1x512x512xf32, #tpu.memory_space<any>> -> memref<512x512xf32, #tpu.memory_space<any>>
    %dma_start3A_1183 = arith.constant 0 : i32
    %dma_start3A_1184 = tpu.memref_slice %arg3[%dma_start3A_1178, %multiple_of3A_1177, %dma_start3A_1183] : memref<2x1000x512xf32, #tpu.memory_space<vmem>> -> memref<1x512x512xf32, #tpu.memory_space<vmem>>
    %dma_start3A_1185 = tpu.memref_squeeze %dma_start3A_1184 : memref<1x512x512xf32, #tpu.memory_space<vmem>> -> memref<512x512xf32, #tpu.memory_space<vmem>>
    tpu.enqueue_dma source(%dma_start3A_1185 : memref<512x512xf32, #tpu.memory_space<vmem>>) target(%dma_start3A_1182 : memref<512x512xf32, #tpu.memory_space<any>>) target_semaphore(%arg4 : memref<!tpu.dma_semaphore, #tpu.memory_space<semaphore_mem>>)
    %mul3A_1186 = arith.constant 2 : i32
    %mul3A_1187 = arith.muli %arg0, %mul3A_1186 : i32
    %add3A_1188 = arith.constant 16 : i32
    %add3A_1189 = arith.addi %add3A_1188, %mul3A_1187 : i32
    %add3A_1190 = arith.constant 1 : i32
    %add3A_1191 = arith.addi %add3A_1189, %add3A_1190 : i32
    %add3A_1192 = arith.constant 32 : i32
    %add3A_1193 = arith.addi %add3A_1191, %add3A_1192 : i32
    %multiple_of3A_1194 = arith.constant 456 : i32
    %multiple_of3A_1195 = tpu.assume_multiple %multiple_of3A_1194, 8 : i32
    %dma_start3A_1196 = arith.constant 1 : i32
    %dma_start3A_1197 = arith.constant 0 : i32
    %dma_start3A_1198 = arith.constant 0 : i32
    %dma_start3A_1199 = tpu.memref_slice %arg2[%add3A_1193, %dma_start3A_1197, %dma_start3A_1198] : memref<512x512x512xf32, #tpu.memory_space<any>> -> memref<1x512x512xf32, #tpu.memory_space<any>>
    %dma_start3A_1200 = tpu.memref_squeeze %dma_start3A_1199 : memref<1x512x512xf32, #tpu.memory_space<any>> -> memref<512x512xf32, #tpu.memory_space<any>>
    %dma_start3A_1201 = arith.constant 0 : i32
    %dma_start3A_1202 = tpu.memref_slice %arg3[%dma_start3A_1196, %multiple_of3A_1195, %dma_start3A_1201] : memref<2x1000x512xf32, #tpu.memory_space<vmem>> -> memref<1x512x512xf32, #tpu.memory_space<vmem>>
    %dma_start3A_1203 = tpu.memref_squeeze %dma_start3A_1202 : memref<1x512x512xf32, #tpu.memory_space<vmem>> -> memref<512x512xf32, #tpu.memory_space<vmem>>
    tpu.enqueue_dma source(%dma_start3A_1203 : memref<512x512xf32, #tpu.memory_space<vmem>>) target(%dma_start3A_1200 : memref<512x512xf32, #tpu.memory_space<any>>) target_semaphore(%arg4 : memref<!tpu.dma_semaphore, #tpu.memory_space<semaphore_mem>>)
    %mul3A_1204 = arith.constant 2 : i32
    %mul3A_1205 = arith.muli %arg0, %mul3A_1204 : i32
    %add3A_1206 = arith.constant 16 : i32
    %add3A_1207 = arith.addi %add3A_1206, %mul3A_1205 : i32
    %add3A_1208 = arith.constant 1 : i32
    %add3A_1209 = arith.addi %add3A_1207, %add3A_1208 : i32
    %add3A_1210 = arith.constant 40 : i32
    %add3A_1211 = arith.addi %add3A_1209, %add3A_1210 : i32
    %multiple_of3A_1212 = arith.constant 448 : i32
    %multiple_of3A_1213 = tpu.assume_multiple %multiple_of3A_1212, 8 : i32
    %dma_start3A_1214 = arith.constant 1 : i32
    %dma_start3A_1215 = arith.constant 0 : i32
    %dma_start3A_1216 = arith.constant 0 : i32
    %dma_start3A_1217 = tpu.memref_slice %arg2[%add3A_1211, %dma_start3A_1215, %dma_start3A_1216] : memref<512x512x512xf32, #tpu.memory_space<any>> -> memref<1x512x512xf32, #tpu.memory_space<any>>
    %dma_start3A_1218 = tpu.memref_squeeze %dma_start3A_1217 : memref<1x512x512xf32, #tpu.memory_space<any>> -> memref<512x512xf32, #tpu.memory_space<any>>
    %dma_start3A_1219 = arith.constant 0 : i32
    %dma_start3A_1220 = tpu.memref_slice %arg3[%dma_start3A_1214, %multiple_of3A_1213, %dma_start3A_1219] : memref<2x1000x512xf32, #tpu.memory_space<vmem>> -> memref<1x512x512xf32, #tpu.memory_space<vmem>>
    %dma_start3A_1221 = tpu.memref_squeeze %dma_start3A_1220 : memref<1x512x512xf32, #tpu.memory_space<vmem>> -> memref<512x512xf32, #tpu.memory_space<vmem>>
    tpu.enqueue_dma source(%dma_start3A_1221 : memref<512x512xf32, #tpu.memory_space<vmem>>) target(%dma_start3A_1218 : memref<512x512xf32, #tpu.memory_space<any>>) target_semaphore(%arg4 : memref<!tpu.dma_semaphore, #tpu.memory_space<semaphore_mem>>)
    %mul3A_1222 = arith.constant 2 : i32
    %mul3A_1223 = arith.muli %arg0, %mul3A_1222 : i32
    %add3A_1224 = arith.constant 16 : i32
    %add3A_1225 = arith.addi %add3A_1224, %mul3A_1223 : i32
    %add3A_1226 = arith.constant 1 : i32
    %add3A_1227 = arith.addi %add3A_1225, %add3A_1226 : i32
    %add3A_1228 = arith.constant 48 : i32
    %add3A_1229 = arith.addi %add3A_1227, %add3A_1228 : i32
    %multiple_of3A_1230 = arith.constant 440 : i32
    %multiple_of3A_1231 = tpu.assume_multiple %multiple_of3A_1230, 8 : i32
    %dma_start3A_1232 = arith.constant 1 : i32
    %dma_start3A_1233 = arith.constant 0 : i32
    %dma_start3A_1234 = arith.constant 0 : i32
    %dma_start3A_1235 = tpu.memref_slice %arg2[%add3A_1229, %dma_start3A_1233, %dma_start3A_1234] : memref<512x512x512xf32, #tpu.memory_space<any>> -> memref<1x512x512xf32, #tpu.memory_space<any>>
    %dma_start3A_1236 = tpu.memref_squeeze %dma_start3A_1235 : memref<1x512x512xf32, #tpu.memory_space<any>> -> memref<512x512xf32, #tpu.memory_space<any>>
    %dma_start3A_1237 = arith.constant 0 : i32
    %dma_start3A_1238 = tpu.memref_slice %arg3[%dma_start3A_1232, %multiple_of3A_1231, %dma_start3A_1237] : memref<2x1000x512xf32, #tpu.memory_space<vmem>> -> memref<1x512x512xf32, #tpu.memory_space<vmem>>
    %dma_start3A_1239 = tpu.memref_squeeze %dma_start3A_1238 : memref<1x512x512xf32, #tpu.memory_space<vmem>> -> memref<512x512xf32, #tpu.memory_space<vmem>>
    tpu.enqueue_dma source(%dma_start3A_1239 : memref<512x512xf32, #tpu.memory_space<vmem>>) target(%dma_start3A_1236 : memref<512x512xf32, #tpu.memory_space<any>>) target_semaphore(%arg4 : memref<!tpu.dma_semaphore, #tpu.memory_space<semaphore_mem>>)
    %mul3A_1240 = arith.constant 2 : i32
    %mul3A_1241 = arith.muli %arg0, %mul3A_1240 : i32
    %add3A_1242 = arith.constant 16 : i32
    %add3A_1243 = arith.addi %add3A_1242, %mul3A_1241 : i32
    %add3A_1244 = arith.constant 1 : i32
    %add3A_1245 = arith.addi %add3A_1243, %add3A_1244 : i32
    %add3A_1246 = arith.constant 56 : i32
    %add3A_1247 = arith.addi %add3A_1245, %add3A_1246 : i32
    %multiple_of3A_1248 = arith.constant 432 : i32
    %multiple_of3A_1249 = tpu.assume_multiple %multiple_of3A_1248, 8 : i32
    %dma_start3A_1250 = arith.constant 1 : i32
    %dma_start3A_1251 = arith.constant 0 : i32
    %dma_start3A_1252 = arith.constant 0 : i32
    %dma_start3A_1253 = tpu.memref_slice %arg2[%add3A_1247, %dma_start3A_1251, %dma_start3A_1252] : memref<512x512x512xf32, #tpu.memory_space<any>> -> memref<1x512x512xf32, #tpu.memory_space<any>>
    %dma_start3A_1254 = tpu.memref_squeeze %dma_start3A_1253 : memref<1x512x512xf32, #tpu.memory_space<any>> -> memref<512x512xf32, #tpu.memory_space<any>>
    %dma_start3A_1255 = arith.constant 0 : i32
    %dma_start3A_1256 = tpu.memref_slice %arg3[%dma_start3A_1250, %multiple_of3A_1249, %dma_start3A_1255] : memref<2x1000x512xf32, #tpu.memory_space<vmem>> -> memref<1x512x512xf32, #tpu.memory_space<vmem>>
    %dma_start3A_1257 = tpu.memref_squeeze %dma_start3A_1256 : memref<1x512x512xf32, #tpu.memory_space<vmem>> -> memref<512x512xf32, #tpu.memory_space<vmem>>
    tpu.enqueue_dma source(%dma_start3A_1257 : memref<512x512xf32, #tpu.memory_space<vmem>>) target(%dma_start3A_1254 : memref<512x512xf32, #tpu.memory_space<any>>) target_semaphore(%arg4 : memref<!tpu.dma_semaphore, #tpu.memory_space<semaphore_mem>>)
    %mul3A_1258 = arith.constant 2 : i32
    %mul3A_1259 = arith.muli %arg0, %mul3A_1258 : i32
    %add3A_1260 = arith.constant 16 : i32
    %add3A_1261 = arith.addi %add3A_1260, %mul3A_1259 : i32
    %add3A_1262 = arith.constant 1 : i32
    %add3A_1263 = arith.addi %add3A_1261, %add3A_1262 : i32
    %add3A_1264 = arith.constant 64 : i32
    %add3A_1265 = arith.addi %add3A_1263, %add3A_1264 : i32
    %multiple_of3A_1266 = arith.constant 424 : i32
    %multiple_of3A_1267 = tpu.assume_multiple %multiple_of3A_1266, 8 : i32
    %dma_start3A_1268 = arith.constant 1 : i32
    %dma_start3A_1269 = arith.constant 0 : i32
    %dma_start3A_1270 = arith.constant 0 : i32
    %dma_start3A_1271 = tpu.memref_slice %arg2[%add3A_1265, %dma_start3A_1269, %dma_start3A_1270] : memref<512x512x512xf32, #tpu.memory_space<any>> -> memref<1x512x512xf32, #tpu.memory_space<any>>
    %dma_start3A_1272 = tpu.memref_squeeze %dma_start3A_1271 : memref<1x512x512xf32, #tpu.memory_space<any>> -> memref<512x512xf32, #tpu.memory_space<any>>
    %dma_start3A_1273 = arith.constant 0 : i32
    %dma_start3A_1274 = tpu.memref_slice %arg3[%dma_start3A_1268, %multiple_of3A_1267, %dma_start3A_1273] : memref<2x1000x512xf32, #tpu.memory_space<vmem>> -> memref<1x512x512xf32, #tpu.memory_space<vmem>>
    %dma_start3A_1275 = tpu.memref_squeeze %dma_start3A_1274 : memref<1x512x512xf32, #tpu.memory_space<vmem>> -> memref<512x512xf32, #tpu.memory_space<vmem>>
    tpu.enqueue_dma source(%dma_start3A_1275 : memref<512x512xf32, #tpu.memory_space<vmem>>) target(%dma_start3A_1272 : memref<512x512xf32, #tpu.memory_space<any>>) target_semaphore(%arg4 : memref<!tpu.dma_semaphore, #tpu.memory_space<semaphore_mem>>)
    %mul3A_1276 = arith.constant 2 : i32
    %mul3A_1277 = arith.muli %arg0, %mul3A_1276 : i32
    %add3A_1278 = arith.constant 16 : i32
    %add3A_1279 = arith.addi %add3A_1278, %mul3A_1277 : i32
    %add3A_1280 = arith.constant 1 : i32
    %add3A_1281 = arith.addi %add3A_1279, %add3A_1280 : i32
    %add3A_1282 = arith.constant 72 : i32
    %add3A_1283 = arith.addi %add3A_1281, %add3A_1282 : i32
    %multiple_of3A_1284 = arith.constant 416 : i32
    %multiple_of3A_1285 = tpu.assume_multiple %multiple_of3A_1284, 8 : i32
    %dma_start3A_1286 = arith.constant 1 : i32
    %dma_start3A_1287 = arith.constant 0 : i32
    %dma_start3A_1288 = arith.constant 0 : i32
    %dma_start3A_1289 = tpu.memref_slice %arg2[%add3A_1283, %dma_start3A_1287, %dma_start3A_1288] : memref<512x512x512xf32, #tpu.memory_space<any>> -> memref<1x512x512xf32, #tpu.memory_space<any>>
    %dma_start3A_1290 = tpu.memref_squeeze %dma_start3A_1289 : memref<1x512x512xf32, #tpu.memory_space<any>> -> memref<512x512xf32, #tpu.memory_space<any>>
    %dma_start3A_1291 = arith.constant 0 : i32
    %dma_start3A_1292 = tpu.memref_slice %arg3[%dma_start3A_1286, %multiple_of3A_1285, %dma_start3A_1291] : memref<2x1000x512xf32, #tpu.memory_space<vmem>> -> memref<1x512x512xf32, #tpu.memory_space<vmem>>
    %dma_start3A_1293 = tpu.memref_squeeze %dma_start3A_1292 : memref<1x512x512xf32, #tpu.memory_space<vmem>> -> memref<512x512xf32, #tpu.memory_space<vmem>>
    tpu.enqueue_dma source(%dma_start3A_1293 : memref<512x512xf32, #tpu.memory_space<vmem>>) target(%dma_start3A_1290 : memref<512x512xf32, #tpu.memory_space<any>>) target_semaphore(%arg4 : memref<!tpu.dma_semaphore, #tpu.memory_space<semaphore_mem>>)
    %mul3A_1294 = arith.constant 2 : i32
    %mul3A_1295 = arith.muli %arg0, %mul3A_1294 : i32
    %add3A_1296 = arith.constant 16 : i32
    %add3A_1297 = arith.addi %add3A_1296, %mul3A_1295 : i32
    %add3A_1298 = arith.constant 1 : i32
    %add3A_1299 = arith.addi %add3A_1297, %add3A_1298 : i32
    %add3A_1300 = arith.constant 80 : i32
    %add3A_1301 = arith.addi %add3A_1299, %add3A_1300 : i32
    %multiple_of3A_1302 = arith.constant 408 : i32
    %multiple_of3A_1303 = tpu.assume_multiple %multiple_of3A_1302, 8 : i32
    %dma_start3A_1304 = arith.constant 1 : i32
    %dma_start3A_1305 = arith.constant 0 : i32
    %dma_start3A_1306 = arith.constant 0 : i32
    %dma_start3A_1307 = tpu.memref_slice %arg2[%add3A_1301, %dma_start3A_1305, %dma_start3A_1306] : memref<512x512x512xf32, #tpu.memory_space<any>> -> memref<1x512x512xf32, #tpu.memory_space<any>>
    %dma_start3A_1308 = tpu.memref_squeeze %dma_start3A_1307 : memref<1x512x512xf32, #tpu.memory_space<any>> -> memref<512x512xf32, #tpu.memory_space<any>>
    %dma_start3A_1309 = arith.constant 0 : i32
    %dma_start3A_1310 = tpu.memref_slice %arg3[%dma_start3A_1304, %multiple_of3A_1303, %dma_start3A_1309] : memref<2x1000x512xf32, #tpu.memory_space<vmem>> -> memref<1x512x512xf32, #tpu.memory_space<vmem>>
    %dma_start3A_1311 = tpu.memref_squeeze %dma_start3A_1310 : memref<1x512x512xf32, #tpu.memory_space<vmem>> -> memref<512x512xf32, #tpu.memory_space<vmem>>
    tpu.enqueue_dma source(%dma_start3A_1311 : memref<512x512xf32, #tpu.memory_space<vmem>>) target(%dma_start3A_1308 : memref<512x512xf32, #tpu.memory_space<any>>) target_semaphore(%arg4 : memref<!tpu.dma_semaphore, #tpu.memory_space<semaphore_mem>>)
    %mul3A_1312 = arith.constant 2 : i32
    %mul3A_1313 = arith.muli %arg0, %mul3A_1312 : i32
    %add3A_1314 = arith.constant 16 : i32
    %add3A_1315 = arith.addi %add3A_1314, %mul3A_1313 : i32
    %add3A_1316 = arith.constant 1 : i32
    %add3A_1317 = arith.addi %add3A_1315, %add3A_1316 : i32
    %add3A_1318 = arith.constant 88 : i32
    %add3A_1319 = arith.addi %add3A_1317, %add3A_1318 : i32
    %multiple_of3A_1320 = arith.constant 400 : i32
    %multiple_of3A_1321 = tpu.assume_multiple %multiple_of3A_1320, 8 : i32
    %dma_start3A_1322 = arith.constant 1 : i32
    %dma_start3A_1323 = arith.constant 0 : i32
    %dma_start3A_1324 = arith.constant 0 : i32
    %dma_start3A_1325 = tpu.memref_slice %arg2[%add3A_1319, %dma_start3A_1323, %dma_start3A_1324] : memref<512x512x512xf32, #tpu.memory_space<any>> -> memref<1x512x512xf32, #tpu.memory_space<any>>
    %dma_start3A_1326 = tpu.memref_squeeze %dma_start3A_1325 : memref<1x512x512xf32, #tpu.memory_space<any>> -> memref<512x512xf32, #tpu.memory_space<any>>
    %dma_start3A_1327 = arith.constant 0 : i32
    %dma_start3A_1328 = tpu.memref_slice %arg3[%dma_start3A_1322, %multiple_of3A_1321, %dma_start3A_1327] : memref<2x1000x512xf32, #tpu.memory_space<vmem>> -> memref<1x512x512xf32, #tpu.memory_space<vmem>>
    %dma_start3A_1329 = tpu.memref_squeeze %dma_start3A_1328 : memref<1x512x512xf32, #tpu.memory_space<vmem>> -> memref<512x512xf32, #tpu.memory_space<vmem>>
    tpu.enqueue_dma source(%dma_start3A_1329 : memref<512x512xf32, #tpu.memory_space<vmem>>) target(%dma_start3A_1326 : memref<512x512xf32, #tpu.memory_space<any>>) target_semaphore(%arg4 : memref<!tpu.dma_semaphore, #tpu.memory_space<semaphore_mem>>)
    %mul3A_1330 = arith.constant 2 : i32
    %mul3A_1331 = arith.muli %arg0, %mul3A_1330 : i32
    %add3A_1332 = arith.constant 16 : i32
    %add3A_1333 = arith.addi %add3A_1332, %mul3A_1331 : i32
    %add3A_1334 = arith.constant 1 : i32
    %add3A_1335 = arith.addi %add3A_1333, %add3A_1334 : i32
    %add3A_1336 = arith.constant 96 : i32
    %add3A_1337 = arith.addi %add3A_1335, %add3A_1336 : i32
    %multiple_of3A_1338 = arith.constant 392 : i32
    %multiple_of3A_1339 = tpu.assume_multiple %multiple_of3A_1338, 8 : i32
    %dma_start3A_1340 = arith.constant 1 : i32
    %dma_start3A_1341 = arith.constant 0 : i32
    %dma_start3A_1342 = arith.constant 0 : i32
    %dma_start3A_1343 = tpu.memref_slice %arg2[%add3A_1337, %dma_start3A_1341, %dma_start3A_1342] : memref<512x512x512xf32, #tpu.memory_space<any>> -> memref<1x512x512xf32, #tpu.memory_space<any>>
    %dma_start3A_1344 = tpu.memref_squeeze %dma_start3A_1343 : memref<1x512x512xf32, #tpu.memory_space<any>> -> memref<512x512xf32, #tpu.memory_space<any>>
    %dma_start3A_1345 = arith.constant 0 : i32
    %dma_start3A_1346 = tpu.memref_slice %arg3[%dma_start3A_1340, %multiple_of3A_1339, %dma_start3A_1345] : memref<2x1000x512xf32, #tpu.memory_space<vmem>> -> memref<1x512x512xf32, #tpu.memory_space<vmem>>
    %dma_start3A_1347 = tpu.memref_squeeze %dma_start3A_1346 : memref<1x512x512xf32, #tpu.memory_space<vmem>> -> memref<512x512xf32, #tpu.memory_space<vmem>>
    tpu.enqueue_dma source(%dma_start3A_1347 : memref<512x512xf32, #tpu.memory_space<vmem>>) target(%dma_start3A_1344 : memref<512x512xf32, #tpu.memory_space<any>>) target_semaphore(%arg4 : memref<!tpu.dma_semaphore, #tpu.memory_space<semaphore_mem>>)
    %mul3A_1348 = arith.constant 2 : i32
    %mul3A_1349 = arith.muli %arg0, %mul3A_1348 : i32
    %add3A_1350 = arith.constant 16 : i32
    %add3A_1351 = arith.addi %add3A_1350, %mul3A_1349 : i32
    %add3A_1352 = arith.constant 1 : i32
    %add3A_1353 = arith.addi %add3A_1351, %add3A_1352 : i32
    %add3A_1354 = arith.constant 104 : i32
    %add3A_1355 = arith.addi %add3A_1353, %add3A_1354 : i32
    %multiple_of3A_1356 = arith.constant 384 : i32
    %multiple_of3A_1357 = tpu.assume_multiple %multiple_of3A_1356, 8 : i32
    %dma_start3A_1358 = arith.constant 1 : i32
    %dma_start3A_1359 = arith.constant 0 : i32
    %dma_start3A_1360 = arith.constant 0 : i32
    %dma_start3A_1361 = tpu.memref_slice %arg2[%add3A_1355, %dma_start3A_1359, %dma_start3A_1360] : memref<512x512x512xf32, #tpu.memory_space<any>> -> memref<1x512x512xf32, #tpu.memory_space<any>>
    %dma_start3A_1362 = tpu.memref_squeeze %dma_start3A_1361 : memref<1x512x512xf32, #tpu.memory_space<any>> -> memref<512x512xf32, #tpu.memory_space<any>>
    %dma_start3A_1363 = arith.constant 0 : i32
    %dma_start3A_1364 = tpu.memref_slice %arg3[%dma_start3A_1358, %multiple_of3A_1357, %dma_start3A_1363] : memref<2x1000x512xf32, #tpu.memory_space<vmem>> -> memref<1x512x512xf32, #tpu.memory_space<vmem>>
    %dma_start3A_1365 = tpu.memref_squeeze %dma_start3A_1364 : memref<1x512x512xf32, #tpu.memory_space<vmem>> -> memref<512x512xf32, #tpu.memory_space<vmem>>
    tpu.enqueue_dma source(%dma_start3A_1365 : memref<512x512xf32, #tpu.memory_space<vmem>>) target(%dma_start3A_1362 : memref<512x512xf32, #tpu.memory_space<any>>) target_semaphore(%arg4 : memref<!tpu.dma_semaphore, #tpu.memory_space<semaphore_mem>>)
    %mul3A_1366 = arith.constant 2 : i32
    %mul3A_1367 = arith.muli %arg0, %mul3A_1366 : i32
    %add3A_1368 = arith.constant 16 : i32
    %add3A_1369 = arith.addi %add3A_1368, %mul3A_1367 : i32
    %add3A_1370 = arith.constant 1 : i32
    %add3A_1371 = arith.addi %add3A_1369, %add3A_1370 : i32
    %add3A_1372 = arith.constant 112 : i32
    %add3A_1373 = arith.addi %add3A_1371, %add3A_1372 : i32
    %multiple_of3A_1374 = arith.constant 376 : i32
    %multiple_of3A_1375 = tpu.assume_multiple %multiple_of3A_1374, 8 : i32
    %dma_start3A_1376 = arith.constant 1 : i32
    %dma_start3A_1377 = arith.constant 0 : i32
    %dma_start3A_1378 = arith.constant 0 : i32
    %dma_start3A_1379 = tpu.memref_slice %arg2[%add3A_1373, %dma_start3A_1377, %dma_start3A_1378] : memref<512x512x512xf32, #tpu.memory_space<any>> -> memref<1x512x512xf32, #tpu.memory_space<any>>
    %dma_start3A_1380 = tpu.memref_squeeze %dma_start3A_1379 : memref<1x512x512xf32, #tpu.memory_space<any>> -> memref<512x512xf32, #tpu.memory_space<any>>
    %dma_start3A_1381 = arith.constant 0 : i32
    %dma_start3A_1382 = tpu.memref_slice %arg3[%dma_start3A_1376, %multiple_of3A_1375, %dma_start3A_1381] : memref<2x1000x512xf32, #tpu.memory_space<vmem>> -> memref<1x512x512xf32, #tpu.memory_space<vmem>>
    %dma_start3A_1383 = tpu.memref_squeeze %dma_start3A_1382 : memref<1x512x512xf32, #tpu.memory_space<vmem>> -> memref<512x512xf32, #tpu.memory_space<vmem>>
    tpu.enqueue_dma source(%dma_start3A_1383 : memref<512x512xf32, #tpu.memory_space<vmem>>) target(%dma_start3A_1380 : memref<512x512xf32, #tpu.memory_space<any>>) target_semaphore(%arg4 : memref<!tpu.dma_semaphore, #tpu.memory_space<semaphore_mem>>)
    %mul3A_1384 = arith.constant 2 : i32
    %mul3A_1385 = arith.muli %arg0, %mul3A_1384 : i32
    %add3A_1386 = arith.constant 16 : i32
    %add3A_1387 = arith.addi %add3A_1386, %mul3A_1385 : i32
    %add3A_1388 = arith.constant 1 : i32
    %add3A_1389 = arith.addi %add3A_1387, %add3A_1388 : i32
    %add3A_1390 = arith.constant 120 : i32
    %add3A_1391 = arith.addi %add3A_1389, %add3A_1390 : i32
    %multiple_of3A_1392 = arith.constant 368 : i32
    %multiple_of3A_1393 = tpu.assume_multiple %multiple_of3A_1392, 8 : i32
    %dma_start3A_1394 = arith.constant 1 : i32
    %dma_start3A_1395 = arith.constant 0 : i32
    %dma_start3A_1396 = arith.constant 0 : i32
    %dma_start3A_1397 = tpu.memref_slice %arg2[%add3A_1391, %dma_start3A_1395, %dma_start3A_1396] : memref<512x512x512xf32, #tpu.memory_space<any>> -> memref<1x512x512xf32, #tpu.memory_space<any>>
    %dma_start3A_1398 = tpu.memref_squeeze %dma_start3A_1397 : memref<1x512x512xf32, #tpu.memory_space<any>> -> memref<512x512xf32, #tpu.memory_space<any>>
    %dma_start3A_1399 = arith.constant 0 : i32
    %dma_start3A_1400 = tpu.memref_slice %arg3[%dma_start3A_1394, %multiple_of3A_1393, %dma_start3A_1399] : memref<2x1000x512xf32, #tpu.memory_space<vmem>> -> memref<1x512x512xf32, #tpu.memory_space<vmem>>
    %dma_start3A_1401 = tpu.memref_squeeze %dma_start3A_1400 : memref<1x512x512xf32, #tpu.memory_space<vmem>> -> memref<512x512xf32, #tpu.memory_space<vmem>>
    tpu.enqueue_dma source(%dma_start3A_1401 : memref<512x512xf32, #tpu.memory_space<vmem>>) target(%dma_start3A_1398 : memref<512x512xf32, #tpu.memory_space<any>>) target_semaphore(%arg4 : memref<!tpu.dma_semaphore, #tpu.memory_space<semaphore_mem>>)
    %mul3A_1402 = arith.constant 2 : i32
    %mul3A_1403 = arith.muli %arg0, %mul3A_1402 : i32
    %add3A_1404 = arith.constant 16 : i32
    %add3A_1405 = arith.addi %add3A_1404, %mul3A_1403 : i32
    %add3A_1406 = arith.constant 1 : i32
    %add3A_1407 = arith.addi %add3A_1405, %add3A_1406 : i32
    %add3A_1408 = arith.constant 128 : i32
    %add3A_1409 = arith.addi %add3A_1407, %add3A_1408 : i32
    %multiple_of3A_1410 = arith.constant 360 : i32
    %multiple_of3A_1411 = tpu.assume_multiple %multiple_of3A_1410, 8 : i32
    %dma_start3A_1412 = arith.constant 1 : i32
    %dma_start3A_1413 = arith.constant 0 : i32
    %dma_start3A_1414 = arith.constant 0 : i32
    %dma_start3A_1415 = tpu.memref_slice %arg2[%add3A_1409, %dma_start3A_1413, %dma_start3A_1414] : memref<512x512x512xf32, #tpu.memory_space<any>> -> memref<1x512x512xf32, #tpu.memory_space<any>>
    %dma_start3A_1416 = tpu.memref_squeeze %dma_start3A_1415 : memref<1x512x512xf32, #tpu.memory_space<any>> -> memref<512x512xf32, #tpu.memory_space<any>>
    %dma_start3A_1417 = arith.constant 0 : i32
    %dma_start3A_1418 = tpu.memref_slice %arg3[%dma_start3A_1412, %multiple_of3A_1411, %dma_start3A_1417] : memref<2x1000x512xf32, #tpu.memory_space<vmem>> -> memref<1x512x512xf32, #tpu.memory_space<vmem>>
    %dma_start3A_1419 = tpu.memref_squeeze %dma_start3A_1418 : memref<1x512x512xf32, #tpu.memory_space<vmem>> -> memref<512x512xf32, #tpu.memory_space<vmem>>
    tpu.enqueue_dma source(%dma_start3A_1419 : memref<512x512xf32, #tpu.memory_space<vmem>>) target(%dma_start3A_1416 : memref<512x512xf32, #tpu.memory_space<any>>) target_semaphore(%arg4 : memref<!tpu.dma_semaphore, #tpu.memory_space<semaphore_mem>>)
    %mul3A_1420 = arith.constant 2 : i32
    %mul3A_1421 = arith.muli %arg0, %mul3A_1420 : i32
    %add3A_1422 = arith.constant 16 : i32
    %add3A_1423 = arith.addi %add3A_1422, %mul3A_1421 : i32
    %add3A_1424 = arith.constant 1 : i32
    %add3A_1425 = arith.addi %add3A_1423, %add3A_1424 : i32
    %add3A_1426 = arith.constant 136 : i32
    %add3A_1427 = arith.addi %add3A_1425, %add3A_1426 : i32
    %multiple_of3A_1428 = arith.constant 352 : i32
    %multiple_of3A_1429 = tpu.assume_multiple %multiple_of3A_1428, 8 : i32
    %dma_start3A_1430 = arith.constant 1 : i32
    %dma_start3A_1431 = arith.constant 0 : i32
    %dma_start3A_1432 = arith.constant 0 : i32
    %dma_start3A_1433 = tpu.memref_slice %arg2[%add3A_1427, %dma_start3A_1431, %dma_start3A_1432] : memref<512x512x512xf32, #tpu.memory_space<any>> -> memref<1x512x512xf32, #tpu.memory_space<any>>
    %dma_start3A_1434 = tpu.memref_squeeze %dma_start3A_1433 : memref<1x512x512xf32, #tpu.memory_space<any>> -> memref<512x512xf32, #tpu.memory_space<any>>
    %dma_start3A_1435 = arith.constant 0 : i32
    %dma_start3A_1436 = tpu.memref_slice %arg3[%dma_start3A_1430, %multiple_of3A_1429, %dma_start3A_1435] : memref<2x1000x512xf32, #tpu.memory_space<vmem>> -> memref<1x512x512xf32, #tpu.memory_space<vmem>>
    %dma_start3A_1437 = tpu.memref_squeeze %dma_start3A_1436 : memref<1x512x512xf32, #tpu.memory_space<vmem>> -> memref<512x512xf32, #tpu.memory_space<vmem>>
    tpu.enqueue_dma source(%dma_start3A_1437 : memref<512x512xf32, #tpu.memory_space<vmem>>) target(%dma_start3A_1434 : memref<512x512xf32, #tpu.memory_space<any>>) target_semaphore(%arg4 : memref<!tpu.dma_semaphore, #tpu.memory_space<semaphore_mem>>)
    %mul3A_1438 = arith.constant 2 : i32
    %mul3A_1439 = arith.muli %arg0, %mul3A_1438 : i32
    %add3A_1440 = arith.constant 16 : i32
    %add3A_1441 = arith.addi %add3A_1440, %mul3A_1439 : i32
    %add3A_1442 = arith.constant 1 : i32
    %add3A_1443 = arith.addi %add3A_1441, %add3A_1442 : i32
    %add3A_1444 = arith.constant 144 : i32
    %add3A_1445 = arith.addi %add3A_1443, %add3A_1444 : i32
    %multiple_of3A_1446 = arith.constant 344 : i32
    %multiple_of3A_1447 = tpu.assume_multiple %multiple_of3A_1446, 8 : i32
    %dma_start3A_1448 = arith.constant 1 : i32
    %dma_start3A_1449 = arith.constant 0 : i32
    %dma_start3A_1450 = arith.constant 0 : i32
    %dma_start3A_1451 = tpu.memref_slice %arg2[%add3A_1445, %dma_start3A_1449, %dma_start3A_1450] : memref<512x512x512xf32, #tpu.memory_space<any>> -> memref<1x512x512xf32, #tpu.memory_space<any>>
    %dma_start3A_1452 = tpu.memref_squeeze %dma_start3A_1451 : memref<1x512x512xf32, #tpu.memory_space<any>> -> memref<512x512xf32, #tpu.memory_space<any>>
    %dma_start3A_1453 = arith.constant 0 : i32
    %dma_start3A_1454 = tpu.memref_slice %arg3[%dma_start3A_1448, %multiple_of3A_1447, %dma_start3A_1453] : memref<2x1000x512xf32, #tpu.memory_space<vmem>> -> memref<1x512x512xf32, #tpu.memory_space<vmem>>
    %dma_start3A_1455 = tpu.memref_squeeze %dma_start3A_1454 : memref<1x512x512xf32, #tpu.memory_space<vmem>> -> memref<512x512xf32, #tpu.memory_space<vmem>>
    tpu.enqueue_dma source(%dma_start3A_1455 : memref<512x512xf32, #tpu.memory_space<vmem>>) target(%dma_start3A_1452 : memref<512x512xf32, #tpu.memory_space<any>>) target_semaphore(%arg4 : memref<!tpu.dma_semaphore, #tpu.memory_space<semaphore_mem>>)
    %mul3A_1456 = arith.constant 2 : i32
    %mul3A_1457 = arith.muli %arg0, %mul3A_1456 : i32
    %add3A_1458 = arith.constant 16 : i32
    %add3A_1459 = arith.addi %add3A_1458, %mul3A_1457 : i32
    %add3A_1460 = arith.constant 1 : i32
    %add3A_1461 = arith.addi %add3A_1459, %add3A_1460 : i32
    %add3A_1462 = arith.constant 152 : i32
    %add3A_1463 = arith.addi %add3A_1461, %add3A_1462 : i32
    %multiple_of3A_1464 = arith.constant 336 : i32
    %multiple_of3A_1465 = tpu.assume_multiple %multiple_of3A_1464, 8 : i32
    %dma_start3A_1466 = arith.constant 1 : i32
    %dma_start3A_1467 = arith.constant 0 : i32
    %dma_start3A_1468 = arith.constant 0 : i32
    %dma_start3A_1469 = tpu.memref_slice %arg2[%add3A_1463, %dma_start3A_1467, %dma_start3A_1468] : memref<512x512x512xf32, #tpu.memory_space<any>> -> memref<1x512x512xf32, #tpu.memory_space<any>>
    %dma_start3A_1470 = tpu.memref_squeeze %dma_start3A_1469 : memref<1x512x512xf32, #tpu.memory_space<any>> -> memref<512x512xf32, #tpu.memory_space<any>>
    %dma_start3A_1471 = arith.constant 0 : i32
    %dma_start3A_1472 = tpu.memref_slice %arg3[%dma_start3A_1466, %multiple_of3A_1465, %dma_start3A_1471] : memref<2x1000x512xf32, #tpu.memory_space<vmem>> -> memref<1x512x512xf32, #tpu.memory_space<vmem>>
    %dma_start3A_1473 = tpu.memref_squeeze %dma_start3A_1472 : memref<1x512x512xf32, #tpu.memory_space<vmem>> -> memref<512x512xf32, #tpu.memory_space<vmem>>
    tpu.enqueue_dma source(%dma_start3A_1473 : memref<512x512xf32, #tpu.memory_space<vmem>>) target(%dma_start3A_1470 : memref<512x512xf32, #tpu.memory_space<any>>) target_semaphore(%arg4 : memref<!tpu.dma_semaphore, #tpu.memory_space<semaphore_mem>>)
    %mul3A_1474 = arith.constant 2 : i32
    %mul3A_1475 = arith.muli %arg0, %mul3A_1474 : i32
    %add3A_1476 = arith.constant 16 : i32
    %add3A_1477 = arith.addi %add3A_1476, %mul3A_1475 : i32
    %add3A_1478 = arith.constant 1 : i32
    %add3A_1479 = arith.addi %add3A_1477, %add3A_1478 : i32
    %add3A_1480 = arith.constant 160 : i32
    %add3A_1481 = arith.addi %add3A_1479, %add3A_1480 : i32
    %multiple_of3A_1482 = arith.constant 328 : i32
    %multiple_of3A_1483 = tpu.assume_multiple %multiple_of3A_1482, 8 : i32
    %dma_start3A_1484 = arith.constant 1 : i32
    %dma_start3A_1485 = arith.constant 0 : i32
    %dma_start3A_1486 = arith.constant 0 : i32
    %dma_start3A_1487 = tpu.memref_slice %arg2[%add3A_1481, %dma_start3A_1485, %dma_start3A_1486] : memref<512x512x512xf32, #tpu.memory_space<any>> -> memref<1x512x512xf32, #tpu.memory_space<any>>
    %dma_start3A_1488 = tpu.memref_squeeze %dma_start3A_1487 : memref<1x512x512xf32, #tpu.memory_space<any>> -> memref<512x512xf32, #tpu.memory_space<any>>
    %dma_start3A_1489 = arith.constant 0 : i32
    %dma_start3A_1490 = tpu.memref_slice %arg3[%dma_start3A_1484, %multiple_of3A_1483, %dma_start3A_1489] : memref<2x1000x512xf32, #tpu.memory_space<vmem>> -> memref<1x512x512xf32, #tpu.memory_space<vmem>>
    %dma_start3A_1491 = tpu.memref_squeeze %dma_start3A_1490 : memref<1x512x512xf32, #tpu.memory_space<vmem>> -> memref<512x512xf32, #tpu.memory_space<vmem>>
    tpu.enqueue_dma source(%dma_start3A_1491 : memref<512x512xf32, #tpu.memory_space<vmem>>) target(%dma_start3A_1488 : memref<512x512xf32, #tpu.memory_space<any>>) target_semaphore(%arg4 : memref<!tpu.dma_semaphore, #tpu.memory_space<semaphore_mem>>)
    %mul3A_1492 = arith.constant 2 : i32
    %mul3A_1493 = arith.muli %arg0, %mul3A_1492 : i32
    %add3A_1494 = arith.constant 16 : i32
    %add3A_1495 = arith.addi %add3A_1494, %mul3A_1493 : i32
    %add3A_1496 = arith.constant 1 : i32
    %add3A_1497 = arith.addi %add3A_1495, %add3A_1496 : i32
    %add3A_1498 = arith.constant 168 : i32
    %add3A_1499 = arith.addi %add3A_1497, %add3A_1498 : i32
    %multiple_of3A_1500 = arith.constant 320 : i32
    %multiple_of3A_1501 = tpu.assume_multiple %multiple_of3A_1500, 8 : i32
    %dma_start3A_1502 = arith.constant 1 : i32
    %dma_start3A_1503 = arith.constant 0 : i32
    %dma_start3A_1504 = arith.constant 0 : i32
    %dma_start3A_1505 = tpu.memref_slice %arg2[%add3A_1499, %dma_start3A_1503, %dma_start3A_1504] : memref<512x512x512xf32, #tpu.memory_space<any>> -> memref<1x512x512xf32, #tpu.memory_space<any>>
    %dma_start3A_1506 = tpu.memref_squeeze %dma_start3A_1505 : memref<1x512x512xf32, #tpu.memory_space<any>> -> memref<512x512xf32, #tpu.memory_space<any>>
    %dma_start3A_1507 = arith.constant 0 : i32
    %dma_start3A_1508 = tpu.memref_slice %arg3[%dma_start3A_1502, %multiple_of3A_1501, %dma_start3A_1507] : memref<2x1000x512xf32, #tpu.memory_space<vmem>> -> memref<1x512x512xf32, #tpu.memory_space<vmem>>
    %dma_start3A_1509 = tpu.memref_squeeze %dma_start3A_1508 : memref<1x512x512xf32, #tpu.memory_space<vmem>> -> memref<512x512xf32, #tpu.memory_space<vmem>>
    tpu.enqueue_dma source(%dma_start3A_1509 : memref<512x512xf32, #tpu.memory_space<vmem>>) target(%dma_start3A_1506 : memref<512x512xf32, #tpu.memory_space<any>>) target_semaphore(%arg4 : memref<!tpu.dma_semaphore, #tpu.memory_space<semaphore_mem>>)
    %mul3A_1510 = arith.constant 2 : i32
    %mul3A_1511 = arith.muli %arg0, %mul3A_1510 : i32
    %add3A_1512 = arith.constant 16 : i32
    %add3A_1513 = arith.addi %add3A_1512, %mul3A_1511 : i32
    %add3A_1514 = arith.constant 1 : i32
    %add3A_1515 = arith.addi %add3A_1513, %add3A_1514 : i32
    %add3A_1516 = arith.constant 176 : i32
    %add3A_1517 = arith.addi %add3A_1515, %add3A_1516 : i32
    %multiple_of3A_1518 = arith.constant 312 : i32
    %multiple_of3A_1519 = tpu.assume_multiple %multiple_of3A_1518, 8 : i32
    %dma_start3A_1520 = arith.constant 1 : i32
    %dma_start3A_1521 = arith.constant 0 : i32
    %dma_start3A_1522 = arith.constant 0 : i32
    %dma_start3A_1523 = tpu.memref_slice %arg2[%add3A_1517, %dma_start3A_1521, %dma_start3A_1522] : memref<512x512x512xf32, #tpu.memory_space<any>> -> memref<1x512x512xf32, #tpu.memory_space<any>>
    %dma_start3A_1524 = tpu.memref_squeeze %dma_start3A_1523 : memref<1x512x512xf32, #tpu.memory_space<any>> -> memref<512x512xf32, #tpu.memory_space<any>>
    %dma_start3A_1525 = arith.constant 0 : i32
    %dma_start3A_1526 = tpu.memref_slice %arg3[%dma_start3A_1520, %multiple_of3A_1519, %dma_start3A_1525] : memref<2x1000x512xf32, #tpu.memory_space<vmem>> -> memref<1x512x512xf32, #tpu.memory_space<vmem>>
    %dma_start3A_1527 = tpu.memref_squeeze %dma_start3A_1526 : memref<1x512x512xf32, #tpu.memory_space<vmem>> -> memref<512x512xf32, #tpu.memory_space<vmem>>
    tpu.enqueue_dma source(%dma_start3A_1527 : memref<512x512xf32, #tpu.memory_space<vmem>>) target(%dma_start3A_1524 : memref<512x512xf32, #tpu.memory_space<any>>) target_semaphore(%arg4 : memref<!tpu.dma_semaphore, #tpu.memory_space<semaphore_mem>>)
    %mul3A_1528 = arith.constant 2 : i32
    %mul3A_1529 = arith.muli %arg0, %mul3A_1528 : i32
    %add3A_1530 = arith.constant 16 : i32
    %add3A_1531 = arith.addi %add3A_1530, %mul3A_1529 : i32
    %add3A_1532 = arith.constant 1 : i32
    %add3A_1533 = arith.addi %add3A_1531, %add3A_1532 : i32
    %add3A_1534 = arith.constant 184 : i32
    %add3A_1535 = arith.addi %add3A_1533, %add3A_1534 : i32
    %multiple_of3A_1536 = arith.constant 304 : i32
    %multiple_of3A_1537 = tpu.assume_multiple %multiple_of3A_1536, 8 : i32
    %dma_start3A_1538 = arith.constant 1 : i32
    %dma_start3A_1539 = arith.constant 0 : i32
    %dma_start3A_1540 = arith.constant 0 : i32
    %dma_start3A_1541 = tpu.memref_slice %arg2[%add3A_1535, %dma_start3A_1539, %dma_start3A_1540] : memref<512x512x512xf32, #tpu.memory_space<any>> -> memref<1x512x512xf32, #tpu.memory_space<any>>
    %dma_start3A_1542 = tpu.memref_squeeze %dma_start3A_1541 : memref<1x512x512xf32, #tpu.memory_space<any>> -> memref<512x512xf32, #tpu.memory_space<any>>
    %dma_start3A_1543 = arith.constant 0 : i32
    %dma_start3A_1544 = tpu.memref_slice %arg3[%dma_start3A_1538, %multiple_of3A_1537, %dma_start3A_1543] : memref<2x1000x512xf32, #tpu.memory_space<vmem>> -> memref<1x512x512xf32, #tpu.memory_space<vmem>>
    %dma_start3A_1545 = tpu.memref_squeeze %dma_start3A_1544 : memref<1x512x512xf32, #tpu.memory_space<vmem>> -> memref<512x512xf32, #tpu.memory_space<vmem>>
    tpu.enqueue_dma source(%dma_start3A_1545 : memref<512x512xf32, #tpu.memory_space<vmem>>) target(%dma_start3A_1542 : memref<512x512xf32, #tpu.memory_space<any>>) target_semaphore(%arg4 : memref<!tpu.dma_semaphore, #tpu.memory_space<semaphore_mem>>)
    %mul3A_1546 = arith.constant 2 : i32
    %mul3A_1547 = arith.muli %arg0, %mul3A_1546 : i32
    %add3A_1548 = arith.constant 16 : i32
    %add3A_1549 = arith.addi %add3A_1548, %mul3A_1547 : i32
    %add3A_1550 = arith.constant 1 : i32
    %add3A_1551 = arith.addi %add3A_1549, %add3A_1550 : i32
    %add3A_1552 = arith.constant 192 : i32
    %add3A_1553 = arith.addi %add3A_1551, %add3A_1552 : i32
    %multiple_of3A_1554 = arith.constant 296 : i32
    %multiple_of3A_1555 = tpu.assume_multiple %multiple_of3A_1554, 8 : i32
    %dma_start3A_1556 = arith.constant 1 : i32
    %dma_start3A_1557 = arith.constant 0 : i32
    %dma_start3A_1558 = arith.constant 0 : i32
    %dma_start3A_1559 = tpu.memref_slice %arg2[%add3A_1553, %dma_start3A_1557, %dma_start3A_1558] : memref<512x512x512xf32, #tpu.memory_space<any>> -> memref<1x512x512xf32, #tpu.memory_space<any>>
    %dma_start3A_1560 = tpu.memref_squeeze %dma_start3A_1559 : memref<1x512x512xf32, #tpu.memory_space<any>> -> memref<512x512xf32, #tpu.memory_space<any>>
    %dma_start3A_1561 = arith.constant 0 : i32
    %dma_start3A_1562 = tpu.memref_slice %arg3[%dma_start3A_1556, %multiple_of3A_1555, %dma_start3A_1561] : memref<2x1000x512xf32, #tpu.memory_space<vmem>> -> memref<1x512x512xf32, #tpu.memory_space<vmem>>
    %dma_start3A_1563 = tpu.memref_squeeze %dma_start3A_1562 : memref<1x512x512xf32, #tpu.memory_space<vmem>> -> memref<512x512xf32, #tpu.memory_space<vmem>>
    tpu.enqueue_dma source(%dma_start3A_1563 : memref<512x512xf32, #tpu.memory_space<vmem>>) target(%dma_start3A_1560 : memref<512x512xf32, #tpu.memory_space<any>>) target_semaphore(%arg4 : memref<!tpu.dma_semaphore, #tpu.memory_space<semaphore_mem>>)
    %mul3A_1564 = arith.constant 2 : i32
    %mul3A_1565 = arith.muli %arg0, %mul3A_1564 : i32
    %add3A_1566 = arith.constant 16 : i32
    %add3A_1567 = arith.addi %add3A_1566, %mul3A_1565 : i32
    %add3A_1568 = arith.constant 1 : i32
    %add3A_1569 = arith.addi %add3A_1567, %add3A_1568 : i32
    %add3A_1570 = arith.constant 200 : i32
    %add3A_1571 = arith.addi %add3A_1569, %add3A_1570 : i32
    %multiple_of3A_1572 = arith.constant 288 : i32
    %multiple_of3A_1573 = tpu.assume_multiple %multiple_of3A_1572, 8 : i32
    %dma_start3A_1574 = arith.constant 1 : i32
    %dma_start3A_1575 = arith.constant 0 : i32
    %dma_start3A_1576 = arith.constant 0 : i32
    %dma_start3A_1577 = tpu.memref_slice %arg2[%add3A_1571, %dma_start3A_1575, %dma_start3A_1576] : memref<512x512x512xf32, #tpu.memory_space<any>> -> memref<1x512x512xf32, #tpu.memory_space<any>>
    %dma_start3A_1578 = tpu.memref_squeeze %dma_start3A_1577 : memref<1x512x512xf32, #tpu.memory_space<any>> -> memref<512x512xf32, #tpu.memory_space<any>>
    %dma_start3A_1579 = arith.constant 0 : i32
    %dma_start3A_1580 = tpu.memref_slice %arg3[%dma_start3A_1574, %multiple_of3A_1573, %dma_start3A_1579] : memref<2x1000x512xf32, #tpu.memory_space<vmem>> -> memref<1x512x512xf32, #tpu.memory_space<vmem>>
    %dma_start3A_1581 = tpu.memref_squeeze %dma_start3A_1580 : memref<1x512x512xf32, #tpu.memory_space<vmem>> -> memref<512x512xf32, #tpu.memory_space<vmem>>
    tpu.enqueue_dma source(%dma_start3A_1581 : memref<512x512xf32, #tpu.memory_space<vmem>>) target(%dma_start3A_1578 : memref<512x512xf32, #tpu.memory_space<any>>) target_semaphore(%arg4 : memref<!tpu.dma_semaphore, #tpu.memory_space<semaphore_mem>>)
    %mul3A_1582 = arith.constant 2 : i32
    %mul3A_1583 = arith.muli %arg0, %mul3A_1582 : i32
    %add3A_1584 = arith.constant 16 : i32
    %add3A_1585 = arith.addi %add3A_1584, %mul3A_1583 : i32
    %add3A_1586 = arith.constant 1 : i32
    %add3A_1587 = arith.addi %add3A_1585, %add3A_1586 : i32
    %add3A_1588 = arith.constant 208 : i32
    %add3A_1589 = arith.addi %add3A_1587, %add3A_1588 : i32
    %multiple_of3A_1590 = arith.constant 280 : i32
    %multiple_of3A_1591 = tpu.assume_multiple %multiple_of3A_1590, 8 : i32
    %dma_start3A_1592 = arith.constant 1 : i32
    %dma_start3A_1593 = arith.constant 0 : i32
    %dma_start3A_1594 = arith.constant 0 : i32
    %dma_start3A_1595 = tpu.memref_slice %arg2[%add3A_1589, %dma_start3A_1593, %dma_start3A_1594] : memref<512x512x512xf32, #tpu.memory_space<any>> -> memref<1x512x512xf32, #tpu.memory_space<any>>
    %dma_start3A_1596 = tpu.memref_squeeze %dma_start3A_1595 : memref<1x512x512xf32, #tpu.memory_space<any>> -> memref<512x512xf32, #tpu.memory_space<any>>
    %dma_start3A_1597 = arith.constant 0 : i32
    %dma_start3A_1598 = tpu.memref_slice %arg3[%dma_start3A_1592, %multiple_of3A_1591, %dma_start3A_1597] : memref<2x1000x512xf32, #tpu.memory_space<vmem>> -> memref<1x512x512xf32, #tpu.memory_space<vmem>>
    %dma_start3A_1599 = tpu.memref_squeeze %dma_start3A_1598 : memref<1x512x512xf32, #tpu.memory_space<vmem>> -> memref<512x512xf32, #tpu.memory_space<vmem>>
    tpu.enqueue_dma source(%dma_start3A_1599 : memref<512x512xf32, #tpu.memory_space<vmem>>) target(%dma_start3A_1596 : memref<512x512xf32, #tpu.memory_space<any>>) target_semaphore(%arg4 : memref<!tpu.dma_semaphore, #tpu.memory_space<semaphore_mem>>)
    %mul3A_1600 = arith.constant 2 : i32
    %mul3A_1601 = arith.muli %arg0, %mul3A_1600 : i32
    %add3A_1602 = arith.constant 16 : i32
    %add3A_1603 = arith.addi %add3A_1602, %mul3A_1601 : i32
    %add3A_1604 = arith.constant 1 : i32
    %add3A_1605 = arith.addi %add3A_1603, %add3A_1604 : i32
    %add3A_1606 = arith.constant 216 : i32
    %add3A_1607 = arith.addi %add3A_1605, %add3A_1606 : i32
    %multiple_of3A_1608 = arith.constant 272 : i32
    %multiple_of3A_1609 = tpu.assume_multiple %multiple_of3A_1608, 8 : i32
    %dma_start3A_1610 = arith.constant 1 : i32
    %dma_start3A_1611 = arith.constant 0 : i32
    %dma_start3A_1612 = arith.constant 0 : i32
    %dma_start3A_1613 = tpu.memref_slice %arg2[%add3A_1607, %dma_start3A_1611, %dma_start3A_1612] : memref<512x512x512xf32, #tpu.memory_space<any>> -> memref<1x512x512xf32, #tpu.memory_space<any>>
    %dma_start3A_1614 = tpu.memref_squeeze %dma_start3A_1613 : memref<1x512x512xf32, #tpu.memory_space<any>> -> memref<512x512xf32, #tpu.memory_space<any>>
    %dma_start3A_1615 = arith.constant 0 : i32
    %dma_start3A_1616 = tpu.memref_slice %arg3[%dma_start3A_1610, %multiple_of3A_1609, %dma_start3A_1615] : memref<2x1000x512xf32, #tpu.memory_space<vmem>> -> memref<1x512x512xf32, #tpu.memory_space<vmem>>
    %dma_start3A_1617 = tpu.memref_squeeze %dma_start3A_1616 : memref<1x512x512xf32, #tpu.memory_space<vmem>> -> memref<512x512xf32, #tpu.memory_space<vmem>>
    tpu.enqueue_dma source(%dma_start3A_1617 : memref<512x512xf32, #tpu.memory_space<vmem>>) target(%dma_start3A_1614 : memref<512x512xf32, #tpu.memory_space<any>>) target_semaphore(%arg4 : memref<!tpu.dma_semaphore, #tpu.memory_space<semaphore_mem>>)
    %mul3A_1618 = arith.constant 2 : i32
    %mul3A_1619 = arith.muli %arg0, %mul3A_1618 : i32
    %add3A_1620 = arith.constant 16 : i32
    %add3A_1621 = arith.addi %add3A_1620, %mul3A_1619 : i32
    %add3A_1622 = arith.constant 1 : i32
    %add3A_1623 = arith.addi %add3A_1621, %add3A_1622 : i32
    %add3A_1624 = arith.constant 224 : i32
    %add3A_1625 = arith.addi %add3A_1623, %add3A_1624 : i32
    %multiple_of3A_1626 = arith.constant 264 : i32
    %multiple_of3A_1627 = tpu.assume_multiple %multiple_of3A_1626, 8 : i32
    %dma_start3A_1628 = arith.constant 1 : i32
    %dma_start3A_1629 = arith.constant 0 : i32
    %dma_start3A_1630 = arith.constant 0 : i32
    %dma_start3A_1631 = tpu.memref_slice %arg2[%add3A_1625, %dma_start3A_1629, %dma_start3A_1630] : memref<512x512x512xf32, #tpu.memory_space<any>> -> memref<1x512x512xf32, #tpu.memory_space<any>>
    %dma_start3A_1632 = tpu.memref_squeeze %dma_start3A_1631 : memref<1x512x512xf32, #tpu.memory_space<any>> -> memref<512x512xf32, #tpu.memory_space<any>>
    %dma_start3A_1633 = arith.constant 0 : i32
    %dma_start3A_1634 = tpu.memref_slice %arg3[%dma_start3A_1628, %multiple_of3A_1627, %dma_start3A_1633] : memref<2x1000x512xf32, #tpu.memory_space<vmem>> -> memref<1x512x512xf32, #tpu.memory_space<vmem>>
    %dma_start3A_1635 = tpu.memref_squeeze %dma_start3A_1634 : memref<1x512x512xf32, #tpu.memory_space<vmem>> -> memref<512x512xf32, #tpu.memory_space<vmem>>
    tpu.enqueue_dma source(%dma_start3A_1635 : memref<512x512xf32, #tpu.memory_space<vmem>>) target(%dma_start3A_1632 : memref<512x512xf32, #tpu.memory_space<any>>) target_semaphore(%arg4 : memref<!tpu.dma_semaphore, #tpu.memory_space<semaphore_mem>>)
    %mul3A_1636 = arith.constant 2 : i32
    %mul3A_1637 = arith.muli %arg0, %mul3A_1636 : i32
    %add3A_1638 = arith.constant 16 : i32
    %add3A_1639 = arith.addi %add3A_1638, %mul3A_1637 : i32
    %add3A_1640 = arith.constant 1 : i32
    %add3A_1641 = arith.addi %add3A_1639, %add3A_1640 : i32
    %add3A_1642 = arith.constant 232 : i32
    %add3A_1643 = arith.addi %add3A_1641, %add3A_1642 : i32
    %multiple_of3A_1644 = arith.constant 256 : i32
    %multiple_of3A_1645 = tpu.assume_multiple %multiple_of3A_1644, 8 : i32
    %dma_start3A_1646 = arith.constant 1 : i32
    %dma_start3A_1647 = arith.constant 0 : i32
    %dma_start3A_1648 = arith.constant 0 : i32
    %dma_start3A_1649 = tpu.memref_slice %arg2[%add3A_1643, %dma_start3A_1647, %dma_start3A_1648] : memref<512x512x512xf32, #tpu.memory_space<any>> -> memref<1x512x512xf32, #tpu.memory_space<any>>
    %dma_start3A_1650 = tpu.memref_squeeze %dma_start3A_1649 : memref<1x512x512xf32, #tpu.memory_space<any>> -> memref<512x512xf32, #tpu.memory_space<any>>
    %dma_start3A_1651 = arith.constant 0 : i32
    %dma_start3A_1652 = tpu.memref_slice %arg3[%dma_start3A_1646, %multiple_of3A_1645, %dma_start3A_1651] : memref<2x1000x512xf32, #tpu.memory_space<vmem>> -> memref<1x512x512xf32, #tpu.memory_space<vmem>>
    %dma_start3A_1653 = tpu.memref_squeeze %dma_start3A_1652 : memref<1x512x512xf32, #tpu.memory_space<vmem>> -> memref<512x512xf32, #tpu.memory_space<vmem>>
    tpu.enqueue_dma source(%dma_start3A_1653 : memref<512x512xf32, #tpu.memory_space<vmem>>) target(%dma_start3A_1650 : memref<512x512xf32, #tpu.memory_space<any>>) target_semaphore(%arg4 : memref<!tpu.dma_semaphore, #tpu.memory_space<semaphore_mem>>)
    %mul3A_1654 = arith.constant 2 : i32
    %mul3A_1655 = arith.muli %arg0, %mul3A_1654 : i32
    %add3A_1656 = arith.constant 16 : i32
    %add3A_1657 = arith.addi %add3A_1656, %mul3A_1655 : i32
    %add3A_1658 = arith.constant 1 : i32
    %add3A_1659 = arith.addi %add3A_1657, %add3A_1658 : i32
    %add3A_1660 = arith.constant 240 : i32
    %add3A_1661 = arith.addi %add3A_1659, %add3A_1660 : i32
    %multiple_of3A_1662 = arith.constant 248 : i32
    %multiple_of3A_1663 = tpu.assume_multiple %multiple_of3A_1662, 8 : i32
    %dma_start3A_1664 = arith.constant 1 : i32
    %dma_start3A_1665 = arith.constant 0 : i32
    %dma_start3A_1666 = arith.constant 0 : i32
    %dma_start3A_1667 = tpu.memref_slice %arg2[%add3A_1661, %dma_start3A_1665, %dma_start3A_1666] : memref<512x512x512xf32, #tpu.memory_space<any>> -> memref<1x512x512xf32, #tpu.memory_space<any>>
    %dma_start3A_1668 = tpu.memref_squeeze %dma_start3A_1667 : memref<1x512x512xf32, #tpu.memory_space<any>> -> memref<512x512xf32, #tpu.memory_space<any>>
    %dma_start3A_1669 = arith.constant 0 : i32
    %dma_start3A_1670 = tpu.memref_slice %arg3[%dma_start3A_1664, %multiple_of3A_1663, %dma_start3A_1669] : memref<2x1000x512xf32, #tpu.memory_space<vmem>> -> memref<1x512x512xf32, #tpu.memory_space<vmem>>
    %dma_start3A_1671 = tpu.memref_squeeze %dma_start3A_1670 : memref<1x512x512xf32, #tpu.memory_space<vmem>> -> memref<512x512xf32, #tpu.memory_space<vmem>>
    tpu.enqueue_dma source(%dma_start3A_1671 : memref<512x512xf32, #tpu.memory_space<vmem>>) target(%dma_start3A_1668 : memref<512x512xf32, #tpu.memory_space<any>>) target_semaphore(%arg4 : memref<!tpu.dma_semaphore, #tpu.memory_space<semaphore_mem>>)
    %mul3A_1672 = arith.constant 2 : i32
    %mul3A_1673 = arith.muli %arg0, %mul3A_1672 : i32
    %add3A_1674 = arith.constant 16 : i32
    %add3A_1675 = arith.addi %add3A_1674, %mul3A_1673 : i32
    %add3A_1676 = arith.constant 1 : i32
    %add3A_1677 = arith.addi %add3A_1675, %add3A_1676 : i32
    %add3A_1678 = arith.constant 248 : i32
    %add3A_1679 = arith.addi %add3A_1677, %add3A_1678 : i32
    %multiple_of3A_1680 = arith.constant 240 : i32
    %multiple_of3A_1681 = tpu.assume_multiple %multiple_of3A_1680, 8 : i32
    %dma_start3A_1682 = arith.constant 1 : i32
    %dma_start3A_1683 = arith.constant 0 : i32
    %dma_start3A_1684 = arith.constant 0 : i32
    %dma_start3A_1685 = tpu.memref_slice %arg2[%add3A_1679, %dma_start3A_1683, %dma_start3A_1684] : memref<512x512x512xf32, #tpu.memory_space<any>> -> memref<1x512x512xf32, #tpu.memory_space<any>>
    %dma_start3A_1686 = tpu.memref_squeeze %dma_start3A_1685 : memref<1x512x512xf32, #tpu.memory_space<any>> -> memref<512x512xf32, #tpu.memory_space<any>>
    %dma_start3A_1687 = arith.constant 0 : i32
    %dma_start3A_1688 = tpu.memref_slice %arg3[%dma_start3A_1682, %multiple_of3A_1681, %dma_start3A_1687] : memref<2x1000x512xf32, #tpu.memory_space<vmem>> -> memref<1x512x512xf32, #tpu.memory_space<vmem>>
    %dma_start3A_1689 = tpu.memref_squeeze %dma_start3A_1688 : memref<1x512x512xf32, #tpu.memory_space<vmem>> -> memref<512x512xf32, #tpu.memory_space<vmem>>
    tpu.enqueue_dma source(%dma_start3A_1689 : memref<512x512xf32, #tpu.memory_space<vmem>>) target(%dma_start3A_1686 : memref<512x512xf32, #tpu.memory_space<any>>) target_semaphore(%arg4 : memref<!tpu.dma_semaphore, #tpu.memory_space<semaphore_mem>>)
    %mul3A_1690 = arith.constant 2 : i32
    %mul3A_1691 = arith.muli %arg0, %mul3A_1690 : i32
    %add3A_1692 = arith.constant 16 : i32
    %add3A_1693 = arith.addi %add3A_1692, %mul3A_1691 : i32
    %add3A_1694 = arith.constant 1 : i32
    %add3A_1695 = arith.addi %add3A_1693, %add3A_1694 : i32
    %add3A_1696 = arith.constant 256 : i32
    %add3A_1697 = arith.addi %add3A_1695, %add3A_1696 : i32
    %multiple_of3A_1698 = arith.constant 232 : i32
    %multiple_of3A_1699 = tpu.assume_multiple %multiple_of3A_1698, 8 : i32
    %dma_start3A_1700 = arith.constant 1 : i32
    %dma_start3A_1701 = arith.constant 0 : i32
    %dma_start3A_1702 = arith.constant 0 : i32
    %dma_start3A_1703 = tpu.memref_slice %arg2[%add3A_1697, %dma_start3A_1701, %dma_start3A_1702] : memref<512x512x512xf32, #tpu.memory_space<any>> -> memref<1x512x512xf32, #tpu.memory_space<any>>
    %dma_start3A_1704 = tpu.memref_squeeze %dma_start3A_1703 : memref<1x512x512xf32, #tpu.memory_space<any>> -> memref<512x512xf32, #tpu.memory_space<any>>
    %dma_start3A_1705 = arith.constant 0 : i32
    %dma_start3A_1706 = tpu.memref_slice %arg3[%dma_start3A_1700, %multiple_of3A_1699, %dma_start3A_1705] : memref<2x1000x512xf32, #tpu.memory_space<vmem>> -> memref<1x512x512xf32, #tpu.memory_space<vmem>>
    %dma_start3A_1707 = tpu.memref_squeeze %dma_start3A_1706 : memref<1x512x512xf32, #tpu.memory_space<vmem>> -> memref<512x512xf32, #tpu.memory_space<vmem>>
    tpu.enqueue_dma source(%dma_start3A_1707 : memref<512x512xf32, #tpu.memory_space<vmem>>) target(%dma_start3A_1704 : memref<512x512xf32, #tpu.memory_space<any>>) target_semaphore(%arg4 : memref<!tpu.dma_semaphore, #tpu.memory_space<semaphore_mem>>)
    %mul3A_1708 = arith.constant 2 : i32
    %mul3A_1709 = arith.muli %arg0, %mul3A_1708 : i32
    %add3A_1710 = arith.constant 16 : i32
    %add3A_1711 = arith.addi %add3A_1710, %mul3A_1709 : i32
    %add3A_1712 = arith.constant 1 : i32
    %add3A_1713 = arith.addi %add3A_1711, %add3A_1712 : i32
    %add3A_1714 = arith.constant 264 : i32
    %add3A_1715 = arith.addi %add3A_1713, %add3A_1714 : i32
    %multiple_of3A_1716 = arith.constant 224 : i32
    %multiple_of3A_1717 = tpu.assume_multiple %multiple_of3A_1716, 8 : i32
    %dma_start3A_1718 = arith.constant 1 : i32
    %dma_start3A_1719 = arith.constant 0 : i32
    %dma_start3A_1720 = arith.constant 0 : i32
    %dma_start3A_1721 = tpu.memref_slice %arg2[%add3A_1715, %dma_start3A_1719, %dma_start3A_1720] : memref<512x512x512xf32, #tpu.memory_space<any>> -> memref<1x512x512xf32, #tpu.memory_space<any>>
    %dma_start3A_1722 = tpu.memref_squeeze %dma_start3A_1721 : memref<1x512x512xf32, #tpu.memory_space<any>> -> memref<512x512xf32, #tpu.memory_space<any>>
    %dma_start3A_1723 = arith.constant 0 : i32
    %dma_start3A_1724 = tpu.memref_slice %arg3[%dma_start3A_1718, %multiple_of3A_1717, %dma_start3A_1723] : memref<2x1000x512xf32, #tpu.memory_space<vmem>> -> memref<1x512x512xf32, #tpu.memory_space<vmem>>
    %dma_start3A_1725 = tpu.memref_squeeze %dma_start3A_1724 : memref<1x512x512xf32, #tpu.memory_space<vmem>> -> memref<512x512xf32, #tpu.memory_space<vmem>>
    tpu.enqueue_dma source(%dma_start3A_1725 : memref<512x512xf32, #tpu.memory_space<vmem>>) target(%dma_start3A_1722 : memref<512x512xf32, #tpu.memory_space<any>>) target_semaphore(%arg4 : memref<!tpu.dma_semaphore, #tpu.memory_space<semaphore_mem>>)
    %mul3A_1726 = arith.constant 2 : i32
    %mul3A_1727 = arith.muli %arg0, %mul3A_1726 : i32
    %add3A_1728 = arith.constant 16 : i32
    %add3A_1729 = arith.addi %add3A_1728, %mul3A_1727 : i32
    %add3A_1730 = arith.constant 1 : i32
    %add3A_1731 = arith.addi %add3A_1729, %add3A_1730 : i32
    %add3A_1732 = arith.constant 272 : i32
    %add3A_1733 = arith.addi %add3A_1731, %add3A_1732 : i32
    %multiple_of3A_1734 = arith.constant 216 : i32
    %multiple_of3A_1735 = tpu.assume_multiple %multiple_of3A_1734, 8 : i32
    %dma_start3A_1736 = arith.constant 1 : i32
    %dma_start3A_1737 = arith.constant 0 : i32
    %dma_start3A_1738 = arith.constant 0 : i32
    %dma_start3A_1739 = tpu.memref_slice %arg2[%add3A_1733, %dma_start3A_1737, %dma_start3A_1738] : memref<512x512x512xf32, #tpu.memory_space<any>> -> memref<1x512x512xf32, #tpu.memory_space<any>>
    %dma_start3A_1740 = tpu.memref_squeeze %dma_start3A_1739 : memref<1x512x512xf32, #tpu.memory_space<any>> -> memref<512x512xf32, #tpu.memory_space<any>>
    %dma_start3A_1741 = arith.constant 0 : i32
    %dma_start3A_1742 = tpu.memref_slice %arg3[%dma_start3A_1736, %multiple_of3A_1735, %dma_start3A_1741] : memref<2x1000x512xf32, #tpu.memory_space<vmem>> -> memref<1x512x512xf32, #tpu.memory_space<vmem>>
    %dma_start3A_1743 = tpu.memref_squeeze %dma_start3A_1742 : memref<1x512x512xf32, #tpu.memory_space<vmem>> -> memref<512x512xf32, #tpu.memory_space<vmem>>
    tpu.enqueue_dma source(%dma_start3A_1743 : memref<512x512xf32, #tpu.memory_space<vmem>>) target(%dma_start3A_1740 : memref<512x512xf32, #tpu.memory_space<any>>) target_semaphore(%arg4 : memref<!tpu.dma_semaphore, #tpu.memory_space<semaphore_mem>>)
    %mul3A_1744 = arith.constant 2 : i32
    %mul3A_1745 = arith.muli %arg0, %mul3A_1744 : i32
    %add3A_1746 = arith.constant 16 : i32
    %add3A_1747 = arith.addi %add3A_1746, %mul3A_1745 : i32
    %add3A_1748 = arith.constant 1 : i32
    %add3A_1749 = arith.addi %add3A_1747, %add3A_1748 : i32
    %add3A_1750 = arith.constant 280 : i32
    %add3A_1751 = arith.addi %add3A_1749, %add3A_1750 : i32
    %multiple_of3A_1752 = arith.constant 208 : i32
    %multiple_of3A_1753 = tpu.assume_multiple %multiple_of3A_1752, 8 : i32
    %dma_start3A_1754 = arith.constant 1 : i32
    %dma_start3A_1755 = arith.constant 0 : i32
    %dma_start3A_1756 = arith.constant 0 : i32
    %dma_start3A_1757 = tpu.memref_slice %arg2[%add3A_1751, %dma_start3A_1755, %dma_start3A_1756] : memref<512x512x512xf32, #tpu.memory_space<any>> -> memref<1x512x512xf32, #tpu.memory_space<any>>
    %dma_start3A_1758 = tpu.memref_squeeze %dma_start3A_1757 : memref<1x512x512xf32, #tpu.memory_space<any>> -> memref<512x512xf32, #tpu.memory_space<any>>
    %dma_start3A_1759 = arith.constant 0 : i32
    %dma_start3A_1760 = tpu.memref_slice %arg3[%dma_start3A_1754, %multiple_of3A_1753, %dma_start3A_1759] : memref<2x1000x512xf32, #tpu.memory_space<vmem>> -> memref<1x512x512xf32, #tpu.memory_space<vmem>>
    %dma_start3A_1761 = tpu.memref_squeeze %dma_start3A_1760 : memref<1x512x512xf32, #tpu.memory_space<vmem>> -> memref<512x512xf32, #tpu.memory_space<vmem>>
    tpu.enqueue_dma source(%dma_start3A_1761 : memref<512x512xf32, #tpu.memory_space<vmem>>) target(%dma_start3A_1758 : memref<512x512xf32, #tpu.memory_space<any>>) target_semaphore(%arg4 : memref<!tpu.dma_semaphore, #tpu.memory_space<semaphore_mem>>)
    %mul3A_1762 = arith.constant 2 : i32
    %mul3A_1763 = arith.muli %arg0, %mul3A_1762 : i32
    %add3A_1764 = arith.constant 16 : i32
    %add3A_1765 = arith.addi %add3A_1764, %mul3A_1763 : i32
    %add3A_1766 = arith.constant 1 : i32
    %add3A_1767 = arith.addi %add3A_1765, %add3A_1766 : i32
    %add3A_1768 = arith.constant 288 : i32
    %add3A_1769 = arith.addi %add3A_1767, %add3A_1768 : i32
    %multiple_of3A_1770 = arith.constant 200 : i32
    %multiple_of3A_1771 = tpu.assume_multiple %multiple_of3A_1770, 8 : i32
    %dma_start3A_1772 = arith.constant 1 : i32
    %dma_start3A_1773 = arith.constant 0 : i32
    %dma_start3A_1774 = arith.constant 0 : i32
    %dma_start3A_1775 = tpu.memref_slice %arg2[%add3A_1769, %dma_start3A_1773, %dma_start3A_1774] : memref<512x512x512xf32, #tpu.memory_space<any>> -> memref<1x512x512xf32, #tpu.memory_space<any>>
    %dma_start3A_1776 = tpu.memref_squeeze %dma_start3A_1775 : memref<1x512x512xf32, #tpu.memory_space<any>> -> memref<512x512xf32, #tpu.memory_space<any>>
    %dma_start3A_1777 = arith.constant 0 : i32
    %dma_start3A_1778 = tpu.memref_slice %arg3[%dma_start3A_1772, %multiple_of3A_1771, %dma_start3A_1777] : memref<2x1000x512xf32, #tpu.memory_space<vmem>> -> memref<1x512x512xf32, #tpu.memory_space<vmem>>
    %dma_start3A_1779 = tpu.memref_squeeze %dma_start3A_1778 : memref<1x512x512xf32, #tpu.memory_space<vmem>> -> memref<512x512xf32, #tpu.memory_space<vmem>>
    tpu.enqueue_dma source(%dma_start3A_1779 : memref<512x512xf32, #tpu.memory_space<vmem>>) target(%dma_start3A_1776 : memref<512x512xf32, #tpu.memory_space<any>>) target_semaphore(%arg4 : memref<!tpu.dma_semaphore, #tpu.memory_space<semaphore_mem>>)
    %mul3A_1780 = arith.constant 2 : i32
    %mul3A_1781 = arith.muli %arg0, %mul3A_1780 : i32
    %add3A_1782 = arith.constant 16 : i32
    %add3A_1783 = arith.addi %add3A_1782, %mul3A_1781 : i32
    %add3A_1784 = arith.constant 1 : i32
    %add3A_1785 = arith.addi %add3A_1783, %add3A_1784 : i32
    %add3A_1786 = arith.constant 296 : i32
    %add3A_1787 = arith.addi %add3A_1785, %add3A_1786 : i32
    %multiple_of3A_1788 = arith.constant 192 : i32
    %multiple_of3A_1789 = tpu.assume_multiple %multiple_of3A_1788, 8 : i32
    %dma_start3A_1790 = arith.constant 1 : i32
    %dma_start3A_1791 = arith.constant 0 : i32
    %dma_start3A_1792 = arith.constant 0 : i32
    %dma_start3A_1793 = tpu.memref_slice %arg2[%add3A_1787, %dma_start3A_1791, %dma_start3A_1792] : memref<512x512x512xf32, #tpu.memory_space<any>> -> memref<1x512x512xf32, #tpu.memory_space<any>>
    %dma_start3A_1794 = tpu.memref_squeeze %dma_start3A_1793 : memref<1x512x512xf32, #tpu.memory_space<any>> -> memref<512x512xf32, #tpu.memory_space<any>>
    %dma_start3A_1795 = arith.constant 0 : i32
    %dma_start3A_1796 = tpu.memref_slice %arg3[%dma_start3A_1790, %multiple_of3A_1789, %dma_start3A_1795] : memref<2x1000x512xf32, #tpu.memory_space<vmem>> -> memref<1x512x512xf32, #tpu.memory_space<vmem>>
    %dma_start3A_1797 = tpu.memref_squeeze %dma_start3A_1796 : memref<1x512x512xf32, #tpu.memory_space<vmem>> -> memref<512x512xf32, #tpu.memory_space<vmem>>
    tpu.enqueue_dma source(%dma_start3A_1797 : memref<512x512xf32, #tpu.memory_space<vmem>>) target(%dma_start3A_1794 : memref<512x512xf32, #tpu.memory_space<any>>) target_semaphore(%arg4 : memref<!tpu.dma_semaphore, #tpu.memory_space<semaphore_mem>>)
    %mul3A_1798 = arith.constant 2 : i32
    %mul3A_1799 = arith.muli %arg0, %mul3A_1798 : i32
    %add3A_1800 = arith.constant 16 : i32
    %add3A_1801 = arith.addi %add3A_1800, %mul3A_1799 : i32
    %add3A_1802 = arith.constant 1 : i32
    %add3A_1803 = arith.addi %add3A_1801, %add3A_1802 : i32
    %add3A_1804 = arith.constant 304 : i32
    %add3A_1805 = arith.addi %add3A_1803, %add3A_1804 : i32
    %multiple_of3A_1806 = arith.constant 184 : i32
    %multiple_of3A_1807 = tpu.assume_multiple %multiple_of3A_1806, 8 : i32
    %dma_start3A_1808 = arith.constant 1 : i32
    %dma_start3A_1809 = arith.constant 0 : i32
    %dma_start3A_1810 = arith.constant 0 : i32
    %dma_start3A_1811 = tpu.memref_slice %arg2[%add3A_1805, %dma_start3A_1809, %dma_start3A_1810] : memref<512x512x512xf32, #tpu.memory_space<any>> -> memref<1x512x512xf32, #tpu.memory_space<any>>
    %dma_start3A_1812 = tpu.memref_squeeze %dma_start3A_1811 : memref<1x512x512xf32, #tpu.memory_space<any>> -> memref<512x512xf32, #tpu.memory_space<any>>
    %dma_start3A_1813 = arith.constant 0 : i32
    %dma_start3A_1814 = tpu.memref_slice %arg3[%dma_start3A_1808, %multiple_of3A_1807, %dma_start3A_1813] : memref<2x1000x512xf32, #tpu.memory_space<vmem>> -> memref<1x512x512xf32, #tpu.memory_space<vmem>>
    %dma_start3A_1815 = tpu.memref_squeeze %dma_start3A_1814 : memref<1x512x512xf32, #tpu.memory_space<vmem>> -> memref<512x512xf32, #tpu.memory_space<vmem>>
    tpu.enqueue_dma source(%dma_start3A_1815 : memref<512x512xf32, #tpu.memory_space<vmem>>) target(%dma_start3A_1812 : memref<512x512xf32, #tpu.memory_space<any>>) target_semaphore(%arg4 : memref<!tpu.dma_semaphore, #tpu.memory_space<semaphore_mem>>)
    %mul3A_1816 = arith.constant 2 : i32
    %mul3A_1817 = arith.muli %arg0, %mul3A_1816 : i32
    %add3A_1818 = arith.constant 16 : i32
    %add3A_1819 = arith.addi %add3A_1818, %mul3A_1817 : i32
    %add3A_1820 = arith.constant 1 : i32
    %add3A_1821 = arith.addi %add3A_1819, %add3A_1820 : i32
    %add3A_1822 = arith.constant 312 : i32
    %add3A_1823 = arith.addi %add3A_1821, %add3A_1822 : i32
    %multiple_of3A_1824 = arith.constant 176 : i32
    %multiple_of3A_1825 = tpu.assume_multiple %multiple_of3A_1824, 8 : i32
    %dma_start3A_1826 = arith.constant 1 : i32
    %dma_start3A_1827 = arith.constant 0 : i32
    %dma_start3A_1828 = arith.constant 0 : i32
    %dma_start3A_1829 = tpu.memref_slice %arg2[%add3A_1823, %dma_start3A_1827, %dma_start3A_1828] : memref<512x512x512xf32, #tpu.memory_space<any>> -> memref<1x512x512xf32, #tpu.memory_space<any>>
    %dma_start3A_1830 = tpu.memref_squeeze %dma_start3A_1829 : memref<1x512x512xf32, #tpu.memory_space<any>> -> memref<512x512xf32, #tpu.memory_space<any>>
    %dma_start3A_1831 = arith.constant 0 : i32
    %dma_start3A_1832 = tpu.memref_slice %arg3[%dma_start3A_1826, %multiple_of3A_1825, %dma_start3A_1831] : memref<2x1000x512xf32, #tpu.memory_space<vmem>> -> memref<1x512x512xf32, #tpu.memory_space<vmem>>
    %dma_start3A_1833 = tpu.memref_squeeze %dma_start3A_1832 : memref<1x512x512xf32, #tpu.memory_space<vmem>> -> memref<512x512xf32, #tpu.memory_space<vmem>>
    tpu.enqueue_dma source(%dma_start3A_1833 : memref<512x512xf32, #tpu.memory_space<vmem>>) target(%dma_start3A_1830 : memref<512x512xf32, #tpu.memory_space<any>>) target_semaphore(%arg4 : memref<!tpu.dma_semaphore, #tpu.memory_space<semaphore_mem>>)
    %mul3A_1834 = arith.constant 2 : i32
    %mul3A_1835 = arith.muli %arg0, %mul3A_1834 : i32
    %add3A_1836 = arith.constant 16 : i32
    %add3A_1837 = arith.addi %add3A_1836, %mul3A_1835 : i32
    %add3A_1838 = arith.constant 1 : i32
    %add3A_1839 = arith.addi %add3A_1837, %add3A_1838 : i32
    %add3A_1840 = arith.constant 320 : i32
    %add3A_1841 = arith.addi %add3A_1839, %add3A_1840 : i32
    %multiple_of3A_1842 = arith.constant 168 : i32
    %multiple_of3A_1843 = tpu.assume_multiple %multiple_of3A_1842, 8 : i32
    %dma_start3A_1844 = arith.constant 1 : i32
    %dma_start3A_1845 = arith.constant 0 : i32
    %dma_start3A_1846 = arith.constant 0 : i32
    %dma_start3A_1847 = tpu.memref_slice %arg2[%add3A_1841, %dma_start3A_1845, %dma_start3A_1846] : memref<512x512x512xf32, #tpu.memory_space<any>> -> memref<1x512x512xf32, #tpu.memory_space<any>>
    %dma_start3A_1848 = tpu.memref_squeeze %dma_start3A_1847 : memref<1x512x512xf32, #tpu.memory_space<any>> -> memref<512x512xf32, #tpu.memory_space<any>>
    %dma_start3A_1849 = arith.constant 0 : i32
    %dma_start3A_1850 = tpu.memref_slice %arg3[%dma_start3A_1844, %multiple_of3A_1843, %dma_start3A_1849] : memref<2x1000x512xf32, #tpu.memory_space<vmem>> -> memref<1x512x512xf32, #tpu.memory_space<vmem>>
    %dma_start3A_1851 = tpu.memref_squeeze %dma_start3A_1850 : memref<1x512x512xf32, #tpu.memory_space<vmem>> -> memref<512x512xf32, #tpu.memory_space<vmem>>
    tpu.enqueue_dma source(%dma_start3A_1851 : memref<512x512xf32, #tpu.memory_space<vmem>>) target(%dma_start3A_1848 : memref<512x512xf32, #tpu.memory_space<any>>) target_semaphore(%arg4 : memref<!tpu.dma_semaphore, #tpu.memory_space<semaphore_mem>>)
    %mul3A_1852 = arith.constant 2 : i32
    %mul3A_1853 = arith.muli %arg0, %mul3A_1852 : i32
    %add3A_1854 = arith.constant 16 : i32
    %add3A_1855 = arith.addi %add3A_1854, %mul3A_1853 : i32
    %add3A_1856 = arith.constant 1 : i32
    %add3A_1857 = arith.addi %add3A_1855, %add3A_1856 : i32
    %add3A_1858 = arith.constant 328 : i32
    %add3A_1859 = arith.addi %add3A_1857, %add3A_1858 : i32
    %multiple_of3A_1860 = arith.constant 160 : i32
    %multiple_of3A_1861 = tpu.assume_multiple %multiple_of3A_1860, 8 : i32
    %dma_start3A_1862 = arith.constant 1 : i32
    %dma_start3A_1863 = arith.constant 0 : i32
    %dma_start3A_1864 = arith.constant 0 : i32
    %dma_start3A_1865 = tpu.memref_slice %arg2[%add3A_1859, %dma_start3A_1863, %dma_start3A_1864] : memref<512x512x512xf32, #tpu.memory_space<any>> -> memref<1x512x512xf32, #tpu.memory_space<any>>
    %dma_start3A_1866 = tpu.memref_squeeze %dma_start3A_1865 : memref<1x512x512xf32, #tpu.memory_space<any>> -> memref<512x512xf32, #tpu.memory_space<any>>
    %dma_start3A_1867 = arith.constant 0 : i32
    %dma_start3A_1868 = tpu.memref_slice %arg3[%dma_start3A_1862, %multiple_of3A_1861, %dma_start3A_1867] : memref<2x1000x512xf32, #tpu.memory_space<vmem>> -> memref<1x512x512xf32, #tpu.memory_space<vmem>>
    %dma_start3A_1869 = tpu.memref_squeeze %dma_start3A_1868 : memref<1x512x512xf32, #tpu.memory_space<vmem>> -> memref<512x512xf32, #tpu.memory_space<vmem>>
    tpu.enqueue_dma source(%dma_start3A_1869 : memref<512x512xf32, #tpu.memory_space<vmem>>) target(%dma_start3A_1866 : memref<512x512xf32, #tpu.memory_space<any>>) target_semaphore(%arg4 : memref<!tpu.dma_semaphore, #tpu.memory_space<semaphore_mem>>)
    %mul3A_1870 = arith.constant 2 : i32
    %mul3A_1871 = arith.muli %arg0, %mul3A_1870 : i32
    %add3A_1872 = arith.constant 16 : i32
    %add3A_1873 = arith.addi %add3A_1872, %mul3A_1871 : i32
    %add3A_1874 = arith.constant 1 : i32
    %add3A_1875 = arith.addi %add3A_1873, %add3A_1874 : i32
    %add3A_1876 = arith.constant 336 : i32
    %add3A_1877 = arith.addi %add3A_1875, %add3A_1876 : i32
    %multiple_of3A_1878 = arith.constant 152 : i32
    %multiple_of3A_1879 = tpu.assume_multiple %multiple_of3A_1878, 8 : i32
    %dma_start3A_1880 = arith.constant 1 : i32
    %dma_start3A_1881 = arith.constant 0 : i32
    %dma_start3A_1882 = arith.constant 0 : i32
    %dma_start3A_1883 = tpu.memref_slice %arg2[%add3A_1877, %dma_start3A_1881, %dma_start3A_1882] : memref<512x512x512xf32, #tpu.memory_space<any>> -> memref<1x512x512xf32, #tpu.memory_space<any>>
    %dma_start3A_1884 = tpu.memref_squeeze %dma_start3A_1883 : memref<1x512x512xf32, #tpu.memory_space<any>> -> memref<512x512xf32, #tpu.memory_space<any>>
    %dma_start3A_1885 = arith.constant 0 : i32
    %dma_start3A_1886 = tpu.memref_slice %arg3[%dma_start3A_1880, %multiple_of3A_1879, %dma_start3A_1885] : memref<2x1000x512xf32, #tpu.memory_space<vmem>> -> memref<1x512x512xf32, #tpu.memory_space<vmem>>
    %dma_start3A_1887 = tpu.memref_squeeze %dma_start3A_1886 : memref<1x512x512xf32, #tpu.memory_space<vmem>> -> memref<512x512xf32, #tpu.memory_space<vmem>>
    tpu.enqueue_dma source(%dma_start3A_1887 : memref<512x512xf32, #tpu.memory_space<vmem>>) target(%dma_start3A_1884 : memref<512x512xf32, #tpu.memory_space<any>>) target_semaphore(%arg4 : memref<!tpu.dma_semaphore, #tpu.memory_space<semaphore_mem>>)
    %mul3A_1888 = arith.constant 2 : i32
    %mul3A_1889 = arith.muli %arg0, %mul3A_1888 : i32
    %add3A_1890 = arith.constant 16 : i32
    %add3A_1891 = arith.addi %add3A_1890, %mul3A_1889 : i32
    %add3A_1892 = arith.constant 1 : i32
    %add3A_1893 = arith.addi %add3A_1891, %add3A_1892 : i32
    %add3A_1894 = arith.constant 344 : i32
    %add3A_1895 = arith.addi %add3A_1893, %add3A_1894 : i32
    %multiple_of3A_1896 = arith.constant 144 : i32
    %multiple_of3A_1897 = tpu.assume_multiple %multiple_of3A_1896, 8 : i32
    %dma_start3A_1898 = arith.constant 1 : i32
    %dma_start3A_1899 = arith.constant 0 : i32
    %dma_start3A_1900 = arith.constant 0 : i32
    %dma_start3A_1901 = tpu.memref_slice %arg2[%add3A_1895, %dma_start3A_1899, %dma_start3A_1900] : memref<512x512x512xf32, #tpu.memory_space<any>> -> memref<1x512x512xf32, #tpu.memory_space<any>>
    %dma_start3A_1902 = tpu.memref_squeeze %dma_start3A_1901 : memref<1x512x512xf32, #tpu.memory_space<any>> -> memref<512x512xf32, #tpu.memory_space<any>>
    %dma_start3A_1903 = arith.constant 0 : i32
    %dma_start3A_1904 = tpu.memref_slice %arg3[%dma_start3A_1898, %multiple_of3A_1897, %dma_start3A_1903] : memref<2x1000x512xf32, #tpu.memory_space<vmem>> -> memref<1x512x512xf32, #tpu.memory_space<vmem>>
    %dma_start3A_1905 = tpu.memref_squeeze %dma_start3A_1904 : memref<1x512x512xf32, #tpu.memory_space<vmem>> -> memref<512x512xf32, #tpu.memory_space<vmem>>
    tpu.enqueue_dma source(%dma_start3A_1905 : memref<512x512xf32, #tpu.memory_space<vmem>>) target(%dma_start3A_1902 : memref<512x512xf32, #tpu.memory_space<any>>) target_semaphore(%arg4 : memref<!tpu.dma_semaphore, #tpu.memory_space<semaphore_mem>>)
    %mul3A_1906 = arith.constant 2 : i32
    %mul3A_1907 = arith.muli %arg0, %mul3A_1906 : i32
    %add3A_1908 = arith.constant 16 : i32
    %add3A_1909 = arith.addi %add3A_1908, %mul3A_1907 : i32
    %add3A_1910 = arith.constant 1 : i32
    %add3A_1911 = arith.addi %add3A_1909, %add3A_1910 : i32
    %add3A_1912 = arith.constant 352 : i32
    %add3A_1913 = arith.addi %add3A_1911, %add3A_1912 : i32
    %multiple_of3A_1914 = arith.constant 136 : i32
    %multiple_of3A_1915 = tpu.assume_multiple %multiple_of3A_1914, 8 : i32
    %dma_start3A_1916 = arith.constant 1 : i32
    %dma_start3A_1917 = arith.constant 0 : i32
    %dma_start3A_1918 = arith.constant 0 : i32
    %dma_start3A_1919 = tpu.memref_slice %arg2[%add3A_1913, %dma_start3A_1917, %dma_start3A_1918] : memref<512x512x512xf32, #tpu.memory_space<any>> -> memref<1x512x512xf32, #tpu.memory_space<any>>
    %dma_start3A_1920 = tpu.memref_squeeze %dma_start3A_1919 : memref<1x512x512xf32, #tpu.memory_space<any>> -> memref<512x512xf32, #tpu.memory_space<any>>
    %dma_start3A_1921 = arith.constant 0 : i32
    %dma_start3A_1922 = tpu.memref_slice %arg3[%dma_start3A_1916, %multiple_of3A_1915, %dma_start3A_1921] : memref<2x1000x512xf32, #tpu.memory_space<vmem>> -> memref<1x512x512xf32, #tpu.memory_space<vmem>>
    %dma_start3A_1923 = tpu.memref_squeeze %dma_start3A_1922 : memref<1x512x512xf32, #tpu.memory_space<vmem>> -> memref<512x512xf32, #tpu.memory_space<vmem>>
    tpu.enqueue_dma source(%dma_start3A_1923 : memref<512x512xf32, #tpu.memory_space<vmem>>) target(%dma_start3A_1920 : memref<512x512xf32, #tpu.memory_space<any>>) target_semaphore(%arg4 : memref<!tpu.dma_semaphore, #tpu.memory_space<semaphore_mem>>)
    %mul3A_1924 = arith.constant 2 : i32
    %mul3A_1925 = arith.muli %arg0, %mul3A_1924 : i32
    %add3A_1926 = arith.constant 16 : i32
    %add3A_1927 = arith.addi %add3A_1926, %mul3A_1925 : i32
    %add3A_1928 = arith.constant 1 : i32
    %add3A_1929 = arith.addi %add3A_1927, %add3A_1928 : i32
    %add3A_1930 = arith.constant 360 : i32
    %add3A_1931 = arith.addi %add3A_1929, %add3A_1930 : i32
    %multiple_of3A_1932 = arith.constant 128 : i32
    %multiple_of3A_1933 = tpu.assume_multiple %multiple_of3A_1932, 8 : i32
    %dma_start3A_1934 = arith.constant 1 : i32
    %dma_start3A_1935 = arith.constant 0 : i32
    %dma_start3A_1936 = arith.constant 0 : i32
    %dma_start3A_1937 = tpu.memref_slice %arg2[%add3A_1931, %dma_start3A_1935, %dma_start3A_1936] : memref<512x512x512xf32, #tpu.memory_space<any>> -> memref<1x512x512xf32, #tpu.memory_space<any>>
    %dma_start3A_1938 = tpu.memref_squeeze %dma_start3A_1937 : memref<1x512x512xf32, #tpu.memory_space<any>> -> memref<512x512xf32, #tpu.memory_space<any>>
    %dma_start3A_1939 = arith.constant 0 : i32
    %dma_start3A_1940 = tpu.memref_slice %arg3[%dma_start3A_1934, %multiple_of3A_1933, %dma_start3A_1939] : memref<2x1000x512xf32, #tpu.memory_space<vmem>> -> memref<1x512x512xf32, #tpu.memory_space<vmem>>
    %dma_start3A_1941 = tpu.memref_squeeze %dma_start3A_1940 : memref<1x512x512xf32, #tpu.memory_space<vmem>> -> memref<512x512xf32, #tpu.memory_space<vmem>>
    tpu.enqueue_dma source(%dma_start3A_1941 : memref<512x512xf32, #tpu.memory_space<vmem>>) target(%dma_start3A_1938 : memref<512x512xf32, #tpu.memory_space<any>>) target_semaphore(%arg4 : memref<!tpu.dma_semaphore, #tpu.memory_space<semaphore_mem>>)
    %mul3A_1942 = arith.constant 2 : i32
    %mul3A_1943 = arith.muli %arg0, %mul3A_1942 : i32
    %add3A_1944 = arith.constant 16 : i32
    %add3A_1945 = arith.addi %add3A_1944, %mul3A_1943 : i32
    %add3A_1946 = arith.constant 1 : i32
    %add3A_1947 = arith.addi %add3A_1945, %add3A_1946 : i32
    %add3A_1948 = arith.constant 368 : i32
    %add3A_1949 = arith.addi %add3A_1947, %add3A_1948 : i32
    %multiple_of3A_1950 = arith.constant 120 : i32
    %multiple_of3A_1951 = tpu.assume_multiple %multiple_of3A_1950, 8 : i32
    %dma_start3A_1952 = arith.constant 1 : i32
    %dma_start3A_1953 = arith.constant 0 : i32
    %dma_start3A_1954 = arith.constant 0 : i32
    %dma_start3A_1955 = tpu.memref_slice %arg2[%add3A_1949, %dma_start3A_1953, %dma_start3A_1954] : memref<512x512x512xf32, #tpu.memory_space<any>> -> memref<1x512x512xf32, #tpu.memory_space<any>>
    %dma_start3A_1956 = tpu.memref_squeeze %dma_start3A_1955 : memref<1x512x512xf32, #tpu.memory_space<any>> -> memref<512x512xf32, #tpu.memory_space<any>>
    %dma_start3A_1957 = arith.constant 0 : i32
    %dma_start3A_1958 = tpu.memref_slice %arg3[%dma_start3A_1952, %multiple_of3A_1951, %dma_start3A_1957] : memref<2x1000x512xf32, #tpu.memory_space<vmem>> -> memref<1x512x512xf32, #tpu.memory_space<vmem>>
    %dma_start3A_1959 = tpu.memref_squeeze %dma_start3A_1958 : memref<1x512x512xf32, #tpu.memory_space<vmem>> -> memref<512x512xf32, #tpu.memory_space<vmem>>
    tpu.enqueue_dma source(%dma_start3A_1959 : memref<512x512xf32, #tpu.memory_space<vmem>>) target(%dma_start3A_1956 : memref<512x512xf32, #tpu.memory_space<any>>) target_semaphore(%arg4 : memref<!tpu.dma_semaphore, #tpu.memory_space<semaphore_mem>>)
    %mul3A_1960 = arith.constant 2 : i32
    %mul3A_1961 = arith.muli %arg0, %mul3A_1960 : i32
    %add3A_1962 = arith.constant 16 : i32
    %add3A_1963 = arith.addi %add3A_1962, %mul3A_1961 : i32
    %add3A_1964 = arith.constant 1 : i32
    %add3A_1965 = arith.addi %add3A_1963, %add3A_1964 : i32
    %add3A_1966 = arith.constant 376 : i32
    %add3A_1967 = arith.addi %add3A_1965, %add3A_1966 : i32
    %multiple_of3A_1968 = arith.constant 112 : i32
    %multiple_of3A_1969 = tpu.assume_multiple %multiple_of3A_1968, 8 : i32
    %dma_start3A_1970 = arith.constant 1 : i32
    %dma_start3A_1971 = arith.constant 0 : i32
    %dma_start3A_1972 = arith.constant 0 : i32
    %dma_start3A_1973 = tpu.memref_slice %arg2[%add3A_1967, %dma_start3A_1971, %dma_start3A_1972] : memref<512x512x512xf32, #tpu.memory_space<any>> -> memref<1x512x512xf32, #tpu.memory_space<any>>
    %dma_start3A_1974 = tpu.memref_squeeze %dma_start3A_1973 : memref<1x512x512xf32, #tpu.memory_space<any>> -> memref<512x512xf32, #tpu.memory_space<any>>
    %dma_start3A_1975 = arith.constant 0 : i32
    %dma_start3A_1976 = tpu.memref_slice %arg3[%dma_start3A_1970, %multiple_of3A_1969, %dma_start3A_1975] : memref<2x1000x512xf32, #tpu.memory_space<vmem>> -> memref<1x512x512xf32, #tpu.memory_space<vmem>>
    %dma_start3A_1977 = tpu.memref_squeeze %dma_start3A_1976 : memref<1x512x512xf32, #tpu.memory_space<vmem>> -> memref<512x512xf32, #tpu.memory_space<vmem>>
    tpu.enqueue_dma source(%dma_start3A_1977 : memref<512x512xf32, #tpu.memory_space<vmem>>) target(%dma_start3A_1974 : memref<512x512xf32, #tpu.memory_space<any>>) target_semaphore(%arg4 : memref<!tpu.dma_semaphore, #tpu.memory_space<semaphore_mem>>)
    %mul3A_1978 = arith.constant 2 : i32
    %mul3A_1979 = arith.muli %arg0, %mul3A_1978 : i32
    %add3A_1980 = arith.constant 16 : i32
    %add3A_1981 = arith.addi %add3A_1980, %mul3A_1979 : i32
    %add3A_1982 = arith.constant 1 : i32
    %add3A_1983 = arith.addi %add3A_1981, %add3A_1982 : i32
    %add3A_1984 = arith.constant 384 : i32
    %add3A_1985 = arith.addi %add3A_1983, %add3A_1984 : i32
    %multiple_of3A_1986 = arith.constant 104 : i32
    %multiple_of3A_1987 = tpu.assume_multiple %multiple_of3A_1986, 8 : i32
    %dma_start3A_1988 = arith.constant 1 : i32
    %dma_start3A_1989 = arith.constant 0 : i32
    %dma_start3A_1990 = arith.constant 0 : i32
    %dma_start3A_1991 = tpu.memref_slice %arg2[%add3A_1985, %dma_start3A_1989, %dma_start3A_1990] : memref<512x512x512xf32, #tpu.memory_space<any>> -> memref<1x512x512xf32, #tpu.memory_space<any>>
    %dma_start3A_1992 = tpu.memref_squeeze %dma_start3A_1991 : memref<1x512x512xf32, #tpu.memory_space<any>> -> memref<512x512xf32, #tpu.memory_space<any>>
    %dma_start3A_1993 = arith.constant 0 : i32
    %dma_start3A_1994 = tpu.memref_slice %arg3[%dma_start3A_1988, %multiple_of3A_1987, %dma_start3A_1993] : memref<2x1000x512xf32, #tpu.memory_space<vmem>> -> memref<1x512x512xf32, #tpu.memory_space<vmem>>
    %dma_start3A_1995 = tpu.memref_squeeze %dma_start3A_1994 : memref<1x512x512xf32, #tpu.memory_space<vmem>> -> memref<512x512xf32, #tpu.memory_space<vmem>>
    tpu.enqueue_dma source(%dma_start3A_1995 : memref<512x512xf32, #tpu.memory_space<vmem>>) target(%dma_start3A_1992 : memref<512x512xf32, #tpu.memory_space<any>>) target_semaphore(%arg4 : memref<!tpu.dma_semaphore, #tpu.memory_space<semaphore_mem>>)
    %mul3A_1996 = arith.constant 2 : i32
    %mul3A_1997 = arith.muli %arg0, %mul3A_1996 : i32
    %add3A_1998 = arith.constant 16 : i32
    %add3A_1999 = arith.addi %add3A_1998, %mul3A_1997 : i32
    %add3A_2000 = arith.constant 1 : i32
    %add3A_2001 = arith.addi %add3A_1999, %add3A_2000 : i32
    %add3A_2002 = arith.constant 392 : i32
    %add3A_2003 = arith.addi %add3A_2001, %add3A_2002 : i32
    %multiple_of3A_2004 = arith.constant 96 : i32
    %multiple_of3A_2005 = tpu.assume_multiple %multiple_of3A_2004, 8 : i32
    %dma_start3A_2006 = arith.constant 1 : i32
    %dma_start3A_2007 = arith.constant 0 : i32
    %dma_start3A_2008 = arith.constant 0 : i32
    %dma_start3A_2009 = tpu.memref_slice %arg2[%add3A_2003, %dma_start3A_2007, %dma_start3A_2008] : memref<512x512x512xf32, #tpu.memory_space<any>> -> memref<1x512x512xf32, #tpu.memory_space<any>>
    %dma_start3A_2010 = tpu.memref_squeeze %dma_start3A_2009 : memref<1x512x512xf32, #tpu.memory_space<any>> -> memref<512x512xf32, #tpu.memory_space<any>>
    %dma_start3A_2011 = arith.constant 0 : i32
    %dma_start3A_2012 = tpu.memref_slice %arg3[%dma_start3A_2006, %multiple_of3A_2005, %dma_start3A_2011] : memref<2x1000x512xf32, #tpu.memory_space<vmem>> -> memref<1x512x512xf32, #tpu.memory_space<vmem>>
    %dma_start3A_2013 = tpu.memref_squeeze %dma_start3A_2012 : memref<1x512x512xf32, #tpu.memory_space<vmem>> -> memref<512x512xf32, #tpu.memory_space<vmem>>
    tpu.enqueue_dma source(%dma_start3A_2013 : memref<512x512xf32, #tpu.memory_space<vmem>>) target(%dma_start3A_2010 : memref<512x512xf32, #tpu.memory_space<any>>) target_semaphore(%arg4 : memref<!tpu.dma_semaphore, #tpu.memory_space<semaphore_mem>>)
    %mul3A_2014 = arith.constant 2 : i32
    %mul3A_2015 = arith.muli %arg0, %mul3A_2014 : i32
    %add3A_2016 = arith.constant 16 : i32
    %add3A_2017 = arith.addi %add3A_2016, %mul3A_2015 : i32
    %add3A_2018 = arith.constant 1 : i32
    %add3A_2019 = arith.addi %add3A_2017, %add3A_2018 : i32
    %add3A_2020 = arith.constant 400 : i32
    %add3A_2021 = arith.addi %add3A_2019, %add3A_2020 : i32
    %multiple_of3A_2022 = arith.constant 88 : i32
    %multiple_of3A_2023 = tpu.assume_multiple %multiple_of3A_2022, 8 : i32
    %dma_start3A_2024 = arith.constant 1 : i32
    %dma_start3A_2025 = arith.constant 0 : i32
    %dma_start3A_2026 = arith.constant 0 : i32
    %dma_start3A_2027 = tpu.memref_slice %arg2[%add3A_2021, %dma_start3A_2025, %dma_start3A_2026] : memref<512x512x512xf32, #tpu.memory_space<any>> -> memref<1x512x512xf32, #tpu.memory_space<any>>
    %dma_start3A_2028 = tpu.memref_squeeze %dma_start3A_2027 : memref<1x512x512xf32, #tpu.memory_space<any>> -> memref<512x512xf32, #tpu.memory_space<any>>
    %dma_start3A_2029 = arith.constant 0 : i32
    %dma_start3A_2030 = tpu.memref_slice %arg3[%dma_start3A_2024, %multiple_of3A_2023, %dma_start3A_2029] : memref<2x1000x512xf32, #tpu.memory_space<vmem>> -> memref<1x512x512xf32, #tpu.memory_space<vmem>>
    %dma_start3A_2031 = tpu.memref_squeeze %dma_start3A_2030 : memref<1x512x512xf32, #tpu.memory_space<vmem>> -> memref<512x512xf32, #tpu.memory_space<vmem>>
    tpu.enqueue_dma source(%dma_start3A_2031 : memref<512x512xf32, #tpu.memory_space<vmem>>) target(%dma_start3A_2028 : memref<512x512xf32, #tpu.memory_space<any>>) target_semaphore(%arg4 : memref<!tpu.dma_semaphore, #tpu.memory_space<semaphore_mem>>)
    %mul3A_2032 = arith.constant 2 : i32
    %mul3A_2033 = arith.muli %arg0, %mul3A_2032 : i32
    %add3A_2034 = arith.constant 16 : i32
    %add3A_2035 = arith.addi %add3A_2034, %mul3A_2033 : i32
    %add3A_2036 = arith.constant 1 : i32
    %add3A_2037 = arith.addi %add3A_2035, %add3A_2036 : i32
    %add3A_2038 = arith.constant 408 : i32
    %add3A_2039 = arith.addi %add3A_2037, %add3A_2038 : i32
    %multiple_of3A_2040 = arith.constant 80 : i32
    %multiple_of3A_2041 = tpu.assume_multiple %multiple_of3A_2040, 8 : i32
    %dma_start3A_2042 = arith.constant 1 : i32
    %dma_start3A_2043 = arith.constant 0 : i32
    %dma_start3A_2044 = arith.constant 0 : i32
    %dma_start3A_2045 = tpu.memref_slice %arg2[%add3A_2039, %dma_start3A_2043, %dma_start3A_2044] : memref<512x512x512xf32, #tpu.memory_space<any>> -> memref<1x512x512xf32, #tpu.memory_space<any>>
    %dma_start3A_2046 = tpu.memref_squeeze %dma_start3A_2045 : memref<1x512x512xf32, #tpu.memory_space<any>> -> memref<512x512xf32, #tpu.memory_space<any>>
    %dma_start3A_2047 = arith.constant 0 : i32
    %dma_start3A_2048 = tpu.memref_slice %arg3[%dma_start3A_2042, %multiple_of3A_2041, %dma_start3A_2047] : memref<2x1000x512xf32, #tpu.memory_space<vmem>> -> memref<1x512x512xf32, #tpu.memory_space<vmem>>
    %dma_start3A_2049 = tpu.memref_squeeze %dma_start3A_2048 : memref<1x512x512xf32, #tpu.memory_space<vmem>> -> memref<512x512xf32, #tpu.memory_space<vmem>>
    tpu.enqueue_dma source(%dma_start3A_2049 : memref<512x512xf32, #tpu.memory_space<vmem>>) target(%dma_start3A_2046 : memref<512x512xf32, #tpu.memory_space<any>>) target_semaphore(%arg4 : memref<!tpu.dma_semaphore, #tpu.memory_space<semaphore_mem>>)
    %mul3A_2050 = arith.constant 2 : i32
    %mul3A_2051 = arith.muli %arg0, %mul3A_2050 : i32
    %add3A_2052 = arith.constant 16 : i32
    %add3A_2053 = arith.addi %add3A_2052, %mul3A_2051 : i32
    %add3A_2054 = arith.constant 1 : i32
    %add3A_2055 = arith.addi %add3A_2053, %add3A_2054 : i32
    %add3A_2056 = arith.constant 416 : i32
    %add3A_2057 = arith.addi %add3A_2055, %add3A_2056 : i32
    %multiple_of3A_2058 = arith.constant 72 : i32
    %multiple_of3A_2059 = tpu.assume_multiple %multiple_of3A_2058, 8 : i32
    %dma_start3A_2060 = arith.constant 1 : i32
    %dma_start3A_2061 = arith.constant 0 : i32
    %dma_start3A_2062 = arith.constant 0 : i32
    %dma_start3A_2063 = tpu.memref_slice %arg2[%add3A_2057, %dma_start3A_2061, %dma_start3A_2062] : memref<512x512x512xf32, #tpu.memory_space<any>> -> memref<1x512x512xf32, #tpu.memory_space<any>>
    %dma_start3A_2064 = tpu.memref_squeeze %dma_start3A_2063 : memref<1x512x512xf32, #tpu.memory_space<any>> -> memref<512x512xf32, #tpu.memory_space<any>>
    %dma_start3A_2065 = arith.constant 0 : i32
    %dma_start3A_2066 = tpu.memref_slice %arg3[%dma_start3A_2060, %multiple_of3A_2059, %dma_start3A_2065] : memref<2x1000x512xf32, #tpu.memory_space<vmem>> -> memref<1x512x512xf32, #tpu.memory_space<vmem>>
    %dma_start3A_2067 = tpu.memref_squeeze %dma_start3A_2066 : memref<1x512x512xf32, #tpu.memory_space<vmem>> -> memref<512x512xf32, #tpu.memory_space<vmem>>
    tpu.enqueue_dma source(%dma_start3A_2067 : memref<512x512xf32, #tpu.memory_space<vmem>>) target(%dma_start3A_2064 : memref<512x512xf32, #tpu.memory_space<any>>) target_semaphore(%arg4 : memref<!tpu.dma_semaphore, #tpu.memory_space<semaphore_mem>>)
    %mul3A_2068 = arith.constant 2 : i32
    %mul3A_2069 = arith.muli %arg0, %mul3A_2068 : i32
    %add3A_2070 = arith.constant 16 : i32
    %add3A_2071 = arith.addi %add3A_2070, %mul3A_2069 : i32
    %add3A_2072 = arith.constant 1 : i32
    %add3A_2073 = arith.addi %add3A_2071, %add3A_2072 : i32
    %add3A_2074 = arith.constant 424 : i32
    %add3A_2075 = arith.addi %add3A_2073, %add3A_2074 : i32
    %multiple_of3A_2076 = arith.constant 64 : i32
    %multiple_of3A_2077 = tpu.assume_multiple %multiple_of3A_2076, 8 : i32
    %dma_start3A_2078 = arith.constant 1 : i32
    %dma_start3A_2079 = arith.constant 0 : i32
    %dma_start3A_2080 = arith.constant 0 : i32
    %dma_start3A_2081 = tpu.memref_slice %arg2[%add3A_2075, %dma_start3A_2079, %dma_start3A_2080] : memref<512x512x512xf32, #tpu.memory_space<any>> -> memref<1x512x512xf32, #tpu.memory_space<any>>
    %dma_start3A_2082 = tpu.memref_squeeze %dma_start3A_2081 : memref<1x512x512xf32, #tpu.memory_space<any>> -> memref<512x512xf32, #tpu.memory_space<any>>
    %dma_start3A_2083 = arith.constant 0 : i32
    %dma_start3A_2084 = tpu.memref_slice %arg3[%dma_start3A_2078, %multiple_of3A_2077, %dma_start3A_2083] : memref<2x1000x512xf32, #tpu.memory_space<vmem>> -> memref<1x512x512xf32, #tpu.memory_space<vmem>>
    %dma_start3A_2085 = tpu.memref_squeeze %dma_start3A_2084 : memref<1x512x512xf32, #tpu.memory_space<vmem>> -> memref<512x512xf32, #tpu.memory_space<vmem>>
    tpu.enqueue_dma source(%dma_start3A_2085 : memref<512x512xf32, #tpu.memory_space<vmem>>) target(%dma_start3A_2082 : memref<512x512xf32, #tpu.memory_space<any>>) target_semaphore(%arg4 : memref<!tpu.dma_semaphore, #tpu.memory_space<semaphore_mem>>)
    %mul3A_2086 = arith.constant 2 : i32
    %mul3A_2087 = arith.muli %arg0, %mul3A_2086 : i32
    %add3A_2088 = arith.constant 16 : i32
    %add3A_2089 = arith.addi %add3A_2088, %mul3A_2087 : i32
    %add3A_2090 = arith.constant 1 : i32
    %add3A_2091 = arith.addi %add3A_2089, %add3A_2090 : i32
    %add3A_2092 = arith.constant 432 : i32
    %add3A_2093 = arith.addi %add3A_2091, %add3A_2092 : i32
    %multiple_of3A_2094 = arith.constant 56 : i32
    %multiple_of3A_2095 = tpu.assume_multiple %multiple_of3A_2094, 8 : i32
    %dma_start3A_2096 = arith.constant 1 : i32
    %dma_start3A_2097 = arith.constant 0 : i32
    %dma_start3A_2098 = arith.constant 0 : i32
    %dma_start3A_2099 = tpu.memref_slice %arg2[%add3A_2093, %dma_start3A_2097, %dma_start3A_2098] : memref<512x512x512xf32, #tpu.memory_space<any>> -> memref<1x512x512xf32, #tpu.memory_space<any>>
    %dma_start3A_2100 = tpu.memref_squeeze %dma_start3A_2099 : memref<1x512x512xf32, #tpu.memory_space<any>> -> memref<512x512xf32, #tpu.memory_space<any>>
    %dma_start3A_2101 = arith.constant 0 : i32
    %dma_start3A_2102 = tpu.memref_slice %arg3[%dma_start3A_2096, %multiple_of3A_2095, %dma_start3A_2101] : memref<2x1000x512xf32, #tpu.memory_space<vmem>> -> memref<1x512x512xf32, #tpu.memory_space<vmem>>
    %dma_start3A_2103 = tpu.memref_squeeze %dma_start3A_2102 : memref<1x512x512xf32, #tpu.memory_space<vmem>> -> memref<512x512xf32, #tpu.memory_space<vmem>>
    tpu.enqueue_dma source(%dma_start3A_2103 : memref<512x512xf32, #tpu.memory_space<vmem>>) target(%dma_start3A_2100 : memref<512x512xf32, #tpu.memory_space<any>>) target_semaphore(%arg4 : memref<!tpu.dma_semaphore, #tpu.memory_space<semaphore_mem>>)
    %mul3A_2104 = arith.constant 2 : i32
    %mul3A_2105 = arith.muli %arg0, %mul3A_2104 : i32
    %add3A_2106 = arith.constant 16 : i32
    %add3A_2107 = arith.addi %add3A_2106, %mul3A_2105 : i32
    %add3A_2108 = arith.constant 1 : i32
    %add3A_2109 = arith.addi %add3A_2107, %add3A_2108 : i32
    %add3A_2110 = arith.constant 440 : i32
    %add3A_2111 = arith.addi %add3A_2109, %add3A_2110 : i32
    %multiple_of3A_2112 = arith.constant 48 : i32
    %multiple_of3A_2113 = tpu.assume_multiple %multiple_of3A_2112, 8 : i32
    %dma_start3A_2114 = arith.constant 1 : i32
    %dma_start3A_2115 = arith.constant 0 : i32
    %dma_start3A_2116 = arith.constant 0 : i32
    %dma_start3A_2117 = tpu.memref_slice %arg2[%add3A_2111, %dma_start3A_2115, %dma_start3A_2116] : memref<512x512x512xf32, #tpu.memory_space<any>> -> memref<1x512x512xf32, #tpu.memory_space<any>>
    %dma_start3A_2118 = tpu.memref_squeeze %dma_start3A_2117 : memref<1x512x512xf32, #tpu.memory_space<any>> -> memref<512x512xf32, #tpu.memory_space<any>>
    %dma_start3A_2119 = arith.constant 0 : i32
    %dma_start3A_2120 = tpu.memref_slice %arg3[%dma_start3A_2114, %multiple_of3A_2113, %dma_start3A_2119] : memref<2x1000x512xf32, #tpu.memory_space<vmem>> -> memref<1x512x512xf32, #tpu.memory_space<vmem>>
    %dma_start3A_2121 = tpu.memref_squeeze %dma_start3A_2120 : memref<1x512x512xf32, #tpu.memory_space<vmem>> -> memref<512x512xf32, #tpu.memory_space<vmem>>
    tpu.enqueue_dma source(%dma_start3A_2121 : memref<512x512xf32, #tpu.memory_space<vmem>>) target(%dma_start3A_2118 : memref<512x512xf32, #tpu.memory_space<any>>) target_semaphore(%arg4 : memref<!tpu.dma_semaphore, #tpu.memory_space<semaphore_mem>>)
    %mul3A_2122 = arith.constant 2 : i32
    %mul3A_2123 = arith.muli %arg0, %mul3A_2122 : i32
    %add3A_2124 = arith.constant 16 : i32
    %add3A_2125 = arith.addi %add3A_2124, %mul3A_2123 : i32
    %add3A_2126 = arith.constant 1 : i32
    %add3A_2127 = arith.addi %add3A_2125, %add3A_2126 : i32
    %add3A_2128 = arith.constant 448 : i32
    %add3A_2129 = arith.addi %add3A_2127, %add3A_2128 : i32
    %multiple_of3A_2130 = arith.constant 40 : i32
    %multiple_of3A_2131 = tpu.assume_multiple %multiple_of3A_2130, 8 : i32
    %dma_start3A_2132 = arith.constant 1 : i32
    %dma_start3A_2133 = arith.constant 0 : i32
    %dma_start3A_2134 = arith.constant 0 : i32
    %dma_start3A_2135 = tpu.memref_slice %arg2[%add3A_2129, %dma_start3A_2133, %dma_start3A_2134] : memref<512x512x512xf32, #tpu.memory_space<any>> -> memref<1x512x512xf32, #tpu.memory_space<any>>
    %dma_start3A_2136 = tpu.memref_squeeze %dma_start3A_2135 : memref<1x512x512xf32, #tpu.memory_space<any>> -> memref<512x512xf32, #tpu.memory_space<any>>
    %dma_start3A_2137 = arith.constant 0 : i32
    %dma_start3A_2138 = tpu.memref_slice %arg3[%dma_start3A_2132, %multiple_of3A_2131, %dma_start3A_2137] : memref<2x1000x512xf32, #tpu.memory_space<vmem>> -> memref<1x512x512xf32, #tpu.memory_space<vmem>>
    %dma_start3A_2139 = tpu.memref_squeeze %dma_start3A_2138 : memref<1x512x512xf32, #tpu.memory_space<vmem>> -> memref<512x512xf32, #tpu.memory_space<vmem>>
    tpu.enqueue_dma source(%dma_start3A_2139 : memref<512x512xf32, #tpu.memory_space<vmem>>) target(%dma_start3A_2136 : memref<512x512xf32, #tpu.memory_space<any>>) target_semaphore(%arg4 : memref<!tpu.dma_semaphore, #tpu.memory_space<semaphore_mem>>)
    %mul3A_2140 = arith.constant 2 : i32
    %mul3A_2141 = arith.muli %arg0, %mul3A_2140 : i32
    %add3A_2142 = arith.constant 16 : i32
    %add3A_2143 = arith.addi %add3A_2142, %mul3A_2141 : i32
    %add3A_2144 = arith.constant 1 : i32
    %add3A_2145 = arith.addi %add3A_2143, %add3A_2144 : i32
    %add3A_2146 = arith.constant 456 : i32
    %add3A_2147 = arith.addi %add3A_2145, %add3A_2146 : i32
    %multiple_of3A_2148 = arith.constant 32 : i32
    %multiple_of3A_2149 = tpu.assume_multiple %multiple_of3A_2148, 8 : i32
    %dma_start3A_2150 = arith.constant 1 : i32
    %dma_start3A_2151 = arith.constant 0 : i32
    %dma_start3A_2152 = arith.constant 0 : i32
    %dma_start3A_2153 = tpu.memref_slice %arg2[%add3A_2147, %dma_start3A_2151, %dma_start3A_2152] : memref<512x512x512xf32, #tpu.memory_space<any>> -> memref<1x512x512xf32, #tpu.memory_space<any>>
    %dma_start3A_2154 = tpu.memref_squeeze %dma_start3A_2153 : memref<1x512x512xf32, #tpu.memory_space<any>> -> memref<512x512xf32, #tpu.memory_space<any>>
    %dma_start3A_2155 = arith.constant 0 : i32
    %dma_start3A_2156 = tpu.memref_slice %arg3[%dma_start3A_2150, %multiple_of3A_2149, %dma_start3A_2155] : memref<2x1000x512xf32, #tpu.memory_space<vmem>> -> memref<1x512x512xf32, #tpu.memory_space<vmem>>
    %dma_start3A_2157 = tpu.memref_squeeze %dma_start3A_2156 : memref<1x512x512xf32, #tpu.memory_space<vmem>> -> memref<512x512xf32, #tpu.memory_space<vmem>>
    tpu.enqueue_dma source(%dma_start3A_2157 : memref<512x512xf32, #tpu.memory_space<vmem>>) target(%dma_start3A_2154 : memref<512x512xf32, #tpu.memory_space<any>>) target_semaphore(%arg4 : memref<!tpu.dma_semaphore, #tpu.memory_space<semaphore_mem>>)
    %mul3A_2158 = arith.constant 2 : i32
    %mul3A_2159 = arith.muli %arg0, %mul3A_2158 : i32
    %add3A_2160 = arith.constant 16 : i32
    %add3A_2161 = arith.addi %add3A_2160, %mul3A_2159 : i32
    %add3A_2162 = arith.constant 1 : i32
    %add3A_2163 = arith.addi %add3A_2161, %add3A_2162 : i32
    %add3A_2164 = arith.constant 464 : i32
    %add3A_2165 = arith.addi %add3A_2163, %add3A_2164 : i32
    %multiple_of3A_2166 = arith.constant 24 : i32
    %multiple_of3A_2167 = tpu.assume_multiple %multiple_of3A_2166, 8 : i32
    %dma_start3A_2168 = arith.constant 1 : i32
    %dma_start3A_2169 = arith.constant 0 : i32
    %dma_start3A_2170 = arith.constant 0 : i32
    %dma_start3A_2171 = tpu.memref_slice %arg2[%add3A_2165, %dma_start3A_2169, %dma_start3A_2170] : memref<512x512x512xf32, #tpu.memory_space<any>> -> memref<1x512x512xf32, #tpu.memory_space<any>>
    %dma_start3A_2172 = tpu.memref_squeeze %dma_start3A_2171 : memref<1x512x512xf32, #tpu.memory_space<any>> -> memref<512x512xf32, #tpu.memory_space<any>>
    %dma_start3A_2173 = arith.constant 0 : i32
    %dma_start3A_2174 = tpu.memref_slice %arg3[%dma_start3A_2168, %multiple_of3A_2167, %dma_start3A_2173] : memref<2x1000x512xf32, #tpu.memory_space<vmem>> -> memref<1x512x512xf32, #tpu.memory_space<vmem>>
    %dma_start3A_2175 = tpu.memref_squeeze %dma_start3A_2174 : memref<1x512x512xf32, #tpu.memory_space<vmem>> -> memref<512x512xf32, #tpu.memory_space<vmem>>
    tpu.enqueue_dma source(%dma_start3A_2175 : memref<512x512xf32, #tpu.memory_space<vmem>>) target(%dma_start3A_2172 : memref<512x512xf32, #tpu.memory_space<any>>) target_semaphore(%arg4 : memref<!tpu.dma_semaphore, #tpu.memory_space<semaphore_mem>>)
    %mul3A_2176 = arith.constant 2 : i32
    %mul3A_2177 = arith.muli %arg0, %mul3A_2176 : i32
    %add3A_2178 = arith.constant 16 : i32
    %add3A_2179 = arith.addi %add3A_2178, %mul3A_2177 : i32
    %add3A_2180 = arith.constant 1 : i32
    %add3A_2181 = arith.addi %add3A_2179, %add3A_2180 : i32
    %add3A_2182 = arith.constant 472 : i32
    %add3A_2183 = arith.addi %add3A_2181, %add3A_2182 : i32
    %multiple_of3A_2184 = arith.constant 16 : i32
    %multiple_of3A_2185 = tpu.assume_multiple %multiple_of3A_2184, 8 : i32
    %dma_start3A_2186 = arith.constant 1 : i32
    %dma_start3A_2187 = arith.constant 0 : i32
    %dma_start3A_2188 = arith.constant 0 : i32
    %dma_start3A_2189 = tpu.memref_slice %arg2[%add3A_2183, %dma_start3A_2187, %dma_start3A_2188] : memref<512x512x512xf32, #tpu.memory_space<any>> -> memref<1x512x512xf32, #tpu.memory_space<any>>
    %dma_start3A_2190 = tpu.memref_squeeze %dma_start3A_2189 : memref<1x512x512xf32, #tpu.memory_space<any>> -> memref<512x512xf32, #tpu.memory_space<any>>
    %dma_start3A_2191 = arith.constant 0 : i32
    %dma_start3A_2192 = tpu.memref_slice %arg3[%dma_start3A_2186, %multiple_of3A_2185, %dma_start3A_2191] : memref<2x1000x512xf32, #tpu.memory_space<vmem>> -> memref<1x512x512xf32, #tpu.memory_space<vmem>>
    %dma_start3A_2193 = tpu.memref_squeeze %dma_start3A_2192 : memref<1x512x512xf32, #tpu.memory_space<vmem>> -> memref<512x512xf32, #tpu.memory_space<vmem>>
    tpu.enqueue_dma source(%dma_start3A_2193 : memref<512x512xf32, #tpu.memory_space<vmem>>) target(%dma_start3A_2190 : memref<512x512xf32, #tpu.memory_space<any>>) target_semaphore(%arg4 : memref<!tpu.dma_semaphore, #tpu.memory_space<semaphore_mem>>)
    %mul3A_2194 = arith.constant 2 : i32
    %mul3A_2195 = arith.muli %arg0, %mul3A_2194 : i32
    %add3A_2196 = arith.constant 16 : i32
    %add3A_2197 = arith.addi %add3A_2196, %mul3A_2195 : i32
    %add3A_2198 = arith.constant 1 : i32
    %add3A_2199 = arith.addi %add3A_2197, %add3A_2198 : i32
    %add3A_2200 = arith.constant 480 : i32
    %add3A_2201 = arith.addi %add3A_2199, %add3A_2200 : i32
    %multiple_of3A_2202 = arith.constant 8 : i32
    %multiple_of3A_2203 = tpu.assume_multiple %multiple_of3A_2202, 8 : i32
    %dma_start3A_2204 = arith.constant 1 : i32
    %dma_start3A_2205 = arith.constant 0 : i32
    %dma_start3A_2206 = arith.constant 0 : i32
    %dma_start3A_2207 = tpu.memref_slice %arg2[%add3A_2201, %dma_start3A_2205, %dma_start3A_2206] : memref<512x512x512xf32, #tpu.memory_space<any>> -> memref<1x512x512xf32, #tpu.memory_space<any>>
    %dma_start3A_2208 = tpu.memref_squeeze %dma_start3A_2207 : memref<1x512x512xf32, #tpu.memory_space<any>> -> memref<512x512xf32, #tpu.memory_space<any>>
    %dma_start3A_2209 = arith.constant 0 : i32
    %dma_start3A_2210 = tpu.memref_slice %arg3[%dma_start3A_2204, %multiple_of3A_2203, %dma_start3A_2209] : memref<2x1000x512xf32, #tpu.memory_space<vmem>> -> memref<1x512x512xf32, #tpu.memory_space<vmem>>
    %dma_start3A_2211 = tpu.memref_squeeze %dma_start3A_2210 : memref<1x512x512xf32, #tpu.memory_space<vmem>> -> memref<512x512xf32, #tpu.memory_space<vmem>>
    tpu.enqueue_dma source(%dma_start3A_2211 : memref<512x512xf32, #tpu.memory_space<vmem>>) target(%dma_start3A_2208 : memref<512x512xf32, #tpu.memory_space<any>>) target_semaphore(%arg4 : memref<!tpu.dma_semaphore, #tpu.memory_space<semaphore_mem>>)
    %mul3A_2212 = arith.constant 2 : i32
    %mul3A_2213 = arith.muli %arg0, %mul3A_2212 : i32
    %add3A_2214 = arith.constant 16 : i32
    %add3A_2215 = arith.addi %add3A_2214, %mul3A_2213 : i32
    %add3A_2216 = arith.constant 1 : i32
    %add3A_2217 = arith.addi %add3A_2215, %add3A_2216 : i32
    %add3A_2218 = arith.constant 488 : i32
    %add3A_2219 = arith.addi %add3A_2217, %add3A_2218 : i32
    %multiple_of3A_2220 = arith.constant 0 : i32
    %multiple_of3A_2221 = tpu.assume_multiple %multiple_of3A_2220, 8 : i32
    %dma_start3A_2222 = arith.constant 1 : i32
    %dma_start3A_2223 = arith.constant 0 : i32
    %dma_start3A_2224 = arith.constant 0 : i32
    %dma_start3A_2225 = tpu.memref_slice %arg2[%add3A_2219, %dma_start3A_2223, %dma_start3A_2224] : memref<512x512x512xf32, #tpu.memory_space<any>> -> memref<1x512x512xf32, #tpu.memory_space<any>>
    %dma_start3A_2226 = tpu.memref_squeeze %dma_start3A_2225 : memref<1x512x512xf32, #tpu.memory_space<any>> -> memref<512x512xf32, #tpu.memory_space<any>>
    %dma_start3A_2227 = arith.constant 0 : i32
    %dma_start3A_2228 = tpu.memref_slice %arg3[%dma_start3A_2222, %multiple_of3A_2221, %dma_start3A_2227] : memref<2x1000x512xf32, #tpu.memory_space<vmem>> -> memref<1x512x512xf32, #tpu.memory_space<vmem>>
    %dma_start3A_2229 = tpu.memref_squeeze %dma_start3A_2228 : memref<1x512x512xf32, #tpu.memory_space<vmem>> -> memref<512x512xf32, #tpu.memory_space<vmem>>
    tpu.enqueue_dma source(%dma_start3A_2229 : memref<512x512xf32, #tpu.memory_space<vmem>>) target(%dma_start3A_2226 : memref<512x512xf32, #tpu.memory_space<any>>) target_semaphore(%arg4 : memref<!tpu.dma_semaphore, #tpu.memory_space<semaphore_mem>>)
    %dma_wait3A = arith.constant 0 : i32
    %dma_wait3A_2230 = arith.constant 0 : i32
    %dma_wait3A_2231 = arith.constant 0 : i32
    %dma_wait3A_2232 = tpu.memref_slice %arg2[%add3A_7, %dma_wait3A_2230, %dma_wait3A_2231] : memref<512x512x512xf32, #tpu.memory_space<any>> -> memref<1x512x512xf32, #tpu.memory_space<any>>
    %dma_wait3A_2233 = tpu.memref_squeeze %dma_wait3A_2232 : memref<1x512x512xf32, #tpu.memory_space<any>> -> memref<512x512xf32, #tpu.memory_space<any>>
    %dma_wait3A_2234 = arith.constant 0 : i32
    %dma_wait3A_2235 = tpu.memref_slice %arg3[%dma_wait3A, %multiple_of3A_8, %dma_wait3A_2234] : memref<2x1000x512xf32, #tpu.memory_space<vmem>> -> memref<1x512x512xf32, #tpu.memory_space<vmem>>
    %dma_wait3A_2236 = tpu.memref_squeeze %dma_wait3A_2235 : memref<1x512x512xf32, #tpu.memory_space<vmem>> -> memref<512x512xf32, #tpu.memory_space<vmem>>
    tpu.wait_dma2 semaphore(%arg4 : memref<!tpu.dma_semaphore, #tpu.memory_space<semaphore_mem>>) src(%dma_wait3A_2236 : memref<512x512xf32, #tpu.memory_space<vmem>>) dst(%dma_wait3A_2233 : memref<512x512xf32, #tpu.memory_space<any>>)
    %dma_wait3A_2237 = arith.constant 0 : i32
    %dma_wait3A_2238 = arith.constant 0 : i32
    %dma_wait3A_2239 = arith.constant 0 : i32
    %dma_wait3A_2240 = tpu.memref_slice %arg2[%add3A_23, %dma_wait3A_2238, %dma_wait3A_2239] : memref<512x512x512xf32, #tpu.memory_space<any>> -> memref<1x512x512xf32, #tpu.memory_space<any>>
    %dma_wait3A_2241 = tpu.memref_squeeze %dma_wait3A_2240 : memref<1x512x512xf32, #tpu.memory_space<any>> -> memref<512x512xf32, #tpu.memory_space<any>>
    %dma_wait3A_2242 = arith.constant 0 : i32
    %dma_wait3A_2243 = tpu.memref_slice %arg3[%dma_wait3A_2237, %multiple_of3A_25, %dma_wait3A_2242] : memref<2x1000x512xf32, #tpu.memory_space<vmem>> -> memref<1x512x512xf32, #tpu.memory_space<vmem>>
    %dma_wait3A_2244 = tpu.memref_squeeze %dma_wait3A_2243 : memref<1x512x512xf32, #tpu.memory_space<vmem>> -> memref<512x512xf32, #tpu.memory_space<vmem>>
    tpu.wait_dma2 semaphore(%arg4 : memref<!tpu.dma_semaphore, #tpu.memory_space<semaphore_mem>>) src(%dma_wait3A_2244 : memref<512x512xf32, #tpu.memory_space<vmem>>) dst(%dma_wait3A_2241 : memref<512x512xf32, #tpu.memory_space<any>>)
    %dma_wait3A_2245 = arith.constant 0 : i32
    %dma_wait3A_2246 = arith.constant 0 : i32
    %dma_wait3A_2247 = arith.constant 0 : i32
    %dma_wait3A_2248 = tpu.memref_slice %arg2[%add3A_41, %dma_wait3A_2246, %dma_wait3A_2247] : memref<512x512x512xf32, #tpu.memory_space<any>> -> memref<1x512x512xf32, #tpu.memory_space<any>>
    %dma_wait3A_2249 = tpu.memref_squeeze %dma_wait3A_2248 : memref<1x512x512xf32, #tpu.memory_space<any>> -> memref<512x512xf32, #tpu.memory_space<any>>
    %dma_wait3A_2250 = arith.constant 0 : i32
    %dma_wait3A_2251 = tpu.memref_slice %arg3[%dma_wait3A_2245, %multiple_of3A_43, %dma_wait3A_2250] : memref<2x1000x512xf32, #tpu.memory_space<vmem>> -> memref<1x512x512xf32, #tpu.memory_space<vmem>>
    %dma_wait3A_2252 = tpu.memref_squeeze %dma_wait3A_2251 : memref<1x512x512xf32, #tpu.memory_space<vmem>> -> memref<512x512xf32, #tpu.memory_space<vmem>>
    tpu.wait_dma2 semaphore(%arg4 : memref<!tpu.dma_semaphore, #tpu.memory_space<semaphore_mem>>) src(%dma_wait3A_2252 : memref<512x512xf32, #tpu.memory_space<vmem>>) dst(%dma_wait3A_2249 : memref<512x512xf32, #tpu.memory_space<any>>)
    %dma_wait3A_2253 = arith.constant 0 : i32
    %dma_wait3A_2254 = arith.constant 0 : i32
    %dma_wait3A_2255 = arith.constant 0 : i32
    %dma_wait3A_2256 = tpu.memref_slice %arg2[%add3A_59, %dma_wait3A_2254, %dma_wait3A_2255] : memref<512x512x512xf32, #tpu.memory_space<any>> -> memref<1x512x512xf32, #tpu.memory_space<any>>
    %dma_wait3A_2257 = tpu.memref_squeeze %dma_wait3A_2256 : memref<1x512x512xf32, #tpu.memory_space<any>> -> memref<512x512xf32, #tpu.memory_space<any>>
    %dma_wait3A_2258 = arith.constant 0 : i32
    %dma_wait3A_2259 = tpu.memref_slice %arg3[%dma_wait3A_2253, %multiple_of3A_61, %dma_wait3A_2258] : memref<2x1000x512xf32, #tpu.memory_space<vmem>> -> memref<1x512x512xf32, #tpu.memory_space<vmem>>
    %dma_wait3A_2260 = tpu.memref_squeeze %dma_wait3A_2259 : memref<1x512x512xf32, #tpu.memory_space<vmem>> -> memref<512x512xf32, #tpu.memory_space<vmem>>
    tpu.wait_dma2 semaphore(%arg4 : memref<!tpu.dma_semaphore, #tpu.memory_space<semaphore_mem>>) src(%dma_wait3A_2260 : memref<512x512xf32, #tpu.memory_space<vmem>>) dst(%dma_wait3A_2257 : memref<512x512xf32, #tpu.memory_space<any>>)
    %dma_wait3A_2261 = arith.constant 0 : i32
    %dma_wait3A_2262 = arith.constant 0 : i32
    %dma_wait3A_2263 = arith.constant 0 : i32
    %dma_wait3A_2264 = tpu.memref_slice %arg2[%add3A_77, %dma_wait3A_2262, %dma_wait3A_2263] : memref<512x512x512xf32, #tpu.memory_space<any>> -> memref<1x512x512xf32, #tpu.memory_space<any>>
    %dma_wait3A_2265 = tpu.memref_squeeze %dma_wait3A_2264 : memref<1x512x512xf32, #tpu.memory_space<any>> -> memref<512x512xf32, #tpu.memory_space<any>>
    %dma_wait3A_2266 = arith.constant 0 : i32
    %dma_wait3A_2267 = tpu.memref_slice %arg3[%dma_wait3A_2261, %multiple_of3A_79, %dma_wait3A_2266] : memref<2x1000x512xf32, #tpu.memory_space<vmem>> -> memref<1x512x512xf32, #tpu.memory_space<vmem>>
    %dma_wait3A_2268 = tpu.memref_squeeze %dma_wait3A_2267 : memref<1x512x512xf32, #tpu.memory_space<vmem>> -> memref<512x512xf32, #tpu.memory_space<vmem>>
    tpu.wait_dma2 semaphore(%arg4 : memref<!tpu.dma_semaphore, #tpu.memory_space<semaphore_mem>>) src(%dma_wait3A_2268 : memref<512x512xf32, #tpu.memory_space<vmem>>) dst(%dma_wait3A_2265 : memref<512x512xf32, #tpu.memory_space<any>>)
    %dma_wait3A_2269 = arith.constant 0 : i32
    %dma_wait3A_2270 = arith.constant 0 : i32
    %dma_wait3A_2271 = arith.constant 0 : i32
    %dma_wait3A_2272 = tpu.memref_slice %arg2[%add3A_95, %dma_wait3A_2270, %dma_wait3A_2271] : memref<512x512x512xf32, #tpu.memory_space<any>> -> memref<1x512x512xf32, #tpu.memory_space<any>>
    %dma_wait3A_2273 = tpu.memref_squeeze %dma_wait3A_2272 : memref<1x512x512xf32, #tpu.memory_space<any>> -> memref<512x512xf32, #tpu.memory_space<any>>
    %dma_wait3A_2274 = arith.constant 0 : i32
    %dma_wait3A_2275 = tpu.memref_slice %arg3[%dma_wait3A_2269, %multiple_of3A_97, %dma_wait3A_2274] : memref<2x1000x512xf32, #tpu.memory_space<vmem>> -> memref<1x512x512xf32, #tpu.memory_space<vmem>>
    %dma_wait3A_2276 = tpu.memref_squeeze %dma_wait3A_2275 : memref<1x512x512xf32, #tpu.memory_space<vmem>> -> memref<512x512xf32, #tpu.memory_space<vmem>>
    tpu.wait_dma2 semaphore(%arg4 : memref<!tpu.dma_semaphore, #tpu.memory_space<semaphore_mem>>) src(%dma_wait3A_2276 : memref<512x512xf32, #tpu.memory_space<vmem>>) dst(%dma_wait3A_2273 : memref<512x512xf32, #tpu.memory_space<any>>)
    %dma_wait3A_2277 = arith.constant 0 : i32
    %dma_wait3A_2278 = arith.constant 0 : i32
    %dma_wait3A_2279 = arith.constant 0 : i32
    %dma_wait3A_2280 = tpu.memref_slice %arg2[%add3A_113, %dma_wait3A_2278, %dma_wait3A_2279] : memref<512x512x512xf32, #tpu.memory_space<any>> -> memref<1x512x512xf32, #tpu.memory_space<any>>
    %dma_wait3A_2281 = tpu.memref_squeeze %dma_wait3A_2280 : memref<1x512x512xf32, #tpu.memory_space<any>> -> memref<512x512xf32, #tpu.memory_space<any>>
    %dma_wait3A_2282 = arith.constant 0 : i32
    %dma_wait3A_2283 = tpu.memref_slice %arg3[%dma_wait3A_2277, %multiple_of3A_115, %dma_wait3A_2282] : memref<2x1000x512xf32, #tpu.memory_space<vmem>> -> memref<1x512x512xf32, #tpu.memory_space<vmem>>
    %dma_wait3A_2284 = tpu.memref_squeeze %dma_wait3A_2283 : memref<1x512x512xf32, #tpu.memory_space<vmem>> -> memref<512x512xf32, #tpu.memory_space<vmem>>
    tpu.wait_dma2 semaphore(%arg4 : memref<!tpu.dma_semaphore, #tpu.memory_space<semaphore_mem>>) src(%dma_wait3A_2284 : memref<512x512xf32, #tpu.memory_space<vmem>>) dst(%dma_wait3A_2281 : memref<512x512xf32, #tpu.memory_space<any>>)
    %dma_wait3A_2285 = arith.constant 0 : i32
    %dma_wait3A_2286 = arith.constant 0 : i32
    %dma_wait3A_2287 = arith.constant 0 : i32
    %dma_wait3A_2288 = tpu.memref_slice %arg2[%add3A_131, %dma_wait3A_2286, %dma_wait3A_2287] : memref<512x512x512xf32, #tpu.memory_space<any>> -> memref<1x512x512xf32, #tpu.memory_space<any>>
    %dma_wait3A_2289 = tpu.memref_squeeze %dma_wait3A_2288 : memref<1x512x512xf32, #tpu.memory_space<any>> -> memref<512x512xf32, #tpu.memory_space<any>>
    %dma_wait3A_2290 = arith.constant 0 : i32
    %dma_wait3A_2291 = tpu.memref_slice %arg3[%dma_wait3A_2285, %multiple_of3A_133, %dma_wait3A_2290] : memref<2x1000x512xf32, #tpu.memory_space<vmem>> -> memref<1x512x512xf32, #tpu.memory_space<vmem>>
    %dma_wait3A_2292 = tpu.memref_squeeze %dma_wait3A_2291 : memref<1x512x512xf32, #tpu.memory_space<vmem>> -> memref<512x512xf32, #tpu.memory_space<vmem>>
    tpu.wait_dma2 semaphore(%arg4 : memref<!tpu.dma_semaphore, #tpu.memory_space<semaphore_mem>>) src(%dma_wait3A_2292 : memref<512x512xf32, #tpu.memory_space<vmem>>) dst(%dma_wait3A_2289 : memref<512x512xf32, #tpu.memory_space<any>>)
    %dma_wait3A_2293 = arith.constant 0 : i32
    %dma_wait3A_2294 = arith.constant 0 : i32
    %dma_wait3A_2295 = arith.constant 0 : i32
    %dma_wait3A_2296 = tpu.memref_slice %arg2[%add3A_149, %dma_wait3A_2294, %dma_wait3A_2295] : memref<512x512x512xf32, #tpu.memory_space<any>> -> memref<1x512x512xf32, #tpu.memory_space<any>>
    %dma_wait3A_2297 = tpu.memref_squeeze %dma_wait3A_2296 : memref<1x512x512xf32, #tpu.memory_space<any>> -> memref<512x512xf32, #tpu.memory_space<any>>
    %dma_wait3A_2298 = arith.constant 0 : i32
    %dma_wait3A_2299 = tpu.memref_slice %arg3[%dma_wait3A_2293, %multiple_of3A_151, %dma_wait3A_2298] : memref<2x1000x512xf32, #tpu.memory_space<vmem>> -> memref<1x512x512xf32, #tpu.memory_space<vmem>>
    %dma_wait3A_2300 = tpu.memref_squeeze %dma_wait3A_2299 : memref<1x512x512xf32, #tpu.memory_space<vmem>> -> memref<512x512xf32, #tpu.memory_space<vmem>>
    tpu.wait_dma2 semaphore(%arg4 : memref<!tpu.dma_semaphore, #tpu.memory_space<semaphore_mem>>) src(%dma_wait3A_2300 : memref<512x512xf32, #tpu.memory_space<vmem>>) dst(%dma_wait3A_2297 : memref<512x512xf32, #tpu.memory_space<any>>)
    %dma_wait3A_2301 = arith.constant 0 : i32
    %dma_wait3A_2302 = arith.constant 0 : i32
    %dma_wait3A_2303 = arith.constant 0 : i32
    %dma_wait3A_2304 = tpu.memref_slice %arg2[%add3A_167, %dma_wait3A_2302, %dma_wait3A_2303] : memref<512x512x512xf32, #tpu.memory_space<any>> -> memref<1x512x512xf32, #tpu.memory_space<any>>
    %dma_wait3A_2305 = tpu.memref_squeeze %dma_wait3A_2304 : memref<1x512x512xf32, #tpu.memory_space<any>> -> memref<512x512xf32, #tpu.memory_space<any>>
    %dma_wait3A_2306 = arith.constant 0 : i32
    %dma_wait3A_2307 = tpu.memref_slice %arg3[%dma_wait3A_2301, %multiple_of3A_169, %dma_wait3A_2306] : memref<2x1000x512xf32, #tpu.memory_space<vmem>> -> memref<1x512x512xf32, #tpu.memory_space<vmem>>
    %dma_wait3A_2308 = tpu.memref_squeeze %dma_wait3A_2307 : memref<1x512x512xf32, #tpu.memory_space<vmem>> -> memref<512x512xf32, #tpu.memory_space<vmem>>
    tpu.wait_dma2 semaphore(%arg4 : memref<!tpu.dma_semaphore, #tpu.memory_space<semaphore_mem>>) src(%dma_wait3A_2308 : memref<512x512xf32, #tpu.memory_space<vmem>>) dst(%dma_wait3A_2305 : memref<512x512xf32, #tpu.memory_space<any>>)
    %dma_wait3A_2309 = arith.constant 0 : i32
    %dma_wait3A_2310 = arith.constant 0 : i32
    %dma_wait3A_2311 = arith.constant 0 : i32
    %dma_wait3A_2312 = tpu.memref_slice %arg2[%add3A_185, %dma_wait3A_2310, %dma_wait3A_2311] : memref<512x512x512xf32, #tpu.memory_space<any>> -> memref<1x512x512xf32, #tpu.memory_space<any>>
    %dma_wait3A_2313 = tpu.memref_squeeze %dma_wait3A_2312 : memref<1x512x512xf32, #tpu.memory_space<any>> -> memref<512x512xf32, #tpu.memory_space<any>>
    %dma_wait3A_2314 = arith.constant 0 : i32
    %dma_wait3A_2315 = tpu.memref_slice %arg3[%dma_wait3A_2309, %multiple_of3A_187, %dma_wait3A_2314] : memref<2x1000x512xf32, #tpu.memory_space<vmem>> -> memref<1x512x512xf32, #tpu.memory_space<vmem>>
    %dma_wait3A_2316 = tpu.memref_squeeze %dma_wait3A_2315 : memref<1x512x512xf32, #tpu.memory_space<vmem>> -> memref<512x512xf32, #tpu.memory_space<vmem>>
    tpu.wait_dma2 semaphore(%arg4 : memref<!tpu.dma_semaphore, #tpu.memory_space<semaphore_mem>>) src(%dma_wait3A_2316 : memref<512x512xf32, #tpu.memory_space<vmem>>) dst(%dma_wait3A_2313 : memref<512x512xf32, #tpu.memory_space<any>>)
    %dma_wait3A_2317 = arith.constant 0 : i32
    %dma_wait3A_2318 = arith.constant 0 : i32
    %dma_wait3A_2319 = arith.constant 0 : i32
    %dma_wait3A_2320 = tpu.memref_slice %arg2[%add3A_203, %dma_wait3A_2318, %dma_wait3A_2319] : memref<512x512x512xf32, #tpu.memory_space<any>> -> memref<1x512x512xf32, #tpu.memory_space<any>>
    %dma_wait3A_2321 = tpu.memref_squeeze %dma_wait3A_2320 : memref<1x512x512xf32, #tpu.memory_space<any>> -> memref<512x512xf32, #tpu.memory_space<any>>
    %dma_wait3A_2322 = arith.constant 0 : i32
    %dma_wait3A_2323 = tpu.memref_slice %arg3[%dma_wait3A_2317, %multiple_of3A_205, %dma_wait3A_2322] : memref<2x1000x512xf32, #tpu.memory_space<vmem>> -> memref<1x512x512xf32, #tpu.memory_space<vmem>>
    %dma_wait3A_2324 = tpu.memref_squeeze %dma_wait3A_2323 : memref<1x512x512xf32, #tpu.memory_space<vmem>> -> memref<512x512xf32, #tpu.memory_space<vmem>>
    tpu.wait_dma2 semaphore(%arg4 : memref<!tpu.dma_semaphore, #tpu.memory_space<semaphore_mem>>) src(%dma_wait3A_2324 : memref<512x512xf32, #tpu.memory_space<vmem>>) dst(%dma_wait3A_2321 : memref<512x512xf32, #tpu.memory_space<any>>)
    %dma_wait3A_2325 = arith.constant 0 : i32
    %dma_wait3A_2326 = arith.constant 0 : i32
    %dma_wait3A_2327 = arith.constant 0 : i32
    %dma_wait3A_2328 = tpu.memref_slice %arg2[%add3A_221, %dma_wait3A_2326, %dma_wait3A_2327] : memref<512x512x512xf32, #tpu.memory_space<any>> -> memref<1x512x512xf32, #tpu.memory_space<any>>
    %dma_wait3A_2329 = tpu.memref_squeeze %dma_wait3A_2328 : memref<1x512x512xf32, #tpu.memory_space<any>> -> memref<512x512xf32, #tpu.memory_space<any>>
    %dma_wait3A_2330 = arith.constant 0 : i32
    %dma_wait3A_2331 = tpu.memref_slice %arg3[%dma_wait3A_2325, %multiple_of3A_223, %dma_wait3A_2330] : memref<2x1000x512xf32, #tpu.memory_space<vmem>> -> memref<1x512x512xf32, #tpu.memory_space<vmem>>
    %dma_wait3A_2332 = tpu.memref_squeeze %dma_wait3A_2331 : memref<1x512x512xf32, #tpu.memory_space<vmem>> -> memref<512x512xf32, #tpu.memory_space<vmem>>
    tpu.wait_dma2 semaphore(%arg4 : memref<!tpu.dma_semaphore, #tpu.memory_space<semaphore_mem>>) src(%dma_wait3A_2332 : memref<512x512xf32, #tpu.memory_space<vmem>>) dst(%dma_wait3A_2329 : memref<512x512xf32, #tpu.memory_space<any>>)
    %dma_wait3A_2333 = arith.constant 0 : i32
    %dma_wait3A_2334 = arith.constant 0 : i32
    %dma_wait3A_2335 = arith.constant 0 : i32
    %dma_wait3A_2336 = tpu.memref_slice %arg2[%add3A_239, %dma_wait3A_2334, %dma_wait3A_2335] : memref<512x512x512xf32, #tpu.memory_space<any>> -> memref<1x512x512xf32, #tpu.memory_space<any>>
    %dma_wait3A_2337 = tpu.memref_squeeze %dma_wait3A_2336 : memref<1x512x512xf32, #tpu.memory_space<any>> -> memref<512x512xf32, #tpu.memory_space<any>>
    %dma_wait3A_2338 = arith.constant 0 : i32
    %dma_wait3A_2339 = tpu.memref_slice %arg3[%dma_wait3A_2333, %multiple_of3A_241, %dma_wait3A_2338] : memref<2x1000x512xf32, #tpu.memory_space<vmem>> -> memref<1x512x512xf32, #tpu.memory_space<vmem>>
    %dma_wait3A_2340 = tpu.memref_squeeze %dma_wait3A_2339 : memref<1x512x512xf32, #tpu.memory_space<vmem>> -> memref<512x512xf32, #tpu.memory_space<vmem>>
    tpu.wait_dma2 semaphore(%arg4 : memref<!tpu.dma_semaphore, #tpu.memory_space<semaphore_mem>>) src(%dma_wait3A_2340 : memref<512x512xf32, #tpu.memory_space<vmem>>) dst(%dma_wait3A_2337 : memref<512x512xf32, #tpu.memory_space<any>>)
    %dma_wait3A_2341 = arith.constant 0 : i32
    %dma_wait3A_2342 = arith.constant 0 : i32
    %dma_wait3A_2343 = arith.constant 0 : i32
    %dma_wait3A_2344 = tpu.memref_slice %arg2[%add3A_257, %dma_wait3A_2342, %dma_wait3A_2343] : memref<512x512x512xf32, #tpu.memory_space<any>> -> memref<1x512x512xf32, #tpu.memory_space<any>>
    %dma_wait3A_2345 = tpu.memref_squeeze %dma_wait3A_2344 : memref<1x512x512xf32, #tpu.memory_space<any>> -> memref<512x512xf32, #tpu.memory_space<any>>
    %dma_wait3A_2346 = arith.constant 0 : i32
    %dma_wait3A_2347 = tpu.memref_slice %arg3[%dma_wait3A_2341, %multiple_of3A_259, %dma_wait3A_2346] : memref<2x1000x512xf32, #tpu.memory_space<vmem>> -> memref<1x512x512xf32, #tpu.memory_space<vmem>>
    %dma_wait3A_2348 = tpu.memref_squeeze %dma_wait3A_2347 : memref<1x512x512xf32, #tpu.memory_space<vmem>> -> memref<512x512xf32, #tpu.memory_space<vmem>>
    tpu.wait_dma2 semaphore(%arg4 : memref<!tpu.dma_semaphore, #tpu.memory_space<semaphore_mem>>) src(%dma_wait3A_2348 : memref<512x512xf32, #tpu.memory_space<vmem>>) dst(%dma_wait3A_2345 : memref<512x512xf32, #tpu.memory_space<any>>)
    %dma_wait3A_2349 = arith.constant 0 : i32
    %dma_wait3A_2350 = arith.constant 0 : i32
    %dma_wait3A_2351 = arith.constant 0 : i32
    %dma_wait3A_2352 = tpu.memref_slice %arg2[%add3A_275, %dma_wait3A_2350, %dma_wait3A_2351] : memref<512x512x512xf32, #tpu.memory_space<any>> -> memref<1x512x512xf32, #tpu.memory_space<any>>
    %dma_wait3A_2353 = tpu.memref_squeeze %dma_wait3A_2352 : memref<1x512x512xf32, #tpu.memory_space<any>> -> memref<512x512xf32, #tpu.memory_space<any>>
    %dma_wait3A_2354 = arith.constant 0 : i32
    %dma_wait3A_2355 = tpu.memref_slice %arg3[%dma_wait3A_2349, %multiple_of3A_277, %dma_wait3A_2354] : memref<2x1000x512xf32, #tpu.memory_space<vmem>> -> memref<1x512x512xf32, #tpu.memory_space<vmem>>
    %dma_wait3A_2356 = tpu.memref_squeeze %dma_wait3A_2355 : memref<1x512x512xf32, #tpu.memory_space<vmem>> -> memref<512x512xf32, #tpu.memory_space<vmem>>
    tpu.wait_dma2 semaphore(%arg4 : memref<!tpu.dma_semaphore, #tpu.memory_space<semaphore_mem>>) src(%dma_wait3A_2356 : memref<512x512xf32, #tpu.memory_space<vmem>>) dst(%dma_wait3A_2353 : memref<512x512xf32, #tpu.memory_space<any>>)
    %dma_wait3A_2357 = arith.constant 0 : i32
    %dma_wait3A_2358 = arith.constant 0 : i32
    %dma_wait3A_2359 = arith.constant 0 : i32
    %dma_wait3A_2360 = tpu.memref_slice %arg2[%add3A_293, %dma_wait3A_2358, %dma_wait3A_2359] : memref<512x512x512xf32, #tpu.memory_space<any>> -> memref<1x512x512xf32, #tpu.memory_space<any>>
    %dma_wait3A_2361 = tpu.memref_squeeze %dma_wait3A_2360 : memref<1x512x512xf32, #tpu.memory_space<any>> -> memref<512x512xf32, #tpu.memory_space<any>>
    %dma_wait3A_2362 = arith.constant 0 : i32
    %dma_wait3A_2363 = tpu.memref_slice %arg3[%dma_wait3A_2357, %multiple_of3A_295, %dma_wait3A_2362] : memref<2x1000x512xf32, #tpu.memory_space<vmem>> -> memref<1x512x512xf32, #tpu.memory_space<vmem>>
    %dma_wait3A_2364 = tpu.memref_squeeze %dma_wait3A_2363 : memref<1x512x512xf32, #tpu.memory_space<vmem>> -> memref<512x512xf32, #tpu.memory_space<vmem>>
    tpu.wait_dma2 semaphore(%arg4 : memref<!tpu.dma_semaphore, #tpu.memory_space<semaphore_mem>>) src(%dma_wait3A_2364 : memref<512x512xf32, #tpu.memory_space<vmem>>) dst(%dma_wait3A_2361 : memref<512x512xf32, #tpu.memory_space<any>>)
    %dma_wait3A_2365 = arith.constant 0 : i32
    %dma_wait3A_2366 = arith.constant 0 : i32
    %dma_wait3A_2367 = arith.constant 0 : i32
    %dma_wait3A_2368 = tpu.memref_slice %arg2[%add3A_311, %dma_wait3A_2366, %dma_wait3A_2367] : memref<512x512x512xf32, #tpu.memory_space<any>> -> memref<1x512x512xf32, #tpu.memory_space<any>>
    %dma_wait3A_2369 = tpu.memref_squeeze %dma_wait3A_2368 : memref<1x512x512xf32, #tpu.memory_space<any>> -> memref<512x512xf32, #tpu.memory_space<any>>
    %dma_wait3A_2370 = arith.constant 0 : i32
    %dma_wait3A_2371 = tpu.memref_slice %arg3[%dma_wait3A_2365, %multiple_of3A_313, %dma_wait3A_2370] : memref<2x1000x512xf32, #tpu.memory_space<vmem>> -> memref<1x512x512xf32, #tpu.memory_space<vmem>>
    %dma_wait3A_2372 = tpu.memref_squeeze %dma_wait3A_2371 : memref<1x512x512xf32, #tpu.memory_space<vmem>> -> memref<512x512xf32, #tpu.memory_space<vmem>>
    tpu.wait_dma2 semaphore(%arg4 : memref<!tpu.dma_semaphore, #tpu.memory_space<semaphore_mem>>) src(%dma_wait3A_2372 : memref<512x512xf32, #tpu.memory_space<vmem>>) dst(%dma_wait3A_2369 : memref<512x512xf32, #tpu.memory_space<any>>)
    %dma_wait3A_2373 = arith.constant 0 : i32
    %dma_wait3A_2374 = arith.constant 0 : i32
    %dma_wait3A_2375 = arith.constant 0 : i32
    %dma_wait3A_2376 = tpu.memref_slice %arg2[%add3A_329, %dma_wait3A_2374, %dma_wait3A_2375] : memref<512x512x512xf32, #tpu.memory_space<any>> -> memref<1x512x512xf32, #tpu.memory_space<any>>
    %dma_wait3A_2377 = tpu.memref_squeeze %dma_wait3A_2376 : memref<1x512x512xf32, #tpu.memory_space<any>> -> memref<512x512xf32, #tpu.memory_space<any>>
    %dma_wait3A_2378 = arith.constant 0 : i32
    %dma_wait3A_2379 = tpu.memref_slice %arg3[%dma_wait3A_2373, %multiple_of3A_331, %dma_wait3A_2378] : memref<2x1000x512xf32, #tpu.memory_space<vmem>> -> memref<1x512x512xf32, #tpu.memory_space<vmem>>
    %dma_wait3A_2380 = tpu.memref_squeeze %dma_wait3A_2379 : memref<1x512x512xf32, #tpu.memory_space<vmem>> -> memref<512x512xf32, #tpu.memory_space<vmem>>
    tpu.wait_dma2 semaphore(%arg4 : memref<!tpu.dma_semaphore, #tpu.memory_space<semaphore_mem>>) src(%dma_wait3A_2380 : memref<512x512xf32, #tpu.memory_space<vmem>>) dst(%dma_wait3A_2377 : memref<512x512xf32, #tpu.memory_space<any>>)
    %dma_wait3A_2381 = arith.constant 0 : i32
    %dma_wait3A_2382 = arith.constant 0 : i32
    %dma_wait3A_2383 = arith.constant 0 : i32
    %dma_wait3A_2384 = tpu.memref_slice %arg2[%add3A_347, %dma_wait3A_2382, %dma_wait3A_2383] : memref<512x512x512xf32, #tpu.memory_space<any>> -> memref<1x512x512xf32, #tpu.memory_space<any>>
    %dma_wait3A_2385 = tpu.memref_squeeze %dma_wait3A_2384 : memref<1x512x512xf32, #tpu.memory_space<any>> -> memref<512x512xf32, #tpu.memory_space<any>>
    %dma_wait3A_2386 = arith.constant 0 : i32
    %dma_wait3A_2387 = tpu.memref_slice %arg3[%dma_wait3A_2381, %multiple_of3A_349, %dma_wait3A_2386] : memref<2x1000x512xf32, #tpu.memory_space<vmem>> -> memref<1x512x512xf32, #tpu.memory_space<vmem>>
    %dma_wait3A_2388 = tpu.memref_squeeze %dma_wait3A_2387 : memref<1x512x512xf32, #tpu.memory_space<vmem>> -> memref<512x512xf32, #tpu.memory_space<vmem>>
    tpu.wait_dma2 semaphore(%arg4 : memref<!tpu.dma_semaphore, #tpu.memory_space<semaphore_mem>>) src(%dma_wait3A_2388 : memref<512x512xf32, #tpu.memory_space<vmem>>) dst(%dma_wait3A_2385 : memref<512x512xf32, #tpu.memory_space<any>>)
    %dma_wait3A_2389 = arith.constant 0 : i32
    %dma_wait3A_2390 = arith.constant 0 : i32
    %dma_wait3A_2391 = arith.constant 0 : i32
    %dma_wait3A_2392 = tpu.memref_slice %arg2[%add3A_365, %dma_wait3A_2390, %dma_wait3A_2391] : memref<512x512x512xf32, #tpu.memory_space<any>> -> memref<1x512x512xf32, #tpu.memory_space<any>>
    %dma_wait3A_2393 = tpu.memref_squeeze %dma_wait3A_2392 : memref<1x512x512xf32, #tpu.memory_space<any>> -> memref<512x512xf32, #tpu.memory_space<any>>
    %dma_wait3A_2394 = arith.constant 0 : i32
    %dma_wait3A_2395 = tpu.memref_slice %arg3[%dma_wait3A_2389, %multiple_of3A_367, %dma_wait3A_2394] : memref<2x1000x512xf32, #tpu.memory_space<vmem>> -> memref<1x512x512xf32, #tpu.memory_space<vmem>>
    %dma_wait3A_2396 = tpu.memref_squeeze %dma_wait3A_2395 : memref<1x512x512xf32, #tpu.memory_space<vmem>> -> memref<512x512xf32, #tpu.memory_space<vmem>>
    tpu.wait_dma2 semaphore(%arg4 : memref<!tpu.dma_semaphore, #tpu.memory_space<semaphore_mem>>) src(%dma_wait3A_2396 : memref<512x512xf32, #tpu.memory_space<vmem>>) dst(%dma_wait3A_2393 : memref<512x512xf32, #tpu.memory_space<any>>)
    %dma_wait3A_2397 = arith.constant 0 : i32
    %dma_wait3A_2398 = arith.constant 0 : i32
    %dma_wait3A_2399 = arith.constant 0 : i32
    %dma_wait3A_2400 = tpu.memref_slice %arg2[%add3A_383, %dma_wait3A_2398, %dma_wait3A_2399] : memref<512x512x512xf32, #tpu.memory_space<any>> -> memref<1x512x512xf32, #tpu.memory_space<any>>
    %dma_wait3A_2401 = tpu.memref_squeeze %dma_wait3A_2400 : memref<1x512x512xf32, #tpu.memory_space<any>> -> memref<512x512xf32, #tpu.memory_space<any>>
    %dma_wait3A_2402 = arith.constant 0 : i32
    %dma_wait3A_2403 = tpu.memref_slice %arg3[%dma_wait3A_2397, %multiple_of3A_385, %dma_wait3A_2402] : memref<2x1000x512xf32, #tpu.memory_space<vmem>> -> memref<1x512x512xf32, #tpu.memory_space<vmem>>
    %dma_wait3A_2404 = tpu.memref_squeeze %dma_wait3A_2403 : memref<1x512x512xf32, #tpu.memory_space<vmem>> -> memref<512x512xf32, #tpu.memory_space<vmem>>
    tpu.wait_dma2 semaphore(%arg4 : memref<!tpu.dma_semaphore, #tpu.memory_space<semaphore_mem>>) src(%dma_wait3A_2404 : memref<512x512xf32, #tpu.memory_space<vmem>>) dst(%dma_wait3A_2401 : memref<512x512xf32, #tpu.memory_space<any>>)
    %dma_wait3A_2405 = arith.constant 0 : i32
    %dma_wait3A_2406 = arith.constant 0 : i32
    %dma_wait3A_2407 = arith.constant 0 : i32
    %dma_wait3A_2408 = tpu.memref_slice %arg2[%add3A_401, %dma_wait3A_2406, %dma_wait3A_2407] : memref<512x512x512xf32, #tpu.memory_space<any>> -> memref<1x512x512xf32, #tpu.memory_space<any>>
    %dma_wait3A_2409 = tpu.memref_squeeze %dma_wait3A_2408 : memref<1x512x512xf32, #tpu.memory_space<any>> -> memref<512x512xf32, #tpu.memory_space<any>>
    %dma_wait3A_2410 = arith.constant 0 : i32
    %dma_wait3A_2411 = tpu.memref_slice %arg3[%dma_wait3A_2405, %multiple_of3A_403, %dma_wait3A_2410] : memref<2x1000x512xf32, #tpu.memory_space<vmem>> -> memref<1x512x512xf32, #tpu.memory_space<vmem>>
    %dma_wait3A_2412 = tpu.memref_squeeze %dma_wait3A_2411 : memref<1x512x512xf32, #tpu.memory_space<vmem>> -> memref<512x512xf32, #tpu.memory_space<vmem>>
    tpu.wait_dma2 semaphore(%arg4 : memref<!tpu.dma_semaphore, #tpu.memory_space<semaphore_mem>>) src(%dma_wait3A_2412 : memref<512x512xf32, #tpu.memory_space<vmem>>) dst(%dma_wait3A_2409 : memref<512x512xf32, #tpu.memory_space<any>>)
    %dma_wait3A_2413 = arith.constant 0 : i32
    %dma_wait3A_2414 = arith.constant 0 : i32
    %dma_wait3A_2415 = arith.constant 0 : i32
    %dma_wait3A_2416 = tpu.memref_slice %arg2[%add3A_419, %dma_wait3A_2414, %dma_wait3A_2415] : memref<512x512x512xf32, #tpu.memory_space<any>> -> memref<1x512x512xf32, #tpu.memory_space<any>>
    %dma_wait3A_2417 = tpu.memref_squeeze %dma_wait3A_2416 : memref<1x512x512xf32, #tpu.memory_space<any>> -> memref<512x512xf32, #tpu.memory_space<any>>
    %dma_wait3A_2418 = arith.constant 0 : i32
    %dma_wait3A_2419 = tpu.memref_slice %arg3[%dma_wait3A_2413, %multiple_of3A_421, %dma_wait3A_2418] : memref<2x1000x512xf32, #tpu.memory_space<vmem>> -> memref<1x512x512xf32, #tpu.memory_space<vmem>>
    %dma_wait3A_2420 = tpu.memref_squeeze %dma_wait3A_2419 : memref<1x512x512xf32, #tpu.memory_space<vmem>> -> memref<512x512xf32, #tpu.memory_space<vmem>>
    tpu.wait_dma2 semaphore(%arg4 : memref<!tpu.dma_semaphore, #tpu.memory_space<semaphore_mem>>) src(%dma_wait3A_2420 : memref<512x512xf32, #tpu.memory_space<vmem>>) dst(%dma_wait3A_2417 : memref<512x512xf32, #tpu.memory_space<any>>)
    %dma_wait3A_2421 = arith.constant 0 : i32
    %dma_wait3A_2422 = arith.constant 0 : i32
    %dma_wait3A_2423 = arith.constant 0 : i32
    %dma_wait3A_2424 = tpu.memref_slice %arg2[%add3A_437, %dma_wait3A_2422, %dma_wait3A_2423] : memref<512x512x512xf32, #tpu.memory_space<any>> -> memref<1x512x512xf32, #tpu.memory_space<any>>
    %dma_wait3A_2425 = tpu.memref_squeeze %dma_wait3A_2424 : memref<1x512x512xf32, #tpu.memory_space<any>> -> memref<512x512xf32, #tpu.memory_space<any>>
    %dma_wait3A_2426 = arith.constant 0 : i32
    %dma_wait3A_2427 = tpu.memref_slice %arg3[%dma_wait3A_2421, %multiple_of3A_439, %dma_wait3A_2426] : memref<2x1000x512xf32, #tpu.memory_space<vmem>> -> memref<1x512x512xf32, #tpu.memory_space<vmem>>
    %dma_wait3A_2428 = tpu.memref_squeeze %dma_wait3A_2427 : memref<1x512x512xf32, #tpu.memory_space<vmem>> -> memref<512x512xf32, #tpu.memory_space<vmem>>
    tpu.wait_dma2 semaphore(%arg4 : memref<!tpu.dma_semaphore, #tpu.memory_space<semaphore_mem>>) src(%dma_wait3A_2428 : memref<512x512xf32, #tpu.memory_space<vmem>>) dst(%dma_wait3A_2425 : memref<512x512xf32, #tpu.memory_space<any>>)
    %dma_wait3A_2429 = arith.constant 0 : i32
    %dma_wait3A_2430 = arith.constant 0 : i32
    %dma_wait3A_2431 = arith.constant 0 : i32
    %dma_wait3A_2432 = tpu.memref_slice %arg2[%add3A_455, %dma_wait3A_2430, %dma_wait3A_2431] : memref<512x512x512xf32, #tpu.memory_space<any>> -> memref<1x512x512xf32, #tpu.memory_space<any>>
    %dma_wait3A_2433 = tpu.memref_squeeze %dma_wait3A_2432 : memref<1x512x512xf32, #tpu.memory_space<any>> -> memref<512x512xf32, #tpu.memory_space<any>>
    %dma_wait3A_2434 = arith.constant 0 : i32
    %dma_wait3A_2435 = tpu.memref_slice %arg3[%dma_wait3A_2429, %multiple_of3A_457, %dma_wait3A_2434] : memref<2x1000x512xf32, #tpu.memory_space<vmem>> -> memref<1x512x512xf32, #tpu.memory_space<vmem>>
    %dma_wait3A_2436 = tpu.memref_squeeze %dma_wait3A_2435 : memref<1x512x512xf32, #tpu.memory_space<vmem>> -> memref<512x512xf32, #tpu.memory_space<vmem>>
    tpu.wait_dma2 semaphore(%arg4 : memref<!tpu.dma_semaphore, #tpu.memory_space<semaphore_mem>>) src(%dma_wait3A_2436 : memref<512x512xf32, #tpu.memory_space<vmem>>) dst(%dma_wait3A_2433 : memref<512x512xf32, #tpu.memory_space<any>>)
    %dma_wait3A_2437 = arith.constant 0 : i32
    %dma_wait3A_2438 = arith.constant 0 : i32
    %dma_wait3A_2439 = arith.constant 0 : i32
    %dma_wait3A_2440 = tpu.memref_slice %arg2[%add3A_473, %dma_wait3A_2438, %dma_wait3A_2439] : memref<512x512x512xf32, #tpu.memory_space<any>> -> memref<1x512x512xf32, #tpu.memory_space<any>>
    %dma_wait3A_2441 = tpu.memref_squeeze %dma_wait3A_2440 : memref<1x512x512xf32, #tpu.memory_space<any>> -> memref<512x512xf32, #tpu.memory_space<any>>
    %dma_wait3A_2442 = arith.constant 0 : i32
    %dma_wait3A_2443 = tpu.memref_slice %arg3[%dma_wait3A_2437, %multiple_of3A_475, %dma_wait3A_2442] : memref<2x1000x512xf32, #tpu.memory_space<vmem>> -> memref<1x512x512xf32, #tpu.memory_space<vmem>>
    %dma_wait3A_2444 = tpu.memref_squeeze %dma_wait3A_2443 : memref<1x512x512xf32, #tpu.memory_space<vmem>> -> memref<512x512xf32, #tpu.memory_space<vmem>>
    tpu.wait_dma2 semaphore(%arg4 : memref<!tpu.dma_semaphore, #tpu.memory_space<semaphore_mem>>) src(%dma_wait3A_2444 : memref<512x512xf32, #tpu.memory_space<vmem>>) dst(%dma_wait3A_2441 : memref<512x512xf32, #tpu.memory_space<any>>)
    %dma_wait3A_2445 = arith.constant 0 : i32
    %dma_wait3A_2446 = arith.constant 0 : i32
    %dma_wait3A_2447 = arith.constant 0 : i32
    %dma_wait3A_2448 = tpu.memref_slice %arg2[%add3A_491, %dma_wait3A_2446, %dma_wait3A_2447] : memref<512x512x512xf32, #tpu.memory_space<any>> -> memref<1x512x512xf32, #tpu.memory_space<any>>
    %dma_wait3A_2449 = tpu.memref_squeeze %dma_wait3A_2448 : memref<1x512x512xf32, #tpu.memory_space<any>> -> memref<512x512xf32, #tpu.memory_space<any>>
    %dma_wait3A_2450 = arith.constant 0 : i32
    %dma_wait3A_2451 = tpu.memref_slice %arg3[%dma_wait3A_2445, %multiple_of3A_493, %dma_wait3A_2450] : memref<2x1000x512xf32, #tpu.memory_space<vmem>> -> memref<1x512x512xf32, #tpu.memory_space<vmem>>
    %dma_wait3A_2452 = tpu.memref_squeeze %dma_wait3A_2451 : memref<1x512x512xf32, #tpu.memory_space<vmem>> -> memref<512x512xf32, #tpu.memory_space<vmem>>
    tpu.wait_dma2 semaphore(%arg4 : memref<!tpu.dma_semaphore, #tpu.memory_space<semaphore_mem>>) src(%dma_wait3A_2452 : memref<512x512xf32, #tpu.memory_space<vmem>>) dst(%dma_wait3A_2449 : memref<512x512xf32, #tpu.memory_space<any>>)
    %dma_wait3A_2453 = arith.constant 0 : i32
    %dma_wait3A_2454 = arith.constant 0 : i32
    %dma_wait3A_2455 = arith.constant 0 : i32
    %dma_wait3A_2456 = tpu.memref_slice %arg2[%add3A_509, %dma_wait3A_2454, %dma_wait3A_2455] : memref<512x512x512xf32, #tpu.memory_space<any>> -> memref<1x512x512xf32, #tpu.memory_space<any>>
    %dma_wait3A_2457 = tpu.memref_squeeze %dma_wait3A_2456 : memref<1x512x512xf32, #tpu.memory_space<any>> -> memref<512x512xf32, #tpu.memory_space<any>>
    %dma_wait3A_2458 = arith.constant 0 : i32
    %dma_wait3A_2459 = tpu.memref_slice %arg3[%dma_wait3A_2453, %multiple_of3A_511, %dma_wait3A_2458] : memref<2x1000x512xf32, #tpu.memory_space<vmem>> -> memref<1x512x512xf32, #tpu.memory_space<vmem>>
    %dma_wait3A_2460 = tpu.memref_squeeze %dma_wait3A_2459 : memref<1x512x512xf32, #tpu.memory_space<vmem>> -> memref<512x512xf32, #tpu.memory_space<vmem>>
    tpu.wait_dma2 semaphore(%arg4 : memref<!tpu.dma_semaphore, #tpu.memory_space<semaphore_mem>>) src(%dma_wait3A_2460 : memref<512x512xf32, #tpu.memory_space<vmem>>) dst(%dma_wait3A_2457 : memref<512x512xf32, #tpu.memory_space<any>>)
    %dma_wait3A_2461 = arith.constant 0 : i32
    %dma_wait3A_2462 = arith.constant 0 : i32
    %dma_wait3A_2463 = arith.constant 0 : i32
    %dma_wait3A_2464 = tpu.memref_slice %arg2[%add3A_527, %dma_wait3A_2462, %dma_wait3A_2463] : memref<512x512x512xf32, #tpu.memory_space<any>> -> memref<1x512x512xf32, #tpu.memory_space<any>>
    %dma_wait3A_2465 = tpu.memref_squeeze %dma_wait3A_2464 : memref<1x512x512xf32, #tpu.memory_space<any>> -> memref<512x512xf32, #tpu.memory_space<any>>
    %dma_wait3A_2466 = arith.constant 0 : i32
    %dma_wait3A_2467 = tpu.memref_slice %arg3[%dma_wait3A_2461, %multiple_of3A_529, %dma_wait3A_2466] : memref<2x1000x512xf32, #tpu.memory_space<vmem>> -> memref<1x512x512xf32, #tpu.memory_space<vmem>>
    %dma_wait3A_2468 = tpu.memref_squeeze %dma_wait3A_2467 : memref<1x512x512xf32, #tpu.memory_space<vmem>> -> memref<512x512xf32, #tpu.memory_space<vmem>>
    tpu.wait_dma2 semaphore(%arg4 : memref<!tpu.dma_semaphore, #tpu.memory_space<semaphore_mem>>) src(%dma_wait3A_2468 : memref<512x512xf32, #tpu.memory_space<vmem>>) dst(%dma_wait3A_2465 : memref<512x512xf32, #tpu.memory_space<any>>)
    %dma_wait3A_2469 = arith.constant 0 : i32
    %dma_wait3A_2470 = arith.constant 0 : i32
    %dma_wait3A_2471 = arith.constant 0 : i32
    %dma_wait3A_2472 = tpu.memref_slice %arg2[%add3A_545, %dma_wait3A_2470, %dma_wait3A_2471] : memref<512x512x512xf32, #tpu.memory_space<any>> -> memref<1x512x512xf32, #tpu.memory_space<any>>
    %dma_wait3A_2473 = tpu.memref_squeeze %dma_wait3A_2472 : memref<1x512x512xf32, #tpu.memory_space<any>> -> memref<512x512xf32, #tpu.memory_space<any>>
    %dma_wait3A_2474 = arith.constant 0 : i32
    %dma_wait3A_2475 = tpu.memref_slice %arg3[%dma_wait3A_2469, %multiple_of3A_547, %dma_wait3A_2474] : memref<2x1000x512xf32, #tpu.memory_space<vmem>> -> memref<1x512x512xf32, #tpu.memory_space<vmem>>
    %dma_wait3A_2476 = tpu.memref_squeeze %dma_wait3A_2475 : memref<1x512x512xf32, #tpu.memory_space<vmem>> -> memref<512x512xf32, #tpu.memory_space<vmem>>
    tpu.wait_dma2 semaphore(%arg4 : memref<!tpu.dma_semaphore, #tpu.memory_space<semaphore_mem>>) src(%dma_wait3A_2476 : memref<512x512xf32, #tpu.memory_space<vmem>>) dst(%dma_wait3A_2473 : memref<512x512xf32, #tpu.memory_space<any>>)
    %dma_wait3A_2477 = arith.constant 0 : i32
    %dma_wait3A_2478 = arith.constant 0 : i32
    %dma_wait3A_2479 = arith.constant 0 : i32
    %dma_wait3A_2480 = tpu.memref_slice %arg2[%add3A_563, %dma_wait3A_2478, %dma_wait3A_2479] : memref<512x512x512xf32, #tpu.memory_space<any>> -> memref<1x512x512xf32, #tpu.memory_space<any>>
    %dma_wait3A_2481 = tpu.memref_squeeze %dma_wait3A_2480 : memref<1x512x512xf32, #tpu.memory_space<any>> -> memref<512x512xf32, #tpu.memory_space<any>>
    %dma_wait3A_2482 = arith.constant 0 : i32
    %dma_wait3A_2483 = tpu.memref_slice %arg3[%dma_wait3A_2477, %multiple_of3A_565, %dma_wait3A_2482] : memref<2x1000x512xf32, #tpu.memory_space<vmem>> -> memref<1x512x512xf32, #tpu.memory_space<vmem>>
    %dma_wait3A_2484 = tpu.memref_squeeze %dma_wait3A_2483 : memref<1x512x512xf32, #tpu.memory_space<vmem>> -> memref<512x512xf32, #tpu.memory_space<vmem>>
    tpu.wait_dma2 semaphore(%arg4 : memref<!tpu.dma_semaphore, #tpu.memory_space<semaphore_mem>>) src(%dma_wait3A_2484 : memref<512x512xf32, #tpu.memory_space<vmem>>) dst(%dma_wait3A_2481 : memref<512x512xf32, #tpu.memory_space<any>>)
    %dma_wait3A_2485 = arith.constant 0 : i32
    %dma_wait3A_2486 = arith.constant 0 : i32
    %dma_wait3A_2487 = arith.constant 0 : i32
    %dma_wait3A_2488 = tpu.memref_slice %arg2[%add3A_581, %dma_wait3A_2486, %dma_wait3A_2487] : memref<512x512x512xf32, #tpu.memory_space<any>> -> memref<1x512x512xf32, #tpu.memory_space<any>>
    %dma_wait3A_2489 = tpu.memref_squeeze %dma_wait3A_2488 : memref<1x512x512xf32, #tpu.memory_space<any>> -> memref<512x512xf32, #tpu.memory_space<any>>
    %dma_wait3A_2490 = arith.constant 0 : i32
    %dma_wait3A_2491 = tpu.memref_slice %arg3[%dma_wait3A_2485, %multiple_of3A_583, %dma_wait3A_2490] : memref<2x1000x512xf32, #tpu.memory_space<vmem>> -> memref<1x512x512xf32, #tpu.memory_space<vmem>>
    %dma_wait3A_2492 = tpu.memref_squeeze %dma_wait3A_2491 : memref<1x512x512xf32, #tpu.memory_space<vmem>> -> memref<512x512xf32, #tpu.memory_space<vmem>>
    tpu.wait_dma2 semaphore(%arg4 : memref<!tpu.dma_semaphore, #tpu.memory_space<semaphore_mem>>) src(%dma_wait3A_2492 : memref<512x512xf32, #tpu.memory_space<vmem>>) dst(%dma_wait3A_2489 : memref<512x512xf32, #tpu.memory_space<any>>)
    %dma_wait3A_2493 = arith.constant 0 : i32
    %dma_wait3A_2494 = arith.constant 0 : i32
    %dma_wait3A_2495 = arith.constant 0 : i32
    %dma_wait3A_2496 = tpu.memref_slice %arg2[%add3A_599, %dma_wait3A_2494, %dma_wait3A_2495] : memref<512x512x512xf32, #tpu.memory_space<any>> -> memref<1x512x512xf32, #tpu.memory_space<any>>
    %dma_wait3A_2497 = tpu.memref_squeeze %dma_wait3A_2496 : memref<1x512x512xf32, #tpu.memory_space<any>> -> memref<512x512xf32, #tpu.memory_space<any>>
    %dma_wait3A_2498 = arith.constant 0 : i32
    %dma_wait3A_2499 = tpu.memref_slice %arg3[%dma_wait3A_2493, %multiple_of3A_601, %dma_wait3A_2498] : memref<2x1000x512xf32, #tpu.memory_space<vmem>> -> memref<1x512x512xf32, #tpu.memory_space<vmem>>
    %dma_wait3A_2500 = tpu.memref_squeeze %dma_wait3A_2499 : memref<1x512x512xf32, #tpu.memory_space<vmem>> -> memref<512x512xf32, #tpu.memory_space<vmem>>
    tpu.wait_dma2 semaphore(%arg4 : memref<!tpu.dma_semaphore, #tpu.memory_space<semaphore_mem>>) src(%dma_wait3A_2500 : memref<512x512xf32, #tpu.memory_space<vmem>>) dst(%dma_wait3A_2497 : memref<512x512xf32, #tpu.memory_space<any>>)
    %dma_wait3A_2501 = arith.constant 0 : i32
    %dma_wait3A_2502 = arith.constant 0 : i32
    %dma_wait3A_2503 = arith.constant 0 : i32
    %dma_wait3A_2504 = tpu.memref_slice %arg2[%add3A_617, %dma_wait3A_2502, %dma_wait3A_2503] : memref<512x512x512xf32, #tpu.memory_space<any>> -> memref<1x512x512xf32, #tpu.memory_space<any>>
    %dma_wait3A_2505 = tpu.memref_squeeze %dma_wait3A_2504 : memref<1x512x512xf32, #tpu.memory_space<any>> -> memref<512x512xf32, #tpu.memory_space<any>>
    %dma_wait3A_2506 = arith.constant 0 : i32
    %dma_wait3A_2507 = tpu.memref_slice %arg3[%dma_wait3A_2501, %multiple_of3A_619, %dma_wait3A_2506] : memref<2x1000x512xf32, #tpu.memory_space<vmem>> -> memref<1x512x512xf32, #tpu.memory_space<vmem>>
    %dma_wait3A_2508 = tpu.memref_squeeze %dma_wait3A_2507 : memref<1x512x512xf32, #tpu.memory_space<vmem>> -> memref<512x512xf32, #tpu.memory_space<vmem>>
    tpu.wait_dma2 semaphore(%arg4 : memref<!tpu.dma_semaphore, #tpu.memory_space<semaphore_mem>>) src(%dma_wait3A_2508 : memref<512x512xf32, #tpu.memory_space<vmem>>) dst(%dma_wait3A_2505 : memref<512x512xf32, #tpu.memory_space<any>>)
    %dma_wait3A_2509 = arith.constant 0 : i32
    %dma_wait3A_2510 = arith.constant 0 : i32
    %dma_wait3A_2511 = arith.constant 0 : i32
    %dma_wait3A_2512 = tpu.memref_slice %arg2[%add3A_635, %dma_wait3A_2510, %dma_wait3A_2511] : memref<512x512x512xf32, #tpu.memory_space<any>> -> memref<1x512x512xf32, #tpu.memory_space<any>>
    %dma_wait3A_2513 = tpu.memref_squeeze %dma_wait3A_2512 : memref<1x512x512xf32, #tpu.memory_space<any>> -> memref<512x512xf32, #tpu.memory_space<any>>
    %dma_wait3A_2514 = arith.constant 0 : i32
    %dma_wait3A_2515 = tpu.memref_slice %arg3[%dma_wait3A_2509, %multiple_of3A_637, %dma_wait3A_2514] : memref<2x1000x512xf32, #tpu.memory_space<vmem>> -> memref<1x512x512xf32, #tpu.memory_space<vmem>>
    %dma_wait3A_2516 = tpu.memref_squeeze %dma_wait3A_2515 : memref<1x512x512xf32, #tpu.memory_space<vmem>> -> memref<512x512xf32, #tpu.memory_space<vmem>>
    tpu.wait_dma2 semaphore(%arg4 : memref<!tpu.dma_semaphore, #tpu.memory_space<semaphore_mem>>) src(%dma_wait3A_2516 : memref<512x512xf32, #tpu.memory_space<vmem>>) dst(%dma_wait3A_2513 : memref<512x512xf32, #tpu.memory_space<any>>)
    %dma_wait3A_2517 = arith.constant 0 : i32
    %dma_wait3A_2518 = arith.constant 0 : i32
    %dma_wait3A_2519 = arith.constant 0 : i32
    %dma_wait3A_2520 = tpu.memref_slice %arg2[%add3A_653, %dma_wait3A_2518, %dma_wait3A_2519] : memref<512x512x512xf32, #tpu.memory_space<any>> -> memref<1x512x512xf32, #tpu.memory_space<any>>
    %dma_wait3A_2521 = tpu.memref_squeeze %dma_wait3A_2520 : memref<1x512x512xf32, #tpu.memory_space<any>> -> memref<512x512xf32, #tpu.memory_space<any>>
    %dma_wait3A_2522 = arith.constant 0 : i32
    %dma_wait3A_2523 = tpu.memref_slice %arg3[%dma_wait3A_2517, %multiple_of3A_655, %dma_wait3A_2522] : memref<2x1000x512xf32, #tpu.memory_space<vmem>> -> memref<1x512x512xf32, #tpu.memory_space<vmem>>
    %dma_wait3A_2524 = tpu.memref_squeeze %dma_wait3A_2523 : memref<1x512x512xf32, #tpu.memory_space<vmem>> -> memref<512x512xf32, #tpu.memory_space<vmem>>
    tpu.wait_dma2 semaphore(%arg4 : memref<!tpu.dma_semaphore, #tpu.memory_space<semaphore_mem>>) src(%dma_wait3A_2524 : memref<512x512xf32, #tpu.memory_space<vmem>>) dst(%dma_wait3A_2521 : memref<512x512xf32, #tpu.memory_space<any>>)
    %dma_wait3A_2525 = arith.constant 0 : i32
    %dma_wait3A_2526 = arith.constant 0 : i32
    %dma_wait3A_2527 = arith.constant 0 : i32
    %dma_wait3A_2528 = tpu.memref_slice %arg2[%add3A_671, %dma_wait3A_2526, %dma_wait3A_2527] : memref<512x512x512xf32, #tpu.memory_space<any>> -> memref<1x512x512xf32, #tpu.memory_space<any>>
    %dma_wait3A_2529 = tpu.memref_squeeze %dma_wait3A_2528 : memref<1x512x512xf32, #tpu.memory_space<any>> -> memref<512x512xf32, #tpu.memory_space<any>>
    %dma_wait3A_2530 = arith.constant 0 : i32
    %dma_wait3A_2531 = tpu.memref_slice %arg3[%dma_wait3A_2525, %multiple_of3A_673, %dma_wait3A_2530] : memref<2x1000x512xf32, #tpu.memory_space<vmem>> -> memref<1x512x512xf32, #tpu.memory_space<vmem>>
    %dma_wait3A_2532 = tpu.memref_squeeze %dma_wait3A_2531 : memref<1x512x512xf32, #tpu.memory_space<vmem>> -> memref<512x512xf32, #tpu.memory_space<vmem>>
    tpu.wait_dma2 semaphore(%arg4 : memref<!tpu.dma_semaphore, #tpu.memory_space<semaphore_mem>>) src(%dma_wait3A_2532 : memref<512x512xf32, #tpu.memory_space<vmem>>) dst(%dma_wait3A_2529 : memref<512x512xf32, #tpu.memory_space<any>>)
    %dma_wait3A_2533 = arith.constant 0 : i32
    %dma_wait3A_2534 = arith.constant 0 : i32
    %dma_wait3A_2535 = arith.constant 0 : i32
    %dma_wait3A_2536 = tpu.memref_slice %arg2[%add3A_689, %dma_wait3A_2534, %dma_wait3A_2535] : memref<512x512x512xf32, #tpu.memory_space<any>> -> memref<1x512x512xf32, #tpu.memory_space<any>>
    %dma_wait3A_2537 = tpu.memref_squeeze %dma_wait3A_2536 : memref<1x512x512xf32, #tpu.memory_space<any>> -> memref<512x512xf32, #tpu.memory_space<any>>
    %dma_wait3A_2538 = arith.constant 0 : i32
    %dma_wait3A_2539 = tpu.memref_slice %arg3[%dma_wait3A_2533, %multiple_of3A_691, %dma_wait3A_2538] : memref<2x1000x512xf32, #tpu.memory_space<vmem>> -> memref<1x512x512xf32, #tpu.memory_space<vmem>>
    %dma_wait3A_2540 = tpu.memref_squeeze %dma_wait3A_2539 : memref<1x512x512xf32, #tpu.memory_space<vmem>> -> memref<512x512xf32, #tpu.memory_space<vmem>>
    tpu.wait_dma2 semaphore(%arg4 : memref<!tpu.dma_semaphore, #tpu.memory_space<semaphore_mem>>) src(%dma_wait3A_2540 : memref<512x512xf32, #tpu.memory_space<vmem>>) dst(%dma_wait3A_2537 : memref<512x512xf32, #tpu.memory_space<any>>)
    %dma_wait3A_2541 = arith.constant 0 : i32
    %dma_wait3A_2542 = arith.constant 0 : i32
    %dma_wait3A_2543 = arith.constant 0 : i32
    %dma_wait3A_2544 = tpu.memref_slice %arg2[%add3A_707, %dma_wait3A_2542, %dma_wait3A_2543] : memref<512x512x512xf32, #tpu.memory_space<any>> -> memref<1x512x512xf32, #tpu.memory_space<any>>
    %dma_wait3A_2545 = tpu.memref_squeeze %dma_wait3A_2544 : memref<1x512x512xf32, #tpu.memory_space<any>> -> memref<512x512xf32, #tpu.memory_space<any>>
    %dma_wait3A_2546 = arith.constant 0 : i32
    %dma_wait3A_2547 = tpu.memref_slice %arg3[%dma_wait3A_2541, %multiple_of3A_709, %dma_wait3A_2546] : memref<2x1000x512xf32, #tpu.memory_space<vmem>> -> memref<1x512x512xf32, #tpu.memory_space<vmem>>
    %dma_wait3A_2548 = tpu.memref_squeeze %dma_wait3A_2547 : memref<1x512x512xf32, #tpu.memory_space<vmem>> -> memref<512x512xf32, #tpu.memory_space<vmem>>
    tpu.wait_dma2 semaphore(%arg4 : memref<!tpu.dma_semaphore, #tpu.memory_space<semaphore_mem>>) src(%dma_wait3A_2548 : memref<512x512xf32, #tpu.memory_space<vmem>>) dst(%dma_wait3A_2545 : memref<512x512xf32, #tpu.memory_space<any>>)
    %dma_wait3A_2549 = arith.constant 0 : i32
    %dma_wait3A_2550 = arith.constant 0 : i32
    %dma_wait3A_2551 = arith.constant 0 : i32
    %dma_wait3A_2552 = tpu.memref_slice %arg2[%add3A_725, %dma_wait3A_2550, %dma_wait3A_2551] : memref<512x512x512xf32, #tpu.memory_space<any>> -> memref<1x512x512xf32, #tpu.memory_space<any>>
    %dma_wait3A_2553 = tpu.memref_squeeze %dma_wait3A_2552 : memref<1x512x512xf32, #tpu.memory_space<any>> -> memref<512x512xf32, #tpu.memory_space<any>>
    %dma_wait3A_2554 = arith.constant 0 : i32
    %dma_wait3A_2555 = tpu.memref_slice %arg3[%dma_wait3A_2549, %multiple_of3A_727, %dma_wait3A_2554] : memref<2x1000x512xf32, #tpu.memory_space<vmem>> -> memref<1x512x512xf32, #tpu.memory_space<vmem>>
    %dma_wait3A_2556 = tpu.memref_squeeze %dma_wait3A_2555 : memref<1x512x512xf32, #tpu.memory_space<vmem>> -> memref<512x512xf32, #tpu.memory_space<vmem>>
    tpu.wait_dma2 semaphore(%arg4 : memref<!tpu.dma_semaphore, #tpu.memory_space<semaphore_mem>>) src(%dma_wait3A_2556 : memref<512x512xf32, #tpu.memory_space<vmem>>) dst(%dma_wait3A_2553 : memref<512x512xf32, #tpu.memory_space<any>>)
    %dma_wait3A_2557 = arith.constant 0 : i32
    %dma_wait3A_2558 = arith.constant 0 : i32
    %dma_wait3A_2559 = arith.constant 0 : i32
    %dma_wait3A_2560 = tpu.memref_slice %arg2[%add3A_743, %dma_wait3A_2558, %dma_wait3A_2559] : memref<512x512x512xf32, #tpu.memory_space<any>> -> memref<1x512x512xf32, #tpu.memory_space<any>>
    %dma_wait3A_2561 = tpu.memref_squeeze %dma_wait3A_2560 : memref<1x512x512xf32, #tpu.memory_space<any>> -> memref<512x512xf32, #tpu.memory_space<any>>
    %dma_wait3A_2562 = arith.constant 0 : i32
    %dma_wait3A_2563 = tpu.memref_slice %arg3[%dma_wait3A_2557, %multiple_of3A_745, %dma_wait3A_2562] : memref<2x1000x512xf32, #tpu.memory_space<vmem>> -> memref<1x512x512xf32, #tpu.memory_space<vmem>>
    %dma_wait3A_2564 = tpu.memref_squeeze %dma_wait3A_2563 : memref<1x512x512xf32, #tpu.memory_space<vmem>> -> memref<512x512xf32, #tpu.memory_space<vmem>>
    tpu.wait_dma2 semaphore(%arg4 : memref<!tpu.dma_semaphore, #tpu.memory_space<semaphore_mem>>) src(%dma_wait3A_2564 : memref<512x512xf32, #tpu.memory_space<vmem>>) dst(%dma_wait3A_2561 : memref<512x512xf32, #tpu.memory_space<any>>)
    %dma_wait3A_2565 = arith.constant 0 : i32
    %dma_wait3A_2566 = arith.constant 0 : i32
    %dma_wait3A_2567 = arith.constant 0 : i32
    %dma_wait3A_2568 = tpu.memref_slice %arg2[%add3A_761, %dma_wait3A_2566, %dma_wait3A_2567] : memref<512x512x512xf32, #tpu.memory_space<any>> -> memref<1x512x512xf32, #tpu.memory_space<any>>
    %dma_wait3A_2569 = tpu.memref_squeeze %dma_wait3A_2568 : memref<1x512x512xf32, #tpu.memory_space<any>> -> memref<512x512xf32, #tpu.memory_space<any>>
    %dma_wait3A_2570 = arith.constant 0 : i32
    %dma_wait3A_2571 = tpu.memref_slice %arg3[%dma_wait3A_2565, %multiple_of3A_763, %dma_wait3A_2570] : memref<2x1000x512xf32, #tpu.memory_space<vmem>> -> memref<1x512x512xf32, #tpu.memory_space<vmem>>
    %dma_wait3A_2572 = tpu.memref_squeeze %dma_wait3A_2571 : memref<1x512x512xf32, #tpu.memory_space<vmem>> -> memref<512x512xf32, #tpu.memory_space<vmem>>
    tpu.wait_dma2 semaphore(%arg4 : memref<!tpu.dma_semaphore, #tpu.memory_space<semaphore_mem>>) src(%dma_wait3A_2572 : memref<512x512xf32, #tpu.memory_space<vmem>>) dst(%dma_wait3A_2569 : memref<512x512xf32, #tpu.memory_space<any>>)
    %dma_wait3A_2573 = arith.constant 0 : i32
    %dma_wait3A_2574 = arith.constant 0 : i32
    %dma_wait3A_2575 = arith.constant 0 : i32
    %dma_wait3A_2576 = tpu.memref_slice %arg2[%add3A_779, %dma_wait3A_2574, %dma_wait3A_2575] : memref<512x512x512xf32, #tpu.memory_space<any>> -> memref<1x512x512xf32, #tpu.memory_space<any>>
    %dma_wait3A_2577 = tpu.memref_squeeze %dma_wait3A_2576 : memref<1x512x512xf32, #tpu.memory_space<any>> -> memref<512x512xf32, #tpu.memory_space<any>>
    %dma_wait3A_2578 = arith.constant 0 : i32
    %dma_wait3A_2579 = tpu.memref_slice %arg3[%dma_wait3A_2573, %multiple_of3A_781, %dma_wait3A_2578] : memref<2x1000x512xf32, #tpu.memory_space<vmem>> -> memref<1x512x512xf32, #tpu.memory_space<vmem>>
    %dma_wait3A_2580 = tpu.memref_squeeze %dma_wait3A_2579 : memref<1x512x512xf32, #tpu.memory_space<vmem>> -> memref<512x512xf32, #tpu.memory_space<vmem>>
    tpu.wait_dma2 semaphore(%arg4 : memref<!tpu.dma_semaphore, #tpu.memory_space<semaphore_mem>>) src(%dma_wait3A_2580 : memref<512x512xf32, #tpu.memory_space<vmem>>) dst(%dma_wait3A_2577 : memref<512x512xf32, #tpu.memory_space<any>>)
    %dma_wait3A_2581 = arith.constant 0 : i32
    %dma_wait3A_2582 = arith.constant 0 : i32
    %dma_wait3A_2583 = arith.constant 0 : i32
    %dma_wait3A_2584 = tpu.memref_slice %arg2[%add3A_797, %dma_wait3A_2582, %dma_wait3A_2583] : memref<512x512x512xf32, #tpu.memory_space<any>> -> memref<1x512x512xf32, #tpu.memory_space<any>>
    %dma_wait3A_2585 = tpu.memref_squeeze %dma_wait3A_2584 : memref<1x512x512xf32, #tpu.memory_space<any>> -> memref<512x512xf32, #tpu.memory_space<any>>
    %dma_wait3A_2586 = arith.constant 0 : i32
    %dma_wait3A_2587 = tpu.memref_slice %arg3[%dma_wait3A_2581, %multiple_of3A_799, %dma_wait3A_2586] : memref<2x1000x512xf32, #tpu.memory_space<vmem>> -> memref<1x512x512xf32, #tpu.memory_space<vmem>>
    %dma_wait3A_2588 = tpu.memref_squeeze %dma_wait3A_2587 : memref<1x512x512xf32, #tpu.memory_space<vmem>> -> memref<512x512xf32, #tpu.memory_space<vmem>>
    tpu.wait_dma2 semaphore(%arg4 : memref<!tpu.dma_semaphore, #tpu.memory_space<semaphore_mem>>) src(%dma_wait3A_2588 : memref<512x512xf32, #tpu.memory_space<vmem>>) dst(%dma_wait3A_2585 : memref<512x512xf32, #tpu.memory_space<any>>)
    %dma_wait3A_2589 = arith.constant 0 : i32
    %dma_wait3A_2590 = arith.constant 0 : i32
    %dma_wait3A_2591 = arith.constant 0 : i32
    %dma_wait3A_2592 = tpu.memref_slice %arg2[%add3A_815, %dma_wait3A_2590, %dma_wait3A_2591] : memref<512x512x512xf32, #tpu.memory_space<any>> -> memref<1x512x512xf32, #tpu.memory_space<any>>
    %dma_wait3A_2593 = tpu.memref_squeeze %dma_wait3A_2592 : memref<1x512x512xf32, #tpu.memory_space<any>> -> memref<512x512xf32, #tpu.memory_space<any>>
    %dma_wait3A_2594 = arith.constant 0 : i32
    %dma_wait3A_2595 = tpu.memref_slice %arg3[%dma_wait3A_2589, %multiple_of3A_817, %dma_wait3A_2594] : memref<2x1000x512xf32, #tpu.memory_space<vmem>> -> memref<1x512x512xf32, #tpu.memory_space<vmem>>
    %dma_wait3A_2596 = tpu.memref_squeeze %dma_wait3A_2595 : memref<1x512x512xf32, #tpu.memory_space<vmem>> -> memref<512x512xf32, #tpu.memory_space<vmem>>
    tpu.wait_dma2 semaphore(%arg4 : memref<!tpu.dma_semaphore, #tpu.memory_space<semaphore_mem>>) src(%dma_wait3A_2596 : memref<512x512xf32, #tpu.memory_space<vmem>>) dst(%dma_wait3A_2593 : memref<512x512xf32, #tpu.memory_space<any>>)
    %dma_wait3A_2597 = arith.constant 0 : i32
    %dma_wait3A_2598 = arith.constant 0 : i32
    %dma_wait3A_2599 = arith.constant 0 : i32
    %dma_wait3A_2600 = tpu.memref_slice %arg2[%add3A_833, %dma_wait3A_2598, %dma_wait3A_2599] : memref<512x512x512xf32, #tpu.memory_space<any>> -> memref<1x512x512xf32, #tpu.memory_space<any>>
    %dma_wait3A_2601 = tpu.memref_squeeze %dma_wait3A_2600 : memref<1x512x512xf32, #tpu.memory_space<any>> -> memref<512x512xf32, #tpu.memory_space<any>>
    %dma_wait3A_2602 = arith.constant 0 : i32
    %dma_wait3A_2603 = tpu.memref_slice %arg3[%dma_wait3A_2597, %multiple_of3A_835, %dma_wait3A_2602] : memref<2x1000x512xf32, #tpu.memory_space<vmem>> -> memref<1x512x512xf32, #tpu.memory_space<vmem>>
    %dma_wait3A_2604 = tpu.memref_squeeze %dma_wait3A_2603 : memref<1x512x512xf32, #tpu.memory_space<vmem>> -> memref<512x512xf32, #tpu.memory_space<vmem>>
    tpu.wait_dma2 semaphore(%arg4 : memref<!tpu.dma_semaphore, #tpu.memory_space<semaphore_mem>>) src(%dma_wait3A_2604 : memref<512x512xf32, #tpu.memory_space<vmem>>) dst(%dma_wait3A_2601 : memref<512x512xf32, #tpu.memory_space<any>>)
    %dma_wait3A_2605 = arith.constant 0 : i32
    %dma_wait3A_2606 = arith.constant 0 : i32
    %dma_wait3A_2607 = arith.constant 0 : i32
    %dma_wait3A_2608 = tpu.memref_slice %arg2[%add3A_851, %dma_wait3A_2606, %dma_wait3A_2607] : memref<512x512x512xf32, #tpu.memory_space<any>> -> memref<1x512x512xf32, #tpu.memory_space<any>>
    %dma_wait3A_2609 = tpu.memref_squeeze %dma_wait3A_2608 : memref<1x512x512xf32, #tpu.memory_space<any>> -> memref<512x512xf32, #tpu.memory_space<any>>
    %dma_wait3A_2610 = arith.constant 0 : i32
    %dma_wait3A_2611 = tpu.memref_slice %arg3[%dma_wait3A_2605, %multiple_of3A_853, %dma_wait3A_2610] : memref<2x1000x512xf32, #tpu.memory_space<vmem>> -> memref<1x512x512xf32, #tpu.memory_space<vmem>>
    %dma_wait3A_2612 = tpu.memref_squeeze %dma_wait3A_2611 : memref<1x512x512xf32, #tpu.memory_space<vmem>> -> memref<512x512xf32, #tpu.memory_space<vmem>>
    tpu.wait_dma2 semaphore(%arg4 : memref<!tpu.dma_semaphore, #tpu.memory_space<semaphore_mem>>) src(%dma_wait3A_2612 : memref<512x512xf32, #tpu.memory_space<vmem>>) dst(%dma_wait3A_2609 : memref<512x512xf32, #tpu.memory_space<any>>)
    %dma_wait3A_2613 = arith.constant 0 : i32
    %dma_wait3A_2614 = arith.constant 0 : i32
    %dma_wait3A_2615 = arith.constant 0 : i32
    %dma_wait3A_2616 = tpu.memref_slice %arg2[%add3A_869, %dma_wait3A_2614, %dma_wait3A_2615] : memref<512x512x512xf32, #tpu.memory_space<any>> -> memref<1x512x512xf32, #tpu.memory_space<any>>
    %dma_wait3A_2617 = tpu.memref_squeeze %dma_wait3A_2616 : memref<1x512x512xf32, #tpu.memory_space<any>> -> memref<512x512xf32, #tpu.memory_space<any>>
    %dma_wait3A_2618 = arith.constant 0 : i32
    %dma_wait3A_2619 = tpu.memref_slice %arg3[%dma_wait3A_2613, %multiple_of3A_871, %dma_wait3A_2618] : memref<2x1000x512xf32, #tpu.memory_space<vmem>> -> memref<1x512x512xf32, #tpu.memory_space<vmem>>
    %dma_wait3A_2620 = tpu.memref_squeeze %dma_wait3A_2619 : memref<1x512x512xf32, #tpu.memory_space<vmem>> -> memref<512x512xf32, #tpu.memory_space<vmem>>
    tpu.wait_dma2 semaphore(%arg4 : memref<!tpu.dma_semaphore, #tpu.memory_space<semaphore_mem>>) src(%dma_wait3A_2620 : memref<512x512xf32, #tpu.memory_space<vmem>>) dst(%dma_wait3A_2617 : memref<512x512xf32, #tpu.memory_space<any>>)
    %dma_wait3A_2621 = arith.constant 0 : i32
    %dma_wait3A_2622 = arith.constant 0 : i32
    %dma_wait3A_2623 = arith.constant 0 : i32
    %dma_wait3A_2624 = tpu.memref_slice %arg2[%add3A_887, %dma_wait3A_2622, %dma_wait3A_2623] : memref<512x512x512xf32, #tpu.memory_space<any>> -> memref<1x512x512xf32, #tpu.memory_space<any>>
    %dma_wait3A_2625 = tpu.memref_squeeze %dma_wait3A_2624 : memref<1x512x512xf32, #tpu.memory_space<any>> -> memref<512x512xf32, #tpu.memory_space<any>>
    %dma_wait3A_2626 = arith.constant 0 : i32
    %dma_wait3A_2627 = tpu.memref_slice %arg3[%dma_wait3A_2621, %multiple_of3A_889, %dma_wait3A_2626] : memref<2x1000x512xf32, #tpu.memory_space<vmem>> -> memref<1x512x512xf32, #tpu.memory_space<vmem>>
    %dma_wait3A_2628 = tpu.memref_squeeze %dma_wait3A_2627 : memref<1x512x512xf32, #tpu.memory_space<vmem>> -> memref<512x512xf32, #tpu.memory_space<vmem>>
    tpu.wait_dma2 semaphore(%arg4 : memref<!tpu.dma_semaphore, #tpu.memory_space<semaphore_mem>>) src(%dma_wait3A_2628 : memref<512x512xf32, #tpu.memory_space<vmem>>) dst(%dma_wait3A_2625 : memref<512x512xf32, #tpu.memory_space<any>>)
    %dma_wait3A_2629 = arith.constant 0 : i32
    %dma_wait3A_2630 = arith.constant 0 : i32
    %dma_wait3A_2631 = arith.constant 0 : i32
    %dma_wait3A_2632 = tpu.memref_slice %arg2[%add3A_905, %dma_wait3A_2630, %dma_wait3A_2631] : memref<512x512x512xf32, #tpu.memory_space<any>> -> memref<1x512x512xf32, #tpu.memory_space<any>>
    %dma_wait3A_2633 = tpu.memref_squeeze %dma_wait3A_2632 : memref<1x512x512xf32, #tpu.memory_space<any>> -> memref<512x512xf32, #tpu.memory_space<any>>
    %dma_wait3A_2634 = arith.constant 0 : i32
    %dma_wait3A_2635 = tpu.memref_slice %arg3[%dma_wait3A_2629, %multiple_of3A_907, %dma_wait3A_2634] : memref<2x1000x512xf32, #tpu.memory_space<vmem>> -> memref<1x512x512xf32, #tpu.memory_space<vmem>>
    %dma_wait3A_2636 = tpu.memref_squeeze %dma_wait3A_2635 : memref<1x512x512xf32, #tpu.memory_space<vmem>> -> memref<512x512xf32, #tpu.memory_space<vmem>>
    tpu.wait_dma2 semaphore(%arg4 : memref<!tpu.dma_semaphore, #tpu.memory_space<semaphore_mem>>) src(%dma_wait3A_2636 : memref<512x512xf32, #tpu.memory_space<vmem>>) dst(%dma_wait3A_2633 : memref<512x512xf32, #tpu.memory_space<any>>)
    %dma_wait3A_2637 = arith.constant 0 : i32
    %dma_wait3A_2638 = arith.constant 0 : i32
    %dma_wait3A_2639 = arith.constant 0 : i32
    %dma_wait3A_2640 = tpu.memref_slice %arg2[%add3A_923, %dma_wait3A_2638, %dma_wait3A_2639] : memref<512x512x512xf32, #tpu.memory_space<any>> -> memref<1x512x512xf32, #tpu.memory_space<any>>
    %dma_wait3A_2641 = tpu.memref_squeeze %dma_wait3A_2640 : memref<1x512x512xf32, #tpu.memory_space<any>> -> memref<512x512xf32, #tpu.memory_space<any>>
    %dma_wait3A_2642 = arith.constant 0 : i32
    %dma_wait3A_2643 = tpu.memref_slice %arg3[%dma_wait3A_2637, %multiple_of3A_925, %dma_wait3A_2642] : memref<2x1000x512xf32, #tpu.memory_space<vmem>> -> memref<1x512x512xf32, #tpu.memory_space<vmem>>
    %dma_wait3A_2644 = tpu.memref_squeeze %dma_wait3A_2643 : memref<1x512x512xf32, #tpu.memory_space<vmem>> -> memref<512x512xf32, #tpu.memory_space<vmem>>
    tpu.wait_dma2 semaphore(%arg4 : memref<!tpu.dma_semaphore, #tpu.memory_space<semaphore_mem>>) src(%dma_wait3A_2644 : memref<512x512xf32, #tpu.memory_space<vmem>>) dst(%dma_wait3A_2641 : memref<512x512xf32, #tpu.memory_space<any>>)
    %dma_wait3A_2645 = arith.constant 0 : i32
    %dma_wait3A_2646 = arith.constant 0 : i32
    %dma_wait3A_2647 = arith.constant 0 : i32
    %dma_wait3A_2648 = tpu.memref_slice %arg2[%add3A_941, %dma_wait3A_2646, %dma_wait3A_2647] : memref<512x512x512xf32, #tpu.memory_space<any>> -> memref<1x512x512xf32, #tpu.memory_space<any>>
    %dma_wait3A_2649 = tpu.memref_squeeze %dma_wait3A_2648 : memref<1x512x512xf32, #tpu.memory_space<any>> -> memref<512x512xf32, #tpu.memory_space<any>>
    %dma_wait3A_2650 = arith.constant 0 : i32
    %dma_wait3A_2651 = tpu.memref_slice %arg3[%dma_wait3A_2645, %multiple_of3A_943, %dma_wait3A_2650] : memref<2x1000x512xf32, #tpu.memory_space<vmem>> -> memref<1x512x512xf32, #tpu.memory_space<vmem>>
    %dma_wait3A_2652 = tpu.memref_squeeze %dma_wait3A_2651 : memref<1x512x512xf32, #tpu.memory_space<vmem>> -> memref<512x512xf32, #tpu.memory_space<vmem>>
    tpu.wait_dma2 semaphore(%arg4 : memref<!tpu.dma_semaphore, #tpu.memory_space<semaphore_mem>>) src(%dma_wait3A_2652 : memref<512x512xf32, #tpu.memory_space<vmem>>) dst(%dma_wait3A_2649 : memref<512x512xf32, #tpu.memory_space<any>>)
    %dma_wait3A_2653 = arith.constant 0 : i32
    %dma_wait3A_2654 = arith.constant 0 : i32
    %dma_wait3A_2655 = arith.constant 0 : i32
    %dma_wait3A_2656 = tpu.memref_slice %arg2[%add3A_959, %dma_wait3A_2654, %dma_wait3A_2655] : memref<512x512x512xf32, #tpu.memory_space<any>> -> memref<1x512x512xf32, #tpu.memory_space<any>>
    %dma_wait3A_2657 = tpu.memref_squeeze %dma_wait3A_2656 : memref<1x512x512xf32, #tpu.memory_space<any>> -> memref<512x512xf32, #tpu.memory_space<any>>
    %dma_wait3A_2658 = arith.constant 0 : i32
    %dma_wait3A_2659 = tpu.memref_slice %arg3[%dma_wait3A_2653, %multiple_of3A_961, %dma_wait3A_2658] : memref<2x1000x512xf32, #tpu.memory_space<vmem>> -> memref<1x512x512xf32, #tpu.memory_space<vmem>>
    %dma_wait3A_2660 = tpu.memref_squeeze %dma_wait3A_2659 : memref<1x512x512xf32, #tpu.memory_space<vmem>> -> memref<512x512xf32, #tpu.memory_space<vmem>>
    tpu.wait_dma2 semaphore(%arg4 : memref<!tpu.dma_semaphore, #tpu.memory_space<semaphore_mem>>) src(%dma_wait3A_2660 : memref<512x512xf32, #tpu.memory_space<vmem>>) dst(%dma_wait3A_2657 : memref<512x512xf32, #tpu.memory_space<any>>)
    %dma_wait3A_2661 = arith.constant 0 : i32
    %dma_wait3A_2662 = arith.constant 0 : i32
    %dma_wait3A_2663 = arith.constant 0 : i32
    %dma_wait3A_2664 = tpu.memref_slice %arg2[%add3A_977, %dma_wait3A_2662, %dma_wait3A_2663] : memref<512x512x512xf32, #tpu.memory_space<any>> -> memref<1x512x512xf32, #tpu.memory_space<any>>
    %dma_wait3A_2665 = tpu.memref_squeeze %dma_wait3A_2664 : memref<1x512x512xf32, #tpu.memory_space<any>> -> memref<512x512xf32, #tpu.memory_space<any>>
    %dma_wait3A_2666 = arith.constant 0 : i32
    %dma_wait3A_2667 = tpu.memref_slice %arg3[%dma_wait3A_2661, %multiple_of3A_979, %dma_wait3A_2666] : memref<2x1000x512xf32, #tpu.memory_space<vmem>> -> memref<1x512x512xf32, #tpu.memory_space<vmem>>
    %dma_wait3A_2668 = tpu.memref_squeeze %dma_wait3A_2667 : memref<1x512x512xf32, #tpu.memory_space<vmem>> -> memref<512x512xf32, #tpu.memory_space<vmem>>
    tpu.wait_dma2 semaphore(%arg4 : memref<!tpu.dma_semaphore, #tpu.memory_space<semaphore_mem>>) src(%dma_wait3A_2668 : memref<512x512xf32, #tpu.memory_space<vmem>>) dst(%dma_wait3A_2665 : memref<512x512xf32, #tpu.memory_space<any>>)
    %dma_wait3A_2669 = arith.constant 0 : i32
    %dma_wait3A_2670 = arith.constant 0 : i32
    %dma_wait3A_2671 = arith.constant 0 : i32
    %dma_wait3A_2672 = tpu.memref_slice %arg2[%add3A_995, %dma_wait3A_2670, %dma_wait3A_2671] : memref<512x512x512xf32, #tpu.memory_space<any>> -> memref<1x512x512xf32, #tpu.memory_space<any>>
    %dma_wait3A_2673 = tpu.memref_squeeze %dma_wait3A_2672 : memref<1x512x512xf32, #tpu.memory_space<any>> -> memref<512x512xf32, #tpu.memory_space<any>>
    %dma_wait3A_2674 = arith.constant 0 : i32
    %dma_wait3A_2675 = tpu.memref_slice %arg3[%dma_wait3A_2669, %multiple_of3A_997, %dma_wait3A_2674] : memref<2x1000x512xf32, #tpu.memory_space<vmem>> -> memref<1x512x512xf32, #tpu.memory_space<vmem>>
    %dma_wait3A_2676 = tpu.memref_squeeze %dma_wait3A_2675 : memref<1x512x512xf32, #tpu.memory_space<vmem>> -> memref<512x512xf32, #tpu.memory_space<vmem>>
    tpu.wait_dma2 semaphore(%arg4 : memref<!tpu.dma_semaphore, #tpu.memory_space<semaphore_mem>>) src(%dma_wait3A_2676 : memref<512x512xf32, #tpu.memory_space<vmem>>) dst(%dma_wait3A_2673 : memref<512x512xf32, #tpu.memory_space<any>>)
    %dma_wait3A_2677 = arith.constant 0 : i32
    %dma_wait3A_2678 = arith.constant 0 : i32
    %dma_wait3A_2679 = arith.constant 0 : i32
    %dma_wait3A_2680 = tpu.memref_slice %arg2[%add3A_1013, %dma_wait3A_2678, %dma_wait3A_2679] : memref<512x512x512xf32, #tpu.memory_space<any>> -> memref<1x512x512xf32, #tpu.memory_space<any>>
    %dma_wait3A_2681 = tpu.memref_squeeze %dma_wait3A_2680 : memref<1x512x512xf32, #tpu.memory_space<any>> -> memref<512x512xf32, #tpu.memory_space<any>>
    %dma_wait3A_2682 = arith.constant 0 : i32
    %dma_wait3A_2683 = tpu.memref_slice %arg3[%dma_wait3A_2677, %multiple_of3A_1015, %dma_wait3A_2682] : memref<2x1000x512xf32, #tpu.memory_space<vmem>> -> memref<1x512x512xf32, #tpu.memory_space<vmem>>
    %dma_wait3A_2684 = tpu.memref_squeeze %dma_wait3A_2683 : memref<1x512x512xf32, #tpu.memory_space<vmem>> -> memref<512x512xf32, #tpu.memory_space<vmem>>
    tpu.wait_dma2 semaphore(%arg4 : memref<!tpu.dma_semaphore, #tpu.memory_space<semaphore_mem>>) src(%dma_wait3A_2684 : memref<512x512xf32, #tpu.memory_space<vmem>>) dst(%dma_wait3A_2681 : memref<512x512xf32, #tpu.memory_space<any>>)
    %dma_wait3A_2685 = arith.constant 0 : i32
    %dma_wait3A_2686 = arith.constant 0 : i32
    %dma_wait3A_2687 = arith.constant 0 : i32
    %dma_wait3A_2688 = tpu.memref_slice %arg2[%add3A_1031, %dma_wait3A_2686, %dma_wait3A_2687] : memref<512x512x512xf32, #tpu.memory_space<any>> -> memref<1x512x512xf32, #tpu.memory_space<any>>
    %dma_wait3A_2689 = tpu.memref_squeeze %dma_wait3A_2688 : memref<1x512x512xf32, #tpu.memory_space<any>> -> memref<512x512xf32, #tpu.memory_space<any>>
    %dma_wait3A_2690 = arith.constant 0 : i32
    %dma_wait3A_2691 = tpu.memref_slice %arg3[%dma_wait3A_2685, %multiple_of3A_1033, %dma_wait3A_2690] : memref<2x1000x512xf32, #tpu.memory_space<vmem>> -> memref<1x512x512xf32, #tpu.memory_space<vmem>>
    %dma_wait3A_2692 = tpu.memref_squeeze %dma_wait3A_2691 : memref<1x512x512xf32, #tpu.memory_space<vmem>> -> memref<512x512xf32, #tpu.memory_space<vmem>>
    tpu.wait_dma2 semaphore(%arg4 : memref<!tpu.dma_semaphore, #tpu.memory_space<semaphore_mem>>) src(%dma_wait3A_2692 : memref<512x512xf32, #tpu.memory_space<vmem>>) dst(%dma_wait3A_2689 : memref<512x512xf32, #tpu.memory_space<any>>)
    %dma_wait3A_2693 = arith.constant 0 : i32
    %dma_wait3A_2694 = arith.constant 0 : i32
    %dma_wait3A_2695 = arith.constant 0 : i32
    %dma_wait3A_2696 = tpu.memref_slice %arg2[%add3A_1049, %dma_wait3A_2694, %dma_wait3A_2695] : memref<512x512x512xf32, #tpu.memory_space<any>> -> memref<1x512x512xf32, #tpu.memory_space<any>>
    %dma_wait3A_2697 = tpu.memref_squeeze %dma_wait3A_2696 : memref<1x512x512xf32, #tpu.memory_space<any>> -> memref<512x512xf32, #tpu.memory_space<any>>
    %dma_wait3A_2698 = arith.constant 0 : i32
    %dma_wait3A_2699 = tpu.memref_slice %arg3[%dma_wait3A_2693, %multiple_of3A_1051, %dma_wait3A_2698] : memref<2x1000x512xf32, #tpu.memory_space<vmem>> -> memref<1x512x512xf32, #tpu.memory_space<vmem>>
    %dma_wait3A_2700 = tpu.memref_squeeze %dma_wait3A_2699 : memref<1x512x512xf32, #tpu.memory_space<vmem>> -> memref<512x512xf32, #tpu.memory_space<vmem>>
    tpu.wait_dma2 semaphore(%arg4 : memref<!tpu.dma_semaphore, #tpu.memory_space<semaphore_mem>>) src(%dma_wait3A_2700 : memref<512x512xf32, #tpu.memory_space<vmem>>) dst(%dma_wait3A_2697 : memref<512x512xf32, #tpu.memory_space<any>>)
    %dma_wait3A_2701 = arith.constant 0 : i32
    %dma_wait3A_2702 = arith.constant 0 : i32
    %dma_wait3A_2703 = arith.constant 0 : i32
    %dma_wait3A_2704 = tpu.memref_slice %arg2[%add3A_1067, %dma_wait3A_2702, %dma_wait3A_2703] : memref<512x512x512xf32, #tpu.memory_space<any>> -> memref<1x512x512xf32, #tpu.memory_space<any>>
    %dma_wait3A_2705 = tpu.memref_squeeze %dma_wait3A_2704 : memref<1x512x512xf32, #tpu.memory_space<any>> -> memref<512x512xf32, #tpu.memory_space<any>>
    %dma_wait3A_2706 = arith.constant 0 : i32
    %dma_wait3A_2707 = tpu.memref_slice %arg3[%dma_wait3A_2701, %multiple_of3A_1069, %dma_wait3A_2706] : memref<2x1000x512xf32, #tpu.memory_space<vmem>> -> memref<1x512x512xf32, #tpu.memory_space<vmem>>
    %dma_wait3A_2708 = tpu.memref_squeeze %dma_wait3A_2707 : memref<1x512x512xf32, #tpu.memory_space<vmem>> -> memref<512x512xf32, #tpu.memory_space<vmem>>
    tpu.wait_dma2 semaphore(%arg4 : memref<!tpu.dma_semaphore, #tpu.memory_space<semaphore_mem>>) src(%dma_wait3A_2708 : memref<512x512xf32, #tpu.memory_space<vmem>>) dst(%dma_wait3A_2705 : memref<512x512xf32, #tpu.memory_space<any>>)
    %dma_wait3A_2709 = arith.constant 0 : i32
    %dma_wait3A_2710 = arith.constant 0 : i32
    %dma_wait3A_2711 = arith.constant 0 : i32
    %dma_wait3A_2712 = tpu.memref_slice %arg2[%add3A_1085, %dma_wait3A_2710, %dma_wait3A_2711] : memref<512x512x512xf32, #tpu.memory_space<any>> -> memref<1x512x512xf32, #tpu.memory_space<any>>
    %dma_wait3A_2713 = tpu.memref_squeeze %dma_wait3A_2712 : memref<1x512x512xf32, #tpu.memory_space<any>> -> memref<512x512xf32, #tpu.memory_space<any>>
    %dma_wait3A_2714 = arith.constant 0 : i32
    %dma_wait3A_2715 = tpu.memref_slice %arg3[%dma_wait3A_2709, %multiple_of3A_1087, %dma_wait3A_2714] : memref<2x1000x512xf32, #tpu.memory_space<vmem>> -> memref<1x512x512xf32, #tpu.memory_space<vmem>>
    %dma_wait3A_2716 = tpu.memref_squeeze %dma_wait3A_2715 : memref<1x512x512xf32, #tpu.memory_space<vmem>> -> memref<512x512xf32, #tpu.memory_space<vmem>>
    tpu.wait_dma2 semaphore(%arg4 : memref<!tpu.dma_semaphore, #tpu.memory_space<semaphore_mem>>) src(%dma_wait3A_2716 : memref<512x512xf32, #tpu.memory_space<vmem>>) dst(%dma_wait3A_2713 : memref<512x512xf32, #tpu.memory_space<any>>)
    %dma_wait3A_2717 = arith.constant 0 : i32
    %dma_wait3A_2718 = arith.constant 0 : i32
    %dma_wait3A_2719 = arith.constant 0 : i32
    %dma_wait3A_2720 = tpu.memref_slice %arg2[%add3A_1103, %dma_wait3A_2718, %dma_wait3A_2719] : memref<512x512x512xf32, #tpu.memory_space<any>> -> memref<1x512x512xf32, #tpu.memory_space<any>>
    %dma_wait3A_2721 = tpu.memref_squeeze %dma_wait3A_2720 : memref<1x512x512xf32, #tpu.memory_space<any>> -> memref<512x512xf32, #tpu.memory_space<any>>
    %dma_wait3A_2722 = arith.constant 0 : i32
    %dma_wait3A_2723 = tpu.memref_slice %arg3[%dma_wait3A_2717, %multiple_of3A_1105, %dma_wait3A_2722] : memref<2x1000x512xf32, #tpu.memory_space<vmem>> -> memref<1x512x512xf32, #tpu.memory_space<vmem>>
    %dma_wait3A_2724 = tpu.memref_squeeze %dma_wait3A_2723 : memref<1x512x512xf32, #tpu.memory_space<vmem>> -> memref<512x512xf32, #tpu.memory_space<vmem>>
    tpu.wait_dma2 semaphore(%arg4 : memref<!tpu.dma_semaphore, #tpu.memory_space<semaphore_mem>>) src(%dma_wait3A_2724 : memref<512x512xf32, #tpu.memory_space<vmem>>) dst(%dma_wait3A_2721 : memref<512x512xf32, #tpu.memory_space<any>>)
    %dma_wait3A_2725 = arith.constant 1 : i32
    %dma_wait3A_2726 = arith.constant 0 : i32
    %dma_wait3A_2727 = arith.constant 0 : i32
    %dma_wait3A_2728 = tpu.memref_slice %arg2[%add3A_1121, %dma_wait3A_2726, %dma_wait3A_2727] : memref<512x512x512xf32, #tpu.memory_space<any>> -> memref<1x512x512xf32, #tpu.memory_space<any>>
    %dma_wait3A_2729 = tpu.memref_squeeze %dma_wait3A_2728 : memref<1x512x512xf32, #tpu.memory_space<any>> -> memref<512x512xf32, #tpu.memory_space<any>>
    %dma_wait3A_2730 = arith.constant 0 : i32
    %dma_wait3A_2731 = tpu.memref_slice %arg3[%dma_wait3A_2725, %multiple_of3A_1123, %dma_wait3A_2730] : memref<2x1000x512xf32, #tpu.memory_space<vmem>> -> memref<1x512x512xf32, #tpu.memory_space<vmem>>
    %dma_wait3A_2732 = tpu.memref_squeeze %dma_wait3A_2731 : memref<1x512x512xf32, #tpu.memory_space<vmem>> -> memref<512x512xf32, #tpu.memory_space<vmem>>
    tpu.wait_dma2 semaphore(%arg4 : memref<!tpu.dma_semaphore, #tpu.memory_space<semaphore_mem>>) src(%dma_wait3A_2732 : memref<512x512xf32, #tpu.memory_space<vmem>>) dst(%dma_wait3A_2729 : memref<512x512xf32, #tpu.memory_space<any>>)
    %dma_wait3A_2733 = arith.constant 1 : i32
    %dma_wait3A_2734 = arith.constant 0 : i32
    %dma_wait3A_2735 = arith.constant 0 : i32
    %dma_wait3A_2736 = tpu.memref_slice %arg2[%add3A_1139, %dma_wait3A_2734, %dma_wait3A_2735] : memref<512x512x512xf32, #tpu.memory_space<any>> -> memref<1x512x512xf32, #tpu.memory_space<any>>
    %dma_wait3A_2737 = tpu.memref_squeeze %dma_wait3A_2736 : memref<1x512x512xf32, #tpu.memory_space<any>> -> memref<512x512xf32, #tpu.memory_space<any>>
    %dma_wait3A_2738 = arith.constant 0 : i32
    %dma_wait3A_2739 = tpu.memref_slice %arg3[%dma_wait3A_2733, %multiple_of3A_1141, %dma_wait3A_2738] : memref<2x1000x512xf32, #tpu.memory_space<vmem>> -> memref<1x512x512xf32, #tpu.memory_space<vmem>>
    %dma_wait3A_2740 = tpu.memref_squeeze %dma_wait3A_2739 : memref<1x512x512xf32, #tpu.memory_space<vmem>> -> memref<512x512xf32, #tpu.memory_space<vmem>>
    tpu.wait_dma2 semaphore(%arg4 : memref<!tpu.dma_semaphore, #tpu.memory_space<semaphore_mem>>) src(%dma_wait3A_2740 : memref<512x512xf32, #tpu.memory_space<vmem>>) dst(%dma_wait3A_2737 : memref<512x512xf32, #tpu.memory_space<any>>)
    %dma_wait3A_2741 = arith.constant 1 : i32
    %dma_wait3A_2742 = arith.constant 0 : i32
    %dma_wait3A_2743 = arith.constant 0 : i32
    %dma_wait3A_2744 = tpu.memref_slice %arg2[%add3A_1157, %dma_wait3A_2742, %dma_wait3A_2743] : memref<512x512x512xf32, #tpu.memory_space<any>> -> memref<1x512x512xf32, #tpu.memory_space<any>>
    %dma_wait3A_2745 = tpu.memref_squeeze %dma_wait3A_2744 : memref<1x512x512xf32, #tpu.memory_space<any>> -> memref<512x512xf32, #tpu.memory_space<any>>
    %dma_wait3A_2746 = arith.constant 0 : i32
    %dma_wait3A_2747 = tpu.memref_slice %arg3[%dma_wait3A_2741, %multiple_of3A_1159, %dma_wait3A_2746] : memref<2x1000x512xf32, #tpu.memory_space<vmem>> -> memref<1x512x512xf32, #tpu.memory_space<vmem>>
    %dma_wait3A_2748 = tpu.memref_squeeze %dma_wait3A_2747 : memref<1x512x512xf32, #tpu.memory_space<vmem>> -> memref<512x512xf32, #tpu.memory_space<vmem>>
    tpu.wait_dma2 semaphore(%arg4 : memref<!tpu.dma_semaphore, #tpu.memory_space<semaphore_mem>>) src(%dma_wait3A_2748 : memref<512x512xf32, #tpu.memory_space<vmem>>) dst(%dma_wait3A_2745 : memref<512x512xf32, #tpu.memory_space<any>>)
    %dma_wait3A_2749 = arith.constant 1 : i32
    %dma_wait3A_2750 = arith.constant 0 : i32
    %dma_wait3A_2751 = arith.constant 0 : i32
    %dma_wait3A_2752 = tpu.memref_slice %arg2[%add3A_1175, %dma_wait3A_2750, %dma_wait3A_2751] : memref<512x512x512xf32, #tpu.memory_space<any>> -> memref<1x512x512xf32, #tpu.memory_space<any>>
    %dma_wait3A_2753 = tpu.memref_squeeze %dma_wait3A_2752 : memref<1x512x512xf32, #tpu.memory_space<any>> -> memref<512x512xf32, #tpu.memory_space<any>>
    %dma_wait3A_2754 = arith.constant 0 : i32
    %dma_wait3A_2755 = tpu.memref_slice %arg3[%dma_wait3A_2749, %multiple_of3A_1177, %dma_wait3A_2754] : memref<2x1000x512xf32, #tpu.memory_space<vmem>> -> memref<1x512x512xf32, #tpu.memory_space<vmem>>
    %dma_wait3A_2756 = tpu.memref_squeeze %dma_wait3A_2755 : memref<1x512x512xf32, #tpu.memory_space<vmem>> -> memref<512x512xf32, #tpu.memory_space<vmem>>
    tpu.wait_dma2 semaphore(%arg4 : memref<!tpu.dma_semaphore, #tpu.memory_space<semaphore_mem>>) src(%dma_wait3A_2756 : memref<512x512xf32, #tpu.memory_space<vmem>>) dst(%dma_wait3A_2753 : memref<512x512xf32, #tpu.memory_space<any>>)
    %dma_wait3A_2757 = arith.constant 1 : i32
    %dma_wait3A_2758 = arith.constant 0 : i32
    %dma_wait3A_2759 = arith.constant 0 : i32
    %dma_wait3A_2760 = tpu.memref_slice %arg2[%add3A_1193, %dma_wait3A_2758, %dma_wait3A_2759] : memref<512x512x512xf32, #tpu.memory_space<any>> -> memref<1x512x512xf32, #tpu.memory_space<any>>
    %dma_wait3A_2761 = tpu.memref_squeeze %dma_wait3A_2760 : memref<1x512x512xf32, #tpu.memory_space<any>> -> memref<512x512xf32, #tpu.memory_space<any>>
    %dma_wait3A_2762 = arith.constant 0 : i32
    %dma_wait3A_2763 = tpu.memref_slice %arg3[%dma_wait3A_2757, %multiple_of3A_1195, %dma_wait3A_2762] : memref<2x1000x512xf32, #tpu.memory_space<vmem>> -> memref<1x512x512xf32, #tpu.memory_space<vmem>>
    %dma_wait3A_2764 = tpu.memref_squeeze %dma_wait3A_2763 : memref<1x512x512xf32, #tpu.memory_space<vmem>> -> memref<512x512xf32, #tpu.memory_space<vmem>>
    tpu.wait_dma2 semaphore(%arg4 : memref<!tpu.dma_semaphore, #tpu.memory_space<semaphore_mem>>) src(%dma_wait3A_2764 : memref<512x512xf32, #tpu.memory_space<vmem>>) dst(%dma_wait3A_2761 : memref<512x512xf32, #tpu.memory_space<any>>)
    %dma_wait3A_2765 = arith.constant 1 : i32
    %dma_wait3A_2766 = arith.constant 0 : i32
    %dma_wait3A_2767 = arith.constant 0 : i32
    %dma_wait3A_2768 = tpu.memref_slice %arg2[%add3A_1211, %dma_wait3A_2766, %dma_wait3A_2767] : memref<512x512x512xf32, #tpu.memory_space<any>> -> memref<1x512x512xf32, #tpu.memory_space<any>>
    %dma_wait3A_2769 = tpu.memref_squeeze %dma_wait3A_2768 : memref<1x512x512xf32, #tpu.memory_space<any>> -> memref<512x512xf32, #tpu.memory_space<any>>
    %dma_wait3A_2770 = arith.constant 0 : i32
    %dma_wait3A_2771 = tpu.memref_slice %arg3[%dma_wait3A_2765, %multiple_of3A_1213, %dma_wait3A_2770] : memref<2x1000x512xf32, #tpu.memory_space<vmem>> -> memref<1x512x512xf32, #tpu.memory_space<vmem>>
    %dma_wait3A_2772 = tpu.memref_squeeze %dma_wait3A_2771 : memref<1x512x512xf32, #tpu.memory_space<vmem>> -> memref<512x512xf32, #tpu.memory_space<vmem>>
    tpu.wait_dma2 semaphore(%arg4 : memref<!tpu.dma_semaphore, #tpu.memory_space<semaphore_mem>>) src(%dma_wait3A_2772 : memref<512x512xf32, #tpu.memory_space<vmem>>) dst(%dma_wait3A_2769 : memref<512x512xf32, #tpu.memory_space<any>>)
    %dma_wait3A_2773 = arith.constant 1 : i32
    %dma_wait3A_2774 = arith.constant 0 : i32
    %dma_wait3A_2775 = arith.constant 0 : i32
    %dma_wait3A_2776 = tpu.memref_slice %arg2[%add3A_1229, %dma_wait3A_2774, %dma_wait3A_2775] : memref<512x512x512xf32, #tpu.memory_space<any>> -> memref<1x512x512xf32, #tpu.memory_space<any>>
    %dma_wait3A_2777 = tpu.memref_squeeze %dma_wait3A_2776 : memref<1x512x512xf32, #tpu.memory_space<any>> -> memref<512x512xf32, #tpu.memory_space<any>>
    %dma_wait3A_2778 = arith.constant 0 : i32
    %dma_wait3A_2779 = tpu.memref_slice %arg3[%dma_wait3A_2773, %multiple_of3A_1231, %dma_wait3A_2778] : memref<2x1000x512xf32, #tpu.memory_space<vmem>> -> memref<1x512x512xf32, #tpu.memory_space<vmem>>
    %dma_wait3A_2780 = tpu.memref_squeeze %dma_wait3A_2779 : memref<1x512x512xf32, #tpu.memory_space<vmem>> -> memref<512x512xf32, #tpu.memory_space<vmem>>
    tpu.wait_dma2 semaphore(%arg4 : memref<!tpu.dma_semaphore, #tpu.memory_space<semaphore_mem>>) src(%dma_wait3A_2780 : memref<512x512xf32, #tpu.memory_space<vmem>>) dst(%dma_wait3A_2777 : memref<512x512xf32, #tpu.memory_space<any>>)
    %dma_wait3A_2781 = arith.constant 1 : i32
    %dma_wait3A_2782 = arith.constant 0 : i32
    %dma_wait3A_2783 = arith.constant 0 : i32
    %dma_wait3A_2784 = tpu.memref_slice %arg2[%add3A_1247, %dma_wait3A_2782, %dma_wait3A_2783] : memref<512x512x512xf32, #tpu.memory_space<any>> -> memref<1x512x512xf32, #tpu.memory_space<any>>
    %dma_wait3A_2785 = tpu.memref_squeeze %dma_wait3A_2784 : memref<1x512x512xf32, #tpu.memory_space<any>> -> memref<512x512xf32, #tpu.memory_space<any>>
    %dma_wait3A_2786 = arith.constant 0 : i32
    %dma_wait3A_2787 = tpu.memref_slice %arg3[%dma_wait3A_2781, %multiple_of3A_1249, %dma_wait3A_2786] : memref<2x1000x512xf32, #tpu.memory_space<vmem>> -> memref<1x512x512xf32, #tpu.memory_space<vmem>>
    %dma_wait3A_2788 = tpu.memref_squeeze %dma_wait3A_2787 : memref<1x512x512xf32, #tpu.memory_space<vmem>> -> memref<512x512xf32, #tpu.memory_space<vmem>>
    tpu.wait_dma2 semaphore(%arg4 : memref<!tpu.dma_semaphore, #tpu.memory_space<semaphore_mem>>) src(%dma_wait3A_2788 : memref<512x512xf32, #tpu.memory_space<vmem>>) dst(%dma_wait3A_2785 : memref<512x512xf32, #tpu.memory_space<any>>)
    %dma_wait3A_2789 = arith.constant 1 : i32
    %dma_wait3A_2790 = arith.constant 0 : i32
    %dma_wait3A_2791 = arith.constant 0 : i32
    %dma_wait3A_2792 = tpu.memref_slice %arg2[%add3A_1265, %dma_wait3A_2790, %dma_wait3A_2791] : memref<512x512x512xf32, #tpu.memory_space<any>> -> memref<1x512x512xf32, #tpu.memory_space<any>>
    %dma_wait3A_2793 = tpu.memref_squeeze %dma_wait3A_2792 : memref<1x512x512xf32, #tpu.memory_space<any>> -> memref<512x512xf32, #tpu.memory_space<any>>
    %dma_wait3A_2794 = arith.constant 0 : i32
    %dma_wait3A_2795 = tpu.memref_slice %arg3[%dma_wait3A_2789, %multiple_of3A_1267, %dma_wait3A_2794] : memref<2x1000x512xf32, #tpu.memory_space<vmem>> -> memref<1x512x512xf32, #tpu.memory_space<vmem>>
    %dma_wait3A_2796 = tpu.memref_squeeze %dma_wait3A_2795 : memref<1x512x512xf32, #tpu.memory_space<vmem>> -> memref<512x512xf32, #tpu.memory_space<vmem>>
    tpu.wait_dma2 semaphore(%arg4 : memref<!tpu.dma_semaphore, #tpu.memory_space<semaphore_mem>>) src(%dma_wait3A_2796 : memref<512x512xf32, #tpu.memory_space<vmem>>) dst(%dma_wait3A_2793 : memref<512x512xf32, #tpu.memory_space<any>>)
    %dma_wait3A_2797 = arith.constant 1 : i32
    %dma_wait3A_2798 = arith.constant 0 : i32
    %dma_wait3A_2799 = arith.constant 0 : i32
    %dma_wait3A_2800 = tpu.memref_slice %arg2[%add3A_1283, %dma_wait3A_2798, %dma_wait3A_2799] : memref<512x512x512xf32, #tpu.memory_space<any>> -> memref<1x512x512xf32, #tpu.memory_space<any>>
    %dma_wait3A_2801 = tpu.memref_squeeze %dma_wait3A_2800 : memref<1x512x512xf32, #tpu.memory_space<any>> -> memref<512x512xf32, #tpu.memory_space<any>>
    %dma_wait3A_2802 = arith.constant 0 : i32
    %dma_wait3A_2803 = tpu.memref_slice %arg3[%dma_wait3A_2797, %multiple_of3A_1285, %dma_wait3A_2802] : memref<2x1000x512xf32, #tpu.memory_space<vmem>> -> memref<1x512x512xf32, #tpu.memory_space<vmem>>
    %dma_wait3A_2804 = tpu.memref_squeeze %dma_wait3A_2803 : memref<1x512x512xf32, #tpu.memory_space<vmem>> -> memref<512x512xf32, #tpu.memory_space<vmem>>
    tpu.wait_dma2 semaphore(%arg4 : memref<!tpu.dma_semaphore, #tpu.memory_space<semaphore_mem>>) src(%dma_wait3A_2804 : memref<512x512xf32, #tpu.memory_space<vmem>>) dst(%dma_wait3A_2801 : memref<512x512xf32, #tpu.memory_space<any>>)
    %dma_wait3A_2805 = arith.constant 1 : i32
    %dma_wait3A_2806 = arith.constant 0 : i32
    %dma_wait3A_2807 = arith.constant 0 : i32
    %dma_wait3A_2808 = tpu.memref_slice %arg2[%add3A_1301, %dma_wait3A_2806, %dma_wait3A_2807] : memref<512x512x512xf32, #tpu.memory_space<any>> -> memref<1x512x512xf32, #tpu.memory_space<any>>
    %dma_wait3A_2809 = tpu.memref_squeeze %dma_wait3A_2808 : memref<1x512x512xf32, #tpu.memory_space<any>> -> memref<512x512xf32, #tpu.memory_space<any>>
    %dma_wait3A_2810 = arith.constant 0 : i32
    %dma_wait3A_2811 = tpu.memref_slice %arg3[%dma_wait3A_2805, %multiple_of3A_1303, %dma_wait3A_2810] : memref<2x1000x512xf32, #tpu.memory_space<vmem>> -> memref<1x512x512xf32, #tpu.memory_space<vmem>>
    %dma_wait3A_2812 = tpu.memref_squeeze %dma_wait3A_2811 : memref<1x512x512xf32, #tpu.memory_space<vmem>> -> memref<512x512xf32, #tpu.memory_space<vmem>>
    tpu.wait_dma2 semaphore(%arg4 : memref<!tpu.dma_semaphore, #tpu.memory_space<semaphore_mem>>) src(%dma_wait3A_2812 : memref<512x512xf32, #tpu.memory_space<vmem>>) dst(%dma_wait3A_2809 : memref<512x512xf32, #tpu.memory_space<any>>)
    %dma_wait3A_2813 = arith.constant 1 : i32
    %dma_wait3A_2814 = arith.constant 0 : i32
    %dma_wait3A_2815 = arith.constant 0 : i32
    %dma_wait3A_2816 = tpu.memref_slice %arg2[%add3A_1319, %dma_wait3A_2814, %dma_wait3A_2815] : memref<512x512x512xf32, #tpu.memory_space<any>> -> memref<1x512x512xf32, #tpu.memory_space<any>>
    %dma_wait3A_2817 = tpu.memref_squeeze %dma_wait3A_2816 : memref<1x512x512xf32, #tpu.memory_space<any>> -> memref<512x512xf32, #tpu.memory_space<any>>
    %dma_wait3A_2818 = arith.constant 0 : i32
    %dma_wait3A_2819 = tpu.memref_slice %arg3[%dma_wait3A_2813, %multiple_of3A_1321, %dma_wait3A_2818] : memref<2x1000x512xf32, #tpu.memory_space<vmem>> -> memref<1x512x512xf32, #tpu.memory_space<vmem>>
    %dma_wait3A_2820 = tpu.memref_squeeze %dma_wait3A_2819 : memref<1x512x512xf32, #tpu.memory_space<vmem>> -> memref<512x512xf32, #tpu.memory_space<vmem>>
    tpu.wait_dma2 semaphore(%arg4 : memref<!tpu.dma_semaphore, #tpu.memory_space<semaphore_mem>>) src(%dma_wait3A_2820 : memref<512x512xf32, #tpu.memory_space<vmem>>) dst(%dma_wait3A_2817 : memref<512x512xf32, #tpu.memory_space<any>>)
    %dma_wait3A_2821 = arith.constant 1 : i32
    %dma_wait3A_2822 = arith.constant 0 : i32
    %dma_wait3A_2823 = arith.constant 0 : i32
    %dma_wait3A_2824 = tpu.memref_slice %arg2[%add3A_1337, %dma_wait3A_2822, %dma_wait3A_2823] : memref<512x512x512xf32, #tpu.memory_space<any>> -> memref<1x512x512xf32, #tpu.memory_space<any>>
    %dma_wait3A_2825 = tpu.memref_squeeze %dma_wait3A_2824 : memref<1x512x512xf32, #tpu.memory_space<any>> -> memref<512x512xf32, #tpu.memory_space<any>>
    %dma_wait3A_2826 = arith.constant 0 : i32
    %dma_wait3A_2827 = tpu.memref_slice %arg3[%dma_wait3A_2821, %multiple_of3A_1339, %dma_wait3A_2826] : memref<2x1000x512xf32, #tpu.memory_space<vmem>> -> memref<1x512x512xf32, #tpu.memory_space<vmem>>
    %dma_wait3A_2828 = tpu.memref_squeeze %dma_wait3A_2827 : memref<1x512x512xf32, #tpu.memory_space<vmem>> -> memref<512x512xf32, #tpu.memory_space<vmem>>
    tpu.wait_dma2 semaphore(%arg4 : memref<!tpu.dma_semaphore, #tpu.memory_space<semaphore_mem>>) src(%dma_wait3A_2828 : memref<512x512xf32, #tpu.memory_space<vmem>>) dst(%dma_wait3A_2825 : memref<512x512xf32, #tpu.memory_space<any>>)
    %dma_wait3A_2829 = arith.constant 1 : i32
    %dma_wait3A_2830 = arith.constant 0 : i32
    %dma_wait3A_2831 = arith.constant 0 : i32
    %dma_wait3A_2832 = tpu.memref_slice %arg2[%add3A_1355, %dma_wait3A_2830, %dma_wait3A_2831] : memref<512x512x512xf32, #tpu.memory_space<any>> -> memref<1x512x512xf32, #tpu.memory_space<any>>
    %dma_wait3A_2833 = tpu.memref_squeeze %dma_wait3A_2832 : memref<1x512x512xf32, #tpu.memory_space<any>> -> memref<512x512xf32, #tpu.memory_space<any>>
    %dma_wait3A_2834 = arith.constant 0 : i32
    %dma_wait3A_2835 = tpu.memref_slice %arg3[%dma_wait3A_2829, %multiple_of3A_1357, %dma_wait3A_2834] : memref<2x1000x512xf32, #tpu.memory_space<vmem>> -> memref<1x512x512xf32, #tpu.memory_space<vmem>>
    %dma_wait3A_2836 = tpu.memref_squeeze %dma_wait3A_2835 : memref<1x512x512xf32, #tpu.memory_space<vmem>> -> memref<512x512xf32, #tpu.memory_space<vmem>>
    tpu.wait_dma2 semaphore(%arg4 : memref<!tpu.dma_semaphore, #tpu.memory_space<semaphore_mem>>) src(%dma_wait3A_2836 : memref<512x512xf32, #tpu.memory_space<vmem>>) dst(%dma_wait3A_2833 : memref<512x512xf32, #tpu.memory_space<any>>)
    %dma_wait3A_2837 = arith.constant 1 : i32
    %dma_wait3A_2838 = arith.constant 0 : i32
    %dma_wait3A_2839 = arith.constant 0 : i32
    %dma_wait3A_2840 = tpu.memref_slice %arg2[%add3A_1373, %dma_wait3A_2838, %dma_wait3A_2839] : memref<512x512x512xf32, #tpu.memory_space<any>> -> memref<1x512x512xf32, #tpu.memory_space<any>>
    %dma_wait3A_2841 = tpu.memref_squeeze %dma_wait3A_2840 : memref<1x512x512xf32, #tpu.memory_space<any>> -> memref<512x512xf32, #tpu.memory_space<any>>
    %dma_wait3A_2842 = arith.constant 0 : i32
    %dma_wait3A_2843 = tpu.memref_slice %arg3[%dma_wait3A_2837, %multiple_of3A_1375, %dma_wait3A_2842] : memref<2x1000x512xf32, #tpu.memory_space<vmem>> -> memref<1x512x512xf32, #tpu.memory_space<vmem>>
    %dma_wait3A_2844 = tpu.memref_squeeze %dma_wait3A_2843 : memref<1x512x512xf32, #tpu.memory_space<vmem>> -> memref<512x512xf32, #tpu.memory_space<vmem>>
    tpu.wait_dma2 semaphore(%arg4 : memref<!tpu.dma_semaphore, #tpu.memory_space<semaphore_mem>>) src(%dma_wait3A_2844 : memref<512x512xf32, #tpu.memory_space<vmem>>) dst(%dma_wait3A_2841 : memref<512x512xf32, #tpu.memory_space<any>>)
    %dma_wait3A_2845 = arith.constant 1 : i32
    %dma_wait3A_2846 = arith.constant 0 : i32
    %dma_wait3A_2847 = arith.constant 0 : i32
    %dma_wait3A_2848 = tpu.memref_slice %arg2[%add3A_1391, %dma_wait3A_2846, %dma_wait3A_2847] : memref<512x512x512xf32, #tpu.memory_space<any>> -> memref<1x512x512xf32, #tpu.memory_space<any>>
    %dma_wait3A_2849 = tpu.memref_squeeze %dma_wait3A_2848 : memref<1x512x512xf32, #tpu.memory_space<any>> -> memref<512x512xf32, #tpu.memory_space<any>>
    %dma_wait3A_2850 = arith.constant 0 : i32
    %dma_wait3A_2851 = tpu.memref_slice %arg3[%dma_wait3A_2845, %multiple_of3A_1393, %dma_wait3A_2850] : memref<2x1000x512xf32, #tpu.memory_space<vmem>> -> memref<1x512x512xf32, #tpu.memory_space<vmem>>
    %dma_wait3A_2852 = tpu.memref_squeeze %dma_wait3A_2851 : memref<1x512x512xf32, #tpu.memory_space<vmem>> -> memref<512x512xf32, #tpu.memory_space<vmem>>
    tpu.wait_dma2 semaphore(%arg4 : memref<!tpu.dma_semaphore, #tpu.memory_space<semaphore_mem>>) src(%dma_wait3A_2852 : memref<512x512xf32, #tpu.memory_space<vmem>>) dst(%dma_wait3A_2849 : memref<512x512xf32, #tpu.memory_space<any>>)
    %dma_wait3A_2853 = arith.constant 1 : i32
    %dma_wait3A_2854 = arith.constant 0 : i32
    %dma_wait3A_2855 = arith.constant 0 : i32
    %dma_wait3A_2856 = tpu.memref_slice %arg2[%add3A_1409, %dma_wait3A_2854, %dma_wait3A_2855] : memref<512x512x512xf32, #tpu.memory_space<any>> -> memref<1x512x512xf32, #tpu.memory_space<any>>
    %dma_wait3A_2857 = tpu.memref_squeeze %dma_wait3A_2856 : memref<1x512x512xf32, #tpu.memory_space<any>> -> memref<512x512xf32, #tpu.memory_space<any>>
    %dma_wait3A_2858 = arith.constant 0 : i32
    %dma_wait3A_2859 = tpu.memref_slice %arg3[%dma_wait3A_2853, %multiple_of3A_1411, %dma_wait3A_2858] : memref<2x1000x512xf32, #tpu.memory_space<vmem>> -> memref<1x512x512xf32, #tpu.memory_space<vmem>>
    %dma_wait3A_2860 = tpu.memref_squeeze %dma_wait3A_2859 : memref<1x512x512xf32, #tpu.memory_space<vmem>> -> memref<512x512xf32, #tpu.memory_space<vmem>>
    tpu.wait_dma2 semaphore(%arg4 : memref<!tpu.dma_semaphore, #tpu.memory_space<semaphore_mem>>) src(%dma_wait3A_2860 : memref<512x512xf32, #tpu.memory_space<vmem>>) dst(%dma_wait3A_2857 : memref<512x512xf32, #tpu.memory_space<any>>)
    %dma_wait3A_2861 = arith.constant 1 : i32
    %dma_wait3A_2862 = arith.constant 0 : i32
    %dma_wait3A_2863 = arith.constant 0 : i32
    %dma_wait3A_2864 = tpu.memref_slice %arg2[%add3A_1427, %dma_wait3A_2862, %dma_wait3A_2863] : memref<512x512x512xf32, #tpu.memory_space<any>> -> memref<1x512x512xf32, #tpu.memory_space<any>>
    %dma_wait3A_2865 = tpu.memref_squeeze %dma_wait3A_2864 : memref<1x512x512xf32, #tpu.memory_space<any>> -> memref<512x512xf32, #tpu.memory_space<any>>
    %dma_wait3A_2866 = arith.constant 0 : i32
    %dma_wait3A_2867 = tpu.memref_slice %arg3[%dma_wait3A_2861, %multiple_of3A_1429, %dma_wait3A_2866] : memref<2x1000x512xf32, #tpu.memory_space<vmem>> -> memref<1x512x512xf32, #tpu.memory_space<vmem>>
    %dma_wait3A_2868 = tpu.memref_squeeze %dma_wait3A_2867 : memref<1x512x512xf32, #tpu.memory_space<vmem>> -> memref<512x512xf32, #tpu.memory_space<vmem>>
    tpu.wait_dma2 semaphore(%arg4 : memref<!tpu.dma_semaphore, #tpu.memory_space<semaphore_mem>>) src(%dma_wait3A_2868 : memref<512x512xf32, #tpu.memory_space<vmem>>) dst(%dma_wait3A_2865 : memref<512x512xf32, #tpu.memory_space<any>>)
    %dma_wait3A_2869 = arith.constant 1 : i32
    %dma_wait3A_2870 = arith.constant 0 : i32
    %dma_wait3A_2871 = arith.constant 0 : i32
    %dma_wait3A_2872 = tpu.memref_slice %arg2[%add3A_1445, %dma_wait3A_2870, %dma_wait3A_2871] : memref<512x512x512xf32, #tpu.memory_space<any>> -> memref<1x512x512xf32, #tpu.memory_space<any>>
    %dma_wait3A_2873 = tpu.memref_squeeze %dma_wait3A_2872 : memref<1x512x512xf32, #tpu.memory_space<any>> -> memref<512x512xf32, #tpu.memory_space<any>>
    %dma_wait3A_2874 = arith.constant 0 : i32
    %dma_wait3A_2875 = tpu.memref_slice %arg3[%dma_wait3A_2869, %multiple_of3A_1447, %dma_wait3A_2874] : memref<2x1000x512xf32, #tpu.memory_space<vmem>> -> memref<1x512x512xf32, #tpu.memory_space<vmem>>
    %dma_wait3A_2876 = tpu.memref_squeeze %dma_wait3A_2875 : memref<1x512x512xf32, #tpu.memory_space<vmem>> -> memref<512x512xf32, #tpu.memory_space<vmem>>
    tpu.wait_dma2 semaphore(%arg4 : memref<!tpu.dma_semaphore, #tpu.memory_space<semaphore_mem>>) src(%dma_wait3A_2876 : memref<512x512xf32, #tpu.memory_space<vmem>>) dst(%dma_wait3A_2873 : memref<512x512xf32, #tpu.memory_space<any>>)
    %dma_wait3A_2877 = arith.constant 1 : i32
    %dma_wait3A_2878 = arith.constant 0 : i32
    %dma_wait3A_2879 = arith.constant 0 : i32
    %dma_wait3A_2880 = tpu.memref_slice %arg2[%add3A_1463, %dma_wait3A_2878, %dma_wait3A_2879] : memref<512x512x512xf32, #tpu.memory_space<any>> -> memref<1x512x512xf32, #tpu.memory_space<any>>
    %dma_wait3A_2881 = tpu.memref_squeeze %dma_wait3A_2880 : memref<1x512x512xf32, #tpu.memory_space<any>> -> memref<512x512xf32, #tpu.memory_space<any>>
    %dma_wait3A_2882 = arith.constant 0 : i32
    %dma_wait3A_2883 = tpu.memref_slice %arg3[%dma_wait3A_2877, %multiple_of3A_1465, %dma_wait3A_2882] : memref<2x1000x512xf32, #tpu.memory_space<vmem>> -> memref<1x512x512xf32, #tpu.memory_space<vmem>>
    %dma_wait3A_2884 = tpu.memref_squeeze %dma_wait3A_2883 : memref<1x512x512xf32, #tpu.memory_space<vmem>> -> memref<512x512xf32, #tpu.memory_space<vmem>>
    tpu.wait_dma2 semaphore(%arg4 : memref<!tpu.dma_semaphore, #tpu.memory_space<semaphore_mem>>) src(%dma_wait3A_2884 : memref<512x512xf32, #tpu.memory_space<vmem>>) dst(%dma_wait3A_2881 : memref<512x512xf32, #tpu.memory_space<any>>)
    %dma_wait3A_2885 = arith.constant 1 : i32
    %dma_wait3A_2886 = arith.constant 0 : i32
    %dma_wait3A_2887 = arith.constant 0 : i32
    %dma_wait3A_2888 = tpu.memref_slice %arg2[%add3A_1481, %dma_wait3A_2886, %dma_wait3A_2887] : memref<512x512x512xf32, #tpu.memory_space<any>> -> memref<1x512x512xf32, #tpu.memory_space<any>>
    %dma_wait3A_2889 = tpu.memref_squeeze %dma_wait3A_2888 : memref<1x512x512xf32, #tpu.memory_space<any>> -> memref<512x512xf32, #tpu.memory_space<any>>
    %dma_wait3A_2890 = arith.constant 0 : i32
    %dma_wait3A_2891 = tpu.memref_slice %arg3[%dma_wait3A_2885, %multiple_of3A_1483, %dma_wait3A_2890] : memref<2x1000x512xf32, #tpu.memory_space<vmem>> -> memref<1x512x512xf32, #tpu.memory_space<vmem>>
    %dma_wait3A_2892 = tpu.memref_squeeze %dma_wait3A_2891 : memref<1x512x512xf32, #tpu.memory_space<vmem>> -> memref<512x512xf32, #tpu.memory_space<vmem>>
    tpu.wait_dma2 semaphore(%arg4 : memref<!tpu.dma_semaphore, #tpu.memory_space<semaphore_mem>>) src(%dma_wait3A_2892 : memref<512x512xf32, #tpu.memory_space<vmem>>) dst(%dma_wait3A_2889 : memref<512x512xf32, #tpu.memory_space<any>>)
    %dma_wait3A_2893 = arith.constant 1 : i32
    %dma_wait3A_2894 = arith.constant 0 : i32
    %dma_wait3A_2895 = arith.constant 0 : i32
    %dma_wait3A_2896 = tpu.memref_slice %arg2[%add3A_1499, %dma_wait3A_2894, %dma_wait3A_2895] : memref<512x512x512xf32, #tpu.memory_space<any>> -> memref<1x512x512xf32, #tpu.memory_space<any>>
    %dma_wait3A_2897 = tpu.memref_squeeze %dma_wait3A_2896 : memref<1x512x512xf32, #tpu.memory_space<any>> -> memref<512x512xf32, #tpu.memory_space<any>>
    %dma_wait3A_2898 = arith.constant 0 : i32
    %dma_wait3A_2899 = tpu.memref_slice %arg3[%dma_wait3A_2893, %multiple_of3A_1501, %dma_wait3A_2898] : memref<2x1000x512xf32, #tpu.memory_space<vmem>> -> memref<1x512x512xf32, #tpu.memory_space<vmem>>
    %dma_wait3A_2900 = tpu.memref_squeeze %dma_wait3A_2899 : memref<1x512x512xf32, #tpu.memory_space<vmem>> -> memref<512x512xf32, #tpu.memory_space<vmem>>
    tpu.wait_dma2 semaphore(%arg4 : memref<!tpu.dma_semaphore, #tpu.memory_space<semaphore_mem>>) src(%dma_wait3A_2900 : memref<512x512xf32, #tpu.memory_space<vmem>>) dst(%dma_wait3A_2897 : memref<512x512xf32, #tpu.memory_space<any>>)
    %dma_wait3A_2901 = arith.constant 1 : i32
    %dma_wait3A_2902 = arith.constant 0 : i32
    %dma_wait3A_2903 = arith.constant 0 : i32
    %dma_wait3A_2904 = tpu.memref_slice %arg2[%add3A_1517, %dma_wait3A_2902, %dma_wait3A_2903] : memref<512x512x512xf32, #tpu.memory_space<any>> -> memref<1x512x512xf32, #tpu.memory_space<any>>
    %dma_wait3A_2905 = tpu.memref_squeeze %dma_wait3A_2904 : memref<1x512x512xf32, #tpu.memory_space<any>> -> memref<512x512xf32, #tpu.memory_space<any>>
    %dma_wait3A_2906 = arith.constant 0 : i32
    %dma_wait3A_2907 = tpu.memref_slice %arg3[%dma_wait3A_2901, %multiple_of3A_1519, %dma_wait3A_2906] : memref<2x1000x512xf32, #tpu.memory_space<vmem>> -> memref<1x512x512xf32, #tpu.memory_space<vmem>>
    %dma_wait3A_2908 = tpu.memref_squeeze %dma_wait3A_2907 : memref<1x512x512xf32, #tpu.memory_space<vmem>> -> memref<512x512xf32, #tpu.memory_space<vmem>>
    tpu.wait_dma2 semaphore(%arg4 : memref<!tpu.dma_semaphore, #tpu.memory_space<semaphore_mem>>) src(%dma_wait3A_2908 : memref<512x512xf32, #tpu.memory_space<vmem>>) dst(%dma_wait3A_2905 : memref<512x512xf32, #tpu.memory_space<any>>)
    %dma_wait3A_2909 = arith.constant 1 : i32
    %dma_wait3A_2910 = arith.constant 0 : i32
    %dma_wait3A_2911 = arith.constant 0 : i32
    %dma_wait3A_2912 = tpu.memref_slice %arg2[%add3A_1535, %dma_wait3A_2910, %dma_wait3A_2911] : memref<512x512x512xf32, #tpu.memory_space<any>> -> memref<1x512x512xf32, #tpu.memory_space<any>>
    %dma_wait3A_2913 = tpu.memref_squeeze %dma_wait3A_2912 : memref<1x512x512xf32, #tpu.memory_space<any>> -> memref<512x512xf32, #tpu.memory_space<any>>
    %dma_wait3A_2914 = arith.constant 0 : i32
    %dma_wait3A_2915 = tpu.memref_slice %arg3[%dma_wait3A_2909, %multiple_of3A_1537, %dma_wait3A_2914] : memref<2x1000x512xf32, #tpu.memory_space<vmem>> -> memref<1x512x512xf32, #tpu.memory_space<vmem>>
    %dma_wait3A_2916 = tpu.memref_squeeze %dma_wait3A_2915 : memref<1x512x512xf32, #tpu.memory_space<vmem>> -> memref<512x512xf32, #tpu.memory_space<vmem>>
    tpu.wait_dma2 semaphore(%arg4 : memref<!tpu.dma_semaphore, #tpu.memory_space<semaphore_mem>>) src(%dma_wait3A_2916 : memref<512x512xf32, #tpu.memory_space<vmem>>) dst(%dma_wait3A_2913 : memref<512x512xf32, #tpu.memory_space<any>>)
    %dma_wait3A_2917 = arith.constant 1 : i32
    %dma_wait3A_2918 = arith.constant 0 : i32
    %dma_wait3A_2919 = arith.constant 0 : i32
    %dma_wait3A_2920 = tpu.memref_slice %arg2[%add3A_1553, %dma_wait3A_2918, %dma_wait3A_2919] : memref<512x512x512xf32, #tpu.memory_space<any>> -> memref<1x512x512xf32, #tpu.memory_space<any>>
    %dma_wait3A_2921 = tpu.memref_squeeze %dma_wait3A_2920 : memref<1x512x512xf32, #tpu.memory_space<any>> -> memref<512x512xf32, #tpu.memory_space<any>>
    %dma_wait3A_2922 = arith.constant 0 : i32
    %dma_wait3A_2923 = tpu.memref_slice %arg3[%dma_wait3A_2917, %multiple_of3A_1555, %dma_wait3A_2922] : memref<2x1000x512xf32, #tpu.memory_space<vmem>> -> memref<1x512x512xf32, #tpu.memory_space<vmem>>
    %dma_wait3A_2924 = tpu.memref_squeeze %dma_wait3A_2923 : memref<1x512x512xf32, #tpu.memory_space<vmem>> -> memref<512x512xf32, #tpu.memory_space<vmem>>
    tpu.wait_dma2 semaphore(%arg4 : memref<!tpu.dma_semaphore, #tpu.memory_space<semaphore_mem>>) src(%dma_wait3A_2924 : memref<512x512xf32, #tpu.memory_space<vmem>>) dst(%dma_wait3A_2921 : memref<512x512xf32, #tpu.memory_space<any>>)
    %dma_wait3A_2925 = arith.constant 1 : i32
    %dma_wait3A_2926 = arith.constant 0 : i32
    %dma_wait3A_2927 = arith.constant 0 : i32
    %dma_wait3A_2928 = tpu.memref_slice %arg2[%add3A_1571, %dma_wait3A_2926, %dma_wait3A_2927] : memref<512x512x512xf32, #tpu.memory_space<any>> -> memref<1x512x512xf32, #tpu.memory_space<any>>
    %dma_wait3A_2929 = tpu.memref_squeeze %dma_wait3A_2928 : memref<1x512x512xf32, #tpu.memory_space<any>> -> memref<512x512xf32, #tpu.memory_space<any>>
    %dma_wait3A_2930 = arith.constant 0 : i32
    %dma_wait3A_2931 = tpu.memref_slice %arg3[%dma_wait3A_2925, %multiple_of3A_1573, %dma_wait3A_2930] : memref<2x1000x512xf32, #tpu.memory_space<vmem>> -> memref<1x512x512xf32, #tpu.memory_space<vmem>>
    %dma_wait3A_2932 = tpu.memref_squeeze %dma_wait3A_2931 : memref<1x512x512xf32, #tpu.memory_space<vmem>> -> memref<512x512xf32, #tpu.memory_space<vmem>>
    tpu.wait_dma2 semaphore(%arg4 : memref<!tpu.dma_semaphore, #tpu.memory_space<semaphore_mem>>) src(%dma_wait3A_2932 : memref<512x512xf32, #tpu.memory_space<vmem>>) dst(%dma_wait3A_2929 : memref<512x512xf32, #tpu.memory_space<any>>)
    %dma_wait3A_2933 = arith.constant 1 : i32
    %dma_wait3A_2934 = arith.constant 0 : i32
    %dma_wait3A_2935 = arith.constant 0 : i32
    %dma_wait3A_2936 = tpu.memref_slice %arg2[%add3A_1589, %dma_wait3A_2934, %dma_wait3A_2935] : memref<512x512x512xf32, #tpu.memory_space<any>> -> memref<1x512x512xf32, #tpu.memory_space<any>>
    %dma_wait3A_2937 = tpu.memref_squeeze %dma_wait3A_2936 : memref<1x512x512xf32, #tpu.memory_space<any>> -> memref<512x512xf32, #tpu.memory_space<any>>
    %dma_wait3A_2938 = arith.constant 0 : i32
    %dma_wait3A_2939 = tpu.memref_slice %arg3[%dma_wait3A_2933, %multiple_of3A_1591, %dma_wait3A_2938] : memref<2x1000x512xf32, #tpu.memory_space<vmem>> -> memref<1x512x512xf32, #tpu.memory_space<vmem>>
    %dma_wait3A_2940 = tpu.memref_squeeze %dma_wait3A_2939 : memref<1x512x512xf32, #tpu.memory_space<vmem>> -> memref<512x512xf32, #tpu.memory_space<vmem>>
    tpu.wait_dma2 semaphore(%arg4 : memref<!tpu.dma_semaphore, #tpu.memory_space<semaphore_mem>>) src(%dma_wait3A_2940 : memref<512x512xf32, #tpu.memory_space<vmem>>) dst(%dma_wait3A_2937 : memref<512x512xf32, #tpu.memory_space<any>>)
    %dma_wait3A_2941 = arith.constant 1 : i32
    %dma_wait3A_2942 = arith.constant 0 : i32
    %dma_wait3A_2943 = arith.constant 0 : i32
    %dma_wait3A_2944 = tpu.memref_slice %arg2[%add3A_1607, %dma_wait3A_2942, %dma_wait3A_2943] : memref<512x512x512xf32, #tpu.memory_space<any>> -> memref<1x512x512xf32, #tpu.memory_space<any>>
    %dma_wait3A_2945 = tpu.memref_squeeze %dma_wait3A_2944 : memref<1x512x512xf32, #tpu.memory_space<any>> -> memref<512x512xf32, #tpu.memory_space<any>>
    %dma_wait3A_2946 = arith.constant 0 : i32
    %dma_wait3A_2947 = tpu.memref_slice %arg3[%dma_wait3A_2941, %multiple_of3A_1609, %dma_wait3A_2946] : memref<2x1000x512xf32, #tpu.memory_space<vmem>> -> memref<1x512x512xf32, #tpu.memory_space<vmem>>
    %dma_wait3A_2948 = tpu.memref_squeeze %dma_wait3A_2947 : memref<1x512x512xf32, #tpu.memory_space<vmem>> -> memref<512x512xf32, #tpu.memory_space<vmem>>
    tpu.wait_dma2 semaphore(%arg4 : memref<!tpu.dma_semaphore, #tpu.memory_space<semaphore_mem>>) src(%dma_wait3A_2948 : memref<512x512xf32, #tpu.memory_space<vmem>>) dst(%dma_wait3A_2945 : memref<512x512xf32, #tpu.memory_space<any>>)
    %dma_wait3A_2949 = arith.constant 1 : i32
    %dma_wait3A_2950 = arith.constant 0 : i32
    %dma_wait3A_2951 = arith.constant 0 : i32
    %dma_wait3A_2952 = tpu.memref_slice %arg2[%add3A_1625, %dma_wait3A_2950, %dma_wait3A_2951] : memref<512x512x512xf32, #tpu.memory_space<any>> -> memref<1x512x512xf32, #tpu.memory_space<any>>
    %dma_wait3A_2953 = tpu.memref_squeeze %dma_wait3A_2952 : memref<1x512x512xf32, #tpu.memory_space<any>> -> memref<512x512xf32, #tpu.memory_space<any>>
    %dma_wait3A_2954 = arith.constant 0 : i32
    %dma_wait3A_2955 = tpu.memref_slice %arg3[%dma_wait3A_2949, %multiple_of3A_1627, %dma_wait3A_2954] : memref<2x1000x512xf32, #tpu.memory_space<vmem>> -> memref<1x512x512xf32, #tpu.memory_space<vmem>>
    %dma_wait3A_2956 = tpu.memref_squeeze %dma_wait3A_2955 : memref<1x512x512xf32, #tpu.memory_space<vmem>> -> memref<512x512xf32, #tpu.memory_space<vmem>>
    tpu.wait_dma2 semaphore(%arg4 : memref<!tpu.dma_semaphore, #tpu.memory_space<semaphore_mem>>) src(%dma_wait3A_2956 : memref<512x512xf32, #tpu.memory_space<vmem>>) dst(%dma_wait3A_2953 : memref<512x512xf32, #tpu.memory_space<any>>)
    %dma_wait3A_2957 = arith.constant 1 : i32
    %dma_wait3A_2958 = arith.constant 0 : i32
    %dma_wait3A_2959 = arith.constant 0 : i32
    %dma_wait3A_2960 = tpu.memref_slice %arg2[%add3A_1643, %dma_wait3A_2958, %dma_wait3A_2959] : memref<512x512x512xf32, #tpu.memory_space<any>> -> memref<1x512x512xf32, #tpu.memory_space<any>>
    %dma_wait3A_2961 = tpu.memref_squeeze %dma_wait3A_2960 : memref<1x512x512xf32, #tpu.memory_space<any>> -> memref<512x512xf32, #tpu.memory_space<any>>
    %dma_wait3A_2962 = arith.constant 0 : i32
    %dma_wait3A_2963 = tpu.memref_slice %arg3[%dma_wait3A_2957, %multiple_of3A_1645, %dma_wait3A_2962] : memref<2x1000x512xf32, #tpu.memory_space<vmem>> -> memref<1x512x512xf32, #tpu.memory_space<vmem>>
    %dma_wait3A_2964 = tpu.memref_squeeze %dma_wait3A_2963 : memref<1x512x512xf32, #tpu.memory_space<vmem>> -> memref<512x512xf32, #tpu.memory_space<vmem>>
    tpu.wait_dma2 semaphore(%arg4 : memref<!tpu.dma_semaphore, #tpu.memory_space<semaphore_mem>>) src(%dma_wait3A_2964 : memref<512x512xf32, #tpu.memory_space<vmem>>) dst(%dma_wait3A_2961 : memref<512x512xf32, #tpu.memory_space<any>>)
    %dma_wait3A_2965 = arith.constant 1 : i32
    %dma_wait3A_2966 = arith.constant 0 : i32
    %dma_wait3A_2967 = arith.constant 0 : i32
    %dma_wait3A_2968 = tpu.memref_slice %arg2[%add3A_1661, %dma_wait3A_2966, %dma_wait3A_2967] : memref<512x512x512xf32, #tpu.memory_space<any>> -> memref<1x512x512xf32, #tpu.memory_space<any>>
    %dma_wait3A_2969 = tpu.memref_squeeze %dma_wait3A_2968 : memref<1x512x512xf32, #tpu.memory_space<any>> -> memref<512x512xf32, #tpu.memory_space<any>>
    %dma_wait3A_2970 = arith.constant 0 : i32
    %dma_wait3A_2971 = tpu.memref_slice %arg3[%dma_wait3A_2965, %multiple_of3A_1663, %dma_wait3A_2970] : memref<2x1000x512xf32, #tpu.memory_space<vmem>> -> memref<1x512x512xf32, #tpu.memory_space<vmem>>
    %dma_wait3A_2972 = tpu.memref_squeeze %dma_wait3A_2971 : memref<1x512x512xf32, #tpu.memory_space<vmem>> -> memref<512x512xf32, #tpu.memory_space<vmem>>
    tpu.wait_dma2 semaphore(%arg4 : memref<!tpu.dma_semaphore, #tpu.memory_space<semaphore_mem>>) src(%dma_wait3A_2972 : memref<512x512xf32, #tpu.memory_space<vmem>>) dst(%dma_wait3A_2969 : memref<512x512xf32, #tpu.memory_space<any>>)
    %dma_wait3A_2973 = arith.constant 1 : i32
    %dma_wait3A_2974 = arith.constant 0 : i32
    %dma_wait3A_2975 = arith.constant 0 : i32
    %dma_wait3A_2976 = tpu.memref_slice %arg2[%add3A_1679, %dma_wait3A_2974, %dma_wait3A_2975] : memref<512x512x512xf32, #tpu.memory_space<any>> -> memref<1x512x512xf32, #tpu.memory_space<any>>
    %dma_wait3A_2977 = tpu.memref_squeeze %dma_wait3A_2976 : memref<1x512x512xf32, #tpu.memory_space<any>> -> memref<512x512xf32, #tpu.memory_space<any>>
    %dma_wait3A_2978 = arith.constant 0 : i32
    %dma_wait3A_2979 = tpu.memref_slice %arg3[%dma_wait3A_2973, %multiple_of3A_1681, %dma_wait3A_2978] : memref<2x1000x512xf32, #tpu.memory_space<vmem>> -> memref<1x512x512xf32, #tpu.memory_space<vmem>>
    %dma_wait3A_2980 = tpu.memref_squeeze %dma_wait3A_2979 : memref<1x512x512xf32, #tpu.memory_space<vmem>> -> memref<512x512xf32, #tpu.memory_space<vmem>>
    tpu.wait_dma2 semaphore(%arg4 : memref<!tpu.dma_semaphore, #tpu.memory_space<semaphore_mem>>) src(%dma_wait3A_2980 : memref<512x512xf32, #tpu.memory_space<vmem>>) dst(%dma_wait3A_2977 : memref<512x512xf32, #tpu.memory_space<any>>)
    %dma_wait3A_2981 = arith.constant 1 : i32
    %dma_wait3A_2982 = arith.constant 0 : i32
    %dma_wait3A_2983 = arith.constant 0 : i32
    %dma_wait3A_2984 = tpu.memref_slice %arg2[%add3A_1697, %dma_wait3A_2982, %dma_wait3A_2983] : memref<512x512x512xf32, #tpu.memory_space<any>> -> memref<1x512x512xf32, #tpu.memory_space<any>>
    %dma_wait3A_2985 = tpu.memref_squeeze %dma_wait3A_2984 : memref<1x512x512xf32, #tpu.memory_space<any>> -> memref<512x512xf32, #tpu.memory_space<any>>
    %dma_wait3A_2986 = arith.constant 0 : i32
    %dma_wait3A_2987 = tpu.memref_slice %arg3[%dma_wait3A_2981, %multiple_of3A_1699, %dma_wait3A_2986] : memref<2x1000x512xf32, #tpu.memory_space<vmem>> -> memref<1x512x512xf32, #tpu.memory_space<vmem>>
    %dma_wait3A_2988 = tpu.memref_squeeze %dma_wait3A_2987 : memref<1x512x512xf32, #tpu.memory_space<vmem>> -> memref<512x512xf32, #tpu.memory_space<vmem>>
    tpu.wait_dma2 semaphore(%arg4 : memref<!tpu.dma_semaphore, #tpu.memory_space<semaphore_mem>>) src(%dma_wait3A_2988 : memref<512x512xf32, #tpu.memory_space<vmem>>) dst(%dma_wait3A_2985 : memref<512x512xf32, #tpu.memory_space<any>>)
    %dma_wait3A_2989 = arith.constant 1 : i32
    %dma_wait3A_2990 = arith.constant 0 : i32
    %dma_wait3A_2991 = arith.constant 0 : i32
    %dma_wait3A_2992 = tpu.memref_slice %arg2[%add3A_1715, %dma_wait3A_2990, %dma_wait3A_2991] : memref<512x512x512xf32, #tpu.memory_space<any>> -> memref<1x512x512xf32, #tpu.memory_space<any>>
    %dma_wait3A_2993 = tpu.memref_squeeze %dma_wait3A_2992 : memref<1x512x512xf32, #tpu.memory_space<any>> -> memref<512x512xf32, #tpu.memory_space<any>>
    %dma_wait3A_2994 = arith.constant 0 : i32
    %dma_wait3A_2995 = tpu.memref_slice %arg3[%dma_wait3A_2989, %multiple_of3A_1717, %dma_wait3A_2994] : memref<2x1000x512xf32, #tpu.memory_space<vmem>> -> memref<1x512x512xf32, #tpu.memory_space<vmem>>
    %dma_wait3A_2996 = tpu.memref_squeeze %dma_wait3A_2995 : memref<1x512x512xf32, #tpu.memory_space<vmem>> -> memref<512x512xf32, #tpu.memory_space<vmem>>
    tpu.wait_dma2 semaphore(%arg4 : memref<!tpu.dma_semaphore, #tpu.memory_space<semaphore_mem>>) src(%dma_wait3A_2996 : memref<512x512xf32, #tpu.memory_space<vmem>>) dst(%dma_wait3A_2993 : memref<512x512xf32, #tpu.memory_space<any>>)
    %dma_wait3A_2997 = arith.constant 1 : i32
    %dma_wait3A_2998 = arith.constant 0 : i32
    %dma_wait3A_2999 = arith.constant 0 : i32
    %dma_wait3A_3000 = tpu.memref_slice %arg2[%add3A_1733, %dma_wait3A_2998, %dma_wait3A_2999] : memref<512x512x512xf32, #tpu.memory_space<any>> -> memref<1x512x512xf32, #tpu.memory_space<any>>
    %dma_wait3A_3001 = tpu.memref_squeeze %dma_wait3A_3000 : memref<1x512x512xf32, #tpu.memory_space<any>> -> memref<512x512xf32, #tpu.memory_space<any>>
    %dma_wait3A_3002 = arith.constant 0 : i32
    %dma_wait3A_3003 = tpu.memref_slice %arg3[%dma_wait3A_2997, %multiple_of3A_1735, %dma_wait3A_3002] : memref<2x1000x512xf32, #tpu.memory_space<vmem>> -> memref<1x512x512xf32, #tpu.memory_space<vmem>>
    %dma_wait3A_3004 = tpu.memref_squeeze %dma_wait3A_3003 : memref<1x512x512xf32, #tpu.memory_space<vmem>> -> memref<512x512xf32, #tpu.memory_space<vmem>>
    tpu.wait_dma2 semaphore(%arg4 : memref<!tpu.dma_semaphore, #tpu.memory_space<semaphore_mem>>) src(%dma_wait3A_3004 : memref<512x512xf32, #tpu.memory_space<vmem>>) dst(%dma_wait3A_3001 : memref<512x512xf32, #tpu.memory_space<any>>)
    %dma_wait3A_3005 = arith.constant 1 : i32
    %dma_wait3A_3006 = arith.constant 0 : i32
    %dma_wait3A_3007 = arith.constant 0 : i32
    %dma_wait3A_3008 = tpu.memref_slice %arg2[%add3A_1751, %dma_wait3A_3006, %dma_wait3A_3007] : memref<512x512x512xf32, #tpu.memory_space<any>> -> memref<1x512x512xf32, #tpu.memory_space<any>>
    %dma_wait3A_3009 = tpu.memref_squeeze %dma_wait3A_3008 : memref<1x512x512xf32, #tpu.memory_space<any>> -> memref<512x512xf32, #tpu.memory_space<any>>
    %dma_wait3A_3010 = arith.constant 0 : i32
    %dma_wait3A_3011 = tpu.memref_slice %arg3[%dma_wait3A_3005, %multiple_of3A_1753, %dma_wait3A_3010] : memref<2x1000x512xf32, #tpu.memory_space<vmem>> -> memref<1x512x512xf32, #tpu.memory_space<vmem>>
    %dma_wait3A_3012 = tpu.memref_squeeze %dma_wait3A_3011 : memref<1x512x512xf32, #tpu.memory_space<vmem>> -> memref<512x512xf32, #tpu.memory_space<vmem>>
    tpu.wait_dma2 semaphore(%arg4 : memref<!tpu.dma_semaphore, #tpu.memory_space<semaphore_mem>>) src(%dma_wait3A_3012 : memref<512x512xf32, #tpu.memory_space<vmem>>) dst(%dma_wait3A_3009 : memref<512x512xf32, #tpu.memory_space<any>>)
    %dma_wait3A_3013 = arith.constant 1 : i32
    %dma_wait3A_3014 = arith.constant 0 : i32
    %dma_wait3A_3015 = arith.constant 0 : i32
    %dma_wait3A_3016 = tpu.memref_slice %arg2[%add3A_1769, %dma_wait3A_3014, %dma_wait3A_3015] : memref<512x512x512xf32, #tpu.memory_space<any>> -> memref<1x512x512xf32, #tpu.memory_space<any>>
    %dma_wait3A_3017 = tpu.memref_squeeze %dma_wait3A_3016 : memref<1x512x512xf32, #tpu.memory_space<any>> -> memref<512x512xf32, #tpu.memory_space<any>>
    %dma_wait3A_3018 = arith.constant 0 : i32
    %dma_wait3A_3019 = tpu.memref_slice %arg3[%dma_wait3A_3013, %multiple_of3A_1771, %dma_wait3A_3018] : memref<2x1000x512xf32, #tpu.memory_space<vmem>> -> memref<1x512x512xf32, #tpu.memory_space<vmem>>
    %dma_wait3A_3020 = tpu.memref_squeeze %dma_wait3A_3019 : memref<1x512x512xf32, #tpu.memory_space<vmem>> -> memref<512x512xf32, #tpu.memory_space<vmem>>
    tpu.wait_dma2 semaphore(%arg4 : memref<!tpu.dma_semaphore, #tpu.memory_space<semaphore_mem>>) src(%dma_wait3A_3020 : memref<512x512xf32, #tpu.memory_space<vmem>>) dst(%dma_wait3A_3017 : memref<512x512xf32, #tpu.memory_space<any>>)
    %dma_wait3A_3021 = arith.constant 1 : i32
    %dma_wait3A_3022 = arith.constant 0 : i32
    %dma_wait3A_3023 = arith.constant 0 : i32
    %dma_wait3A_3024 = tpu.memref_slice %arg2[%add3A_1787, %dma_wait3A_3022, %dma_wait3A_3023] : memref<512x512x512xf32, #tpu.memory_space<any>> -> memref<1x512x512xf32, #tpu.memory_space<any>>
    %dma_wait3A_3025 = tpu.memref_squeeze %dma_wait3A_3024 : memref<1x512x512xf32, #tpu.memory_space<any>> -> memref<512x512xf32, #tpu.memory_space<any>>
    %dma_wait3A_3026 = arith.constant 0 : i32
    %dma_wait3A_3027 = tpu.memref_slice %arg3[%dma_wait3A_3021, %multiple_of3A_1789, %dma_wait3A_3026] : memref<2x1000x512xf32, #tpu.memory_space<vmem>> -> memref<1x512x512xf32, #tpu.memory_space<vmem>>
    %dma_wait3A_3028 = tpu.memref_squeeze %dma_wait3A_3027 : memref<1x512x512xf32, #tpu.memory_space<vmem>> -> memref<512x512xf32, #tpu.memory_space<vmem>>
    tpu.wait_dma2 semaphore(%arg4 : memref<!tpu.dma_semaphore, #tpu.memory_space<semaphore_mem>>) src(%dma_wait3A_3028 : memref<512x512xf32, #tpu.memory_space<vmem>>) dst(%dma_wait3A_3025 : memref<512x512xf32, #tpu.memory_space<any>>)
    %dma_wait3A_3029 = arith.constant 1 : i32
    %dma_wait3A_3030 = arith.constant 0 : i32
    %dma_wait3A_3031 = arith.constant 0 : i32
    %dma_wait3A_3032 = tpu.memref_slice %arg2[%add3A_1805, %dma_wait3A_3030, %dma_wait3A_3031] : memref<512x512x512xf32, #tpu.memory_space<any>> -> memref<1x512x512xf32, #tpu.memory_space<any>>
    %dma_wait3A_3033 = tpu.memref_squeeze %dma_wait3A_3032 : memref<1x512x512xf32, #tpu.memory_space<any>> -> memref<512x512xf32, #tpu.memory_space<any>>
    %dma_wait3A_3034 = arith.constant 0 : i32
    %dma_wait3A_3035 = tpu.memref_slice %arg3[%dma_wait3A_3029, %multiple_of3A_1807, %dma_wait3A_3034] : memref<2x1000x512xf32, #tpu.memory_space<vmem>> -> memref<1x512x512xf32, #tpu.memory_space<vmem>>
    %dma_wait3A_3036 = tpu.memref_squeeze %dma_wait3A_3035 : memref<1x512x512xf32, #tpu.memory_space<vmem>> -> memref<512x512xf32, #tpu.memory_space<vmem>>
    tpu.wait_dma2 semaphore(%arg4 : memref<!tpu.dma_semaphore, #tpu.memory_space<semaphore_mem>>) src(%dma_wait3A_3036 : memref<512x512xf32, #tpu.memory_space<vmem>>) dst(%dma_wait3A_3033 : memref<512x512xf32, #tpu.memory_space<any>>)
    %dma_wait3A_3037 = arith.constant 1 : i32
    %dma_wait3A_3038 = arith.constant 0 : i32
    %dma_wait3A_3039 = arith.constant 0 : i32
    %dma_wait3A_3040 = tpu.memref_slice %arg2[%add3A_1823, %dma_wait3A_3038, %dma_wait3A_3039] : memref<512x512x512xf32, #tpu.memory_space<any>> -> memref<1x512x512xf32, #tpu.memory_space<any>>
    %dma_wait3A_3041 = tpu.memref_squeeze %dma_wait3A_3040 : memref<1x512x512xf32, #tpu.memory_space<any>> -> memref<512x512xf32, #tpu.memory_space<any>>
    %dma_wait3A_3042 = arith.constant 0 : i32
    %dma_wait3A_3043 = tpu.memref_slice %arg3[%dma_wait3A_3037, %multiple_of3A_1825, %dma_wait3A_3042] : memref<2x1000x512xf32, #tpu.memory_space<vmem>> -> memref<1x512x512xf32, #tpu.memory_space<vmem>>
    %dma_wait3A_3044 = tpu.memref_squeeze %dma_wait3A_3043 : memref<1x512x512xf32, #tpu.memory_space<vmem>> -> memref<512x512xf32, #tpu.memory_space<vmem>>
    tpu.wait_dma2 semaphore(%arg4 : memref<!tpu.dma_semaphore, #tpu.memory_space<semaphore_mem>>) src(%dma_wait3A_3044 : memref<512x512xf32, #tpu.memory_space<vmem>>) dst(%dma_wait3A_3041 : memref<512x512xf32, #tpu.memory_space<any>>)
    %dma_wait3A_3045 = arith.constant 1 : i32
    %dma_wait3A_3046 = arith.constant 0 : i32
    %dma_wait3A_3047 = arith.constant 0 : i32
    %dma_wait3A_3048 = tpu.memref_slice %arg2[%add3A_1841, %dma_wait3A_3046, %dma_wait3A_3047] : memref<512x512x512xf32, #tpu.memory_space<any>> -> memref<1x512x512xf32, #tpu.memory_space<any>>
    %dma_wait3A_3049 = tpu.memref_squeeze %dma_wait3A_3048 : memref<1x512x512xf32, #tpu.memory_space<any>> -> memref<512x512xf32, #tpu.memory_space<any>>
    %dma_wait3A_3050 = arith.constant 0 : i32
    %dma_wait3A_3051 = tpu.memref_slice %arg3[%dma_wait3A_3045, %multiple_of3A_1843, %dma_wait3A_3050] : memref<2x1000x512xf32, #tpu.memory_space<vmem>> -> memref<1x512x512xf32, #tpu.memory_space<vmem>>
    %dma_wait3A_3052 = tpu.memref_squeeze %dma_wait3A_3051 : memref<1x512x512xf32, #tpu.memory_space<vmem>> -> memref<512x512xf32, #tpu.memory_space<vmem>>
    tpu.wait_dma2 semaphore(%arg4 : memref<!tpu.dma_semaphore, #tpu.memory_space<semaphore_mem>>) src(%dma_wait3A_3052 : memref<512x512xf32, #tpu.memory_space<vmem>>) dst(%dma_wait3A_3049 : memref<512x512xf32, #tpu.memory_space<any>>)
    %dma_wait3A_3053 = arith.constant 1 : i32
    %dma_wait3A_3054 = arith.constant 0 : i32
    %dma_wait3A_3055 = arith.constant 0 : i32
    %dma_wait3A_3056 = tpu.memref_slice %arg2[%add3A_1859, %dma_wait3A_3054, %dma_wait3A_3055] : memref<512x512x512xf32, #tpu.memory_space<any>> -> memref<1x512x512xf32, #tpu.memory_space<any>>
    %dma_wait3A_3057 = tpu.memref_squeeze %dma_wait3A_3056 : memref<1x512x512xf32, #tpu.memory_space<any>> -> memref<512x512xf32, #tpu.memory_space<any>>
    %dma_wait3A_3058 = arith.constant 0 : i32
    %dma_wait3A_3059 = tpu.memref_slice %arg3[%dma_wait3A_3053, %multiple_of3A_1861, %dma_wait3A_3058] : memref<2x1000x512xf32, #tpu.memory_space<vmem>> -> memref<1x512x512xf32, #tpu.memory_space<vmem>>
    %dma_wait3A_3060 = tpu.memref_squeeze %dma_wait3A_3059 : memref<1x512x512xf32, #tpu.memory_space<vmem>> -> memref<512x512xf32, #tpu.memory_space<vmem>>
    tpu.wait_dma2 semaphore(%arg4 : memref<!tpu.dma_semaphore, #tpu.memory_space<semaphore_mem>>) src(%dma_wait3A_3060 : memref<512x512xf32, #tpu.memory_space<vmem>>) dst(%dma_wait3A_3057 : memref<512x512xf32, #tpu.memory_space<any>>)
    %dma_wait3A_3061 = arith.constant 1 : i32
    %dma_wait3A_3062 = arith.constant 0 : i32
    %dma_wait3A_3063 = arith.constant 0 : i32
    %dma_wait3A_3064 = tpu.memref_slice %arg2[%add3A_1877, %dma_wait3A_3062, %dma_wait3A_3063] : memref<512x512x512xf32, #tpu.memory_space<any>> -> memref<1x512x512xf32, #tpu.memory_space<any>>
    %dma_wait3A_3065 = tpu.memref_squeeze %dma_wait3A_3064 : memref<1x512x512xf32, #tpu.memory_space<any>> -> memref<512x512xf32, #tpu.memory_space<any>>
    %dma_wait3A_3066 = arith.constant 0 : i32
    %dma_wait3A_3067 = tpu.memref_slice %arg3[%dma_wait3A_3061, %multiple_of3A_1879, %dma_wait3A_3066] : memref<2x1000x512xf32, #tpu.memory_space<vmem>> -> memref<1x512x512xf32, #tpu.memory_space<vmem>>
    %dma_wait3A_3068 = tpu.memref_squeeze %dma_wait3A_3067 : memref<1x512x512xf32, #tpu.memory_space<vmem>> -> memref<512x512xf32, #tpu.memory_space<vmem>>
    tpu.wait_dma2 semaphore(%arg4 : memref<!tpu.dma_semaphore, #tpu.memory_space<semaphore_mem>>) src(%dma_wait3A_3068 : memref<512x512xf32, #tpu.memory_space<vmem>>) dst(%dma_wait3A_3065 : memref<512x512xf32, #tpu.memory_space<any>>)
    %dma_wait3A_3069 = arith.constant 1 : i32
    %dma_wait3A_3070 = arith.constant 0 : i32
    %dma_wait3A_3071 = arith.constant 0 : i32
    %dma_wait3A_3072 = tpu.memref_slice %arg2[%add3A_1895, %dma_wait3A_3070, %dma_wait3A_3071] : memref<512x512x512xf32, #tpu.memory_space<any>> -> memref<1x512x512xf32, #tpu.memory_space<any>>
    %dma_wait3A_3073 = tpu.memref_squeeze %dma_wait3A_3072 : memref<1x512x512xf32, #tpu.memory_space<any>> -> memref<512x512xf32, #tpu.memory_space<any>>
    %dma_wait3A_3074 = arith.constant 0 : i32
    %dma_wait3A_3075 = tpu.memref_slice %arg3[%dma_wait3A_3069, %multiple_of3A_1897, %dma_wait3A_3074] : memref<2x1000x512xf32, #tpu.memory_space<vmem>> -> memref<1x512x512xf32, #tpu.memory_space<vmem>>
    %dma_wait3A_3076 = tpu.memref_squeeze %dma_wait3A_3075 : memref<1x512x512xf32, #tpu.memory_space<vmem>> -> memref<512x512xf32, #tpu.memory_space<vmem>>
    tpu.wait_dma2 semaphore(%arg4 : memref<!tpu.dma_semaphore, #tpu.memory_space<semaphore_mem>>) src(%dma_wait3A_3076 : memref<512x512xf32, #tpu.memory_space<vmem>>) dst(%dma_wait3A_3073 : memref<512x512xf32, #tpu.memory_space<any>>)
    %dma_wait3A_3077 = arith.constant 1 : i32
    %dma_wait3A_3078 = arith.constant 0 : i32
    %dma_wait3A_3079 = arith.constant 0 : i32
    %dma_wait3A_3080 = tpu.memref_slice %arg2[%add3A_1913, %dma_wait3A_3078, %dma_wait3A_3079] : memref<512x512x512xf32, #tpu.memory_space<any>> -> memref<1x512x512xf32, #tpu.memory_space<any>>
    %dma_wait3A_3081 = tpu.memref_squeeze %dma_wait3A_3080 : memref<1x512x512xf32, #tpu.memory_space<any>> -> memref<512x512xf32, #tpu.memory_space<any>>
    %dma_wait3A_3082 = arith.constant 0 : i32
    %dma_wait3A_3083 = tpu.memref_slice %arg3[%dma_wait3A_3077, %multiple_of3A_1915, %dma_wait3A_3082] : memref<2x1000x512xf32, #tpu.memory_space<vmem>> -> memref<1x512x512xf32, #tpu.memory_space<vmem>>
    %dma_wait3A_3084 = tpu.memref_squeeze %dma_wait3A_3083 : memref<1x512x512xf32, #tpu.memory_space<vmem>> -> memref<512x512xf32, #tpu.memory_space<vmem>>
    tpu.wait_dma2 semaphore(%arg4 : memref<!tpu.dma_semaphore, #tpu.memory_space<semaphore_mem>>) src(%dma_wait3A_3084 : memref<512x512xf32, #tpu.memory_space<vmem>>) dst(%dma_wait3A_3081 : memref<512x512xf32, #tpu.memory_space<any>>)
    %dma_wait3A_3085 = arith.constant 1 : i32
    %dma_wait3A_3086 = arith.constant 0 : i32
    %dma_wait3A_3087 = arith.constant 0 : i32
    %dma_wait3A_3088 = tpu.memref_slice %arg2[%add3A_1931, %dma_wait3A_3086, %dma_wait3A_3087] : memref<512x512x512xf32, #tpu.memory_space<any>> -> memref<1x512x512xf32, #tpu.memory_space<any>>
    %dma_wait3A_3089 = tpu.memref_squeeze %dma_wait3A_3088 : memref<1x512x512xf32, #tpu.memory_space<any>> -> memref<512x512xf32, #tpu.memory_space<any>>
    %dma_wait3A_3090 = arith.constant 0 : i32
    %dma_wait3A_3091 = tpu.memref_slice %arg3[%dma_wait3A_3085, %multiple_of3A_1933, %dma_wait3A_3090] : memref<2x1000x512xf32, #tpu.memory_space<vmem>> -> memref<1x512x512xf32, #tpu.memory_space<vmem>>
    %dma_wait3A_3092 = tpu.memref_squeeze %dma_wait3A_3091 : memref<1x512x512xf32, #tpu.memory_space<vmem>> -> memref<512x512xf32, #tpu.memory_space<vmem>>
    tpu.wait_dma2 semaphore(%arg4 : memref<!tpu.dma_semaphore, #tpu.memory_space<semaphore_mem>>) src(%dma_wait3A_3092 : memref<512x512xf32, #tpu.memory_space<vmem>>) dst(%dma_wait3A_3089 : memref<512x512xf32, #tpu.memory_space<any>>)
    %dma_wait3A_3093 = arith.constant 1 : i32
    %dma_wait3A_3094 = arith.constant 0 : i32
    %dma_wait3A_3095 = arith.constant 0 : i32
    %dma_wait3A_3096 = tpu.memref_slice %arg2[%add3A_1949, %dma_wait3A_3094, %dma_wait3A_3095] : memref<512x512x512xf32, #tpu.memory_space<any>> -> memref<1x512x512xf32, #tpu.memory_space<any>>
    %dma_wait3A_3097 = tpu.memref_squeeze %dma_wait3A_3096 : memref<1x512x512xf32, #tpu.memory_space<any>> -> memref<512x512xf32, #tpu.memory_space<any>>
    %dma_wait3A_3098 = arith.constant 0 : i32
    %dma_wait3A_3099 = tpu.memref_slice %arg3[%dma_wait3A_3093, %multiple_of3A_1951, %dma_wait3A_3098] : memref<2x1000x512xf32, #tpu.memory_space<vmem>> -> memref<1x512x512xf32, #tpu.memory_space<vmem>>
    %dma_wait3A_3100 = tpu.memref_squeeze %dma_wait3A_3099 : memref<1x512x512xf32, #tpu.memory_space<vmem>> -> memref<512x512xf32, #tpu.memory_space<vmem>>
    tpu.wait_dma2 semaphore(%arg4 : memref<!tpu.dma_semaphore, #tpu.memory_space<semaphore_mem>>) src(%dma_wait3A_3100 : memref<512x512xf32, #tpu.memory_space<vmem>>) dst(%dma_wait3A_3097 : memref<512x512xf32, #tpu.memory_space<any>>)
    %dma_wait3A_3101 = arith.constant 1 : i32
    %dma_wait3A_3102 = arith.constant 0 : i32
    %dma_wait3A_3103 = arith.constant 0 : i32
    %dma_wait3A_3104 = tpu.memref_slice %arg2[%add3A_1967, %dma_wait3A_3102, %dma_wait3A_3103] : memref<512x512x512xf32, #tpu.memory_space<any>> -> memref<1x512x512xf32, #tpu.memory_space<any>>
    %dma_wait3A_3105 = tpu.memref_squeeze %dma_wait3A_3104 : memref<1x512x512xf32, #tpu.memory_space<any>> -> memref<512x512xf32, #tpu.memory_space<any>>
    %dma_wait3A_3106 = arith.constant 0 : i32
    %dma_wait3A_3107 = tpu.memref_slice %arg3[%dma_wait3A_3101, %multiple_of3A_1969, %dma_wait3A_3106] : memref<2x1000x512xf32, #tpu.memory_space<vmem>> -> memref<1x512x512xf32, #tpu.memory_space<vmem>>
    %dma_wait3A_3108 = tpu.memref_squeeze %dma_wait3A_3107 : memref<1x512x512xf32, #tpu.memory_space<vmem>> -> memref<512x512xf32, #tpu.memory_space<vmem>>
    tpu.wait_dma2 semaphore(%arg4 : memref<!tpu.dma_semaphore, #tpu.memory_space<semaphore_mem>>) src(%dma_wait3A_3108 : memref<512x512xf32, #tpu.memory_space<vmem>>) dst(%dma_wait3A_3105 : memref<512x512xf32, #tpu.memory_space<any>>)
    %dma_wait3A_3109 = arith.constant 1 : i32
    %dma_wait3A_3110 = arith.constant 0 : i32
    %dma_wait3A_3111 = arith.constant 0 : i32
    %dma_wait3A_3112 = tpu.memref_slice %arg2[%add3A_1985, %dma_wait3A_3110, %dma_wait3A_3111] : memref<512x512x512xf32, #tpu.memory_space<any>> -> memref<1x512x512xf32, #tpu.memory_space<any>>
    %dma_wait3A_3113 = tpu.memref_squeeze %dma_wait3A_3112 : memref<1x512x512xf32, #tpu.memory_space<any>> -> memref<512x512xf32, #tpu.memory_space<any>>
    %dma_wait3A_3114 = arith.constant 0 : i32
    %dma_wait3A_3115 = tpu.memref_slice %arg3[%dma_wait3A_3109, %multiple_of3A_1987, %dma_wait3A_3114] : memref<2x1000x512xf32, #tpu.memory_space<vmem>> -> memref<1x512x512xf32, #tpu.memory_space<vmem>>
    %dma_wait3A_3116 = tpu.memref_squeeze %dma_wait3A_3115 : memref<1x512x512xf32, #tpu.memory_space<vmem>> -> memref<512x512xf32, #tpu.memory_space<vmem>>
    tpu.wait_dma2 semaphore(%arg4 : memref<!tpu.dma_semaphore, #tpu.memory_space<semaphore_mem>>) src(%dma_wait3A_3116 : memref<512x512xf32, #tpu.memory_space<vmem>>) dst(%dma_wait3A_3113 : memref<512x512xf32, #tpu.memory_space<any>>)
    %dma_wait3A_3117 = arith.constant 1 : i32
    %dma_wait3A_3118 = arith.constant 0 : i32
    %dma_wait3A_3119 = arith.constant 0 : i32
    %dma_wait3A_3120 = tpu.memref_slice %arg2[%add3A_2003, %dma_wait3A_3118, %dma_wait3A_3119] : memref<512x512x512xf32, #tpu.memory_space<any>> -> memref<1x512x512xf32, #tpu.memory_space<any>>
    %dma_wait3A_3121 = tpu.memref_squeeze %dma_wait3A_3120 : memref<1x512x512xf32, #tpu.memory_space<any>> -> memref<512x512xf32, #tpu.memory_space<any>>
    %dma_wait3A_3122 = arith.constant 0 : i32
    %dma_wait3A_3123 = tpu.memref_slice %arg3[%dma_wait3A_3117, %multiple_of3A_2005, %dma_wait3A_3122] : memref<2x1000x512xf32, #tpu.memory_space<vmem>> -> memref<1x512x512xf32, #tpu.memory_space<vmem>>
    %dma_wait3A_3124 = tpu.memref_squeeze %dma_wait3A_3123 : memref<1x512x512xf32, #tpu.memory_space<vmem>> -> memref<512x512xf32, #tpu.memory_space<vmem>>
    tpu.wait_dma2 semaphore(%arg4 : memref<!tpu.dma_semaphore, #tpu.memory_space<semaphore_mem>>) src(%dma_wait3A_3124 : memref<512x512xf32, #tpu.memory_space<vmem>>) dst(%dma_wait3A_3121 : memref<512x512xf32, #tpu.memory_space<any>>)
    %dma_wait3A_3125 = arith.constant 1 : i32
    %dma_wait3A_3126 = arith.constant 0 : i32
    %dma_wait3A_3127 = arith.constant 0 : i32
    %dma_wait3A_3128 = tpu.memref_slice %arg2[%add3A_2021, %dma_wait3A_3126, %dma_wait3A_3127] : memref<512x512x512xf32, #tpu.memory_space<any>> -> memref<1x512x512xf32, #tpu.memory_space<any>>
    %dma_wait3A_3129 = tpu.memref_squeeze %dma_wait3A_3128 : memref<1x512x512xf32, #tpu.memory_space<any>> -> memref<512x512xf32, #tpu.memory_space<any>>
    %dma_wait3A_3130 = arith.constant 0 : i32
    %dma_wait3A_3131 = tpu.memref_slice %arg3[%dma_wait3A_3125, %multiple_of3A_2023, %dma_wait3A_3130] : memref<2x1000x512xf32, #tpu.memory_space<vmem>> -> memref<1x512x512xf32, #tpu.memory_space<vmem>>
    %dma_wait3A_3132 = tpu.memref_squeeze %dma_wait3A_3131 : memref<1x512x512xf32, #tpu.memory_space<vmem>> -> memref<512x512xf32, #tpu.memory_space<vmem>>
    tpu.wait_dma2 semaphore(%arg4 : memref<!tpu.dma_semaphore, #tpu.memory_space<semaphore_mem>>) src(%dma_wait3A_3132 : memref<512x512xf32, #tpu.memory_space<vmem>>) dst(%dma_wait3A_3129 : memref<512x512xf32, #tpu.memory_space<any>>)
    %dma_wait3A_3133 = arith.constant 1 : i32
    %dma_wait3A_3134 = arith.constant 0 : i32
    %dma_wait3A_3135 = arith.constant 0 : i32
    %dma_wait3A_3136 = tpu.memref_slice %arg2[%add3A_2039, %dma_wait3A_3134, %dma_wait3A_3135] : memref<512x512x512xf32, #tpu.memory_space<any>> -> memref<1x512x512xf32, #tpu.memory_space<any>>
    %dma_wait3A_3137 = tpu.memref_squeeze %dma_wait3A_3136 : memref<1x512x512xf32, #tpu.memory_space<any>> -> memref<512x512xf32, #tpu.memory_space<any>>
    %dma_wait3A_3138 = arith.constant 0 : i32
    %dma_wait3A_3139 = tpu.memref_slice %arg3[%dma_wait3A_3133, %multiple_of3A_2041, %dma_wait3A_3138] : memref<2x1000x512xf32, #tpu.memory_space<vmem>> -> memref<1x512x512xf32, #tpu.memory_space<vmem>>
    %dma_wait3A_3140 = tpu.memref_squeeze %dma_wait3A_3139 : memref<1x512x512xf32, #tpu.memory_space<vmem>> -> memref<512x512xf32, #tpu.memory_space<vmem>>
    tpu.wait_dma2 semaphore(%arg4 : memref<!tpu.dma_semaphore, #tpu.memory_space<semaphore_mem>>) src(%dma_wait3A_3140 : memref<512x512xf32, #tpu.memory_space<vmem>>) dst(%dma_wait3A_3137 : memref<512x512xf32, #tpu.memory_space<any>>)
    %dma_wait3A_3141 = arith.constant 1 : i32
    %dma_wait3A_3142 = arith.constant 0 : i32
    %dma_wait3A_3143 = arith.constant 0 : i32
    %dma_wait3A_3144 = tpu.memref_slice %arg2[%add3A_2057, %dma_wait3A_3142, %dma_wait3A_3143] : memref<512x512x512xf32, #tpu.memory_space<any>> -> memref<1x512x512xf32, #tpu.memory_space<any>>
    %dma_wait3A_3145 = tpu.memref_squeeze %dma_wait3A_3144 : memref<1x512x512xf32, #tpu.memory_space<any>> -> memref<512x512xf32, #tpu.memory_space<any>>
    %dma_wait3A_3146 = arith.constant 0 : i32
    %dma_wait3A_3147 = tpu.memref_slice %arg3[%dma_wait3A_3141, %multiple_of3A_2059, %dma_wait3A_3146] : memref<2x1000x512xf32, #tpu.memory_space<vmem>> -> memref<1x512x512xf32, #tpu.memory_space<vmem>>
    %dma_wait3A_3148 = tpu.memref_squeeze %dma_wait3A_3147 : memref<1x512x512xf32, #tpu.memory_space<vmem>> -> memref<512x512xf32, #tpu.memory_space<vmem>>
    tpu.wait_dma2 semaphore(%arg4 : memref<!tpu.dma_semaphore, #tpu.memory_space<semaphore_mem>>) src(%dma_wait3A_3148 : memref<512x512xf32, #tpu.memory_space<vmem>>) dst(%dma_wait3A_3145 : memref<512x512xf32, #tpu.memory_space<any>>)
    %dma_wait3A_3149 = arith.constant 1 : i32
    %dma_wait3A_3150 = arith.constant 0 : i32
    %dma_wait3A_3151 = arith.constant 0 : i32
    %dma_wait3A_3152 = tpu.memref_slice %arg2[%add3A_2075, %dma_wait3A_3150, %dma_wait3A_3151] : memref<512x512x512xf32, #tpu.memory_space<any>> -> memref<1x512x512xf32, #tpu.memory_space<any>>
    %dma_wait3A_3153 = tpu.memref_squeeze %dma_wait3A_3152 : memref<1x512x512xf32, #tpu.memory_space<any>> -> memref<512x512xf32, #tpu.memory_space<any>>
    %dma_wait3A_3154 = arith.constant 0 : i32
    %dma_wait3A_3155 = tpu.memref_slice %arg3[%dma_wait3A_3149, %multiple_of3A_2077, %dma_wait3A_3154] : memref<2x1000x512xf32, #tpu.memory_space<vmem>> -> memref<1x512x512xf32, #tpu.memory_space<vmem>>
    %dma_wait3A_3156 = tpu.memref_squeeze %dma_wait3A_3155 : memref<1x512x512xf32, #tpu.memory_space<vmem>> -> memref<512x512xf32, #tpu.memory_space<vmem>>
    tpu.wait_dma2 semaphore(%arg4 : memref<!tpu.dma_semaphore, #tpu.memory_space<semaphore_mem>>) src(%dma_wait3A_3156 : memref<512x512xf32, #tpu.memory_space<vmem>>) dst(%dma_wait3A_3153 : memref<512x512xf32, #tpu.memory_space<any>>)
    %dma_wait3A_3157 = arith.constant 1 : i32
    %dma_wait3A_3158 = arith.constant 0 : i32
    %dma_wait3A_3159 = arith.constant 0 : i32
    %dma_wait3A_3160 = tpu.memref_slice %arg2[%add3A_2093, %dma_wait3A_3158, %dma_wait3A_3159] : memref<512x512x512xf32, #tpu.memory_space<any>> -> memref<1x512x512xf32, #tpu.memory_space<any>>
    %dma_wait3A_3161 = tpu.memref_squeeze %dma_wait3A_3160 : memref<1x512x512xf32, #tpu.memory_space<any>> -> memref<512x512xf32, #tpu.memory_space<any>>
    %dma_wait3A_3162 = arith.constant 0 : i32
    %dma_wait3A_3163 = tpu.memref_slice %arg3[%dma_wait3A_3157, %multiple_of3A_2095, %dma_wait3A_3162] : memref<2x1000x512xf32, #tpu.memory_space<vmem>> -> memref<1x512x512xf32, #tpu.memory_space<vmem>>
    %dma_wait3A_3164 = tpu.memref_squeeze %dma_wait3A_3163 : memref<1x512x512xf32, #tpu.memory_space<vmem>> -> memref<512x512xf32, #tpu.memory_space<vmem>>
    tpu.wait_dma2 semaphore(%arg4 : memref<!tpu.dma_semaphore, #tpu.memory_space<semaphore_mem>>) src(%dma_wait3A_3164 : memref<512x512xf32, #tpu.memory_space<vmem>>) dst(%dma_wait3A_3161 : memref<512x512xf32, #tpu.memory_space<any>>)
    %dma_wait3A_3165 = arith.constant 1 : i32
    %dma_wait3A_3166 = arith.constant 0 : i32
    %dma_wait3A_3167 = arith.constant 0 : i32
    %dma_wait3A_3168 = tpu.memref_slice %arg2[%add3A_2111, %dma_wait3A_3166, %dma_wait3A_3167] : memref<512x512x512xf32, #tpu.memory_space<any>> -> memref<1x512x512xf32, #tpu.memory_space<any>>
    %dma_wait3A_3169 = tpu.memref_squeeze %dma_wait3A_3168 : memref<1x512x512xf32, #tpu.memory_space<any>> -> memref<512x512xf32, #tpu.memory_space<any>>
    %dma_wait3A_3170 = arith.constant 0 : i32
    %dma_wait3A_3171 = tpu.memref_slice %arg3[%dma_wait3A_3165, %multiple_of3A_2113, %dma_wait3A_3170] : memref<2x1000x512xf32, #tpu.memory_space<vmem>> -> memref<1x512x512xf32, #tpu.memory_space<vmem>>
    %dma_wait3A_3172 = tpu.memref_squeeze %dma_wait3A_3171 : memref<1x512x512xf32, #tpu.memory_space<vmem>> -> memref<512x512xf32, #tpu.memory_space<vmem>>
    tpu.wait_dma2 semaphore(%arg4 : memref<!tpu.dma_semaphore, #tpu.memory_space<semaphore_mem>>) src(%dma_wait3A_3172 : memref<512x512xf32, #tpu.memory_space<vmem>>) dst(%dma_wait3A_3169 : memref<512x512xf32, #tpu.memory_space<any>>)
    %dma_wait3A_3173 = arith.constant 1 : i32
    %dma_wait3A_3174 = arith.constant 0 : i32
    %dma_wait3A_3175 = arith.constant 0 : i32
    %dma_wait3A_3176 = tpu.memref_slice %arg2[%add3A_2129, %dma_wait3A_3174, %dma_wait3A_3175] : memref<512x512x512xf32, #tpu.memory_space<any>> -> memref<1x512x512xf32, #tpu.memory_space<any>>
    %dma_wait3A_3177 = tpu.memref_squeeze %dma_wait3A_3176 : memref<1x512x512xf32, #tpu.memory_space<any>> -> memref<512x512xf32, #tpu.memory_space<any>>
    %dma_wait3A_3178 = arith.constant 0 : i32
    %dma_wait3A_3179 = tpu.memref_slice %arg3[%dma_wait3A_3173, %multiple_of3A_2131, %dma_wait3A_3178] : memref<2x1000x512xf32, #tpu.memory_space<vmem>> -> memref<1x512x512xf32, #tpu.memory_space<vmem>>
    %dma_wait3A_3180 = tpu.memref_squeeze %dma_wait3A_3179 : memref<1x512x512xf32, #tpu.memory_space<vmem>> -> memref<512x512xf32, #tpu.memory_space<vmem>>
    tpu.wait_dma2 semaphore(%arg4 : memref<!tpu.dma_semaphore, #tpu.memory_space<semaphore_mem>>) src(%dma_wait3A_3180 : memref<512x512xf32, #tpu.memory_space<vmem>>) dst(%dma_wait3A_3177 : memref<512x512xf32, #tpu.memory_space<any>>)
    %dma_wait3A_3181 = arith.constant 1 : i32
    %dma_wait3A_3182 = arith.constant 0 : i32
    %dma_wait3A_3183 = arith.constant 0 : i32
    %dma_wait3A_3184 = tpu.memref_slice %arg2[%add3A_2147, %dma_wait3A_3182, %dma_wait3A_3183] : memref<512x512x512xf32, #tpu.memory_space<any>> -> memref<1x512x512xf32, #tpu.memory_space<any>>
    %dma_wait3A_3185 = tpu.memref_squeeze %dma_wait3A_3184 : memref<1x512x512xf32, #tpu.memory_space<any>> -> memref<512x512xf32, #tpu.memory_space<any>>
    %dma_wait3A_3186 = arith.constant 0 : i32
    %dma_wait3A_3187 = tpu.memref_slice %arg3[%dma_wait3A_3181, %multiple_of3A_2149, %dma_wait3A_3186] : memref<2x1000x512xf32, #tpu.memory_space<vmem>> -> memref<1x512x512xf32, #tpu.memory_space<vmem>>
    %dma_wait3A_3188 = tpu.memref_squeeze %dma_wait3A_3187 : memref<1x512x512xf32, #tpu.memory_space<vmem>> -> memref<512x512xf32, #tpu.memory_space<vmem>>
    tpu.wait_dma2 semaphore(%arg4 : memref<!tpu.dma_semaphore, #tpu.memory_space<semaphore_mem>>) src(%dma_wait3A_3188 : memref<512x512xf32, #tpu.memory_space<vmem>>) dst(%dma_wait3A_3185 : memref<512x512xf32, #tpu.memory_space<any>>)
    %dma_wait3A_3189 = arith.constant 1 : i32
    %dma_wait3A_3190 = arith.constant 0 : i32
    %dma_wait3A_3191 = arith.constant 0 : i32
    %dma_wait3A_3192 = tpu.memref_slice %arg2[%add3A_2165, %dma_wait3A_3190, %dma_wait3A_3191] : memref<512x512x512xf32, #tpu.memory_space<any>> -> memref<1x512x512xf32, #tpu.memory_space<any>>
    %dma_wait3A_3193 = tpu.memref_squeeze %dma_wait3A_3192 : memref<1x512x512xf32, #tpu.memory_space<any>> -> memref<512x512xf32, #tpu.memory_space<any>>
    %dma_wait3A_3194 = arith.constant 0 : i32
    %dma_wait3A_3195 = tpu.memref_slice %arg3[%dma_wait3A_3189, %multiple_of3A_2167, %dma_wait3A_3194] : memref<2x1000x512xf32, #tpu.memory_space<vmem>> -> memref<1x512x512xf32, #tpu.memory_space<vmem>>
    %dma_wait3A_3196 = tpu.memref_squeeze %dma_wait3A_3195 : memref<1x512x512xf32, #tpu.memory_space<vmem>> -> memref<512x512xf32, #tpu.memory_space<vmem>>
    tpu.wait_dma2 semaphore(%arg4 : memref<!tpu.dma_semaphore, #tpu.memory_space<semaphore_mem>>) src(%dma_wait3A_3196 : memref<512x512xf32, #tpu.memory_space<vmem>>) dst(%dma_wait3A_3193 : memref<512x512xf32, #tpu.memory_space<any>>)
    %dma_wait3A_3197 = arith.constant 1 : i32
    %dma_wait3A_3198 = arith.constant 0 : i32
    %dma_wait3A_3199 = arith.constant 0 : i32
    %dma_wait3A_3200 = tpu.memref_slice %arg2[%add3A_2183, %dma_wait3A_3198, %dma_wait3A_3199] : memref<512x512x512xf32, #tpu.memory_space<any>> -> memref<1x512x512xf32, #tpu.memory_space<any>>
    %dma_wait3A_3201 = tpu.memref_squeeze %dma_wait3A_3200 : memref<1x512x512xf32, #tpu.memory_space<any>> -> memref<512x512xf32, #tpu.memory_space<any>>
    %dma_wait3A_3202 = arith.constant 0 : i32
    %dma_wait3A_3203 = tpu.memref_slice %arg3[%dma_wait3A_3197, %multiple_of3A_2185, %dma_wait3A_3202] : memref<2x1000x512xf32, #tpu.memory_space<vmem>> -> memref<1x512x512xf32, #tpu.memory_space<vmem>>
    %dma_wait3A_3204 = tpu.memref_squeeze %dma_wait3A_3203 : memref<1x512x512xf32, #tpu.memory_space<vmem>> -> memref<512x512xf32, #tpu.memory_space<vmem>>
    tpu.wait_dma2 semaphore(%arg4 : memref<!tpu.dma_semaphore, #tpu.memory_space<semaphore_mem>>) src(%dma_wait3A_3204 : memref<512x512xf32, #tpu.memory_space<vmem>>) dst(%dma_wait3A_3201 : memref<512x512xf32, #tpu.memory_space<any>>)
    %dma_wait3A_3205 = arith.constant 1 : i32
    %dma_wait3A_3206 = arith.constant 0 : i32
    %dma_wait3A_3207 = arith.constant 0 : i32
    %dma_wait3A_3208 = tpu.memref_slice %arg2[%add3A_2201, %dma_wait3A_3206, %dma_wait3A_3207] : memref<512x512x512xf32, #tpu.memory_space<any>> -> memref<1x512x512xf32, #tpu.memory_space<any>>
    %dma_wait3A_3209 = tpu.memref_squeeze %dma_wait3A_3208 : memref<1x512x512xf32, #tpu.memory_space<any>> -> memref<512x512xf32, #tpu.memory_space<any>>
    %dma_wait3A_3210 = arith.constant 0 : i32
    %dma_wait3A_3211 = tpu.memref_slice %arg3[%dma_wait3A_3205, %multiple_of3A_2203, %dma_wait3A_3210] : memref<2x1000x512xf32, #tpu.memory_space<vmem>> -> memref<1x512x512xf32, #tpu.memory_space<vmem>>
    %dma_wait3A_3212 = tpu.memref_squeeze %dma_wait3A_3211 : memref<1x512x512xf32, #tpu.memory_space<vmem>> -> memref<512x512xf32, #tpu.memory_space<vmem>>
    tpu.wait_dma2 semaphore(%arg4 : memref<!tpu.dma_semaphore, #tpu.memory_space<semaphore_mem>>) src(%dma_wait3A_3212 : memref<512x512xf32, #tpu.memory_space<vmem>>) dst(%dma_wait3A_3209 : memref<512x512xf32, #tpu.memory_space<any>>)
    %dma_wait3A_3213 = arith.constant 1 : i32
    %dma_wait3A_3214 = arith.constant 0 : i32
    %dma_wait3A_3215 = arith.constant 0 : i32
    %dma_wait3A_3216 = tpu.memref_slice %arg2[%add3A_2219, %dma_wait3A_3214, %dma_wait3A_3215] : memref<512x512x512xf32, #tpu.memory_space<any>> -> memref<1x512x512xf32, #tpu.memory_space<any>>
    %dma_wait3A_3217 = tpu.memref_squeeze %dma_wait3A_3216 : memref<1x512x512xf32, #tpu.memory_space<any>> -> memref<512x512xf32, #tpu.memory_space<any>>
    %dma_wait3A_3218 = arith.constant 0 : i32
    %dma_wait3A_3219 = tpu.memref_slice %arg3[%dma_wait3A_3213, %multiple_of3A_2221, %dma_wait3A_3218] : memref<2x1000x512xf32, #tpu.memory_space<vmem>> -> memref<1x512x512xf32, #tpu.memory_space<vmem>>
    %dma_wait3A_3220 = tpu.memref_squeeze %dma_wait3A_3219 : memref<1x512x512xf32, #tpu.memory_space<vmem>> -> memref<512x512xf32, #tpu.memory_space<vmem>>
    tpu.wait_dma2 semaphore(%arg4 : memref<!tpu.dma_semaphore, #tpu.memory_space<semaphore_mem>>) src(%dma_wait3A_3220 : memref<512x512xf32, #tpu.memory_space<vmem>>) dst(%dma_wait3A_3217 : memref<512x512xf32, #tpu.memory_space<any>>)
    return
  }
}

</mosaic_0001>

<sc_bundles>
// kernel: kernel.4.cloned.1.call-start
scs
__scs_entry_jumppad:
0x0: {  	(pc) =	sbr.rel $0x88, $3  }
0x1: {  	(tag) =	ssettag $0x0;
	lr =	simm.s32 $0x1  }
0x2: {  	[smem:$0x3FA0] =	sst lr;
	_ =	strace $0xD0000000  }
0x3: {  	_ = 	snop  }
0x4: {  	_ = 	snop  }
0x5: {  	_ = 	snop  }
0x6: {  	_ = 	snop  }
0x7: {  	_ = 	snop  }
__scs_overlays_trampoline_lowered:
0x8: {  	[smem:$0x3FAF] =	sst s0  }
0x9: {  	[smem:$0x3FB0] =	sst s1  }
0xa: {  	[smem:$0x3FB1] =	sst s2  }
0xb: {  	[smem:$0x3FB2] =	sst s3  }
0xc: {  	[smem:$0x3FB3] =	sst s4  }
0xd: {  	[smem:$0x3FB4] =	sst s5  }
0xe: {  	[smem:$0x3FB5] =	sst s6  }
0xf: {  	[smem:$0x3FB6] =	sst s7  }
0x10: {  	[smem:$0x3FB7] =	sst s8  }
0x11: {  	[smem:$0x3FB8] =	sst s9;
	s0 =	simm.s32 @!p0 $0x0  }
0x12: {  	s1 =	sld [smem:$0x3F9E];
	s0 =	simm.s32 @p0 $0x1  }
0x13: {  	[smem:$0x3FB9] =	sst s0;
	s0 =	simm.s32 @!p1 $0x0  }
0x14: {  	s2 =	sld [smem:$0x3F9D];
	s0 =	simm.s32 @p1 $0x1  }
0x15: {  	[smem:$0x3FBA] =	sst s0;
	s0 =	simm.s32 @!p2 $0x0  }
0x16: {  	s3 =	sld [smem:$0x3FDB];
	s0 =	simm.s32 @p2 $0x1  }
0x17: {  	s4 =	simm.s32 $0x1BF5;
	[smem:$0x3FBC] =	sst s0  }
0x18: {  	s0 =	sld [smem:$0x3F9F];
	_ =	swait.ge [sflag:s4], $0x0  }
0x19: {  	s7 =	sld [smem:$0x3FA0]  }
0x1a: {  	s8 =	sadd.s32 $0xFFFFE003, lr  }
0x1b: {  	s9 =	sadd.s32 $0xFFFFFEF7, lr;
	s5 =	simm.s32 $0xFFFFFFFF;
	p2 =	slt.u32 s8, $0xFFFFF086  }
0x1c: {  	p1 =	slt.u32 s9, $0xF7A;
	s5 =	simm.s32 @!p2 $0x0  }
0x1d: {  	s5 =	simm.s32 @p1 $0x1;
	p0 =	seq.s32 s7, s2  }
0x1e: {  	s7 =	smul.u32 @!p0 $0xF7A, s2;
	p2 =	seq.s32 @!p0 s5, $0x0  }
0x1f: {  	s9 =	smul.u32 $0xF7A, s1;
	s8 =	simm.s32 @!p0 $0x1BF5;
	p2 =	por !p2, p0  }
0x20: {  	[sflag:s8] =	ssyncset.s32 @!p0 $0xFFFFF086;
	s6 =	sadd.s32 @!p0 s3, s7;
	s7 =	simm.s32 @!p0 $0x108  }
0x21: {  	s3 =	sadd.s32 s3, s9;
	s6 =	sadd.s32 @!p0 $0x88, s6;
	s7 =	simm.s32 @p2 $0x1082  }
0x22: {  	[simem:s7], [sflag:s8] =	dma.local @!p0 [hbm:s6], $0xF7A  }
0x23: {  	s9 =	sor.u32 $0xD0000000, s2;
	s6 =	simm.s32 $0x108;
	_ =	swait.ge @!p0 [sflag:s8], $0x0  }
0x24: {  	s3 =	sadd.s32 $0x88, s3;
	s6 =	simm.s32 @!p1 $0x1082;
	[sflag:s4] =	ssyncset.s32 $0xFFFFF086  }
0x25: {  	[simem:s6], [sflag:s4] =	dma.local [hbm:s3], $0xF7A  }
0x26: {  	[smem:$0x3FA0] =	sst s1;
	(tag) =	ssettag s2;
	_ =	strace s9  }
0x27: {  	s1 =	sld [smem:$0x3FB0]  }
0x28: {  	s2 =	sld [smem:$0x3FB1]  }
0x29: {  	s4 =	sld [smem:$0x3FB3]  }
0x2a: {  	p0 =	seq.s32 s5, $0x0;
	s5 =	sld [smem:$0x3FB4]  }
0x2b: {  	s6 =	sld [smem:$0x3FB5]  }
0x2c: {  	s7 =	sld [smem:$0x3FB6]  }
0x2d: {  	s3 =	simm.s32 $0x108;
	s8 =	sld [smem:$0x3FB7]  }
0x2e: {  	s3 =	simm.s32 @!p0 $0x1082;
	s9 =	sld [smem:$0x3FB8]  }
0x2f: {  	lr =	sadd.s32 s0, s3;
	s0 =	sld [smem:$0x3FAF]  }
0x30: {  	s3 =	sld [smem:$0x3FB2]  }
0x31: {  	[smem:$0x3FBB] =	sst s10  }
0x32: {  	s10 =	sld [smem:$0x3FB9];
	_ =	sdelay $0x3  }
0x33: {  	p0 =	seq.s32 s10, $0x1;
	s10 =	sld [smem:$0x3FBB];
	_ =	sdelay $0x3  }
0x34: {  	[smem:$0x3FBB] =	sst s10  }
0x35: {  	s10 =	sld [smem:$0x3FBA];
	_ =	sdelay $0x3  }
0x36: {  	p1 =	seq.s32 s10, $0x1;
	s10 =	sld [smem:$0x3FBB];
	_ =	sdelay $0x3  }
0x37: {  	[smem:$0x3FBB] =	sst s10  }
0x38: {  	s10 =	sld [smem:$0x3FBC]  }
0x39: {  	_ = 	snop;
	(pc) =	sbr.ind lr, $3  }
0x3a: {  	_ = 	snop  }
0x3b: {  	_ = 	snop  }
0x3c: {  	p2 =	seq.s32 s10, $0x1;
	s10 =	sld [smem:$0x3FBB]  }
0x3d: {  	_ =	shalt  }
0x3e: {  	_ =	shalt  }
0x3f: {  	_ =	shalt  }
0x40: {  	_ =	shalt  }
0x41: {  	_ =	shalt  }
0x42: {  	_ =	shalt  }
0x43: {  	_ =	shalt  }
0x44: {  	_ =	shalt  }
0x45: {  	_ =	shalt  }
0x46: {  	_ =	shalt  }
0x47: {  	_ =	shalt  }
0x48: {  	_ =	shalt  }
0x49: {  	_ =	shalt  }
0x4a: {  	_ =	shalt  }
0x4b: {  	_ =	shalt  }
0x4c: {  	_ =	shalt  }
0x4d: {  	_ =	shalt  }
0x4e: {  	_ =	shalt  }
0x4f: {  	_ =	shalt  }
0x50: {  	_ =	shalt  }
0x51: {  	_ =	shalt  }
0x52: {  	_ =	shalt  }
0x53: {  	_ =	shalt  }
0x54: {  	_ =	shalt  }
0x55: {  	_ =	shalt  }
0x56: {  	_ =	shalt  }
0x57: {  	_ =	shalt  }
0x58: {  	_ =	shalt  }
0x59: {  	_ =	shalt  }
0x5a: {  	_ =	shalt  }
0x5b: {  	_ =	shalt  }
0x5c: {  	_ =	shalt  }
0x5d: {  	_ =	shalt  }
0x5e: {  	_ =	shalt  }
0x5f: {  	_ =	shalt  }
0x60: {  	_ =	shalt  }
0x61: {  	_ =	shalt  }
0x62: {  	_ =	shalt  }
0x63: {  	_ =	shalt  }
0x64: {  	_ =	shalt  }
0x65: {  	_ =	shalt  }
0x66: {  	_ =	shalt  }
0x67: {  	_ =	shalt  }
0x68: {  	_ =	shalt  }
0x69: {  	_ =	shalt  }
0x6a: {  	_ =	shalt  }
0x6b: {  	_ =	shalt  }
0x6c: {  	_ =	shalt  }
0x6d: {  	_ =	shalt  }
0x6e: {  	_ =	shalt  }
0x6f: {  	_ =	shalt  }
0x70: {  	_ =	shalt  }
0x71: {  	_ =	shalt  }
0x72: {  	_ =	shalt  }
0x73: {  	_ =	shalt  }
0x74: {  	_ =	shalt  }
0x75: {  	_ =	shalt  }
0x76: {  	_ =	shalt  }
0x77: {  	_ =	shalt  }
0x78: {  	_ =	shalt  }
0x79: {  	_ =	shalt  }
0x7a: {  	_ =	shalt  }
0x7b: {  	_ =	shalt  }
0x7c: {  	_ =	shalt  }
0x7d: {  	_ =	shalt  }
0x7e: {  	_ =	shalt  }
0x7f: {  	_ =	shalt  }
0x80: {  	_ =	shalt  }
0x81: {  	_ =	shalt  }
0x82: {  	_ =	shalt  }
0x83: {  	_ =	shalt  }
0x84: {  	_ =	shalt  }
0x85: {  	_ =	shalt  }
0x86: {  	_ =	shalt  }
0x87: {  	_ =	shalt  }
.Lfunc_end0:
.L_simem_size_0:
called_computation_lowered:
.L_overlay_start_0:
0x88: {  	s2 =	sld [smem:$0x3FD9]  }
0x89: {  	s3 =	sld [smem:$0x3FFE];
	_ =	sdelay $0x1  }
0x8a: {  	s1 =	srdreg.scid  }
0x8b: {  	s0 =	sand.u32 $0x1, s1  }
0x8c: {  	s16 =	sshll.u32 s0, $0xA;
	s2 =	sadd.s32 s3, s2  }
0x8d: {  	s2 =	sadd.s32 s2, s16  }
0x8e: {  	[smem:$0x3FC7] =	sst s2  }
0x8f: {  	_ = 	snop  }
0x90: {  	(tm) =	ssettm $0x1  }
0x91: {  	s17 =	sld [smem:$0x3FFB];
	_ =	sdelay $0x3  }
0x92: {  	_ =	strace s17  }
0x93: {  	s2 =	sld [smem:$0x3FFC];
	_ =	sdelay $0x3  }
0x94: {  	_ =	strace s2  }
0x95: {  	s2 =	sld [smem:$0x3FFD];
	_ =	sdelay $0x3  }
0x96: {  	_ =	strace s2  }
0x97: {  	_ =	strace $0x8FFFFFFF  }
0x98: {  	s18 =	sld [smem:$0x3FDB];
	_ =	sdelay $0x1  }
0x99: {  	s19 =	simm.s32 $_scs_section_size  }
0x9a: {  	s4 =	simm.s32 $_size__tile_overlayer_lowered;
	s5 =	simm.s32 $_tile_overlayer_lowered  }
0x9b: {  	s22 =	simm.s32 $0x1BFF;
	s21 =	sshll.u32 s5, $0x1;
	s2 =	sadd.s32 s19, s18  }
0x9c: {  	s6 =	simm.s32 $0x0;
	s20 =	sshll.u32 s4, $0x1;
	s4 =	sadd.s32 s21, s2  }
0x9d: {  	[timem:s6], [sflag:s22] =	dma.local [hbm:s4], s20  }
0x9e: {  	_ =	swait.ge [sflag:s22], s20  }
0x9f: {  	s3 =	ssub.s32 $0x0, s20;
	[sflag:s22] =	ssyncset.done $0x0  }
0xa0: {  	[sflag:s22] =	ssyncadd.s32 s3;
	_ =	sdelay $0x1  }
0xa1: {  	s23 =	simm.s32 $0x1B8B  }
0xa2: {  	_ =	swait.ge [sflag:s23], $0x1  }
0xa3: {  	[sflag:s23] =	ssyncset.done $0x0  }
0xa4: {  	s25 =	simm.s32 $0x1B8E;
	s24 =	sld [smem:$0x3FFE];
	[sflag:s23] =	ssyncadd.s32 $0xFFFFFFFF  }
0xa5: {  	s26 =	simm.s32 $execute0_lowered;
	[smem:$0x3FD2] =	sst s25  }
0xa6: {  	s4 =	sshll.u32 s26, $0x1;
	_ =	strace $0x80000046;
	[dreg:$0x1] =	wrdreg $0xFFFFFFFF  }
0xa7: {  	s28 =	simm.s32 $_size_execute0_lowered;
	s2 =	sadd.s32 s2, s4;
	[dreg:$0x0] =	wrdreg $0x0  }
0xa8: {  	s4 =	sshll.u32 s28, $0x1;
	[dreg:$0x2] =	wrdreg s2  }
0xa9: {  	[dreg:$0x3] =	wrdreg s4  }
0xaa: {  	[dreg:$0x4] =	wrdreg $0xC0  }
0xab: {  	_ =	task [dreg:s6], $0x5FFFF  }
0xac: {  	[dreg:$0x1] =	wrdreg $0xFFFFFFFF  }
0xad: {  	[dreg:$0x0] =	wrdreg $0x60  }
0xae: {  	[dreg:$0x2] =	wrdreg s24  }
0xaf: {  	[dreg:$0x3] =	wrdreg $0x0  }
0xb0: {  	[dreg:$0x4] =	wrdreg $0x9  }
0xb1: {  	_ =	task.clear_ibuf [dreg:s6], $0x5FFFF;
	_ =	strace $0x90000046  }
0xb2: {  	s29 =	simm.s32 $0x9;
	_ =	strace $0x80000048  }
0xb3: {  	_ =	swait.ge [sflag:s29], $0x1  }
0xb4: {  	[sflag:s29] =	ssyncadd.s32 $0xFFFFFFFF  }
0xb5: {  	_ =	strace $0x90000048  }
0xb6: {  	_ =	sfence  }
0xb7: {  	s30 =	sld [smem:$0x0];
	_ =	sdelay $0x2  }
0xb8: {  	s31 =	sshll.u32 s1, $0xD;
	s1 =	sshrl.u32 s1, $0x2  }
0xb9: {  	s3 =	sand.u32 $0x4000, s31;
	s1 =	sadd.s32 s1, s30  }
0xba: {  	s0 =	sor.u32 s3, s0;
	s1 =	sshll.u32 s1, $0x11  }
0xbb: {  	s0 =	sor.u32 s1, s0  }
0xbc: {  	s0 =	sadd.s32 $0x8F2B, s0  }
0xbd: {  	[sflag:s0] =	ssyncadd.remote.s32 $0x1  }
0xbe: {  	_ =	sfence.sel $0xFFFF  }
0xbf: {  	[dreg:$0x0] =	wrdreg $0xFFFFFFFF;
	(pc) =	sbr.abs _section_cstart, $3  }
0xc0: {  	[dreg:$0x1] =	wrdreg $0xFFFFFFFF  }
0xc1: {  	_ =	task.clear_ibuf [dreg:s6], $0x2FFFF;
	_ =	strace $0x9FFFFFFF  }
0xc2: {  	(tm) =	ssettm $0x7FFFFFFF  }
0xc3: {  	_ =	shalt  }
tec
execute0_lowered:
.L_overlay_start_1:
0x0: {  	(tag) =	ssettag $0x1  }
0x1: {  	s1 =	rddreg [dreg:$0x0]  }
0x2: {  	s2 =	rddreg [dreg:$0x1]  }
0x3: {  	s0 =	rddreg [dreg:$0x2];
	s3 =	simm.s32 $0x0  }
0x4: {  	s26 =	srdreg.scid;
	[smem:$0x7FF] =	sst s3  }
0x5: {  	s14 =	sadd.s32 $0x1600, s1;
	s6 =	sand.u32 $0x1, s26;
	s7 =	sadd.s32 $0x81600, s1  }
0x6: {  	s1 =	stileid.u32;
	_ =	strace $0x80000047;
	s3 =	ssub.s32 $0x2, s6  }
0x7: {  	s5 =	sshll.u32 s6, $0x15;
	s8 =	sshll.u32 s1, $0x12;
	s28 =	sand.u32 $0x7, s1  }
0x8: {  	p2 =	slt.u32 s1, $0x8;
	s15 =	sshll.u32 s1, $0xF;
	s17 =	sshll.u32 s6, $0x12  }
0x9: {  	s4 =	sshrl.u32 s3, $0x1;
	s29 =	sadd.s32 s8, s5;
	s16 =	sadd.s32 s8, s2  }
0xa: {  	p0 =	slt.u32 s28, $0x4;
	p3 =	sgt.u32 s28, $0x3;
	s31 =	sadd.s32 s7, s15  }
0xb: {  	s10 =	sand.u32 $0x18000, s15;
	s11 =	sadd.s32 s7, s17;
	s18 =	ssub.s32 s3, s4  }
0xc: {  	s30 =	sshrl.u32 s29, $0x3;
	p1 =	por !p2, !p0;
	p0 =	sgt.u32 s1, $0x3  }
0xd: {  	p2 =	por !p2, !p3;
	s2 =	sadd.s32 s14, s30;
	s4 =	sshll.u32 @!p0 s1, $0x6  }
0xe: {  	s5 =	simm.s32 @!p0 $0x2;
	s3 =	sor.u32 @!p0 $0x1C02, s4;
	s4 =	sshrl.u32 @!p0 s16, $0x3  }
0xf: {  	[spmem:s4], [sflag:s3] =	dma.local @!p0 [hbm:s2], $0x8000  }
0x10: {  	s6 =	sadd.s32 s17, s31;
	s8 =	sadd.s32 $0xFFF00000, s16;
	_ =	swait.ge @!p0 [sflag:s5], $0x8000  }
0x11: {  	s10 =	sadd.s32 s10, s11;
	p1 =	por !p1, !p1;
	[sflag:s5] =	ssyncset.done @!p0 $0x0  }
0x12: {  	p2 =	por !p2, !p2;
	s14 =	sadd.s32 s15, s14;
	[sflag:s5] =	ssyncadd.s32 @!p0 $0xFFFF8000  }
0x13: {  	s18 =	smax.u32 s18, $0x1;
	p2 =	por !p2, p1;
	[bflag:$0x0] =	sbarrier.arrive $0xFFFF  }
0x14: {  	s9 =	sshll.u32 @!p2 s1, $0x6;
	s8 =	sshrl.u32 @!p2 s8, $0x3;
	[bflag:$0x0] =	sbarrier.arrive @!p1 $0xFFFF  }
0x15: {  	s7 =	sor.u32 @!p2 $0x1C01, s9;
	s9 =	simm.s32 @!p2 $0x1;
	[bflag:$0x0] =	sbarrier.arrive @!p1 $0xFFFF  }
0x16: {  	[hbm:s6], [sflag:s7] =	dma.local @!p2 [spmem:s8], $0x8000  }
0x17: {  	s11 =	sshll.u32 @p1 s1, $0x6;
	p3 =	sgt.u32 @p1 s1, $0x3;
	_ =	swait.ge @!p2 [sflag:s9], $0x8000  }
0x18: {  	s12 =	sshrl.u32 @p1 s16, $0x3;
	s13 =	simm.s32 @p1 $0x1;
	[sflag:s9] =	ssyncset.done @!p2 $0x0  }
0x19: {  	s14 =	sadd.s32 s17, s14;
	s11 =	sor.u32 @p1 $0x1C01, s11;
	[sflag:s9] =	ssyncadd.s32 @!p2 $0xFFFF8000  }
0x1a: {  	[hbm:s10], [sflag:s11] =	dma.local @p1 [spmem:s12], $0x8000  }
0x1b: {  	s18 =	sadd.s32 $0xFFFFFFFF, s18;
	p3 =	por p3, !p1;
	_ =	swait.ge @p1 [sflag:s13], $0x8000  }
0x1c: {  	s14 =	sadd.s32 $0x20000, s14;
	p4 =	sne.s32 s18, $0x0;
	[sflag:s13] =	ssyncset.done @p1 $0x0  }
0x1d: {  	s15 =	sshll.u32 @!p3 s1, $0x6;
	s16 =	sshrl.u32 @!p3 s16, $0x3;
	[sflag:s13] =	ssyncadd.s32 @p1 $0xFFFF8000  }
0x1e: {  	s17 =	simm.s32 @!p3 $0x2;
	s15 =	sor.u32 @!p3 $0x1C02, s15;
	[bflag:$0x0] =	sbarrier.arrive @p1 $0xFFFF  }
0x1f: {  	[spmem:s16], [sflag:s15] =	dma.local @!p3 [hbm:s14], $0x8000  }
.Ltmp0:
0x20: {  	_ =	swait.ge @!p3 [sflag:s17], $0x8000;
	(pc) =	sbr.rel @!p4 .LBB2_2-.Ltmp0, $3  }
0x21: {  	[sflag:s17] =	ssyncset.done @!p3 $0x0  }
0x22: {  	[sflag:s17] =	ssyncadd.s32 @!p3 $0xFFFF8000  }
0x23: {  	[bflag:$0x0] =	sbarrier.arrive @p1 $0xFFFF;
	_ =	sdelay $0x1  }
.LBB2_1:
0x24: {  	s18 =	sadd.s32 $0xFFFFFFFF, s18;
	[bflag:$0x0] =	sbarrier.arrive $0xFFFF  }
0x25: {  	[spmem:s4], [sflag:s3] =	dma.local @!p0 [hbm:s2], $0x8000  }
0x26: {  	p4 =	sne.s32 s18, $0x0  }
0x27: {  	_ =	swait.ge @!p0 [sflag:s5], $0x8000  }
0x28: {  	[sflag:s5] =	ssyncset.done @!p0 $0x0  }
0x29: {  	[sflag:s5] =	ssyncadd.s32 @!p0 $0xFFFF8000  }
0x2a: {  	[bflag:$0x0] =	sbarrier.arrive $0xFFFF  }
0x2b: {  	[bflag:$0x0] =	sbarrier.arrive @!p1 $0xFFFF  }
0x2c: {  	[bflag:$0x0] =	sbarrier.arrive @!p1 $0xFFFF  }
0x2d: {  	[hbm:s6], [sflag:s7] =	dma.local @!p2 [spmem:s8], $0x8000  }
0x2e: {  	_ =	swait.ge @!p2 [sflag:s9], $0x8000  }
0x2f: {  	[sflag:s9] =	ssyncset.done @!p2 $0x0  }
0x30: {  	[sflag:s9] =	ssyncadd.s32 @!p2 $0xFFFF8000  }
0x31: {  	[hbm:s10], [sflag:s11] =	dma.local @p1 [spmem:s12], $0x8000  }
0x32: {  	_ =	swait.ge @p1 [sflag:s13], $0x8000  }
0x33: {  	[sflag:s13] =	ssyncset.done @p1 $0x0  }
0x34: {  	[sflag:s13] =	ssyncadd.s32 @p1 $0xFFFF8000  }
0x35: {  	[bflag:$0x0] =	sbarrier.arrive @p1 $0xFFFF  }
0x36: {  	[spmem:s16], [sflag:s15] =	dma.local @!p3 [hbm:s14], $0x8000  }
.Ltmp1:
0x37: {  	_ =	swait.ge @!p3 [sflag:s17], $0x8000;
	(pc) =	sbr.rel @p4 .LBB2_1-.Ltmp1, $3  }
0x38: {  	[sflag:s17] =	ssyncset.done @!p3 $0x0  }
0x39: {  	[sflag:s17] =	ssyncadd.s32 @!p3 $0xFFFF8000  }
0x3a: {  	[bflag:$0x0] =	sbarrier.arrive @p1 $0xFFFF;
	_ =	sdelay $0x1  }
.LBB2_2:
0x3b: {  	[bflag:$0x0] =	sbarrier.arrive $0xFFFF  }
0x3c: {  	_ =	sfence.sel $0x180000  }
0x3d: {  	[bflag:$0x0] =	sbarrier.arrive $0xFFFF  }
0x3e: {  	p0 =	sne.s32 s1, $0x0;
	_ =	strace $0x90000047  }
0x3f: {  	s0 =	sadd.s32 @!p0 $0x100000, s0;
	[bflag:$0x2] =	sbarrier.arrive $0xFFFF  }
0x40: {  	[sflag:s0] =	ssyncadd.tile.s32 @!p0 $0x1;
	_ =	shalt  }
.Lfunc_end2:
_tile_overlayer_lowered:
.L_overlay_start_2:
0x41: {  	(tag) =	ssettag $0x2  }
0x42: {  	s0 =	rddreg [dreg:$0x0];
	s2 =	stileid.u32  }
0x43: {  	s1 =	rddreg [dreg:$0x1];
	p0 =	sne.s32 s2, $0x0  }
0x44: {  	s3 =	rddreg [dreg:$0x2];
	[bflag:$0x3] =	sbarrier.arrive $0xFFFF;
	s2 =	simm.s32 @!p0 $0x1C02  }
0x45: {  	[timem:s3], [sflag:s2] =	dma.local @!p0 [hbm:s0], s1  }
0x46: {  	s0 =	simm.s32 @!p0 $0x2  }
0x47: {  	_ =	swait.ge @!p0 [sflag:s0], s1  }
0x48: {  	s1 =	ssub.s32 @!p0 $0x0, s1;
	[sflag:s0] =	ssyncset.done @!p0 $0x0  }
0x49: {  	[sflag:s0] =	ssyncadd.s32 @!p0 s1  }
0x4a: {  	[bflag:$0x3] =	sbarrier.arrive $0xFFFF  }
0x4b: {  	_ =	shalt  }

</sc_bundles>
